<compile_context>
chip_gen: v7x
topology: tpu7x:2x2x1
jax: 0.10.2.dev20260603
libtpu: 0.0.44.dev20260713+nightly
codegen_flags: <defaults>
</compile_context>

<pallas_src>
import jax
import jax.numpy as jnp
from jax.experimental import pallas as pl
from jax.experimental.pallas import tpu as pltpu
from jax.experimental.pallas import tpu_sc as plsc

_F32 = jnp.float32
_BF16 = jnp.bfloat16

_RBF = 256


def _rne_bf16_bits(x):
    b = jax.lax.bitcast_convert_type(x, jnp.int32)
    r = b + 0x7FFF + jnp.bitwise_and(jax.lax.shift_right_logical(b, 16), 1)
    return jnp.bitwise_and(r, jnp.int32(-65536))


def _pack2(xa, xb):
    hi = _rne_bf16_bits(xa)
    lo = jax.lax.shift_right_logical(_rne_bf16_bits(xb), 16)
    return jnp.bitwise_or(hi, lo)


def _unpack2(pk):
    hi = jnp.bitwise_and(pk, jnp.int32(-65536))
    lo = jax.lax.shift_left(pk, 16)
    return (jax.lax.bitcast_convert_type(hi, _F32),
            jax.lax.bitcast_convert_type(lo, _F32))


def _att_route_body(x_ref, vecs_ref, wds_ref, wpow_ref, Wr_ref, Wk_ref,
                    Wv_ref, Wg_ref, Wo_ref, Wroute_ref, cap_ref,
                    out1_ref, hpk1_ref, hpk2_ref, tops_ref, wts_ref,
                    prev_ref, state_ref):
    t = pl.program_id(1)
    TB = x_ref.shape[1]
    C = x_ref.shape[2]

    @pl.when(t == 0)
    def _():
        prev_ref[...] = jnp.zeros_like(prev_ref)
        state_ref[...] = jnp.zeros_like(state_ref)

    x = x_ref[0]
    mu_r = vecs_ref[0:1]
    mu_k = vecs_ref[1:2]
    mu_v = vecs_ref[2:3]
    g1 = vecs_ref[4:5]
    b1 = vecs_ref[5:6]
    g2 = vecs_ref[6:7]
    b2 = vecs_ref[7:8]

    m = jnp.mean(x, axis=1, keepdims=True)
    xc = x - m
    var = jnp.mean(xc * xc, axis=1, keepdims=True)
    xln = xc * jax.lax.rsqrt(var + 1e-5) * g1 + b1

    xx = jnp.concatenate([prev_ref[...], xln[:-1]], axis=0)
    prev_ref[...] = xln[TB - 1:TB]

    xr = xln * mu_r + xx * (1.0 - mu_r)
    xk = xln * mu_k + xx * (1.0 - mu_k)
    xv = xln * mu_v + xx * (1.0 - mu_v)

    def mm(a, w_ref):
        return jnp.dot(a.astype(_BF16), w_ref[...], preferred_element_type=_F32)

    r = jax.nn.sigmoid(mm(xr, Wr_ref))
    k = mm(xk, Wk_ref)
    v = mm(xv, Wv_ref)
    g = jax.nn.sigmoid(mm(xv, Wg_ref))
    v = v - v * g

    s = k * v
    d = 1
    step = 0
    while d < TB:
        shifted = jnp.concatenate([jnp.zeros((d, C), _F32), s[:-d]], axis=0)
        s = s + wds_ref[step:step + 1] * shifted
        step += 1
        d *= 2
    s = s + wpow_ref[...] * state_ref[...]
    state_ref[...] = s[TB - 1:TB]

    att = jnp.dot((r * s).astype(_BF16), Wo_ref[...], preferred_element_type=_F32)
    out1 = x + att
    out1_ref[0] = out1

    m2 = jnp.mean(out1, axis=1, keepdims=True)
    oc = out1 - m2
    var2 = jnp.mean(oc * oc, axis=1, keepdims=True)
    h = oc * jax.lax.rsqrt(var2 + 1e-5) * g2 + b2
    Q = C // 4
    hpk1_ref[0] = _pack2(h[:, 0:Q], h[:, Q:2 * Q])
    hpk2_ref[0] = _pack2(h[:, 2 * Q:3 * Q], h[:, 3 * Q:4 * Q])

    route = jnp.dot(h.astype(_BF16), Wroute_ref[...], preferred_element_type=_F32)
    conf = jax.nn.sigmoid(route[:, 0:8])
    diffc = jax.nn.softplus(route[:, 128:129])
    aff = route[:, 256:264]
    amax = jnp.max(aff, axis=1, keepdims=True)
    ex = jnp.exp(aff - amax)
    subsidy = ex / jnp.sum(ex, axis=1, keepdims=True)
    bids = conf * cap_ref[...] + subsidy * diffc

    m1 = jnp.max(bids, axis=1, keepdims=True)
    a1 = jnp.argmax(bids, axis=1).reshape(TB, 1)
    lane = jax.lax.broadcasted_iota(jnp.int32, (TB, 8), 1)
    is1 = lane == a1
    masked = jnp.where(is1, -jnp.inf, bids)
    m2b = jnp.max(masked, axis=1, keepdims=True)
    a2 = jnp.argmax(masked, axis=1).reshape(TB, 1)
    w1 = jax.nn.sigmoid(m1 - m2b)
    w2 = jax.nn.sigmoid(m2b - m1)
    tops_ref[0] = jnp.where(lane == 0, a1, 0) + jnp.where(lane == 1, a2, 0)
    wts_ref[0] = jnp.where(lane == 0, w1, 0.0) + jnp.where(lane == 1, w2, 0.0)


def _pos_body(tops_ref, pos1_ref, pos2_ref, wl_ref):
    N, E = tops_ref.shape
    NBd = (2 * N) // _RBF
    a1 = tops_ref[:, 0:1]
    a2 = tops_ref[:, 1:2]
    lane = jax.lax.broadcasted_iota(jnp.int32, (N, E), 1)
    cnt = (lane == a1).astype(_F32) + (lane == a2).astype(_F32)
    s = cnt
    d = 1
    while d < N:
        shifted = jnp.concatenate([jnp.zeros((d, E), _F32), s[:-d]], axis=0)
        s = s + shifted
        d *= 2
    excl = s - cnt
    tot = s[N - 1:N]

    def lane_excl_cumsum(v):
        c = v
        dd = 1
        while dd < E:
            shl = jnp.concatenate([jnp.zeros((1, dd), _F32), c[:, :-dd]], axis=1)
            c = c + shl
            dd *= 2
        return c - v

    base = lane_excl_cumsum(tot)
    posall = excl + base
    pos1_ref[...] = jnp.sum(jnp.where(lane == a1, posall, 0.0), axis=1,
                            keepdims=True).astype(jnp.int32)
    pos2_ref[...] = jnp.sum(jnp.where(lane == a2, posall, 0.0), axis=1,
                            keepdims=True).astype(jnp.int32)

    start = base
    end = base + tot
    sblk = jnp.floor(start / _RBF)
    eblk = jnp.ceil(end / _RBF)
    nb = jnp.where(tot > 0, eblk - sblk, 0.0)
    cnb = lane_excl_cumsum(nb)
    NJ = wl_ref.shape[0]
    jcol = jax.lax.broadcasted_iota(jnp.int32, (NJ, 1), 0).astype(_F32)
    injf = ((jcol >= cnb) & (jcol < cnb + nb)).astype(_F32)
    valid = jnp.sum(injf, axis=1, keepdims=True)
    laneE = jax.lax.broadcasted_iota(jnp.int32, (NJ, E), 1).astype(_F32)

    def sel(v):
        return jnp.sum(injf * v, axis=1, keepdims=True)

    e_j = sel(laneE)
    b_j = sel(sblk) + (jcol - sel(cnb))
    sloc = jnp.maximum(sel(start) - b_j * _RBF, 0.0)
    eloc = jnp.minimum(sel(end) - b_j * _RBF, float(_RBF))
    b_j = jnp.where(valid > 0, b_j, float(NBd - 1))
    e_j = jnp.where(valid > 0, e_j, float(E - 1))
    sloc = jnp.where(valid > 0, sloc, 0.0)
    eloc = jnp.where(valid > 0, eloc, 0.0)
    bprev = jnp.concatenate([jnp.full((1, 1), -1.0, _F32), b_j[:-1]], axis=0)
    init = ((b_j != bprev) & (valid > 0)).astype(_F32)
    lane8 = jax.lax.broadcasted_iota(jnp.int32, (NJ, E), 1)
    wl = (jnp.where(lane8 == 0, b_j, 0.0) + jnp.where(lane8 == 1, e_j, 0.0)
          + jnp.where(lane8 == 2, sloc, 0.0) + jnp.where(lane8 == 3, eloc, 0.0)
          + jnp.where(lane8 == 4, init, 0.0))
    wl_ref[...] = wl.astype(jnp.int32)


def _ffn_body(blk, ex, sl, el, ini, d1_ref, d2_ref, wk_ref, wv_ref,
              y1_ref, y2_ref):
    j = pl.program_id(0)
    C = wk_ref.shape[1]
    Q = C // 4
    ha, hb = _unpack2(d1_ref[...])
    hc, hd = _unpack2(d2_ref[...])
    wk = wk_ref[0]

    def dot(a, w):
        return jnp.dot(a.astype(_BF16), w, preferred_element_type=_F32)

    hid = (dot(ha, wk[0:Q]) + dot(hb, wk[Q:2 * Q])
           + dot(hc, wk[2 * Q:3 * Q]) + dot(hd, wk[3 * Q:4 * Q]))
    hid = jnp.square(jnp.maximum(hid, 0.0)).astype(_BF16)
    eo = jnp.dot(hid, wv_ref[0], preferred_element_type=_F32)
    row = jax.lax.broadcasted_iota(jnp.int32, (_RBF, 1), 0)
    mask = (row >= sl[j]) & (row < el[j])
    pk1 = jnp.where(mask, _pack2(eo[:, 0:Q], eo[:, Q:2 * Q]), 0)
    pk2 = jnp.where(mask, _pack2(eo[:, 2 * Q:3 * Q], eo[:, 3 * Q:4 * Q]), 0)

    @pl.when(ini[j] == 1)
    def _():
        y1_ref[...] = pk1
        y2_ref[...] = pk2

    @pl.when(ini[j] == 0)
    def _():
        y1_ref[...] += pk1
        y2_ref[...] += pk2


def _combine_body(o1_ref, ya1_ref, ya2_ref, yb1_ref, yb2_ref, w_ref, out_ref):
    C = o1_ref.shape[1]
    Q = C // 4
    w1 = w_ref[:, 0:1]
    w2 = w_ref[:, 1:2]
    o1 = o1_ref[...]
    a1a, a1b = _unpack2(ya1_ref[...])
    a2a, a2b = _unpack2(ya2_ref[...])
    b1a, b1b = _unpack2(yb1_ref[...])
    b2a, b2b = _unpack2(yb2_ref[...])
    out_ref[:, 0:Q] = o1[:, 0:Q] + w1 * a1a + w2 * b1a
    out_ref[:, Q:2 * Q] = o1[:, Q:2 * Q] + w1 * a1b + w2 * b1b
    out_ref[:, 2 * Q:3 * Q] = o1[:, 2 * Q:3 * Q] + w1 * a2a + w2 * b2a
    out_ref[:, 3 * Q:4 * Q] = o1[:, 3 * Q:4 * Q] + w1 * a2b + w2 * b2b


def _sc_scatter(h1, h2, posA, posB, ND):
    N, D = h1.shape
    mesh = plsc.VectorSubcoreMesh(core_axis_name="c", subcore_axis_name="s")

    @pl.kernel(out_type=[jax.ShapeDtypeStruct((ND, D), jnp.int32),
                         jax.ShapeDtypeStruct((ND, D), jnp.int32)],
               mesh=mesh)
    def scatter_kernel(h1_hbm, h2_hbm, iA_hbm, iB_hbm, o1_hbm, o2_hbm):
        def run(src_hbm, idx_hbm, dst_hbm):
            def body(x_vmem, i_vmem):
                pltpu.sync_copy(x_vmem, dst_hbm.at[i_vmem.at[0]])

            pltpu.emit_pipeline(
                body,
                grid=(N // 128,),
                in_specs=[
                    pl.BlockSpec((128, D), index_map=lambda i: (i, 0)),
                    pl.BlockSpec((1, 128), index_map=lambda i: (0, i)),
                ],
                out_specs=[],
                core_axis_name=("c", "s"),
                dimension_semantics=(pltpu.PARALLEL,),
            )(src_hbm, idx_hbm)

        run(h1_hbm, iA_hbm, o1_hbm)
        run(h2_hbm, iA_hbm, o2_hbm)
        run(h1_hbm, iB_hbm, o1_hbm)
        run(h2_hbm, iB_hbm, o2_hbm)

    return scatter_kernel(h1, h2, posA, posB)


def _sc_gather(y1, y2, posA, posB):
    ND, D = y1.shape
    mesh = plsc.VectorSubcoreMesh(core_axis_name="c", subcore_axis_name="s")
    N = posA.shape[1]

    @pl.kernel(out_type=[jax.ShapeDtypeStruct((N, D), jnp.int32)
                         for _ in range(4)],
               mesh=mesh)
    def gather_kernel(y1_hbm, y2_hbm, iA_hbm, iB_hbm,
                      oa1_hbm, oa2_hbm, ob1_hbm, ob2_hbm):
        def run(src_hbm, idx_hbm, dst_hbm):
            def body(i_vmem, o_vmem):
                pltpu.sync_copy(src_hbm.at[i_vmem.at[0]], o_vmem)

            pltpu.emit_pipeline(
                body,
                grid=(N // 128,),
                in_specs=[pl.BlockSpec((1, 128), index_map=lambda i: (0, i))],
                out_specs=[pl.BlockSpec((128, D), index_map=lambda i: (i, 0))],
                core_axis_name=("c", "s"),
                dimension_semantics=(pltpu.PARALLEL,),
            )(idx_hbm, dst_hbm)

        run(y1_hbm, iA_hbm, oa1_hbm)
        run(y2_hbm, iA_hbm, oa2_hbm)
        run(y1_hbm, iB_hbm, ob1_hbm)
        run(y2_hbm, iB_hbm, ob2_hbm)

    return gather_kernel(y1, y2, posA, posB)


def kernel(x, v_first, idx, capital_shares, mu_r, mu_k, mu_v, Wr, Wk, Wv, Wg,
           Wo, decay_p, g1, b1, g2, b2, We_k, We_v, w_conf, Wd, Wa):
    B, T, C = x.shape
    E = We_k.shape[0]
    FF = We_k.shape[2]
    TB = 256
    NT = T // TB

    vecs = jnp.stack([mu_r, mu_k, mu_v, decay_p, g1, b1, g2, b2])
    w_full = jax.nn.sigmoid(decay_p).reshape(1, C)
    wds_l = [w_full]
    while len(wds_l) < 8:
        wds_l.append(wds_l[-1] * wds_l[-1])
    wds = jnp.concatenate(wds_l, axis=0)
    tpow = jnp.arange(1, TB + 1, dtype=_F32).reshape(TB, 1)
    wpow = jnp.exp(tpow * jnp.log(w_full))
    Wroute = jnp.zeros((C, 384), _F32)
    Wroute = Wroute.at[:, 0:E].set(w_conf.T)
    Wroute = Wroute.at[:, 128:129].set(Wd)
    Wroute = Wroute.at[:, 256:256 + E].set(Wa)
    Wroute = Wroute.astype(_BF16)
    cap = capital_shares.reshape(1, E)

    Q = C // 4
    out1, hpk1, hpk2, tops, wts = pl.pallas_call(
        _att_route_body,
        grid=(B, NT),
        in_specs=[
            pl.BlockSpec((1, TB, C), lambda b, t: (b, t, 0)),
            pl.BlockSpec((8, C), lambda b, t: (0, 0)),
            pl.BlockSpec((8, C), lambda b, t: (0, 0)),
            pl.BlockSpec((TB, C), lambda b, t: (0, 0)),
            pl.BlockSpec((C, C), lambda b, t: (0, 0)),
            pl.BlockSpec((C, C), lambda b, t: (0, 0)),
            pl.BlockSpec((C, C), lambda b, t: (0, 0)),
            pl.BlockSpec((C, C), lambda b, t: (0, 0)),
            pl.BlockSpec((C, C), lambda b, t: (0, 0)),
            pl.BlockSpec((C, 384), lambda b, t: (0, 0)),
            pl.BlockSpec((1, E), lambda b, t: (0, 0)),
        ],
        out_specs=[
            pl.BlockSpec((1, TB, C), lambda b, t: (b, t, 0)),
            pl.BlockSpec((1, TB, Q), lambda b, t: (b, t, 0)),
            pl.BlockSpec((1, TB, Q), lambda b, t: (b, t, 0)),
            pl.BlockSpec((1, TB, E), lambda b, t: (b, t, 0)),
            pl.BlockSpec((1, TB, E), lambda b, t: (b, t, 0)),
        ],
        out_shape=[
            jax.ShapeDtypeStruct((B, T, C), _F32),
            jax.ShapeDtypeStruct((B, T, Q), jnp.int32),
            jax.ShapeDtypeStruct((B, T, Q), jnp.int32),
            jax.ShapeDtypeStruct((B, T, E), jnp.int32),
            jax.ShapeDtypeStruct((B, T, E), _F32),
        ],
        scratch_shapes=[
            pltpu.VMEM((1, C), _F32),
            pltpu.VMEM((1, C), _F32),
        ],
    )(x, vecs, wds, wpow,
      Wr.astype(_BF16), Wk.astype(_BF16), Wv.astype(_BF16),
      Wg.astype(_BF16), Wo.astype(_BF16), Wroute, cap)

    N = B * T
    ND = 2 * N
    NBd = ND // _RBF
    NW = NBd + E - 1
    h21 = hpk1.reshape(N, Q)
    h22 = hpk2.reshape(N, Q)
    o12 = out1.reshape(N, C)
    tops2 = tops.reshape(N, E)
    wts2 = wts.reshape(N, E)

    pos1, pos2, wl = pl.pallas_call(
        _pos_body,
        grid=(1,),
        in_specs=[pl.BlockSpec((N, E), lambda i: (0, 0))],
        out_specs=[
            pl.BlockSpec((N, 1), lambda i: (0, 0)),
            pl.BlockSpec((N, 1), lambda i: (0, 0)),
            pl.BlockSpec((64, E), lambda i: (0, 0)),
        ],
        out_shape=[
            jax.ShapeDtypeStruct((N, 1), jnp.int32),
            jax.ShapeDtypeStruct((N, 1), jnp.int32),
            jax.ShapeDtypeStruct((64, E), jnp.int32),
        ],
    )(tops2)

    posA = pos1.reshape(1, N)
    posB = pos2.reshape(1, N)

    disp1, disp2 = _sc_scatter(h21, h22, posA, posB, ND)

    wl_block = wl[:NW, 0]
    wl_expert = wl[:NW, 1]
    wl_sloc = wl[:NW, 2]
    wl_eloc = wl[:NW, 3]
    wl_init = wl[:NW, 4]

    grid_spec = pltpu.PrefetchScalarGridSpec(
        num_scalar_prefetch=5,
        grid=(NW,),
        in_specs=[
            pl.BlockSpec((_RBF, Q), lambda j, blk, ex, sl, el, ini: (blk[j], 0)),
            pl.BlockSpec((_RBF, Q), lambda j, blk, ex, sl, el, ini: (blk[j], 0)),
            pl.BlockSpec((1, C, FF), lambda j, blk, ex, sl, el, ini: (ex[j], 0, 0)),
            pl.BlockSpec((1, FF, C), lambda j, blk, ex, sl, el, ini: (ex[j], 0, 0)),
        ],
        out_specs=[
            pl.BlockSpec((_RBF, Q), lambda j, blk, ex, sl, el, ini: (blk[j], 0)),
            pl.BlockSpec((_RBF, Q), lambda j, blk, ex, sl, el, ini: (blk[j], 0)),
        ],
    )
    y1, y2 = pl.pallas_call(
        _ffn_body,
        grid_spec=grid_spec,
        out_shape=[jax.ShapeDtypeStruct((ND, Q), jnp.int32),
                   jax.ShapeDtypeStruct((ND, Q), jnp.int32)],
    )(wl_block, wl_expert, wl_sloc, wl_eloc, wl_init, disp1, disp2,
      We_k.astype(_BF16), We_v.astype(_BF16))

    yga1, yga2, ygb1, ygb2 = _sc_gather(y1, y2, posA, posB)

    RC = 512
    NBc = N // RC
    out = pl.pallas_call(
        _combine_body,
        grid=(NBc,),
        in_specs=[
            pl.BlockSpec((RC, C), lambda i: (i, 0)),
            pl.BlockSpec((RC, Q), lambda i: (i, 0)),
            pl.BlockSpec((RC, Q), lambda i: (i, 0)),
            pl.BlockSpec((RC, Q), lambda i: (i, 0)),
            pl.BlockSpec((RC, Q), lambda i: (i, 0)),
            pl.BlockSpec((RC, E), lambda i: (i, 0)),
        ],
        out_specs=pl.BlockSpec((RC, C), lambda i: (i, 0)),
        out_shape=jax.ShapeDtypeStruct((N, C), _F32),
    )(o12, yga1, yga2, ygb1, ygb2, wts2)

    return out.reshape(B, T, C)

# --- scband reference (transcript-rebuilt; emitter-appended) ---
"""Pipeline reference for scband-ca-mo-e-block-40072044871825 (READ-ONLY COPY).

The authoritative reference and input builder live on the scoring server;
editing this copy changes nothing except your own understanding.
"""

import jax, jax.numpy as jnp
import numpy as np

B, T, C = 2, 2048, 1024
E, FF, VOCAB = 8, 2048, 65536

def setup_inputs(seed: int = 0):
    key = jax.random.key(seed)
    ks = jax.random.split(key, 20)
    s = 0.02
    inp = {}
    inp["x"] = jax.random.normal(ks[0], (B, T, C), jnp.float32)
    inp["v_first"] = jnp.zeros((B, T, C), jnp.float32)
    inp["idx"] = jax.random.randint(ks[1], (B, T), 0, VOCAB)
    inp["capital_shares"] = jax.random.uniform(ks[2], (E,), jnp.float32)
    inp["mu_r"] = jax.random.uniform(ks[3], (C,), jnp.float32)
    inp["mu_k"] = jax.random.uniform(ks[4], (C,), jnp.float32)
    inp["mu_v"] = jax.random.uniform(ks[5], (C,), jnp.float32)
    inp["Wr"] = jax.random.normal(ks[6], (C, C), jnp.float32) * s
    inp["Wk"] = jax.random.normal(ks[7], (C, C), jnp.float32) * s
    inp["Wv"] = jax.random.normal(ks[8], (C, C), jnp.float32) * s
    inp["Wg"] = jax.random.normal(ks[9], (C, C), jnp.float32) * s
    inp["Wo"] = jax.random.normal(ks[10], (C, C), jnp.float32) * s
    inp["decay_p"] = jax.random.normal(ks[11], (C,), jnp.float32)
    inp["g1"] = jnp.ones((C,), jnp.float32)
    inp["b1"] = jnp.zeros((C,), jnp.float32)
    inp["g2"] = jnp.ones((C,), jnp.float32)
    inp["b2"] = jnp.zeros((C,), jnp.float32)
    inp["We_k"] = jax.random.normal(ks[12], (E, C, FF), jnp.float32) * s
    inp["We_v"] = jax.random.normal(ks[13], (E, FF, C), jnp.float32) * s
    inp["w_conf"] = jax.random.normal(ks[14], (E, C), jnp.float32) * s
    inp["Wd"] = jax.random.normal(ks[15], (C, 1), jnp.float32) * s
    inp["Wa"] = jax.random.normal(ks[16], (C, E), jnp.float32) * s
    return inp

def _ln(x, g, b):
    m = x.mean(-1, keepdims=True)
    v = x.var(-1, keepdims=True)
    return (x - m) / jnp.sqrt(v + 1e-5) * g + b

def reference(x, v_first, idx, capital_shares, mu_r, mu_k, mu_v, Wr, Wk, Wv, Wg, Wo, decay_p, g1, b1, g2, b2, We_k, We_v, w_conf, Wd, Wa):
    Bx, Tx, Cx = x.shape
    # --- att stage: ln1 + RWKV-style TimeMix with token shift + channel decay ---
    x_ln = _ln(x, g1, b1)
    xx = jnp.concatenate([jnp.zeros_like(x_ln[:, :1]), x_ln[:, :-1]], axis=1)
    xr = x_ln * mu_r + xx * (1.0 - mu_r)
    xk = x_ln * mu_k + xx * (1.0 - mu_k)
    xv = x_ln * mu_v + xx * (1.0 - mu_v)
    r = jax.nn.sigmoid(xr @ Wr)
    k = xk @ Wk
    v = xv @ Wv
    # non-first layer: mix toward v_first (value residual)
    gate = jax.nn.sigmoid(xv @ Wg)
    v = v + (v_first - v) * gate
    w = jax.nn.sigmoid(decay_p)
    kv = (k * v).transpose(1, 0, 2)
    def step(s, kv_t):
        s = s * w + kv_t
        return s, s
    _, states = jax.lax.scan(step, jnp.zeros((Bx, Cx), x.dtype), kv)
    rwkv_state = states.transpose(1, 0, 2)
    att_out = (r * rwkv_state) @ Wo
    x_after_att = x + att_out
    h = _ln(x_after_att, g2, b2)
    # --- route stage (route_no_grad=True -> stop_gradient, winners/weights detached) ---
    rh = jax.lax.stop_gradient(h)
    confidences = jax.nn.sigmoid(jnp.einsum('btc,ec->bte', rh, w_conf))
    difficulty = jax.nn.softplus(rh @ Wd)
    affinity = rh @ Wa
    subsidy = jax.nn.softmax(affinity, axis=-1)
    bids = confidences * capital_shares[None, None, :] + subsidy * difficulty
    top_vals, winners = jax.lax.top_k(bids, 2)
    weights = jax.lax.stop_gradient(jax.nn.softmax(top_vals, axis=-1))
    # --- expert stage: top-2 mixture of relu^2 FFN experts ---
    out = x_after_att
    for e in range(We_k.shape[0]):
        we = jnp.sum(jnp.where(winners == e, weights, 0.0), axis=-1)
        hid = jnp.square(jax.nn.relu(h @ We_k[e]))
        eo = hid @ We_v[e]
        out = out + we[..., None] * eo
    return out

if __name__ == "__main__":
    import jax
    _d = setup_inputs()
    print(jax.jit(kernel)(*tuple(_d.values())))

</pallas_src>

<mosaic_0001>
#map = affine_map<(d0, d1) -> (0, 0)>
module attributes {stable_mosaic.version = 14 : i64} {
  func.func @gather_kernel(%arg0: i32, %arg1: i32, %arg2: memref<8192x256xi32, #tpu.memory_space<hbm>>, %arg3: memref<8192x256xi32, #tpu.memory_space<hbm>>, %arg4: memref<1x4096xi32, #tpu.memory_space<hbm>>, %arg5: memref<1x4096xi32, #tpu.memory_space<hbm>>, %arg6: memref<4096x256xi32, #tpu.memory_space<hbm>>, %arg7: memref<4096x256xi32, #tpu.memory_space<hbm>>, %arg8: memref<4096x256xi32, #tpu.memory_space<hbm>>, %arg9: memref<4096x256xi32, #tpu.memory_space<hbm>>) attributes {dimension_semantics = [#tpu.dimension_semantics<core_parallel>, #tpu.dimension_semantics<subcore_parallel>], iteration_bounds = array<i64: 2, 16>, scalar_prefetch = 0 : i64, scratch_operands = 0 : i64, tpu.core_type = #tpu.core_type<sc_vector_subcore>, window_params = [{transform_indices = #map}, {transform_indices = #map}, {transform_indices = #map}, {transform_indices = #map}, {transform_indices = #map}, {transform_indices = #map}, {transform_indices = #map}, {transform_indices = #map}]} {
    %mul3A = arith.constant 1 : i32
    %mul3A_0 = arith.muli %arg1, %mul3A : i32
    %add3A = arith.constant 0 : i32
    %add3A_1 = arith.addi %add3A, %mul3A_0 : i32
    %mul3A_2 = arith.constant 16 : i32
    %mul3A_3 = arith.muli %arg0, %mul3A_2 : i32
    %add3A_4 = arith.addi %add3A_1, %mul3A_3 : i32
    %mul3A_5 = arith.constant 1 : i32
    %mul3A_6 = arith.muli %add3A_4, %mul3A_5 : i32
    "tpu.region"() ({
      %run_scoped3A = memref.alloca() : memref<2x1x128xi32, #tpu.memory_space<vmem>>
      %run_scoped3A_34 = tpu.sem_alloc : memref<2x!tpu.dma_semaphore, #tpu.memory_space<semaphore_mem>>
      %run_scoped3A_35 = memref.alloca() : memref<2x128x256xi32, #tpu.memory_space<vmem>>
      %run_scoped3A_36 = tpu.sem_alloc : memref<2x!tpu.dma_semaphore, #tpu.memory_space<semaphore_mem>>
      %add3A_37 = arith.constant 0 : i32
      %add3A_38 = arith.addi %add3A_37, %mul3A_6 : i32
      %select_n3A = arith.constant true
      %select_n3A_39 = arith.constant 0 : i32
      %select_n3A_40 = arith.constant -1 : i32
      %select_n3A_41 = arith.select %select_n3A, %select_n3A_40, %select_n3A_39 : i32
      %eq3A = arith.constant -1 : i32
      %eq3A_42 = arith.cmpi eq, %select_n3A_41, %eq3A : i32
      %select_n3A_43 = arith.constant 0 : i32
      %select_n3A_44 = arith.select %eq3A_42, %select_n3A_43, %select_n3A_41 : i32
      %add3A_45 = arith.constant 0 : i32
      %add3A_46 = arith.addi %add3A_45, %mul3A_6 : i32
      %select_n3A_47 = arith.constant true
      %select_n3A_48 = arith.constant 0 : i32
      %select_n3A_49 = arith.constant 1 : i32
      %select_n3A_50 = arith.select %select_n3A_47, %select_n3A_49, %select_n3A_48 : i32
      %eq3A_51 = arith.constant 1 : i32
      %eq3A_52 = arith.cmpi eq, %select_n3A_50, %eq3A_51 : i32
      %select_n3A_53 = arith.constant 0 : i32
      %select_n3A_54 = arith.select %eq3A_52, %select_n3A_53, %select_n3A_50 : i32
      %add3A_55 = arith.constant 0 : i32
      %add3A_56 = arith.addi %add3A_55, %mul3A_6 : i32
      %select_n3A_57 = arith.constant true
      %select_n3A_58 = arith.constant 0 : i32
      %select_n3A_59 = arith.constant 1 : i32
      %select_n3A_60 = arith.select %select_n3A_57, %select_n3A_59, %select_n3A_58 : i32
      %eq3A_61 = arith.constant 1 : i32
      %eq3A_62 = arith.cmpi eq, %select_n3A_60, %eq3A_61 : i32
      %select_n3A_63 = arith.constant 0 : i32
      %select_n3A_64 = arith.select %eq3A_62, %select_n3A_63, %select_n3A_60 : i32
      %add3A_65 = arith.constant 0 : i32
      %add3A_66 = arith.addi %add3A_65, %mul3A_6 : i32
      "tpu.trace_start"() <{level = 10 : i32, message = "ep_initialize_0"}> : () -> ()
      %rem3A = arith.constant 0 : i32
      %rem3A_67 = arith.constant 2 : i32
      %rem3A_68 = arith.remui %rem3A, %rem3A_67 : i32
      %mul3A_69 = arith.constant 128 : i32
      %mul3A_70 = arith.muli %mul3A_69, %add3A_38 : i32
      %dma_start3A = arith.constant 0 : i32
      %dma_start3A_71 = arith.constant 0 : i32
      %dma_start3A_72 = tpu.memref_slice %run_scoped3A[%rem3A_68, %dma_start3A, %dma_start3A_71] : memref<2x1x128xi32, #tpu.memory_space<vmem>> -> memref<1x1x128xi32, #tpu.memory_space<vmem>>
      %dma_start3A_73 = tpu.memref_squeeze %dma_start3A_72 : memref<1x1x128xi32, #tpu.memory_space<vmem>> -> memref<1x128xi32, #tpu.memory_space<vmem>>
      %dma_start3A_74 = arith.constant 0 : i32
      %dma_start3A_75 = tpu.memref_slice %arg4[%dma_start3A_74, %mul3A_70] : memref<1x4096xi32, #tpu.memory_space<hbm>> -> memref<1x128xi32, #tpu.memory_space<hbm>>
      %dma_start3A_76 = tpu.memref_slice %run_scoped3A_34[%rem3A_68] : memref<2x!tpu.dma_semaphore, #tpu.memory_space<semaphore_mem>> -> memref<1x!tpu.dma_semaphore, #tpu.memory_space<semaphore_mem>>
      %dma_start3A_77 = tpu.memref_squeeze %dma_start3A_76 : memref<1x!tpu.dma_semaphore, #tpu.memory_space<semaphore_mem>> -> memref<!tpu.dma_semaphore, #tpu.memory_space<semaphore_mem>>
      %dma_start3A_78 = arith.constant 0 : i32
      %dma_start3A_79 = arith.constant 0 : i32
      %dma_start3A_80 = tpu.memref_slice %run_scoped3A[%rem3A_68, %dma_start3A_78, %dma_start3A_79] : memref<2x1x128xi32, #tpu.memory_space<vmem>> -> memref<1x1x128xi32, #tpu.memory_space<vmem>>
      %dma_start3A_81 = tpu.memref_squeeze %dma_start3A_80 : memref<1x1x128xi32, #tpu.memory_space<vmem>> -> memref<1x128xi32, #tpu.memory_space<vmem>>
      %dma_start3A_82 = arith.constant 0 : i32
      %dma_start3A_83 = tpu.memref_slice %arg4[%dma_start3A_82, %mul3A_70] : memref<1x4096xi32, #tpu.memory_space<hbm>> -> memref<1x128xi32, #tpu.memory_space<hbm>>
      tpu.enqueue_dma source(%dma_start3A_83 : memref<1x128xi32, #tpu.memory_space<hbm>>) target(%dma_start3A_81 : memref<1x128xi32, #tpu.memory_space<vmem>>) target_semaphore(%dma_start3A_77 : memref<!tpu.dma_semaphore, #tpu.memory_space<semaphore_mem>>)
      %add3A_84 = arith.constant 0 : i32
      %add3A_85 = arith.constant 1 : i32
      %add3A_86 = arith.addi %add3A_84, %add3A_85 : i32
      %select_n3A_87 = arith.constant true
      %select_n3A_88 = arith.constant 0 : i32
      %select_n3A_89 = arith.select %select_n3A_87, %add3A_86, %select_n3A_88 : i32
      "tpu.trace_stop"() : () -> ()
      %scan3A = arith.constant 0 : i32
      %scan3A_90 = arith.constant 0 : i32
      %scan3A_91 = arith.constant 0 : i32
      %scan3A_92 = arith.constant 0 : i32
      %scan3A_93 = arith.constant 0 : i32
      %eq3A_94 = arith.constant 0 : i32
      %eq3A_95 = arith.cmpi eq, %scan3A_93, %eq3A_94 : i32
      %eq3A_96 = arith.constant 0 : i32
      %eq3A_97 = arith.cmpi eq, %scan3A_93, %eq3A_96 : i32
      %add3A_98 = arith.constant 0 : i32
      %add3A_99 = arith.addi %add3A_98, %mul3A_6 : i32
      %select_n3A_100 = arith.constant true
      %select_n3A_101 = arith.constant 0 : i32
      %select_n3A_102 = arith.constant -1 : i32
      %select_n3A_103 = arith.select %select_n3A_100, %select_n3A_102, %select_n3A_101 : i32
      %eq3A_104 = arith.constant -1 : i32
      %eq3A_105 = arith.cmpi eq, %select_n3A_103, %eq3A_104 : i32
      %select_n3A_106 = arith.constant 0 : i32
      %select_n3A_107 = arith.select %eq3A_105, %select_n3A_106, %select_n3A_103 : i32
      %add3A_108 = arith.constant 0 : i32
      %add3A_109 = arith.addi %add3A_108, %mul3A_6 : i32
      %select_n3A_110 = arith.constant true
      %select_n3A_111 = arith.constant 0 : i32
      %select_n3A_112 = arith.constant 1 : i32
      %select_n3A_113 = arith.select %select_n3A_110, %select_n3A_112, %select_n3A_111 : i32
      %eq3A_114 = arith.constant 1 : i32
      %eq3A_115 = arith.cmpi eq, %select_n3A_113, %eq3A_114 : i32
      %select_n3A_116 = arith.constant 0 : i32
      %select_n3A_117 = arith.select %eq3A_115, %select_n3A_116, %select_n3A_113 : i32
      %add3A_118 = arith.constant 0 : i32
      %add3A_119 = arith.addi %add3A_118, %mul3A_6 : i32
      %select_n3A_120 = arith.constant true
      %select_n3A_121 = arith.constant 0 : i32
      %select_n3A_122 = arith.constant 1 : i32
      %select_n3A_123 = arith.select %select_n3A_120, %select_n3A_122, %select_n3A_121 : i32
      %eq3A_124 = arith.constant 1 : i32
      %eq3A_125 = arith.cmpi eq, %select_n3A_123, %eq3A_124 : i32
      %select_n3A_126 = arith.constant 0 : i32
      %select_n3A_127 = arith.select %eq3A_125, %select_n3A_126, %select_n3A_123 : i32
      %add3A_128 = arith.constant 0 : i32
      %add3A_129 = arith.addi %add3A_128, %mul3A_6 : i32
      %ne3A = arith.cmpi ne, %add3A_99, %add3A_119 : i32
      %or3A = arith.constant false
      %or3A_130 = arith.ori %or3A, %ne3A : i1
      %ge3A = arith.constant 0 : i32
      %ge3A_131 = arith.cmpi sge, %scan3A_93, %ge3A : i32
      %not3A = arith.constant true
      %not3A_132 = arith.xori %ge3A_131, %not3A : i1
      %and3A = arith.andi %or3A_130, %not3A_132 : i1
      %convert_element_type3A = arith.extui %and3A : i1 to i32
      %cond3A = arith.constant 0 : i32
      %cond3A_133 = arith.cmpi ne, %convert_element_type3A, %cond3A : i32
      scf.if %cond3A_133 {
        "tpu.trace_start"() <{level = 10 : i32, message = "ep_copy_in"}> : () -> ()
        %rem3A_293 = arith.constant 2 : i32
        %rem3A_294 = arith.remui %select_n3A_89, %rem3A_293 : i32
        %mul3A_295 = arith.constant 128 : i32
        %mul3A_296 = arith.muli %mul3A_295, %add3A_119 : i32
        %dma_start3A_297 = arith.constant 0 : i32
        %dma_start3A_298 = arith.constant 0 : i32
        %dma_start3A_299 = tpu.memref_slice %run_scoped3A[%rem3A_294, %dma_start3A_297, %dma_start3A_298] : memref<2x1x128xi32, #tpu.memory_space<vmem>> -> memref<1x1x128xi32, #tpu.memory_space<vmem>>
        %dma_start3A_300 = tpu.memref_squeeze %dma_start3A_299 : memref<1x1x128xi32, #tpu.memory_space<vmem>> -> memref<1x128xi32, #tpu.memory_space<vmem>>
        %dma_start3A_301 = arith.constant 0 : i32
        %dma_start3A_302 = tpu.memref_slice %arg4[%dma_start3A_301, %mul3A_296] : memref<1x4096xi32, #tpu.memory_space<hbm>> -> memref<1x128xi32, #tpu.memory_space<hbm>>
        %dma_start3A_303 = tpu.memref_slice %run_scoped3A_34[%rem3A_294] : memref<2x!tpu.dma_semaphore, #tpu.memory_space<semaphore_mem>> -> memref<1x!tpu.dma_semaphore, #tpu.memory_space<semaphore_mem>>
        %dma_start3A_304 = tpu.memref_squeeze %dma_start3A_303 : memref<1x!tpu.dma_semaphore, #tpu.memory_space<semaphore_mem>> -> memref<!tpu.dma_semaphore, #tpu.memory_space<semaphore_mem>>
        %dma_start3A_305 = arith.constant 0 : i32
        %dma_start3A_306 = arith.constant 0 : i32
        %dma_start3A_307 = tpu.memref_slice %run_scoped3A[%rem3A_294, %dma_start3A_305, %dma_start3A_306] : memref<2x1x128xi32, #tpu.memory_space<vmem>> -> memref<1x1x128xi32, #tpu.memory_space<vmem>>
        %dma_start3A_308 = tpu.memref_squeeze %dma_start3A_307 : memref<1x1x128xi32, #tpu.memory_space<vmem>> -> memref<1x128xi32, #tpu.memory_space<vmem>>
        %dma_start3A_309 = arith.constant 0 : i32
        %dma_start3A_310 = tpu.memref_slice %arg4[%dma_start3A_309, %mul3A_296] : memref<1x4096xi32, #tpu.memory_space<hbm>> -> memref<1x128xi32, #tpu.memory_space<hbm>>
        tpu.enqueue_dma source(%dma_start3A_310 : memref<1x128xi32, #tpu.memory_space<hbm>>) target(%dma_start3A_308 : memref<1x128xi32, #tpu.memory_space<vmem>>) target_semaphore(%dma_start3A_304 : memref<!tpu.dma_semaphore, #tpu.memory_space<semaphore_mem>>)
        "tpu.trace_stop"() : () -> ()
      } else {
      }
      %and3A_134 = arith.constant true
      %and3A_135 = arith.andi %and3A, %and3A_134 : i1
      %add3A_136 = arith.constant 1 : i32
      %add3A_137 = arith.addi %select_n3A_89, %add3A_136 : i32
      %select_n3A_138 = arith.select %and3A_135, %add3A_137, %select_n3A_89 : i32
      %ne3A_139 = arith.cmpi ne, %add3A_99, %add3A_119 : i32
      %or3A_140 = arith.constant false
      %or3A_141 = arith.ori %or3A_140, %ne3A_139 : i1
      %or3A_142 = arith.constant false
      %or3A_143 = arith.ori %or3A_141, %or3A_142 : i1
      %ge3A_144 = arith.constant 0 : i32
      %ge3A_145 = arith.cmpi sge, %scan3A_93, %ge3A_144 : i32
      %not3A_146 = arith.constant true
      %not3A_147 = arith.xori %ge3A_145, %not3A_146 : i1
      %and3A_148 = arith.andi %or3A_143, %not3A_147 : i1
      %ne3A_149 = arith.cmpi ne, %add3A_99, %add3A_109 : i32
      %or3A_150 = arith.constant false
      %or3A_151 = arith.ori %or3A_150, %ne3A_149 : i1
      %or3A_152 = arith.ori %or3A_151, %eq3A_95 : i1
      %convert_element_type3A_153 = arith.extui %or3A_152 : i1 to i32
      %cond3A_154 = arith.constant 0 : i32
      %cond3A_155 = arith.cmpi ne, %convert_element_type3A_153, %cond3A_154 : i32
      scf.if %cond3A_155 {
        "tpu.trace_start"() <{level = 10 : i32, message = "ep_wait_in"}> : () -> ()
        %mul3A_293 = arith.constant 128 : i32
        %mul3A_294 = arith.muli %mul3A_293, %add3A_99 : i32
        %rem3A_295 = arith.constant 2 : i32
        %rem3A_296 = arith.remui %scan3A, %rem3A_295 : i32
        %dma_wait3A_297 = arith.constant 0 : i32
        %dma_wait3A_298 = arith.constant 0 : i32
        %dma_wait3A_299 = tpu.memref_slice %run_scoped3A[%rem3A_296, %dma_wait3A_297, %dma_wait3A_298] : memref<2x1x128xi32, #tpu.memory_space<vmem>> -> memref<1x1x128xi32, #tpu.memory_space<vmem>>
        %dma_wait3A_300 = tpu.memref_squeeze %dma_wait3A_299 : memref<1x1x128xi32, #tpu.memory_space<vmem>> -> memref<1x128xi32, #tpu.memory_space<vmem>>
        %dma_wait3A_301 = arith.constant 0 : i32
        %dma_wait3A_302 = tpu.memref_slice %arg4[%dma_wait3A_301, %mul3A_294] : memref<1x4096xi32, #tpu.memory_space<hbm>> -> memref<1x128xi32, #tpu.memory_space<hbm>>
        %dma_wait3A_303 = tpu.memref_slice %run_scoped3A_34[%rem3A_296] : memref<2x!tpu.dma_semaphore, #tpu.memory_space<semaphore_mem>> -> memref<1x!tpu.dma_semaphore, #tpu.memory_space<semaphore_mem>>
        %dma_wait3A_304 = tpu.memref_squeeze %dma_wait3A_303 : memref<1x!tpu.dma_semaphore, #tpu.memory_space<semaphore_mem>> -> memref<!tpu.dma_semaphore, #tpu.memory_space<semaphore_mem>>
        %dma_wait3A_305 = arith.constant 0 : i32
        %dma_wait3A_306 = arith.constant 0 : i32
        %dma_wait3A_307 = tpu.memref_slice %run_scoped3A[%rem3A_296, %dma_wait3A_305, %dma_wait3A_306] : memref<2x1x128xi32, #tpu.memory_space<vmem>> -> memref<1x1x128xi32, #tpu.memory_space<vmem>>
        %dma_wait3A_308 = tpu.memref_squeeze %dma_wait3A_307 : memref<1x1x128xi32, #tpu.memory_space<vmem>> -> memref<1x128xi32, #tpu.memory_space<vmem>>
        %dma_wait3A_309 = arith.constant 0 : i32
        %dma_wait3A_310 = tpu.memref_slice %arg4[%dma_wait3A_309, %mul3A_294] : memref<1x4096xi32, #tpu.memory_space<hbm>> -> memref<1x128xi32, #tpu.memory_space<hbm>>
        tpu.wait_dma2 semaphore(%dma_wait3A_304 : memref<!tpu.dma_semaphore, #tpu.memory_space<semaphore_mem>>) src(%dma_wait3A_310 : memref<1x128xi32, #tpu.memory_space<hbm>>) dst(%dma_wait3A_308 : memref<1x128xi32, #tpu.memory_space<vmem>>)
        "tpu.trace_stop"() : () -> ()
      } else {
      }
      %ne3A_156 = arith.cmpi ne, %add3A_99, %add3A_109 : i32
      %or3A_157 = arith.constant false
      %or3A_158 = arith.ori %or3A_157, %ne3A_156 : i1
      %or3A_159 = arith.constant false
      %or3A_160 = arith.ori %or3A_158, %or3A_159 : i1
      %or3A_161 = arith.ori %or3A_160, %eq3A_95 : i1
      %convert_element_type3A_162 = arith.extui %or3A_161 : i1 to i32
      %cond3A_163 = arith.constant 0 : i32
      %cond3A_164 = arith.cmpi ne, %convert_element_type3A_162, %cond3A_163 : i32
      scf.if %cond3A_164 {
      } else {
      }
      %rem3A_165 = arith.constant 2 : i32
      %rem3A_166 = arith.remui %scan3A, %rem3A_165 : i32
      %rem3A_167 = arith.constant 2 : i32
      %rem3A_168 = arith.remui %scan3A_90, %rem3A_167 : i32
      %run_scoped3A_169 = arith.constant 0 : i32
      "tpu.trace_start"() <{level = 10 : i32, message = "ep_run_kernel"}> : () -> ()
      "tpu.region"() ({
        %run_scoped3A_293 = tpu.sem_alloc : memref<!tpu.dma_semaphore, #tpu.memory_space<semaphore_mem>>
        %dma_start3A_294 = arith.constant 0 : i32
        %dma_start3A_295 = arith.constant 0 : i32
        %dma_start3A_296 = tpu.memref_slice %run_scoped3A_35[%rem3A_168, %dma_start3A_294, %dma_start3A_295] : memref<2x128x256xi32, #tpu.memory_space<vmem>> -> memref<1x128x256xi32, #tpu.memory_space<vmem>>
        %dma_start3A_297 = tpu.memref_squeeze %dma_start3A_296 : memref<1x128x256xi32, #tpu.memory_space<vmem>> -> memref<128x256xi32, #tpu.memory_space<vmem>>
        %dma_start3A_298 = arith.constant 0 : i32
        %dma_start3A_299 = arith.constant 0 : i32
        %dma_start3A_300 = tpu.memref_slice %run_scoped3A[%rem3A_166, %dma_start3A_298, %dma_start3A_299] : memref<2x1x128xi32, #tpu.memory_space<vmem>> -> memref<1x1x128xi32, #tpu.memory_space<vmem>>
        %dma_start3A_301 = tpu.memref_squeeze %dma_start3A_300 : memref<1x1x128xi32, #tpu.memory_space<vmem>> -> memref<1x128xi32, #tpu.memory_space<vmem>>
        %dma_start3A_302 = arith.constant 0 : i32
        %dma_start3A_303 = tpu.memref_slice %dma_start3A_301[%run_scoped3A_169, %dma_start3A_302] : memref<1x128xi32, #tpu.memory_space<vmem>> -> memref<1x128xi32, #tpu.memory_space<vmem>>
        %dma_start3A_304 = tpu.memref_squeeze %dma_start3A_303 : memref<1x128xi32, #tpu.memory_space<vmem>> -> memref<128xi32, #tpu.memory_space<vmem>>
        %dma_start3A_305 = arith.constant 0 : i32
        %dma_start3A_306 = arith.constant 0 : i32
        %dma_start3A_307 = tpu.memref_slice %arg2[%dma_start3A_305, %dma_start3A_306] : memref<8192x256xi32, #tpu.memory_space<hbm>> -> memref<8192x256xi32, #tpu.memory_space<hbm>>
        tpu.enqueue_indirect_dma source(%dma_start3A_307 : memref<8192x256xi32, #tpu.memory_space<hbm>>) target(%dma_start3A_297 : memref<128x256xi32, #tpu.memory_space<vmem>>) offsets(%dma_start3A_304 : memref<128xi32, #tpu.memory_space<vmem>>) semaphore(%run_scoped3A_293 : memref<!tpu.dma_semaphore, #tpu.memory_space<semaphore_mem>>)
        %dma_wait3A_308 = arith.constant 0 : i32
        %dma_wait3A_309 = arith.constant 0 : i32
        %dma_wait3A_310 = tpu.memref_slice %run_scoped3A_35[%rem3A_168, %dma_wait3A_308, %dma_wait3A_309] : memref<2x128x256xi32, #tpu.memory_space<vmem>> -> memref<1x128x256xi32, #tpu.memory_space<vmem>>
        %dma_wait3A_311 = tpu.memref_squeeze %dma_wait3A_310 : memref<1x128x256xi32, #tpu.memory_space<vmem>> -> memref<128x256xi32, #tpu.memory_space<vmem>>
        %dma_wait3A_312 = arith.constant 0 : i32
        %dma_wait3A_313 = arith.constant 0 : i32
        %dma_wait3A_314 = tpu.memref_slice %run_scoped3A[%rem3A_166, %dma_wait3A_312, %dma_wait3A_313] : memref<2x1x128xi32, #tpu.memory_space<vmem>> -> memref<1x1x128xi32, #tpu.memory_space<vmem>>
        %dma_wait3A_315 = tpu.memref_squeeze %dma_wait3A_314 : memref<1x1x128xi32, #tpu.memory_space<vmem>> -> memref<1x128xi32, #tpu.memory_space<vmem>>
        %dma_wait3A_316 = arith.constant 0 : i32
        %dma_wait3A_317 = tpu.memref_slice %dma_wait3A_315[%run_scoped3A_169, %dma_wait3A_316] : memref<1x128xi32, #tpu.memory_space<vmem>> -> memref<1x128xi32, #tpu.memory_space<vmem>>
        %dma_wait3A_318 = tpu.memref_squeeze %dma_wait3A_317 : memref<1x128xi32, #tpu.memory_space<vmem>> -> memref<128xi32, #tpu.memory_space<vmem>>
        %dma_wait3A_319 = arith.constant 0 : i32
        %dma_wait3A_320 = arith.constant 0 : i32
        %dma_wait3A_321 = tpu.memref_slice %arg2[%dma_wait3A_319, %dma_wait3A_320] : memref<8192x256xi32, #tpu.memory_space<hbm>> -> memref<8192x256xi32, #tpu.memory_space<hbm>>
        tpu.wait_indirect_dma semaphore(%run_scoped3A_293 : memref<!tpu.dma_semaphore, #tpu.memory_space<semaphore_mem>>) src(%dma_wait3A_321 : memref<8192x256xi32, #tpu.memory_space<hbm>>) dst(%dma_wait3A_311 : memref<128x256xi32, #tpu.memory_space<vmem>>)
        tpu.yield
      }) : () -> ()
      "tpu.trace_stop"() : () -> ()
      %ne3A_170 = arith.cmpi ne, %add3A_99, %add3A_119 : i32
      %or3A_171 = arith.constant false
      %or3A_172 = arith.ori %or3A_171, %ne3A_170 : i1
      %or3A_173 = arith.ori %or3A_172, %eq3A_97 : i1
      %convert_element_type3A_174 = arith.extui %or3A_173 : i1 to i32
      %cond3A_175 = arith.constant 0 : i32
      %cond3A_176 = arith.cmpi ne, %convert_element_type3A_174, %cond3A_175 : i32
      scf.if %cond3A_176 {
      } else {
      }
      %and3A_177 = arith.constant false
      %and3A_178 = arith.andi %or3A_173, %and3A_177 : i1
      %ne3A_179 = arith.cmpi ne, %add3A_99, %add3A_119 : i32
      %or3A_180 = arith.constant false
      %or3A_181 = arith.ori %or3A_180, %ne3A_179 : i1
      %or3A_182 = arith.constant false
      %or3A_183 = arith.ori %or3A_181, %or3A_182 : i1
      %or3A_184 = arith.ori %or3A_183, %eq3A_97 : i1
      %convert_element_type3A_185 = arith.extui %or3A_184 : i1 to i32
      %cond3A_186 = arith.constant 0 : i32
      %cond3A_187 = arith.cmpi ne, %convert_element_type3A_185, %cond3A_186 : i32
      scf.if %cond3A_187 {
        "tpu.trace_start"() <{level = 10 : i32, message = "ep_copy_out"}> : () -> ()
        %rem3A_293 = arith.constant 2 : i32
        %rem3A_294 = arith.remui %scan3A_90, %rem3A_293 : i32
        %mul3A_295 = arith.constant 128 : i32
        %mul3A_296 = arith.muli %mul3A_295, %add3A_99 : i32
        %dma_start3A_297 = arith.constant 0 : i32
        %dma_start3A_298 = arith.constant 0 : i32
        %dma_start3A_299 = tpu.memref_slice %run_scoped3A_35[%rem3A_294, %dma_start3A_297, %dma_start3A_298] : memref<2x128x256xi32, #tpu.memory_space<vmem>> -> memref<1x128x256xi32, #tpu.memory_space<vmem>>
        %dma_start3A_300 = tpu.memref_squeeze %dma_start3A_299 : memref<1x128x256xi32, #tpu.memory_space<vmem>> -> memref<128x256xi32, #tpu.memory_space<vmem>>
        %dma_start3A_301 = arith.constant 0 : i32
        %dma_start3A_302 = tpu.memref_slice %arg6[%mul3A_296, %dma_start3A_301] : memref<4096x256xi32, #tpu.memory_space<hbm>> -> memref<128x256xi32, #tpu.memory_space<hbm>>
        %dma_start3A_303 = tpu.memref_slice %run_scoped3A_36[%rem3A_294] : memref<2x!tpu.dma_semaphore, #tpu.memory_space<semaphore_mem>> -> memref<1x!tpu.dma_semaphore, #tpu.memory_space<semaphore_mem>>
        %dma_start3A_304 = tpu.memref_squeeze %dma_start3A_303 : memref<1x!tpu.dma_semaphore, #tpu.memory_space<semaphore_mem>> -> memref<!tpu.dma_semaphore, #tpu.memory_space<semaphore_mem>>
        %dma_start3A_305 = arith.constant 0 : i32
        %dma_start3A_306 = tpu.memref_slice %arg6[%mul3A_296, %dma_start3A_305] : memref<4096x256xi32, #tpu.memory_space<hbm>> -> memref<128x256xi32, #tpu.memory_space<hbm>>
        %dma_start3A_307 = arith.constant 0 : i32
        %dma_start3A_308 = arith.constant 0 : i32
        %dma_start3A_309 = tpu.memref_slice %run_scoped3A_35[%rem3A_294, %dma_start3A_307, %dma_start3A_308] : memref<2x128x256xi32, #tpu.memory_space<vmem>> -> memref<1x128x256xi32, #tpu.memory_space<vmem>>
        %dma_start3A_310 = tpu.memref_squeeze %dma_start3A_309 : memref<1x128x256xi32, #tpu.memory_space<vmem>> -> memref<128x256xi32, #tpu.memory_space<vmem>>
        tpu.enqueue_dma source(%dma_start3A_310 : memref<128x256xi32, #tpu.memory_space<vmem>>) target(%dma_start3A_306 : memref<128x256xi32, #tpu.memory_space<hbm>>) target_semaphore(%dma_start3A_304 : memref<!tpu.dma_semaphore, #tpu.memory_space<semaphore_mem>>)
        "tpu.trace_stop"() : () -> ()
      } else {
      }
      %and3A_188 = arith.constant true
      %and3A_189 = arith.andi %or3A_184, %and3A_188 : i1
      %add3A_190 = arith.constant 1 : i32
      %add3A_191 = arith.addi %scan3A_90, %add3A_190 : i32
      %select_n3A_192 = arith.select %and3A_189, %add3A_191, %scan3A_90 : i32
      %ne3A_193 = arith.cmpi ne, %add3A_99, %add3A_109 : i32
      %or3A_194 = arith.constant false
      %or3A_195 = arith.ori %or3A_194, %ne3A_193 : i1
      %not3A_196 = arith.constant true
      %not3A_197 = arith.xori %eq3A_95, %not3A_196 : i1
      %and3A_198 = arith.andi %or3A_195, %not3A_197 : i1
      %convert_element_type3A_199 = arith.extui %and3A_198 : i1 to i32
      %cond3A_200 = arith.constant 0 : i32
      %cond3A_201 = arith.cmpi ne, %convert_element_type3A_199, %cond3A_200 : i32
      scf.if %cond3A_201 {
      } else {
      }
      %and3A_202 = arith.constant false
      %and3A_203 = arith.andi %and3A_198, %and3A_202 : i1
      %ne3A_204 = arith.cmpi ne, %add3A_99, %add3A_109 : i32
      %or3A_205 = arith.constant false
      %or3A_206 = arith.ori %or3A_205, %ne3A_204 : i1
      %or3A_207 = arith.constant false
      %or3A_208 = arith.ori %or3A_206, %or3A_207 : i1
      %not3A_209 = arith.constant true
      %not3A_210 = arith.xori %eq3A_95, %not3A_209 : i1
      %and3A_211 = arith.andi %or3A_208, %not3A_210 : i1
      %convert_element_type3A_212 = arith.extui %and3A_211 : i1 to i32
      %cond3A_213 = arith.constant 0 : i32
      %cond3A_214 = arith.cmpi ne, %convert_element_type3A_212, %cond3A_213 : i32
      scf.if %cond3A_214 {
        "tpu.trace_start"() <{level = 10 : i32, message = "ep_wait_out"}> : () -> ()
        %rem3A_293 = arith.constant 2 : i32
        %rem3A_294 = arith.remui %scan3A_91, %rem3A_293 : i32
        %mul3A_295 = arith.constant 128 : i32
        %mul3A_296 = arith.muli %mul3A_295, %add3A_109 : i32
        %dma_wait3A_297 = arith.constant 0 : i32
        %dma_wait3A_298 = arith.constant 0 : i32
        %dma_wait3A_299 = tpu.memref_slice %run_scoped3A_35[%rem3A_294, %dma_wait3A_297, %dma_wait3A_298] : memref<2x128x256xi32, #tpu.memory_space<vmem>> -> memref<1x128x256xi32, #tpu.memory_space<vmem>>
        %dma_wait3A_300 = tpu.memref_squeeze %dma_wait3A_299 : memref<1x128x256xi32, #tpu.memory_space<vmem>> -> memref<128x256xi32, #tpu.memory_space<vmem>>
        %dma_wait3A_301 = arith.constant 0 : i32
        %dma_wait3A_302 = tpu.memref_slice %arg6[%mul3A_296, %dma_wait3A_301] : memref<4096x256xi32, #tpu.memory_space<hbm>> -> memref<128x256xi32, #tpu.memory_space<hbm>>
        %dma_wait3A_303 = tpu.memref_slice %run_scoped3A_36[%rem3A_294] : memref<2x!tpu.dma_semaphore, #tpu.memory_space<semaphore_mem>> -> memref<1x!tpu.dma_semaphore, #tpu.memory_space<semaphore_mem>>
        %dma_wait3A_304 = tpu.memref_squeeze %dma_wait3A_303 : memref<1x!tpu.dma_semaphore, #tpu.memory_space<semaphore_mem>> -> memref<!tpu.dma_semaphore, #tpu.memory_space<semaphore_mem>>
        %dma_wait3A_305 = arith.constant 0 : i32
        %dma_wait3A_306 = tpu.memref_slice %arg6[%mul3A_296, %dma_wait3A_305] : memref<4096x256xi32, #tpu.memory_space<hbm>> -> memref<128x256xi32, #tpu.memory_space<hbm>>
        %dma_wait3A_307 = arith.constant 0 : i32
        %dma_wait3A_308 = arith.constant 0 : i32
        %dma_wait3A_309 = tpu.memref_slice %run_scoped3A_35[%rem3A_294, %dma_wait3A_307, %dma_wait3A_308] : memref<2x128x256xi32, #tpu.memory_space<vmem>> -> memref<1x128x256xi32, #tpu.memory_space<vmem>>
        %dma_wait3A_310 = tpu.memref_squeeze %dma_wait3A_309 : memref<1x128x256xi32, #tpu.memory_space<vmem>> -> memref<128x256xi32, #tpu.memory_space<vmem>>
        tpu.wait_dma2 semaphore(%dma_wait3A_304 : memref<!tpu.dma_semaphore, #tpu.memory_space<semaphore_mem>>) src(%dma_wait3A_310 : memref<128x256xi32, #tpu.memory_space<vmem>>) dst(%dma_wait3A_306 : memref<128x256xi32, #tpu.memory_space<hbm>>)
        "tpu.trace_stop"() : () -> ()
      } else {
      }
      %and3A_215 = arith.constant true
      %and3A_216 = arith.andi %and3A_211, %and3A_215 : i1
      %add3A_217 = arith.constant 1 : i32
      %add3A_218 = arith.addi %scan3A_91, %add3A_217 : i32
      %select_n3A_219 = arith.select %and3A_216, %add3A_218, %scan3A_91 : i32
      %ne3A_220 = arith.cmpi ne, %add3A_99, %add3A_119 : i32
      %or3A_221 = arith.constant false
      %or3A_222 = arith.ori %or3A_221, %ne3A_220 : i1
      %or3A_223 = arith.ori %or3A_222, %eq3A_97 : i1
      %add3A_224 = arith.constant 1 : i32
      %add3A_225 = arith.addi %scan3A, %add3A_224 : i32
      %select_n3A_226 = arith.select %or3A_223, %add3A_225, %scan3A : i32
      %select_n3A_227 = arith.constant true
      %select_n3A_228 = arith.constant 0 : i32
      %select_n3A_229 = arith.constant 1 : i32
      %select_n3A_230 = arith.select %select_n3A_227, %select_n3A_229, %select_n3A_228 : i32
      %eq3A_231 = arith.constant 1 : i32
      %eq3A_232 = arith.cmpi eq, %select_n3A_230, %eq3A_231 : i32
      %select_n3A_233 = arith.constant 0 : i32
      %select_n3A_234 = arith.select %eq3A_232, %select_n3A_233, %select_n3A_230 : i32
      %scan3A_235 = arith.constant 0 : i32
      %scan3A_236 = arith.constant 1 : i32
      %sub3A = arith.constant 1 : i32
      %sub3A_237 = arith.subi %scan3A_235, %sub3A : i32
      %select_n3A_238 = arith.constant true
      %select_n3A_239 = arith.select %select_n3A_238, %sub3A_237, %scan3A_235 : i32
      %eq3A_240 = arith.constant -1 : i32
      %eq3A_241 = arith.cmpi eq, %select_n3A_239, %eq3A_240 : i32
      %select_n3A_242 = arith.constant 0 : i32
      %select_n3A_243 = arith.select %eq3A_241, %select_n3A_242, %select_n3A_239 : i32
      %add3A_244 = arith.constant 0 : i32
      %add3A_245 = arith.addi %add3A_244, %mul3A_6 : i32
      %select_n3A_246 = arith.constant true
      %select_n3A_247 = arith.constant 0 : i32
      %select_n3A_248 = arith.constant -1 : i32
      %select_n3A_249 = arith.select %select_n3A_246, %select_n3A_248, %select_n3A_247 : i32
      %eq3A_250 = arith.constant -1 : i32
      %eq3A_251 = arith.cmpi eq, %select_n3A_249, %eq3A_250 : i32
      %select_n3A_252 = arith.constant 0 : i32
      %select_n3A_253 = arith.select %eq3A_251, %select_n3A_252, %select_n3A_249 : i32
      %add3A_254 = arith.constant 0 : i32
      %add3A_255 = arith.addi %add3A_254, %mul3A_6 : i32
      %select_n3A_256 = arith.constant true
      %select_n3A_257 = arith.constant 0 : i32
      %select_n3A_258 = arith.constant 1 : i32
      %select_n3A_259 = arith.select %select_n3A_256, %select_n3A_258, %select_n3A_257 : i32
      %eq3A_260 = arith.constant 1 : i32
      %eq3A_261 = arith.cmpi eq, %select_n3A_259, %eq3A_260 : i32
      %select_n3A_262 = arith.constant 0 : i32
      %select_n3A_263 = arith.select %eq3A_261, %select_n3A_262, %select_n3A_259 : i32
      %add3A_264 = arith.constant 0 : i32
      %add3A_265 = arith.addi %add3A_264, %mul3A_6 : i32
      %select_n3A_266 = arith.constant true
      %select_n3A_267 = arith.constant 0 : i32
      %select_n3A_268 = arith.constant 1 : i32
      %select_n3A_269 = arith.select %select_n3A_266, %select_n3A_268, %select_n3A_267 : i32
      %eq3A_270 = arith.constant 1 : i32
      %eq3A_271 = arith.cmpi eq, %select_n3A_269, %eq3A_270 : i32
      %select_n3A_272 = arith.constant 0 : i32
      %select_n3A_273 = arith.select %eq3A_271, %select_n3A_272, %select_n3A_269 : i32
      %add3A_274 = arith.constant 0 : i32
      %add3A_275 = arith.addi %add3A_274, %mul3A_6 : i32
      "tpu.trace_start"() <{level = 10 : i32, message = "ep_finalize"}> : () -> ()
      %rem3A_276 = arith.constant 2 : i32
      %rem3A_277 = arith.remui %select_n3A_219, %rem3A_276 : i32
      %mul3A_278 = arith.constant 128 : i32
      %mul3A_279 = arith.muli %mul3A_278, %add3A_245 : i32
      %dma_wait3A = arith.constant 0 : i32
      %dma_wait3A_280 = arith.constant 0 : i32
      %dma_wait3A_281 = tpu.memref_slice %run_scoped3A_35[%rem3A_277, %dma_wait3A, %dma_wait3A_280] : memref<2x128x256xi32, #tpu.memory_space<vmem>> -> memref<1x128x256xi32, #tpu.memory_space<vmem>>
      %dma_wait3A_282 = tpu.memref_squeeze %dma_wait3A_281 : memref<1x128x256xi32, #tpu.memory_space<vmem>> -> memref<128x256xi32, #tpu.memory_space<vmem>>
      %dma_wait3A_283 = arith.constant 0 : i32
      %dma_wait3A_284 = tpu.memref_slice %arg6[%mul3A_279, %dma_wait3A_283] : memref<4096x256xi32, #tpu.memory_space<hbm>> -> memref<128x256xi32, #tpu.memory_space<hbm>>
      %dma_wait3A_285 = tpu.memref_slice %run_scoped3A_36[%rem3A_277] : memref<2x!tpu.dma_semaphore, #tpu.memory_space<semaphore_mem>> -> memref<1x!tpu.dma_semaphore, #tpu.memory_space<semaphore_mem>>
      %dma_wait3A_286 = tpu.memref_squeeze %dma_wait3A_285 : memref<1x!tpu.dma_semaphore, #tpu.memory_space<semaphore_mem>> -> memref<!tpu.dma_semaphore, #tpu.memory_space<semaphore_mem>>
      %dma_wait3A_287 = arith.constant 0 : i32
      %dma_wait3A_288 = tpu.memref_slice %arg6[%mul3A_279, %dma_wait3A_287] : memref<4096x256xi32, #tpu.memory_space<hbm>> -> memref<128x256xi32, #tpu.memory_space<hbm>>
      %dma_wait3A_289 = arith.constant 0 : i32
      %dma_wait3A_290 = arith.constant 0 : i32
      %dma_wait3A_291 = tpu.memref_slice %run_scoped3A_35[%rem3A_277, %dma_wait3A_289, %dma_wait3A_290] : memref<2x128x256xi32, #tpu.memory_space<vmem>> -> memref<1x128x256xi32, #tpu.memory_space<vmem>>
      %dma_wait3A_292 = tpu.memref_squeeze %dma_wait3A_291 : memref<1x128x256xi32, #tpu.memory_space<vmem>> -> memref<128x256xi32, #tpu.memory_space<vmem>>
      tpu.wait_dma2 semaphore(%dma_wait3A_286 : memref<!tpu.dma_semaphore, #tpu.memory_space<semaphore_mem>>) src(%dma_wait3A_292 : memref<128x256xi32, #tpu.memory_space<vmem>>) dst(%dma_wait3A_288 : memref<128x256xi32, #tpu.memory_space<hbm>>)
      "tpu.trace_stop"() : () -> ()
      tpu.yield
    }) : () -> ()
    %mul3A_7 = arith.constant 1 : i32
    %mul3A_8 = arith.muli %arg1, %mul3A_7 : i32
    %add3A_9 = arith.constant 0 : i32
    %add3A_10 = arith.addi %add3A_9, %mul3A_8 : i32
    %mul3A_11 = arith.constant 16 : i32
    %mul3A_12 = arith.muli %arg0, %mul3A_11 : i32
    %add3A_13 = arith.addi %add3A_10, %mul3A_12 : i32
    %mul3A_14 = arith.constant 1 : i32
    %mul3A_15 = arith.muli %add3A_13, %mul3A_14 : i32
    "tpu.region"() ({
      %run_scoped3A = memref.alloca() : memref<2x1x128xi32, #tpu.memory_space<vmem>>
      %run_scoped3A_34 = tpu.sem_alloc : memref<2x!tpu.dma_semaphore, #tpu.memory_space<semaphore_mem>>
      %run_scoped3A_35 = memref.alloca() : memref<2x128x256xi32, #tpu.memory_space<vmem>>
      %run_scoped3A_36 = tpu.sem_alloc : memref<2x!tpu.dma_semaphore, #tpu.memory_space<semaphore_mem>>
      %add3A_37 = arith.constant 0 : i32
      %add3A_38 = arith.addi %add3A_37, %mul3A_15 : i32
      %select_n3A = arith.constant true
      %select_n3A_39 = arith.constant 0 : i32
      %select_n3A_40 = arith.constant -1 : i32
      %select_n3A_41 = arith.select %select_n3A, %select_n3A_40, %select_n3A_39 : i32
      %eq3A = arith.constant -1 : i32
      %eq3A_42 = arith.cmpi eq, %select_n3A_41, %eq3A : i32
      %select_n3A_43 = arith.constant 0 : i32
      %select_n3A_44 = arith.select %eq3A_42, %select_n3A_43, %select_n3A_41 : i32
      %add3A_45 = arith.constant 0 : i32
      %add3A_46 = arith.addi %add3A_45, %mul3A_15 : i32
      %select_n3A_47 = arith.constant true
      %select_n3A_48 = arith.constant 0 : i32
      %select_n3A_49 = arith.constant 1 : i32
      %select_n3A_50 = arith.select %select_n3A_47, %select_n3A_49, %select_n3A_48 : i32
      %eq3A_51 = arith.constant 1 : i32
      %eq3A_52 = arith.cmpi eq, %select_n3A_50, %eq3A_51 : i32
      %select_n3A_53 = arith.constant 0 : i32
      %select_n3A_54 = arith.select %eq3A_52, %select_n3A_53, %select_n3A_50 : i32
      %add3A_55 = arith.constant 0 : i32
      %add3A_56 = arith.addi %add3A_55, %mul3A_15 : i32
      %select_n3A_57 = arith.constant true
      %select_n3A_58 = arith.constant 0 : i32
      %select_n3A_59 = arith.constant 1 : i32
      %select_n3A_60 = arith.select %select_n3A_57, %select_n3A_59, %select_n3A_58 : i32
      %eq3A_61 = arith.constant 1 : i32
      %eq3A_62 = arith.cmpi eq, %select_n3A_60, %eq3A_61 : i32
      %select_n3A_63 = arith.constant 0 : i32
      %select_n3A_64 = arith.select %eq3A_62, %select_n3A_63, %select_n3A_60 : i32
      %add3A_65 = arith.constant 0 : i32
      %add3A_66 = arith.addi %add3A_65, %mul3A_15 : i32
      "tpu.trace_start"() <{level = 10 : i32, message = "ep_initialize_0"}> : () -> ()
      %rem3A = arith.constant 0 : i32
      %rem3A_67 = arith.constant 2 : i32
      %rem3A_68 = arith.remui %rem3A, %rem3A_67 : i32
      %mul3A_69 = arith.constant 128 : i32
      %mul3A_70 = arith.muli %mul3A_69, %add3A_38 : i32
      %dma_start3A = arith.constant 0 : i32
      %dma_start3A_71 = arith.constant 0 : i32
      %dma_start3A_72 = tpu.memref_slice %run_scoped3A[%rem3A_68, %dma_start3A, %dma_start3A_71] : memref<2x1x128xi32, #tpu.memory_space<vmem>> -> memref<1x1x128xi32, #tpu.memory_space<vmem>>
      %dma_start3A_73 = tpu.memref_squeeze %dma_start3A_72 : memref<1x1x128xi32, #tpu.memory_space<vmem>> -> memref<1x128xi32, #tpu.memory_space<vmem>>
      %dma_start3A_74 = arith.constant 0 : i32
      %dma_start3A_75 = tpu.memref_slice %arg4[%dma_start3A_74, %mul3A_70] : memref<1x4096xi32, #tpu.memory_space<hbm>> -> memref<1x128xi32, #tpu.memory_space<hbm>>
      %dma_start3A_76 = tpu.memref_slice %run_scoped3A_34[%rem3A_68] : memref<2x!tpu.dma_semaphore, #tpu.memory_space<semaphore_mem>> -> memref<1x!tpu.dma_semaphore, #tpu.memory_space<semaphore_mem>>
      %dma_start3A_77 = tpu.memref_squeeze %dma_start3A_76 : memref<1x!tpu.dma_semaphore, #tpu.memory_space<semaphore_mem>> -> memref<!tpu.dma_semaphore, #tpu.memory_space<semaphore_mem>>
      %dma_start3A_78 = arith.constant 0 : i32
      %dma_start3A_79 = arith.constant 0 : i32
      %dma_start3A_80 = tpu.memref_slice %run_scoped3A[%rem3A_68, %dma_start3A_78, %dma_start3A_79] : memref<2x1x128xi32, #tpu.memory_space<vmem>> -> memref<1x1x128xi32, #tpu.memory_space<vmem>>
      %dma_start3A_81 = tpu.memref_squeeze %dma_start3A_80 : memref<1x1x128xi32, #tpu.memory_space<vmem>> -> memref<1x128xi32, #tpu.memory_space<vmem>>
      %dma_start3A_82 = arith.constant 0 : i32
      %dma_start3A_83 = tpu.memref_slice %arg4[%dma_start3A_82, %mul3A_70] : memref<1x4096xi32, #tpu.memory_space<hbm>> -> memref<1x128xi32, #tpu.memory_space<hbm>>
      tpu.enqueue_dma source(%dma_start3A_83 : memref<1x128xi32, #tpu.memory_space<hbm>>) target(%dma_start3A_81 : memref<1x128xi32, #tpu.memory_space<vmem>>) target_semaphore(%dma_start3A_77 : memref<!tpu.dma_semaphore, #tpu.memory_space<semaphore_mem>>)
      %add3A_84 = arith.constant 0 : i32
      %add3A_85 = arith.constant 1 : i32
      %add3A_86 = arith.addi %add3A_84, %add3A_85 : i32
      %select_n3A_87 = arith.constant true
      %select_n3A_88 = arith.constant 0 : i32
      %select_n3A_89 = arith.select %select_n3A_87, %add3A_86, %select_n3A_88 : i32
      "tpu.trace_stop"() : () -> ()
      %scan3A = arith.constant 0 : i32
      %scan3A_90 = arith.constant 0 : i32
      %scan3A_91 = arith.constant 0 : i32
      %scan3A_92 = arith.constant 0 : i32
      %scan3A_93 = arith.constant 0 : i32
      %eq3A_94 = arith.constant 0 : i32
      %eq3A_95 = arith.cmpi eq, %scan3A_93, %eq3A_94 : i32
      %eq3A_96 = arith.constant 0 : i32
      %eq3A_97 = arith.cmpi eq, %scan3A_93, %eq3A_96 : i32
      %add3A_98 = arith.constant 0 : i32
      %add3A_99 = arith.addi %add3A_98, %mul3A_15 : i32
      %select_n3A_100 = arith.constant true
      %select_n3A_101 = arith.constant 0 : i32
      %select_n3A_102 = arith.constant -1 : i32
      %select_n3A_103 = arith.select %select_n3A_100, %select_n3A_102, %select_n3A_101 : i32
      %eq3A_104 = arith.constant -1 : i32
      %eq3A_105 = arith.cmpi eq, %select_n3A_103, %eq3A_104 : i32
      %select_n3A_106 = arith.constant 0 : i32
      %select_n3A_107 = arith.select %eq3A_105, %select_n3A_106, %select_n3A_103 : i32
      %add3A_108 = arith.constant 0 : i32
      %add3A_109 = arith.addi %add3A_108, %mul3A_15 : i32
      %select_n3A_110 = arith.constant true
      %select_n3A_111 = arith.constant 0 : i32
      %select_n3A_112 = arith.constant 1 : i32
      %select_n3A_113 = arith.select %select_n3A_110, %select_n3A_112, %select_n3A_111 : i32
      %eq3A_114 = arith.constant 1 : i32
      %eq3A_115 = arith.cmpi eq, %select_n3A_113, %eq3A_114 : i32
      %select_n3A_116 = arith.constant 0 : i32
      %select_n3A_117 = arith.select %eq3A_115, %select_n3A_116, %select_n3A_113 : i32
      %add3A_118 = arith.constant 0 : i32
      %add3A_119 = arith.addi %add3A_118, %mul3A_15 : i32
      %select_n3A_120 = arith.constant true
      %select_n3A_121 = arith.constant 0 : i32
      %select_n3A_122 = arith.constant 1 : i32
      %select_n3A_123 = arith.select %select_n3A_120, %select_n3A_122, %select_n3A_121 : i32
      %eq3A_124 = arith.constant 1 : i32
      %eq3A_125 = arith.cmpi eq, %select_n3A_123, %eq3A_124 : i32
      %select_n3A_126 = arith.constant 0 : i32
      %select_n3A_127 = arith.select %eq3A_125, %select_n3A_126, %select_n3A_123 : i32
      %add3A_128 = arith.constant 0 : i32
      %add3A_129 = arith.addi %add3A_128, %mul3A_15 : i32
      %ne3A = arith.cmpi ne, %add3A_99, %add3A_119 : i32
      %or3A = arith.constant false
      %or3A_130 = arith.ori %or3A, %ne3A : i1
      %ge3A = arith.constant 0 : i32
      %ge3A_131 = arith.cmpi sge, %scan3A_93, %ge3A : i32
      %not3A = arith.constant true
      %not3A_132 = arith.xori %ge3A_131, %not3A : i1
      %and3A = arith.andi %or3A_130, %not3A_132 : i1
      %convert_element_type3A = arith.extui %and3A : i1 to i32
      %cond3A = arith.constant 0 : i32
      %cond3A_133 = arith.cmpi ne, %convert_element_type3A, %cond3A : i32
      scf.if %cond3A_133 {
        "tpu.trace_start"() <{level = 10 : i32, message = "ep_copy_in"}> : () -> ()
        %rem3A_293 = arith.constant 2 : i32
        %rem3A_294 = arith.remui %select_n3A_89, %rem3A_293 : i32
        %mul3A_295 = arith.constant 128 : i32
        %mul3A_296 = arith.muli %mul3A_295, %add3A_119 : i32
        %dma_start3A_297 = arith.constant 0 : i32
        %dma_start3A_298 = arith.constant 0 : i32
        %dma_start3A_299 = tpu.memref_slice %run_scoped3A[%rem3A_294, %dma_start3A_297, %dma_start3A_298] : memref<2x1x128xi32, #tpu.memory_space<vmem>> -> memref<1x1x128xi32, #tpu.memory_space<vmem>>
        %dma_start3A_300 = tpu.memref_squeeze %dma_start3A_299 : memref<1x1x128xi32, #tpu.memory_space<vmem>> -> memref<1x128xi32, #tpu.memory_space<vmem>>
        %dma_start3A_301 = arith.constant 0 : i32
        %dma_start3A_302 = tpu.memref_slice %arg4[%dma_start3A_301, %mul3A_296] : memref<1x4096xi32, #tpu.memory_space<hbm>> -> memref<1x128xi32, #tpu.memory_space<hbm>>
        %dma_start3A_303 = tpu.memref_slice %run_scoped3A_34[%rem3A_294] : memref<2x!tpu.dma_semaphore, #tpu.memory_space<semaphore_mem>> -> memref<1x!tpu.dma_semaphore, #tpu.memory_space<semaphore_mem>>
        %dma_start3A_304 = tpu.memref_squeeze %dma_start3A_303 : memref<1x!tpu.dma_semaphore, #tpu.memory_space<semaphore_mem>> -> memref<!tpu.dma_semaphore, #tpu.memory_space<semaphore_mem>>
        %dma_start3A_305 = arith.constant 0 : i32
        %dma_start3A_306 = arith.constant 0 : i32
        %dma_start3A_307 = tpu.memref_slice %run_scoped3A[%rem3A_294, %dma_start3A_305, %dma_start3A_306] : memref<2x1x128xi32, #tpu.memory_space<vmem>> -> memref<1x1x128xi32, #tpu.memory_space<vmem>>
        %dma_start3A_308 = tpu.memref_squeeze %dma_start3A_307 : memref<1x1x128xi32, #tpu.memory_space<vmem>> -> memref<1x128xi32, #tpu.memory_space<vmem>>
        %dma_start3A_309 = arith.constant 0 : i32
        %dma_start3A_310 = tpu.memref_slice %arg4[%dma_start3A_309, %mul3A_296] : memref<1x4096xi32, #tpu.memory_space<hbm>> -> memref<1x128xi32, #tpu.memory_space<hbm>>
        tpu.enqueue_dma source(%dma_start3A_310 : memref<1x128xi32, #tpu.memory_space<hbm>>) target(%dma_start3A_308 : memref<1x128xi32, #tpu.memory_space<vmem>>) target_semaphore(%dma_start3A_304 : memref<!tpu.dma_semaphore, #tpu.memory_space<semaphore_mem>>)
        "tpu.trace_stop"() : () -> ()
      } else {
      }
      %and3A_134 = arith.constant true
      %and3A_135 = arith.andi %and3A, %and3A_134 : i1
      %add3A_136 = arith.constant 1 : i32
      %add3A_137 = arith.addi %select_n3A_89, %add3A_136 : i32
      %select_n3A_138 = arith.select %and3A_135, %add3A_137, %select_n3A_89 : i32
      %ne3A_139 = arith.cmpi ne, %add3A_99, %add3A_119 : i32
      %or3A_140 = arith.constant false
      %or3A_141 = arith.ori %or3A_140, %ne3A_139 : i1
      %or3A_142 = arith.constant false
      %or3A_143 = arith.ori %or3A_141, %or3A_142 : i1
      %ge3A_144 = arith.constant 0 : i32
      %ge3A_145 = arith.cmpi sge, %scan3A_93, %ge3A_144 : i32
      %not3A_146 = arith.constant true
      %not3A_147 = arith.xori %ge3A_145, %not3A_146 : i1
      %and3A_148 = arith.andi %or3A_143, %not3A_147 : i1
      %ne3A_149 = arith.cmpi ne, %add3A_99, %add3A_109 : i32
      %or3A_150 = arith.constant false
      %or3A_151 = arith.ori %or3A_150, %ne3A_149 : i1
      %or3A_152 = arith.ori %or3A_151, %eq3A_95 : i1
      %convert_element_type3A_153 = arith.extui %or3A_152 : i1 to i32
      %cond3A_154 = arith.constant 0 : i32
      %cond3A_155 = arith.cmpi ne, %convert_element_type3A_153, %cond3A_154 : i32
      scf.if %cond3A_155 {
        "tpu.trace_start"() <{level = 10 : i32, message = "ep_wait_in"}> : () -> ()
        %mul3A_293 = arith.constant 128 : i32
        %mul3A_294 = arith.muli %mul3A_293, %add3A_99 : i32
        %rem3A_295 = arith.constant 2 : i32
        %rem3A_296 = arith.remui %scan3A, %rem3A_295 : i32
        %dma_wait3A_297 = arith.constant 0 : i32
        %dma_wait3A_298 = arith.constant 0 : i32
        %dma_wait3A_299 = tpu.memref_slice %run_scoped3A[%rem3A_296, %dma_wait3A_297, %dma_wait3A_298] : memref<2x1x128xi32, #tpu.memory_space<vmem>> -> memref<1x1x128xi32, #tpu.memory_space<vmem>>
        %dma_wait3A_300 = tpu.memref_squeeze %dma_wait3A_299 : memref<1x1x128xi32, #tpu.memory_space<vmem>> -> memref<1x128xi32, #tpu.memory_space<vmem>>
        %dma_wait3A_301 = arith.constant 0 : i32
        %dma_wait3A_302 = tpu.memref_slice %arg4[%dma_wait3A_301, %mul3A_294] : memref<1x4096xi32, #tpu.memory_space<hbm>> -> memref<1x128xi32, #tpu.memory_space<hbm>>
        %dma_wait3A_303 = tpu.memref_slice %run_scoped3A_34[%rem3A_296] : memref<2x!tpu.dma_semaphore, #tpu.memory_space<semaphore_mem>> -> memref<1x!tpu.dma_semaphore, #tpu.memory_space<semaphore_mem>>
        %dma_wait3A_304 = tpu.memref_squeeze %dma_wait3A_303 : memref<1x!tpu.dma_semaphore, #tpu.memory_space<semaphore_mem>> -> memref<!tpu.dma_semaphore, #tpu.memory_space<semaphore_mem>>
        %dma_wait3A_305 = arith.constant 0 : i32
        %dma_wait3A_306 = arith.constant 0 : i32
        %dma_wait3A_307 = tpu.memref_slice %run_scoped3A[%rem3A_296, %dma_wait3A_305, %dma_wait3A_306] : memref<2x1x128xi32, #tpu.memory_space<vmem>> -> memref<1x1x128xi32, #tpu.memory_space<vmem>>
        %dma_wait3A_308 = tpu.memref_squeeze %dma_wait3A_307 : memref<1x1x128xi32, #tpu.memory_space<vmem>> -> memref<1x128xi32, #tpu.memory_space<vmem>>
        %dma_wait3A_309 = arith.constant 0 : i32
        %dma_wait3A_310 = tpu.memref_slice %arg4[%dma_wait3A_309, %mul3A_294] : memref<1x4096xi32, #tpu.memory_space<hbm>> -> memref<1x128xi32, #tpu.memory_space<hbm>>
        tpu.wait_dma2 semaphore(%dma_wait3A_304 : memref<!tpu.dma_semaphore, #tpu.memory_space<semaphore_mem>>) src(%dma_wait3A_310 : memref<1x128xi32, #tpu.memory_space<hbm>>) dst(%dma_wait3A_308 : memref<1x128xi32, #tpu.memory_space<vmem>>)
        "tpu.trace_stop"() : () -> ()
      } else {
      }
      %ne3A_156 = arith.cmpi ne, %add3A_99, %add3A_109 : i32
      %or3A_157 = arith.constant false
      %or3A_158 = arith.ori %or3A_157, %ne3A_156 : i1
      %or3A_159 = arith.constant false
      %or3A_160 = arith.ori %or3A_158, %or3A_159 : i1
      %or3A_161 = arith.ori %or3A_160, %eq3A_95 : i1
      %convert_element_type3A_162 = arith.extui %or3A_161 : i1 to i32
      %cond3A_163 = arith.constant 0 : i32
      %cond3A_164 = arith.cmpi ne, %convert_element_type3A_162, %cond3A_163 : i32
      scf.if %cond3A_164 {
      } else {
      }
      %rem3A_165 = arith.constant 2 : i32
      %rem3A_166 = arith.remui %scan3A, %rem3A_165 : i32
      %rem3A_167 = arith.constant 2 : i32
      %rem3A_168 = arith.remui %scan3A_90, %rem3A_167 : i32
      %run_scoped3A_169 = arith.constant 0 : i32
      "tpu.trace_start"() <{level = 10 : i32, message = "ep_run_kernel"}> : () -> ()
      "tpu.region"() ({
        %run_scoped3A_293 = tpu.sem_alloc : memref<!tpu.dma_semaphore, #tpu.memory_space<semaphore_mem>>
        %dma_start3A_294 = arith.constant 0 : i32
        %dma_start3A_295 = arith.constant 0 : i32
        %dma_start3A_296 = tpu.memref_slice %run_scoped3A_35[%rem3A_168, %dma_start3A_294, %dma_start3A_295] : memref<2x128x256xi32, #tpu.memory_space<vmem>> -> memref<1x128x256xi32, #tpu.memory_space<vmem>>
        %dma_start3A_297 = tpu.memref_squeeze %dma_start3A_296 : memref<1x128x256xi32, #tpu.memory_space<vmem>> -> memref<128x256xi32, #tpu.memory_space<vmem>>
        %dma_start3A_298 = arith.constant 0 : i32
        %dma_start3A_299 = arith.constant 0 : i32
        %dma_start3A_300 = tpu.memref_slice %run_scoped3A[%rem3A_166, %dma_start3A_298, %dma_start3A_299] : memref<2x1x128xi32, #tpu.memory_space<vmem>> -> memref<1x1x128xi32, #tpu.memory_space<vmem>>
        %dma_start3A_301 = tpu.memref_squeeze %dma_start3A_300 : memref<1x1x128xi32, #tpu.memory_space<vmem>> -> memref<1x128xi32, #tpu.memory_space<vmem>>
        %dma_start3A_302 = arith.constant 0 : i32
        %dma_start3A_303 = tpu.memref_slice %dma_start3A_301[%run_scoped3A_169, %dma_start3A_302] : memref<1x128xi32, #tpu.memory_space<vmem>> -> memref<1x128xi32, #tpu.memory_space<vmem>>
        %dma_start3A_304 = tpu.memref_squeeze %dma_start3A_303 : memref<1x128xi32, #tpu.memory_space<vmem>> -> memref<128xi32, #tpu.memory_space<vmem>>
        %dma_start3A_305 = arith.constant 0 : i32
        %dma_start3A_306 = arith.constant 0 : i32
        %dma_start3A_307 = tpu.memref_slice %arg3[%dma_start3A_305, %dma_start3A_306] : memref<8192x256xi32, #tpu.memory_space<hbm>> -> memref<8192x256xi32, #tpu.memory_space<hbm>>
        tpu.enqueue_indirect_dma source(%dma_start3A_307 : memref<8192x256xi32, #tpu.memory_space<hbm>>) target(%dma_start3A_297 : memref<128x256xi32, #tpu.memory_space<vmem>>) offsets(%dma_start3A_304 : memref<128xi32, #tpu.memory_space<vmem>>) semaphore(%run_scoped3A_293 : memref<!tpu.dma_semaphore, #tpu.memory_space<semaphore_mem>>)
        %dma_wait3A_308 = arith.constant 0 : i32
        %dma_wait3A_309 = arith.constant 0 : i32
        %dma_wait3A_310 = tpu.memref_slice %run_scoped3A_35[%rem3A_168, %dma_wait3A_308, %dma_wait3A_309] : memref<2x128x256xi32, #tpu.memory_space<vmem>> -> memref<1x128x256xi32, #tpu.memory_space<vmem>>
        %dma_wait3A_311 = tpu.memref_squeeze %dma_wait3A_310 : memref<1x128x256xi32, #tpu.memory_space<vmem>> -> memref<128x256xi32, #tpu.memory_space<vmem>>
        %dma_wait3A_312 = arith.constant 0 : i32
        %dma_wait3A_313 = arith.constant 0 : i32
        %dma_wait3A_314 = tpu.memref_slice %run_scoped3A[%rem3A_166, %dma_wait3A_312, %dma_wait3A_313] : memref<2x1x128xi32, #tpu.memory_space<vmem>> -> memref<1x1x128xi32, #tpu.memory_space<vmem>>
        %dma_wait3A_315 = tpu.memref_squeeze %dma_wait3A_314 : memref<1x1x128xi32, #tpu.memory_space<vmem>> -> memref<1x128xi32, #tpu.memory_space<vmem>>
        %dma_wait3A_316 = arith.constant 0 : i32
        %dma_wait3A_317 = tpu.memref_slice %dma_wait3A_315[%run_scoped3A_169, %dma_wait3A_316] : memref<1x128xi32, #tpu.memory_space<vmem>> -> memref<1x128xi32, #tpu.memory_space<vmem>>
        %dma_wait3A_318 = tpu.memref_squeeze %dma_wait3A_317 : memref<1x128xi32, #tpu.memory_space<vmem>> -> memref<128xi32, #tpu.memory_space<vmem>>
        %dma_wait3A_319 = arith.constant 0 : i32
        %dma_wait3A_320 = arith.constant 0 : i32
        %dma_wait3A_321 = tpu.memref_slice %arg3[%dma_wait3A_319, %dma_wait3A_320] : memref<8192x256xi32, #tpu.memory_space<hbm>> -> memref<8192x256xi32, #tpu.memory_space<hbm>>
        tpu.wait_indirect_dma semaphore(%run_scoped3A_293 : memref<!tpu.dma_semaphore, #tpu.memory_space<semaphore_mem>>) src(%dma_wait3A_321 : memref<8192x256xi32, #tpu.memory_space<hbm>>) dst(%dma_wait3A_311 : memref<128x256xi32, #tpu.memory_space<vmem>>)
        tpu.yield
      }) : () -> ()
      "tpu.trace_stop"() : () -> ()
      %ne3A_170 = arith.cmpi ne, %add3A_99, %add3A_119 : i32
      %or3A_171 = arith.constant false
      %or3A_172 = arith.ori %or3A_171, %ne3A_170 : i1
      %or3A_173 = arith.ori %or3A_172, %eq3A_97 : i1
      %convert_element_type3A_174 = arith.extui %or3A_173 : i1 to i32
      %cond3A_175 = arith.constant 0 : i32
      %cond3A_176 = arith.cmpi ne, %convert_element_type3A_174, %cond3A_175 : i32
      scf.if %cond3A_176 {
      } else {
      }
      %and3A_177 = arith.constant false
      %and3A_178 = arith.andi %or3A_173, %and3A_177 : i1
      %ne3A_179 = arith.cmpi ne, %add3A_99, %add3A_119 : i32
      %or3A_180 = arith.constant false
      %or3A_181 = arith.ori %or3A_180, %ne3A_179 : i1
      %or3A_182 = arith.constant false
      %or3A_183 = arith.ori %or3A_181, %or3A_182 : i1
      %or3A_184 = arith.ori %or3A_183, %eq3A_97 : i1
      %convert_element_type3A_185 = arith.extui %or3A_184 : i1 to i32
      %cond3A_186 = arith.constant 0 : i32
      %cond3A_187 = arith.cmpi ne, %convert_element_type3A_185, %cond3A_186 : i32
      scf.if %cond3A_187 {
        "tpu.trace_start"() <{level = 10 : i32, message = "ep_copy_out"}> : () -> ()
        %rem3A_293 = arith.constant 2 : i32
        %rem3A_294 = arith.remui %scan3A_90, %rem3A_293 : i32
        %mul3A_295 = arith.constant 128 : i32
        %mul3A_296 = arith.muli %mul3A_295, %add3A_99 : i32
        %dma_start3A_297 = arith.constant 0 : i32
        %dma_start3A_298 = arith.constant 0 : i32
        %dma_start3A_299 = tpu.memref_slice %run_scoped3A_35[%rem3A_294, %dma_start3A_297, %dma_start3A_298] : memref<2x128x256xi32, #tpu.memory_space<vmem>> -> memref<1x128x256xi32, #tpu.memory_space<vmem>>
        %dma_start3A_300 = tpu.memref_squeeze %dma_start3A_299 : memref<1x128x256xi32, #tpu.memory_space<vmem>> -> memref<128x256xi32, #tpu.memory_space<vmem>>
        %dma_start3A_301 = arith.constant 0 : i32
        %dma_start3A_302 = tpu.memref_slice %arg7[%mul3A_296, %dma_start3A_301] : memref<4096x256xi32, #tpu.memory_space<hbm>> -> memref<128x256xi32, #tpu.memory_space<hbm>>
        %dma_start3A_303 = tpu.memref_slice %run_scoped3A_36[%rem3A_294] : memref<2x!tpu.dma_semaphore, #tpu.memory_space<semaphore_mem>> -> memref<1x!tpu.dma_semaphore, #tpu.memory_space<semaphore_mem>>
        %dma_start3A_304 = tpu.memref_squeeze %dma_start3A_303 : memref<1x!tpu.dma_semaphore, #tpu.memory_space<semaphore_mem>> -> memref<!tpu.dma_semaphore, #tpu.memory_space<semaphore_mem>>
        %dma_start3A_305 = arith.constant 0 : i32
        %dma_start3A_306 = tpu.memref_slice %arg7[%mul3A_296, %dma_start3A_305] : memref<4096x256xi32, #tpu.memory_space<hbm>> -> memref<128x256xi32, #tpu.memory_space<hbm>>
        %dma_start3A_307 = arith.constant 0 : i32
        %dma_start3A_308 = arith.constant 0 : i32
        %dma_start3A_309 = tpu.memref_slice %run_scoped3A_35[%rem3A_294, %dma_start3A_307, %dma_start3A_308] : memref<2x128x256xi32, #tpu.memory_space<vmem>> -> memref<1x128x256xi32, #tpu.memory_space<vmem>>
        %dma_start3A_310 = tpu.memref_squeeze %dma_start3A_309 : memref<1x128x256xi32, #tpu.memory_space<vmem>> -> memref<128x256xi32, #tpu.memory_space<vmem>>
        tpu.enqueue_dma source(%dma_start3A_310 : memref<128x256xi32, #tpu.memory_space<vmem>>) target(%dma_start3A_306 : memref<128x256xi32, #tpu.memory_space<hbm>>) target_semaphore(%dma_start3A_304 : memref<!tpu.dma_semaphore, #tpu.memory_space<semaphore_mem>>)
        "tpu.trace_stop"() : () -> ()
      } else {
      }
      %and3A_188 = arith.constant true
      %and3A_189 = arith.andi %or3A_184, %and3A_188 : i1
      %add3A_190 = arith.constant 1 : i32
      %add3A_191 = arith.addi %scan3A_90, %add3A_190 : i32
      %select_n3A_192 = arith.select %and3A_189, %add3A_191, %scan3A_90 : i32
      %ne3A_193 = arith.cmpi ne, %add3A_99, %add3A_109 : i32
      %or3A_194 = arith.constant false
      %or3A_195 = arith.ori %or3A_194, %ne3A_193 : i1
      %not3A_196 = arith.constant true
      %not3A_197 = arith.xori %eq3A_95, %not3A_196 : i1
      %and3A_198 = arith.andi %or3A_195, %not3A_197 : i1
      %convert_element_type3A_199 = arith.extui %and3A_198 : i1 to i32
      %cond3A_200 = arith.constant 0 : i32
      %cond3A_201 = arith.cmpi ne, %convert_element_type3A_199, %cond3A_200 : i32
      scf.if %cond3A_201 {
      } else {
      }
      %and3A_202 = arith.constant false
      %and3A_203 = arith.andi %and3A_198, %and3A_202 : i1
      %ne3A_204 = arith.cmpi ne, %add3A_99, %add3A_109 : i32
      %or3A_205 = arith.constant false
      %or3A_206 = arith.ori %or3A_205, %ne3A_204 : i1
      %or3A_207 = arith.constant false
      %or3A_208 = arith.ori %or3A_206, %or3A_207 : i1
      %not3A_209 = arith.constant true
      %not3A_210 = arith.xori %eq3A_95, %not3A_209 : i1
      %and3A_211 = arith.andi %or3A_208, %not3A_210 : i1
      %convert_element_type3A_212 = arith.extui %and3A_211 : i1 to i32
      %cond3A_213 = arith.constant 0 : i32
      %cond3A_214 = arith.cmpi ne, %convert_element_type3A_212, %cond3A_213 : i32
      scf.if %cond3A_214 {
        "tpu.trace_start"() <{level = 10 : i32, message = "ep_wait_out"}> : () -> ()
        %rem3A_293 = arith.constant 2 : i32
        %rem3A_294 = arith.remui %scan3A_91, %rem3A_293 : i32
        %mul3A_295 = arith.constant 128 : i32
        %mul3A_296 = arith.muli %mul3A_295, %add3A_109 : i32
        %dma_wait3A_297 = arith.constant 0 : i32
        %dma_wait3A_298 = arith.constant 0 : i32
        %dma_wait3A_299 = tpu.memref_slice %run_scoped3A_35[%rem3A_294, %dma_wait3A_297, %dma_wait3A_298] : memref<2x128x256xi32, #tpu.memory_space<vmem>> -> memref<1x128x256xi32, #tpu.memory_space<vmem>>
        %dma_wait3A_300 = tpu.memref_squeeze %dma_wait3A_299 : memref<1x128x256xi32, #tpu.memory_space<vmem>> -> memref<128x256xi32, #tpu.memory_space<vmem>>
        %dma_wait3A_301 = arith.constant 0 : i32
        %dma_wait3A_302 = tpu.memref_slice %arg7[%mul3A_296, %dma_wait3A_301] : memref<4096x256xi32, #tpu.memory_space<hbm>> -> memref<128x256xi32, #tpu.memory_space<hbm>>
        %dma_wait3A_303 = tpu.memref_slice %run_scoped3A_36[%rem3A_294] : memref<2x!tpu.dma_semaphore, #tpu.memory_space<semaphore_mem>> -> memref<1x!tpu.dma_semaphore, #tpu.memory_space<semaphore_mem>>
        %dma_wait3A_304 = tpu.memref_squeeze %dma_wait3A_303 : memref<1x!tpu.dma_semaphore, #tpu.memory_space<semaphore_mem>> -> memref<!tpu.dma_semaphore, #tpu.memory_space<semaphore_mem>>
        %dma_wait3A_305 = arith.constant 0 : i32
        %dma_wait3A_306 = tpu.memref_slice %arg7[%mul3A_296, %dma_wait3A_305] : memref<4096x256xi32, #tpu.memory_space<hbm>> -> memref<128x256xi32, #tpu.memory_space<hbm>>
        %dma_wait3A_307 = arith.constant 0 : i32
        %dma_wait3A_308 = arith.constant 0 : i32
        %dma_wait3A_309 = tpu.memref_slice %run_scoped3A_35[%rem3A_294, %dma_wait3A_307, %dma_wait3A_308] : memref<2x128x256xi32, #tpu.memory_space<vmem>> -> memref<1x128x256xi32, #tpu.memory_space<vmem>>
        %dma_wait3A_310 = tpu.memref_squeeze %dma_wait3A_309 : memref<1x128x256xi32, #tpu.memory_space<vmem>> -> memref<128x256xi32, #tpu.memory_space<vmem>>
        tpu.wait_dma2 semaphore(%dma_wait3A_304 : memref<!tpu.dma_semaphore, #tpu.memory_space<semaphore_mem>>) src(%dma_wait3A_310 : memref<128x256xi32, #tpu.memory_space<vmem>>) dst(%dma_wait3A_306 : memref<128x256xi32, #tpu.memory_space<hbm>>)
        "tpu.trace_stop"() : () -> ()
      } else {
      }
      %and3A_215 = arith.constant true
      %and3A_216 = arith.andi %and3A_211, %and3A_215 : i1
      %add3A_217 = arith.constant 1 : i32
      %add3A_218 = arith.addi %scan3A_91, %add3A_217 : i32
      %select_n3A_219 = arith.select %and3A_216, %add3A_218, %scan3A_91 : i32
      %ne3A_220 = arith.cmpi ne, %add3A_99, %add3A_119 : i32
      %or3A_221 = arith.constant false
      %or3A_222 = arith.ori %or3A_221, %ne3A_220 : i1
      %or3A_223 = arith.ori %or3A_222, %eq3A_97 : i1
      %add3A_224 = arith.constant 1 : i32
      %add3A_225 = arith.addi %scan3A, %add3A_224 : i32
      %select_n3A_226 = arith.select %or3A_223, %add3A_225, %scan3A : i32
      %select_n3A_227 = arith.constant true
      %select_n3A_228 = arith.constant 0 : i32
      %select_n3A_229 = arith.constant 1 : i32
      %select_n3A_230 = arith.select %select_n3A_227, %select_n3A_229, %select_n3A_228 : i32
      %eq3A_231 = arith.constant 1 : i32
      %eq3A_232 = arith.cmpi eq, %select_n3A_230, %eq3A_231 : i32
      %select_n3A_233 = arith.constant 0 : i32
      %select_n3A_234 = arith.select %eq3A_232, %select_n3A_233, %select_n3A_230 : i32
      %scan3A_235 = arith.constant 0 : i32
      %scan3A_236 = arith.constant 1 : i32
      %sub3A = arith.constant 1 : i32
      %sub3A_237 = arith.subi %scan3A_235, %sub3A : i32
      %select_n3A_238 = arith.constant true
      %select_n3A_239 = arith.select %select_n3A_238, %sub3A_237, %scan3A_235 : i32
      %eq3A_240 = arith.constant -1 : i32
      %eq3A_241 = arith.cmpi eq, %select_n3A_239, %eq3A_240 : i32
      %select_n3A_242 = arith.constant 0 : i32
      %select_n3A_243 = arith.select %eq3A_241, %select_n3A_242, %select_n3A_239 : i32
      %add3A_244 = arith.constant 0 : i32
      %add3A_245 = arith.addi %add3A_244, %mul3A_15 : i32
      %select_n3A_246 = arith.constant true
      %select_n3A_247 = arith.constant 0 : i32
      %select_n3A_248 = arith.constant -1 : i32
      %select_n3A_249 = arith.select %select_n3A_246, %select_n3A_248, %select_n3A_247 : i32
      %eq3A_250 = arith.constant -1 : i32
      %eq3A_251 = arith.cmpi eq, %select_n3A_249, %eq3A_250 : i32
      %select_n3A_252 = arith.constant 0 : i32
      %select_n3A_253 = arith.select %eq3A_251, %select_n3A_252, %select_n3A_249 : i32
      %add3A_254 = arith.constant 0 : i32
      %add3A_255 = arith.addi %add3A_254, %mul3A_15 : i32
      %select_n3A_256 = arith.constant true
      %select_n3A_257 = arith.constant 0 : i32
      %select_n3A_258 = arith.constant 1 : i32
      %select_n3A_259 = arith.select %select_n3A_256, %select_n3A_258, %select_n3A_257 : i32
      %eq3A_260 = arith.constant 1 : i32
      %eq3A_261 = arith.cmpi eq, %select_n3A_259, %eq3A_260 : i32
      %select_n3A_262 = arith.constant 0 : i32
      %select_n3A_263 = arith.select %eq3A_261, %select_n3A_262, %select_n3A_259 : i32
      %add3A_264 = arith.constant 0 : i32
      %add3A_265 = arith.addi %add3A_264, %mul3A_15 : i32
      %select_n3A_266 = arith.constant true
      %select_n3A_267 = arith.constant 0 : i32
      %select_n3A_268 = arith.constant 1 : i32
      %select_n3A_269 = arith.select %select_n3A_266, %select_n3A_268, %select_n3A_267 : i32
      %eq3A_270 = arith.constant 1 : i32
      %eq3A_271 = arith.cmpi eq, %select_n3A_269, %eq3A_270 : i32
      %select_n3A_272 = arith.constant 0 : i32
      %select_n3A_273 = arith.select %eq3A_271, %select_n3A_272, %select_n3A_269 : i32
      %add3A_274 = arith.constant 0 : i32
      %add3A_275 = arith.addi %add3A_274, %mul3A_15 : i32
      "tpu.trace_start"() <{level = 10 : i32, message = "ep_finalize"}> : () -> ()
      %rem3A_276 = arith.constant 2 : i32
      %rem3A_277 = arith.remui %select_n3A_219, %rem3A_276 : i32
      %mul3A_278 = arith.constant 128 : i32
      %mul3A_279 = arith.muli %mul3A_278, %add3A_245 : i32
      %dma_wait3A = arith.constant 0 : i32
      %dma_wait3A_280 = arith.constant 0 : i32
      %dma_wait3A_281 = tpu.memref_slice %run_scoped3A_35[%rem3A_277, %dma_wait3A, %dma_wait3A_280] : memref<2x128x256xi32, #tpu.memory_space<vmem>> -> memref<1x128x256xi32, #tpu.memory_space<vmem>>
      %dma_wait3A_282 = tpu.memref_squeeze %dma_wait3A_281 : memref<1x128x256xi32, #tpu.memory_space<vmem>> -> memref<128x256xi32, #tpu.memory_space<vmem>>
      %dma_wait3A_283 = arith.constant 0 : i32
      %dma_wait3A_284 = tpu.memref_slice %arg7[%mul3A_279, %dma_wait3A_283] : memref<4096x256xi32, #tpu.memory_space<hbm>> -> memref<128x256xi32, #tpu.memory_space<hbm>>
      %dma_wait3A_285 = tpu.memref_slice %run_scoped3A_36[%rem3A_277] : memref<2x!tpu.dma_semaphore, #tpu.memory_space<semaphore_mem>> -> memref<1x!tpu.dma_semaphore, #tpu.memory_space<semaphore_mem>>
      %dma_wait3A_286 = tpu.memref_squeeze %dma_wait3A_285 : memref<1x!tpu.dma_semaphore, #tpu.memory_space<semaphore_mem>> -> memref<!tpu.dma_semaphore, #tpu.memory_space<semaphore_mem>>
      %dma_wait3A_287 = arith.constant 0 : i32
      %dma_wait3A_288 = tpu.memref_slice %arg7[%mul3A_279, %dma_wait3A_287] : memref<4096x256xi32, #tpu.memory_space<hbm>> -> memref<128x256xi32, #tpu.memory_space<hbm>>
      %dma_wait3A_289 = arith.constant 0 : i32
      %dma_wait3A_290 = arith.constant 0 : i32
      %dma_wait3A_291 = tpu.memref_slice %run_scoped3A_35[%rem3A_277, %dma_wait3A_289, %dma_wait3A_290] : memref<2x128x256xi32, #tpu.memory_space<vmem>> -> memref<1x128x256xi32, #tpu.memory_space<vmem>>
      %dma_wait3A_292 = tpu.memref_squeeze %dma_wait3A_291 : memref<1x128x256xi32, #tpu.memory_space<vmem>> -> memref<128x256xi32, #tpu.memory_space<vmem>>
      tpu.wait_dma2 semaphore(%dma_wait3A_286 : memref<!tpu.dma_semaphore, #tpu.memory_space<semaphore_mem>>) src(%dma_wait3A_292 : memref<128x256xi32, #tpu.memory_space<vmem>>) dst(%dma_wait3A_288 : memref<128x256xi32, #tpu.memory_space<hbm>>)
      "tpu.trace_stop"() : () -> ()
      tpu.yield
    }) : () -> ()
    %mul3A_16 = arith.constant 1 : i32
    %mul3A_17 = arith.muli %arg1, %mul3A_16 : i32
    %add3A_18 = arith.constant 0 : i32
    %add3A_19 = arith.addi %add3A_18, %mul3A_17 : i32
    %mul3A_20 = arith.constant 16 : i32
    %mul3A_21 = arith.muli %arg0, %mul3A_20 : i32
    %add3A_22 = arith.addi %add3A_19, %mul3A_21 : i32
    %mul3A_23 = arith.constant 1 : i32
    %mul3A_24 = arith.muli %add3A_22, %mul3A_23 : i32
    "tpu.region"() ({
      %run_scoped3A = memref.alloca() : memref<2x1x128xi32, #tpu.memory_space<vmem>>
      %run_scoped3A_34 = tpu.sem_alloc : memref<2x!tpu.dma_semaphore, #tpu.memory_space<semaphore_mem>>
      %run_scoped3A_35 = memref.alloca() : memref<2x128x256xi32, #tpu.memory_space<vmem>>
      %run_scoped3A_36 = tpu.sem_alloc : memref<2x!tpu.dma_semaphore, #tpu.memory_space<semaphore_mem>>
      %add3A_37 = arith.constant 0 : i32
      %add3A_38 = arith.addi %add3A_37, %mul3A_24 : i32
      %select_n3A = arith.constant true
      %select_n3A_39 = arith.constant 0 : i32
      %select_n3A_40 = arith.constant -1 : i32
      %select_n3A_41 = arith.select %select_n3A, %select_n3A_40, %select_n3A_39 : i32
      %eq3A = arith.constant -1 : i32
      %eq3A_42 = arith.cmpi eq, %select_n3A_41, %eq3A : i32
      %select_n3A_43 = arith.constant 0 : i32
      %select_n3A_44 = arith.select %eq3A_42, %select_n3A_43, %select_n3A_41 : i32
      %add3A_45 = arith.constant 0 : i32
      %add3A_46 = arith.addi %add3A_45, %mul3A_24 : i32
      %select_n3A_47 = arith.constant true
      %select_n3A_48 = arith.constant 0 : i32
      %select_n3A_49 = arith.constant 1 : i32
      %select_n3A_50 = arith.select %select_n3A_47, %select_n3A_49, %select_n3A_48 : i32
      %eq3A_51 = arith.constant 1 : i32
      %eq3A_52 = arith.cmpi eq, %select_n3A_50, %eq3A_51 : i32
      %select_n3A_53 = arith.constant 0 : i32
      %select_n3A_54 = arith.select %eq3A_52, %select_n3A_53, %select_n3A_50 : i32
      %add3A_55 = arith.constant 0 : i32
      %add3A_56 = arith.addi %add3A_55, %mul3A_24 : i32
      %select_n3A_57 = arith.constant true
      %select_n3A_58 = arith.constant 0 : i32
      %select_n3A_59 = arith.constant 1 : i32
      %select_n3A_60 = arith.select %select_n3A_57, %select_n3A_59, %select_n3A_58 : i32
      %eq3A_61 = arith.constant 1 : i32
      %eq3A_62 = arith.cmpi eq, %select_n3A_60, %eq3A_61 : i32
      %select_n3A_63 = arith.constant 0 : i32
      %select_n3A_64 = arith.select %eq3A_62, %select_n3A_63, %select_n3A_60 : i32
      %add3A_65 = arith.constant 0 : i32
      %add3A_66 = arith.addi %add3A_65, %mul3A_24 : i32
      "tpu.trace_start"() <{level = 10 : i32, message = "ep_initialize_0"}> : () -> ()
      %rem3A = arith.constant 0 : i32
      %rem3A_67 = arith.constant 2 : i32
      %rem3A_68 = arith.remui %rem3A, %rem3A_67 : i32
      %mul3A_69 = arith.constant 128 : i32
      %mul3A_70 = arith.muli %mul3A_69, %add3A_38 : i32
      %dma_start3A = arith.constant 0 : i32
      %dma_start3A_71 = arith.constant 0 : i32
      %dma_start3A_72 = tpu.memref_slice %run_scoped3A[%rem3A_68, %dma_start3A, %dma_start3A_71] : memref<2x1x128xi32, #tpu.memory_space<vmem>> -> memref<1x1x128xi32, #tpu.memory_space<vmem>>
      %dma_start3A_73 = tpu.memref_squeeze %dma_start3A_72 : memref<1x1x128xi32, #tpu.memory_space<vmem>> -> memref<1x128xi32, #tpu.memory_space<vmem>>
      %dma_start3A_74 = arith.constant 0 : i32
      %dma_start3A_75 = tpu.memref_slice %arg5[%dma_start3A_74, %mul3A_70] : memref<1x4096xi32, #tpu.memory_space<hbm>> -> memref<1x128xi32, #tpu.memory_space<hbm>>
      %dma_start3A_76 = tpu.memref_slice %run_scoped3A_34[%rem3A_68] : memref<2x!tpu.dma_semaphore, #tpu.memory_space<semaphore_mem>> -> memref<1x!tpu.dma_semaphore, #tpu.memory_space<semaphore_mem>>
      %dma_start3A_77 = tpu.memref_squeeze %dma_start3A_76 : memref<1x!tpu.dma_semaphore, #tpu.memory_space<semaphore_mem>> -> memref<!tpu.dma_semaphore, #tpu.memory_space<semaphore_mem>>
      %dma_start3A_78 = arith.constant 0 : i32
      %dma_start3A_79 = arith.constant 0 : i32
      %dma_start3A_80 = tpu.memref_slice %run_scoped3A[%rem3A_68, %dma_start3A_78, %dma_start3A_79] : memref<2x1x128xi32, #tpu.memory_space<vmem>> -> memref<1x1x128xi32, #tpu.memory_space<vmem>>
      %dma_start3A_81 = tpu.memref_squeeze %dma_start3A_80 : memref<1x1x128xi32, #tpu.memory_space<vmem>> -> memref<1x128xi32, #tpu.memory_space<vmem>>
      %dma_start3A_82 = arith.constant 0 : i32
      %dma_start3A_83 = tpu.memref_slice %arg5[%dma_start3A_82, %mul3A_70] : memref<1x4096xi32, #tpu.memory_space<hbm>> -> memref<1x128xi32, #tpu.memory_space<hbm>>
      tpu.enqueue_dma source(%dma_start3A_83 : memref<1x128xi32, #tpu.memory_space<hbm>>) target(%dma_start3A_81 : memref<1x128xi32, #tpu.memory_space<vmem>>) target_semaphore(%dma_start3A_77 : memref<!tpu.dma_semaphore, #tpu.memory_space<semaphore_mem>>)
      %add3A_84 = arith.constant 0 : i32
      %add3A_85 = arith.constant 1 : i32
      %add3A_86 = arith.addi %add3A_84, %add3A_85 : i32
      %select_n3A_87 = arith.constant true
      %select_n3A_88 = arith.constant 0 : i32
      %select_n3A_89 = arith.select %select_n3A_87, %add3A_86, %select_n3A_88 : i32
      "tpu.trace_stop"() : () -> ()
      %scan3A = arith.constant 0 : i32
      %scan3A_90 = arith.constant 0 : i32
      %scan3A_91 = arith.constant 0 : i32
      %scan3A_92 = arith.constant 0 : i32
      %scan3A_93 = arith.constant 0 : i32
      %eq3A_94 = arith.constant 0 : i32
      %eq3A_95 = arith.cmpi eq, %scan3A_93, %eq3A_94 : i32
      %eq3A_96 = arith.constant 0 : i32
      %eq3A_97 = arith.cmpi eq, %scan3A_93, %eq3A_96 : i32
      %add3A_98 = arith.constant 0 : i32
      %add3A_99 = arith.addi %add3A_98, %mul3A_24 : i32
      %select_n3A_100 = arith.constant true
      %select_n3A_101 = arith.constant 0 : i32
      %select_n3A_102 = arith.constant -1 : i32
      %select_n3A_103 = arith.select %select_n3A_100, %select_n3A_102, %select_n3A_101 : i32
      %eq3A_104 = arith.constant -1 : i32
      %eq3A_105 = arith.cmpi eq, %select_n3A_103, %eq3A_104 : i32
      %select_n3A_106 = arith.constant 0 : i32
      %select_n3A_107 = arith.select %eq3A_105, %select_n3A_106, %select_n3A_103 : i32
      %add3A_108 = arith.constant 0 : i32
      %add3A_109 = arith.addi %add3A_108, %mul3A_24 : i32
      %select_n3A_110 = arith.constant true
      %select_n3A_111 = arith.constant 0 : i32
      %select_n3A_112 = arith.constant 1 : i32
      %select_n3A_113 = arith.select %select_n3A_110, %select_n3A_112, %select_n3A_111 : i32
      %eq3A_114 = arith.constant 1 : i32
      %eq3A_115 = arith.cmpi eq, %select_n3A_113, %eq3A_114 : i32
      %select_n3A_116 = arith.constant 0 : i32
      %select_n3A_117 = arith.select %eq3A_115, %select_n3A_116, %select_n3A_113 : i32
      %add3A_118 = arith.constant 0 : i32
      %add3A_119 = arith.addi %add3A_118, %mul3A_24 : i32
      %select_n3A_120 = arith.constant true
      %select_n3A_121 = arith.constant 0 : i32
      %select_n3A_122 = arith.constant 1 : i32
      %select_n3A_123 = arith.select %select_n3A_120, %select_n3A_122, %select_n3A_121 : i32
      %eq3A_124 = arith.constant 1 : i32
      %eq3A_125 = arith.cmpi eq, %select_n3A_123, %eq3A_124 : i32
      %select_n3A_126 = arith.constant 0 : i32
      %select_n3A_127 = arith.select %eq3A_125, %select_n3A_126, %select_n3A_123 : i32
      %add3A_128 = arith.constant 0 : i32
      %add3A_129 = arith.addi %add3A_128, %mul3A_24 : i32
      %ne3A = arith.cmpi ne, %add3A_99, %add3A_119 : i32
      %or3A = arith.constant false
      %or3A_130 = arith.ori %or3A, %ne3A : i1
      %ge3A = arith.constant 0 : i32
      %ge3A_131 = arith.cmpi sge, %scan3A_93, %ge3A : i32
      %not3A = arith.constant true
      %not3A_132 = arith.xori %ge3A_131, %not3A : i1
      %and3A = arith.andi %or3A_130, %not3A_132 : i1
      %convert_element_type3A = arith.extui %and3A : i1 to i32
      %cond3A = arith.constant 0 : i32
      %cond3A_133 = arith.cmpi ne, %convert_element_type3A, %cond3A : i32
      scf.if %cond3A_133 {
        "tpu.trace_start"() <{level = 10 : i32, message = "ep_copy_in"}> : () -> ()
        %rem3A_293 = arith.constant 2 : i32
        %rem3A_294 = arith.remui %select_n3A_89, %rem3A_293 : i32
        %mul3A_295 = arith.constant 128 : i32
        %mul3A_296 = arith.muli %mul3A_295, %add3A_119 : i32
        %dma_start3A_297 = arith.constant 0 : i32
        %dma_start3A_298 = arith.constant 0 : i32
        %dma_start3A_299 = tpu.memref_slice %run_scoped3A[%rem3A_294, %dma_start3A_297, %dma_start3A_298] : memref<2x1x128xi32, #tpu.memory_space<vmem>> -> memref<1x1x128xi32, #tpu.memory_space<vmem>>
        %dma_start3A_300 = tpu.memref_squeeze %dma_start3A_299 : memref<1x1x128xi32, #tpu.memory_space<vmem>> -> memref<1x128xi32, #tpu.memory_space<vmem>>
        %dma_start3A_301 = arith.constant 0 : i32
        %dma_start3A_302 = tpu.memref_slice %arg5[%dma_start3A_301, %mul3A_296] : memref<1x4096xi32, #tpu.memory_space<hbm>> -> memref<1x128xi32, #tpu.memory_space<hbm>>
        %dma_start3A_303 = tpu.memref_slice %run_scoped3A_34[%rem3A_294] : memref<2x!tpu.dma_semaphore, #tpu.memory_space<semaphore_mem>> -> memref<1x!tpu.dma_semaphore, #tpu.memory_space<semaphore_mem>>
        %dma_start3A_304 = tpu.memref_squeeze %dma_start3A_303 : memref<1x!tpu.dma_semaphore, #tpu.memory_space<semaphore_mem>> -> memref<!tpu.dma_semaphore, #tpu.memory_space<semaphore_mem>>
        %dma_start3A_305 = arith.constant 0 : i32
        %dma_start3A_306 = arith.constant 0 : i32
        %dma_start3A_307 = tpu.memref_slice %run_scoped3A[%rem3A_294, %dma_start3A_305, %dma_start3A_306] : memref<2x1x128xi32, #tpu.memory_space<vmem>> -> memref<1x1x128xi32, #tpu.memory_space<vmem>>
        %dma_start3A_308 = tpu.memref_squeeze %dma_start3A_307 : memref<1x1x128xi32, #tpu.memory_space<vmem>> -> memref<1x128xi32, #tpu.memory_space<vmem>>
        %dma_start3A_309 = arith.constant 0 : i32
        %dma_start3A_310 = tpu.memref_slice %arg5[%dma_start3A_309, %mul3A_296] : memref<1x4096xi32, #tpu.memory_space<hbm>> -> memref<1x128xi32, #tpu.memory_space<hbm>>
        tpu.enqueue_dma source(%dma_start3A_310 : memref<1x128xi32, #tpu.memory_space<hbm>>) target(%dma_start3A_308 : memref<1x128xi32, #tpu.memory_space<vmem>>) target_semaphore(%dma_start3A_304 : memref<!tpu.dma_semaphore, #tpu.memory_space<semaphore_mem>>)
        "tpu.trace_stop"() : () -> ()
      } else {
      }
      %and3A_134 = arith.constant true
      %and3A_135 = arith.andi %and3A, %and3A_134 : i1
      %add3A_136 = arith.constant 1 : i32
      %add3A_137 = arith.addi %select_n3A_89, %add3A_136 : i32
      %select_n3A_138 = arith.select %and3A_135, %add3A_137, %select_n3A_89 : i32
      %ne3A_139 = arith.cmpi ne, %add3A_99, %add3A_119 : i32
      %or3A_140 = arith.constant false
      %or3A_141 = arith.ori %or3A_140, %ne3A_139 : i1
      %or3A_142 = arith.constant false
      %or3A_143 = arith.ori %or3A_141, %or3A_142 : i1
      %ge3A_144 = arith.constant 0 : i32
      %ge3A_145 = arith.cmpi sge, %scan3A_93, %ge3A_144 : i32
      %not3A_146 = arith.constant true
      %not3A_147 = arith.xori %ge3A_145, %not3A_146 : i1
      %and3A_148 = arith.andi %or3A_143, %not3A_147 : i1
      %ne3A_149 = arith.cmpi ne, %add3A_99, %add3A_109 : i32
      %or3A_150 = arith.constant false
      %or3A_151 = arith.ori %or3A_150, %ne3A_149 : i1
      %or3A_152 = arith.ori %or3A_151, %eq3A_95 : i1
      %convert_element_type3A_153 = arith.extui %or3A_152 : i1 to i32
      %cond3A_154 = arith.constant 0 : i32
      %cond3A_155 = arith.cmpi ne, %convert_element_type3A_153, %cond3A_154 : i32
      scf.if %cond3A_155 {
        "tpu.trace_start"() <{level = 10 : i32, message = "ep_wait_in"}> : () -> ()
        %mul3A_293 = arith.constant 128 : i32
        %mul3A_294 = arith.muli %mul3A_293, %add3A_99 : i32
        %rem3A_295 = arith.constant 2 : i32
        %rem3A_296 = arith.remui %scan3A, %rem3A_295 : i32
        %dma_wait3A_297 = arith.constant 0 : i32
        %dma_wait3A_298 = arith.constant 0 : i32
        %dma_wait3A_299 = tpu.memref_slice %run_scoped3A[%rem3A_296, %dma_wait3A_297, %dma_wait3A_298] : memref<2x1x128xi32, #tpu.memory_space<vmem>> -> memref<1x1x128xi32, #tpu.memory_space<vmem>>
        %dma_wait3A_300 = tpu.memref_squeeze %dma_wait3A_299 : memref<1x1x128xi32, #tpu.memory_space<vmem>> -> memref<1x128xi32, #tpu.memory_space<vmem>>
        %dma_wait3A_301 = arith.constant 0 : i32
        %dma_wait3A_302 = tpu.memref_slice %arg5[%dma_wait3A_301, %mul3A_294] : memref<1x4096xi32, #tpu.memory_space<hbm>> -> memref<1x128xi32, #tpu.memory_space<hbm>>
        %dma_wait3A_303 = tpu.memref_slice %run_scoped3A_34[%rem3A_296] : memref<2x!tpu.dma_semaphore, #tpu.memory_space<semaphore_mem>> -> memref<1x!tpu.dma_semaphore, #tpu.memory_space<semaphore_mem>>
        %dma_wait3A_304 = tpu.memref_squeeze %dma_wait3A_303 : memref<1x!tpu.dma_semaphore, #tpu.memory_space<semaphore_mem>> -> memref<!tpu.dma_semaphore, #tpu.memory_space<semaphore_mem>>
        %dma_wait3A_305 = arith.constant 0 : i32
        %dma_wait3A_306 = arith.constant 0 : i32
        %dma_wait3A_307 = tpu.memref_slice %run_scoped3A[%rem3A_296, %dma_wait3A_305, %dma_wait3A_306] : memref<2x1x128xi32, #tpu.memory_space<vmem>> -> memref<1x1x128xi32, #tpu.memory_space<vmem>>
        %dma_wait3A_308 = tpu.memref_squeeze %dma_wait3A_307 : memref<1x1x128xi32, #tpu.memory_space<vmem>> -> memref<1x128xi32, #tpu.memory_space<vmem>>
        %dma_wait3A_309 = arith.constant 0 : i32
        %dma_wait3A_310 = tpu.memref_slice %arg5[%dma_wait3A_309, %mul3A_294] : memref<1x4096xi32, #tpu.memory_space<hbm>> -> memref<1x128xi32, #tpu.memory_space<hbm>>
        tpu.wait_dma2 semaphore(%dma_wait3A_304 : memref<!tpu.dma_semaphore, #tpu.memory_space<semaphore_mem>>) src(%dma_wait3A_310 : memref<1x128xi32, #tpu.memory_space<hbm>>) dst(%dma_wait3A_308 : memref<1x128xi32, #tpu.memory_space<vmem>>)
        "tpu.trace_stop"() : () -> ()
      } else {
      }
      %ne3A_156 = arith.cmpi ne, %add3A_99, %add3A_109 : i32
      %or3A_157 = arith.constant false
      %or3A_158 = arith.ori %or3A_157, %ne3A_156 : i1
      %or3A_159 = arith.constant false
      %or3A_160 = arith.ori %or3A_158, %or3A_159 : i1
      %or3A_161 = arith.ori %or3A_160, %eq3A_95 : i1
      %convert_element_type3A_162 = arith.extui %or3A_161 : i1 to i32
      %cond3A_163 = arith.constant 0 : i32
      %cond3A_164 = arith.cmpi ne, %convert_element_type3A_162, %cond3A_163 : i32
      scf.if %cond3A_164 {
      } else {
      }
      %rem3A_165 = arith.constant 2 : i32
      %rem3A_166 = arith.remui %scan3A, %rem3A_165 : i32
      %rem3A_167 = arith.constant 2 : i32
      %rem3A_168 = arith.remui %scan3A_90, %rem3A_167 : i32
      %run_scoped3A_169 = arith.constant 0 : i32
      "tpu.trace_start"() <{level = 10 : i32, message = "ep_run_kernel"}> : () -> ()
      "tpu.region"() ({
        %run_scoped3A_293 = tpu.sem_alloc : memref<!tpu.dma_semaphore, #tpu.memory_space<semaphore_mem>>
        %dma_start3A_294 = arith.constant 0 : i32
        %dma_start3A_295 = arith.constant 0 : i32
        %dma_start3A_296 = tpu.memref_slice %run_scoped3A_35[%rem3A_168, %dma_start3A_294, %dma_start3A_295] : memref<2x128x256xi32, #tpu.memory_space<vmem>> -> memref<1x128x256xi32, #tpu.memory_space<vmem>>
        %dma_start3A_297 = tpu.memref_squeeze %dma_start3A_296 : memref<1x128x256xi32, #tpu.memory_space<vmem>> -> memref<128x256xi32, #tpu.memory_space<vmem>>
        %dma_start3A_298 = arith.constant 0 : i32
        %dma_start3A_299 = arith.constant 0 : i32
        %dma_start3A_300 = tpu.memref_slice %run_scoped3A[%rem3A_166, %dma_start3A_298, %dma_start3A_299] : memref<2x1x128xi32, #tpu.memory_space<vmem>> -> memref<1x1x128xi32, #tpu.memory_space<vmem>>
        %dma_start3A_301 = tpu.memref_squeeze %dma_start3A_300 : memref<1x1x128xi32, #tpu.memory_space<vmem>> -> memref<1x128xi32, #tpu.memory_space<vmem>>
        %dma_start3A_302 = arith.constant 0 : i32
        %dma_start3A_303 = tpu.memref_slice %dma_start3A_301[%run_scoped3A_169, %dma_start3A_302] : memref<1x128xi32, #tpu.memory_space<vmem>> -> memref<1x128xi32, #tpu.memory_space<vmem>>
        %dma_start3A_304 = tpu.memref_squeeze %dma_start3A_303 : memref<1x128xi32, #tpu.memory_space<vmem>> -> memref<128xi32, #tpu.memory_space<vmem>>
        %dma_start3A_305 = arith.constant 0 : i32
        %dma_start3A_306 = arith.constant 0 : i32
        %dma_start3A_307 = tpu.memref_slice %arg2[%dma_start3A_305, %dma_start3A_306] : memref<8192x256xi32, #tpu.memory_space<hbm>> -> memref<8192x256xi32, #tpu.memory_space<hbm>>
        tpu.enqueue_indirect_dma source(%dma_start3A_307 : memref<8192x256xi32, #tpu.memory_space<hbm>>) target(%dma_start3A_297 : memref<128x256xi32, #tpu.memory_space<vmem>>) offsets(%dma_start3A_304 : memref<128xi32, #tpu.memory_space<vmem>>) semaphore(%run_scoped3A_293 : memref<!tpu.dma_semaphore, #tpu.memory_space<semaphore_mem>>)
        %dma_wait3A_308 = arith.constant 0 : i32
        %dma_wait3A_309 = arith.constant 0 : i32
        %dma_wait3A_310 = tpu.memref_slice %run_scoped3A_35[%rem3A_168, %dma_wait3A_308, %dma_wait3A_309] : memref<2x128x256xi32, #tpu.memory_space<vmem>> -> memref<1x128x256xi32, #tpu.memory_space<vmem>>
        %dma_wait3A_311 = tpu.memref_squeeze %dma_wait3A_310 : memref<1x128x256xi32, #tpu.memory_space<vmem>> -> memref<128x256xi32, #tpu.memory_space<vmem>>
        %dma_wait3A_312 = arith.constant 0 : i32
        %dma_wait3A_313 = arith.constant 0 : i32
        %dma_wait3A_314 = tpu.memref_slice %run_scoped3A[%rem3A_166, %dma_wait3A_312, %dma_wait3A_313] : memref<2x1x128xi32, #tpu.memory_space<vmem>> -> memref<1x1x128xi32, #tpu.memory_space<vmem>>
        %dma_wait3A_315 = tpu.memref_squeeze %dma_wait3A_314 : memref<1x1x128xi32, #tpu.memory_space<vmem>> -> memref<1x128xi32, #tpu.memory_space<vmem>>
        %dma_wait3A_316 = arith.constant 0 : i32
        %dma_wait3A_317 = tpu.memref_slice %dma_wait3A_315[%run_scoped3A_169, %dma_wait3A_316] : memref<1x128xi32, #tpu.memory_space<vmem>> -> memref<1x128xi32, #tpu.memory_space<vmem>>
        %dma_wait3A_318 = tpu.memref_squeeze %dma_wait3A_317 : memref<1x128xi32, #tpu.memory_space<vmem>> -> memref<128xi32, #tpu.memory_space<vmem>>
        %dma_wait3A_319 = arith.constant 0 : i32
        %dma_wait3A_320 = arith.constant 0 : i32
        %dma_wait3A_321 = tpu.memref_slice %arg2[%dma_wait3A_319, %dma_wait3A_320] : memref<8192x256xi32, #tpu.memory_space<hbm>> -> memref<8192x256xi32, #tpu.memory_space<hbm>>
        tpu.wait_indirect_dma semaphore(%run_scoped3A_293 : memref<!tpu.dma_semaphore, #tpu.memory_space<semaphore_mem>>) src(%dma_wait3A_321 : memref<8192x256xi32, #tpu.memory_space<hbm>>) dst(%dma_wait3A_311 : memref<128x256xi32, #tpu.memory_space<vmem>>)
        tpu.yield
      }) : () -> ()
      "tpu.trace_stop"() : () -> ()
      %ne3A_170 = arith.cmpi ne, %add3A_99, %add3A_119 : i32
      %or3A_171 = arith.constant false
      %or3A_172 = arith.ori %or3A_171, %ne3A_170 : i1
      %or3A_173 = arith.ori %or3A_172, %eq3A_97 : i1
      %convert_element_type3A_174 = arith.extui %or3A_173 : i1 to i32
      %cond3A_175 = arith.constant 0 : i32
      %cond3A_176 = arith.cmpi ne, %convert_element_type3A_174, %cond3A_175 : i32
      scf.if %cond3A_176 {
      } else {
      }
      %and3A_177 = arith.constant false
      %and3A_178 = arith.andi %or3A_173, %and3A_177 : i1
      %ne3A_179 = arith.cmpi ne, %add3A_99, %add3A_119 : i32
      %or3A_180 = arith.constant false
      %or3A_181 = arith.ori %or3A_180, %ne3A_179 : i1
      %or3A_182 = arith.constant false
      %or3A_183 = arith.ori %or3A_181, %or3A_182 : i1
      %or3A_184 = arith.ori %or3A_183, %eq3A_97 : i1
      %convert_element_type3A_185 = arith.extui %or3A_184 : i1 to i32
      %cond3A_186 = arith.constant 0 : i32
      %cond3A_187 = arith.cmpi ne, %convert_element_type3A_185, %cond3A_186 : i32
      scf.if %cond3A_187 {
        "tpu.trace_start"() <{level = 10 : i32, message = "ep_copy_out"}> : () -> ()
        %rem3A_293 = arith.constant 2 : i32
        %rem3A_294 = arith.remui %scan3A_90, %rem3A_293 : i32
        %mul3A_295 = arith.constant 128 : i32
        %mul3A_296 = arith.muli %mul3A_295, %add3A_99 : i32
        %dma_start3A_297 = arith.constant 0 : i32
        %dma_start3A_298 = arith.constant 0 : i32
        %dma_start3A_299 = tpu.memref_slice %run_scoped3A_35[%rem3A_294, %dma_start3A_297, %dma_start3A_298] : memref<2x128x256xi32, #tpu.memory_space<vmem>> -> memref<1x128x256xi32, #tpu.memory_space<vmem>>
        %dma_start3A_300 = tpu.memref_squeeze %dma_start3A_299 : memref<1x128x256xi32, #tpu.memory_space<vmem>> -> memref<128x256xi32, #tpu.memory_space<vmem>>
        %dma_start3A_301 = arith.constant 0 : i32
        %dma_start3A_302 = tpu.memref_slice %arg8[%mul3A_296, %dma_start3A_301] : memref<4096x256xi32, #tpu.memory_space<hbm>> -> memref<128x256xi32, #tpu.memory_space<hbm>>
        %dma_start3A_303 = tpu.memref_slice %run_scoped3A_36[%rem3A_294] : memref<2x!tpu.dma_semaphore, #tpu.memory_space<semaphore_mem>> -> memref<1x!tpu.dma_semaphore, #tpu.memory_space<semaphore_mem>>
        %dma_start3A_304 = tpu.memref_squeeze %dma_start3A_303 : memref<1x!tpu.dma_semaphore, #tpu.memory_space<semaphore_mem>> -> memref<!tpu.dma_semaphore, #tpu.memory_space<semaphore_mem>>
        %dma_start3A_305 = arith.constant 0 : i32
        %dma_start3A_306 = tpu.memref_slice %arg8[%mul3A_296, %dma_start3A_305] : memref<4096x256xi32, #tpu.memory_space<hbm>> -> memref<128x256xi32, #tpu.memory_space<hbm>>
        %dma_start3A_307 = arith.constant 0 : i32
        %dma_start3A_308 = arith.constant 0 : i32
        %dma_start3A_309 = tpu.memref_slice %run_scoped3A_35[%rem3A_294, %dma_start3A_307, %dma_start3A_308] : memref<2x128x256xi32, #tpu.memory_space<vmem>> -> memref<1x128x256xi32, #tpu.memory_space<vmem>>
        %dma_start3A_310 = tpu.memref_squeeze %dma_start3A_309 : memref<1x128x256xi32, #tpu.memory_space<vmem>> -> memref<128x256xi32, #tpu.memory_space<vmem>>
        tpu.enqueue_dma source(%dma_start3A_310 : memref<128x256xi32, #tpu.memory_space<vmem>>) target(%dma_start3A_306 : memref<128x256xi32, #tpu.memory_space<hbm>>) target_semaphore(%dma_start3A_304 : memref<!tpu.dma_semaphore, #tpu.memory_space<semaphore_mem>>)
        "tpu.trace_stop"() : () -> ()
      } else {
      }
      %and3A_188 = arith.constant true
      %and3A_189 = arith.andi %or3A_184, %and3A_188 : i1
      %add3A_190 = arith.constant 1 : i32
      %add3A_191 = arith.addi %scan3A_90, %add3A_190 : i32
      %select_n3A_192 = arith.select %and3A_189, %add3A_191, %scan3A_90 : i32
      %ne3A_193 = arith.cmpi ne, %add3A_99, %add3A_109 : i32
      %or3A_194 = arith.constant false
      %or3A_195 = arith.ori %or3A_194, %ne3A_193 : i1
      %not3A_196 = arith.constant true
      %not3A_197 = arith.xori %eq3A_95, %not3A_196 : i1
      %and3A_198 = arith.andi %or3A_195, %not3A_197 : i1
      %convert_element_type3A_199 = arith.extui %and3A_198 : i1 to i32
      %cond3A_200 = arith.constant 0 : i32
      %cond3A_201 = arith.cmpi ne, %convert_element_type3A_199, %cond3A_200 : i32
      scf.if %cond3A_201 {
      } else {
      }
      %and3A_202 = arith.constant false
      %and3A_203 = arith.andi %and3A_198, %and3A_202 : i1
      %ne3A_204 = arith.cmpi ne, %add3A_99, %add3A_109 : i32
      %or3A_205 = arith.constant false
      %or3A_206 = arith.ori %or3A_205, %ne3A_204 : i1
      %or3A_207 = arith.constant false
      %or3A_208 = arith.ori %or3A_206, %or3A_207 : i1
      %not3A_209 = arith.constant true
      %not3A_210 = arith.xori %eq3A_95, %not3A_209 : i1
      %and3A_211 = arith.andi %or3A_208, %not3A_210 : i1
      %convert_element_type3A_212 = arith.extui %and3A_211 : i1 to i32
      %cond3A_213 = arith.constant 0 : i32
      %cond3A_214 = arith.cmpi ne, %convert_element_type3A_212, %cond3A_213 : i32
      scf.if %cond3A_214 {
        "tpu.trace_start"() <{level = 10 : i32, message = "ep_wait_out"}> : () -> ()
        %rem3A_293 = arith.constant 2 : i32
        %rem3A_294 = arith.remui %scan3A_91, %rem3A_293 : i32
        %mul3A_295 = arith.constant 128 : i32
        %mul3A_296 = arith.muli %mul3A_295, %add3A_109 : i32
        %dma_wait3A_297 = arith.constant 0 : i32
        %dma_wait3A_298 = arith.constant 0 : i32
        %dma_wait3A_299 = tpu.memref_slice %run_scoped3A_35[%rem3A_294, %dma_wait3A_297, %dma_wait3A_298] : memref<2x128x256xi32, #tpu.memory_space<vmem>> -> memref<1x128x256xi32, #tpu.memory_space<vmem>>
        %dma_wait3A_300 = tpu.memref_squeeze %dma_wait3A_299 : memref<1x128x256xi32, #tpu.memory_space<vmem>> -> memref<128x256xi32, #tpu.memory_space<vmem>>
        %dma_wait3A_301 = arith.constant 0 : i32
        %dma_wait3A_302 = tpu.memref_slice %arg8[%mul3A_296, %dma_wait3A_301] : memref<4096x256xi32, #tpu.memory_space<hbm>> -> memref<128x256xi32, #tpu.memory_space<hbm>>
        %dma_wait3A_303 = tpu.memref_slice %run_scoped3A_36[%rem3A_294] : memref<2x!tpu.dma_semaphore, #tpu.memory_space<semaphore_mem>> -> memref<1x!tpu.dma_semaphore, #tpu.memory_space<semaphore_mem>>
        %dma_wait3A_304 = tpu.memref_squeeze %dma_wait3A_303 : memref<1x!tpu.dma_semaphore, #tpu.memory_space<semaphore_mem>> -> memref<!tpu.dma_semaphore, #tpu.memory_space<semaphore_mem>>
        %dma_wait3A_305 = arith.constant 0 : i32
        %dma_wait3A_306 = tpu.memref_slice %arg8[%mul3A_296, %dma_wait3A_305] : memref<4096x256xi32, #tpu.memory_space<hbm>> -> memref<128x256xi32, #tpu.memory_space<hbm>>
        %dma_wait3A_307 = arith.constant 0 : i32
        %dma_wait3A_308 = arith.constant 0 : i32
        %dma_wait3A_309 = tpu.memref_slice %run_scoped3A_35[%rem3A_294, %dma_wait3A_307, %dma_wait3A_308] : memref<2x128x256xi32, #tpu.memory_space<vmem>> -> memref<1x128x256xi32, #tpu.memory_space<vmem>>
        %dma_wait3A_310 = tpu.memref_squeeze %dma_wait3A_309 : memref<1x128x256xi32, #tpu.memory_space<vmem>> -> memref<128x256xi32, #tpu.memory_space<vmem>>
        tpu.wait_dma2 semaphore(%dma_wait3A_304 : memref<!tpu.dma_semaphore, #tpu.memory_space<semaphore_mem>>) src(%dma_wait3A_310 : memref<128x256xi32, #tpu.memory_space<vmem>>) dst(%dma_wait3A_306 : memref<128x256xi32, #tpu.memory_space<hbm>>)
        "tpu.trace_stop"() : () -> ()
      } else {
      }
      %and3A_215 = arith.constant true
      %and3A_216 = arith.andi %and3A_211, %and3A_215 : i1
      %add3A_217 = arith.constant 1 : i32
      %add3A_218 = arith.addi %scan3A_91, %add3A_217 : i32
      %select_n3A_219 = arith.select %and3A_216, %add3A_218, %scan3A_91 : i32
      %ne3A_220 = arith.cmpi ne, %add3A_99, %add3A_119 : i32
      %or3A_221 = arith.constant false
      %or3A_222 = arith.ori %or3A_221, %ne3A_220 : i1
      %or3A_223 = arith.ori %or3A_222, %eq3A_97 : i1
      %add3A_224 = arith.constant 1 : i32
      %add3A_225 = arith.addi %scan3A, %add3A_224 : i32
      %select_n3A_226 = arith.select %or3A_223, %add3A_225, %scan3A : i32
      %select_n3A_227 = arith.constant true
      %select_n3A_228 = arith.constant 0 : i32
      %select_n3A_229 = arith.constant 1 : i32
      %select_n3A_230 = arith.select %select_n3A_227, %select_n3A_229, %select_n3A_228 : i32
      %eq3A_231 = arith.constant 1 : i32
      %eq3A_232 = arith.cmpi eq, %select_n3A_230, %eq3A_231 : i32
      %select_n3A_233 = arith.constant 0 : i32
      %select_n3A_234 = arith.select %eq3A_232, %select_n3A_233, %select_n3A_230 : i32
      %scan3A_235 = arith.constant 0 : i32
      %scan3A_236 = arith.constant 1 : i32
      %sub3A = arith.constant 1 : i32
      %sub3A_237 = arith.subi %scan3A_235, %sub3A : i32
      %select_n3A_238 = arith.constant true
      %select_n3A_239 = arith.select %select_n3A_238, %sub3A_237, %scan3A_235 : i32
      %eq3A_240 = arith.constant -1 : i32
      %eq3A_241 = arith.cmpi eq, %select_n3A_239, %eq3A_240 : i32
      %select_n3A_242 = arith.constant 0 : i32
      %select_n3A_243 = arith.select %eq3A_241, %select_n3A_242, %select_n3A_239 : i32
      %add3A_244 = arith.constant 0 : i32
      %add3A_245 = arith.addi %add3A_244, %mul3A_24 : i32
      %select_n3A_246 = arith.constant true
      %select_n3A_247 = arith.constant 0 : i32
      %select_n3A_248 = arith.constant -1 : i32
      %select_n3A_249 = arith.select %select_n3A_246, %select_n3A_248, %select_n3A_247 : i32
      %eq3A_250 = arith.constant -1 : i32
      %eq3A_251 = arith.cmpi eq, %select_n3A_249, %eq3A_250 : i32
      %select_n3A_252 = arith.constant 0 : i32
      %select_n3A_253 = arith.select %eq3A_251, %select_n3A_252, %select_n3A_249 : i32
      %add3A_254 = arith.constant 0 : i32
      %add3A_255 = arith.addi %add3A_254, %mul3A_24 : i32
      %select_n3A_256 = arith.constant true
      %select_n3A_257 = arith.constant 0 : i32
      %select_n3A_258 = arith.constant 1 : i32
      %select_n3A_259 = arith.select %select_n3A_256, %select_n3A_258, %select_n3A_257 : i32
      %eq3A_260 = arith.constant 1 : i32
      %eq3A_261 = arith.cmpi eq, %select_n3A_259, %eq3A_260 : i32
      %select_n3A_262 = arith.constant 0 : i32
      %select_n3A_263 = arith.select %eq3A_261, %select_n3A_262, %select_n3A_259 : i32
      %add3A_264 = arith.constant 0 : i32
      %add3A_265 = arith.addi %add3A_264, %mul3A_24 : i32
      %select_n3A_266 = arith.constant true
      %select_n3A_267 = arith.constant 0 : i32
      %select_n3A_268 = arith.constant 1 : i32
      %select_n3A_269 = arith.select %select_n3A_266, %select_n3A_268, %select_n3A_267 : i32
      %eq3A_270 = arith.constant 1 : i32
      %eq3A_271 = arith.cmpi eq, %select_n3A_269, %eq3A_270 : i32
      %select_n3A_272 = arith.constant 0 : i32
      %select_n3A_273 = arith.select %eq3A_271, %select_n3A_272, %select_n3A_269 : i32
      %add3A_274 = arith.constant 0 : i32
      %add3A_275 = arith.addi %add3A_274, %mul3A_24 : i32
      "tpu.trace_start"() <{level = 10 : i32, message = "ep_finalize"}> : () -> ()
      %rem3A_276 = arith.constant 2 : i32
      %rem3A_277 = arith.remui %select_n3A_219, %rem3A_276 : i32
      %mul3A_278 = arith.constant 128 : i32
      %mul3A_279 = arith.muli %mul3A_278, %add3A_245 : i32
      %dma_wait3A = arith.constant 0 : i32
      %dma_wait3A_280 = arith.constant 0 : i32
      %dma_wait3A_281 = tpu.memref_slice %run_scoped3A_35[%rem3A_277, %dma_wait3A, %dma_wait3A_280] : memref<2x128x256xi32, #tpu.memory_space<vmem>> -> memref<1x128x256xi32, #tpu.memory_space<vmem>>
      %dma_wait3A_282 = tpu.memref_squeeze %dma_wait3A_281 : memref<1x128x256xi32, #tpu.memory_space<vmem>> -> memref<128x256xi32, #tpu.memory_space<vmem>>
      %dma_wait3A_283 = arith.constant 0 : i32
      %dma_wait3A_284 = tpu.memref_slice %arg8[%mul3A_279, %dma_wait3A_283] : memref<4096x256xi32, #tpu.memory_space<hbm>> -> memref<128x256xi32, #tpu.memory_space<hbm>>
      %dma_wait3A_285 = tpu.memref_slice %run_scoped3A_36[%rem3A_277] : memref<2x!tpu.dma_semaphore, #tpu.memory_space<semaphore_mem>> -> memref<1x!tpu.dma_semaphore, #tpu.memory_space<semaphore_mem>>
      %dma_wait3A_286 = tpu.memref_squeeze %dma_wait3A_285 : memref<1x!tpu.dma_semaphore, #tpu.memory_space<semaphore_mem>> -> memref<!tpu.dma_semaphore, #tpu.memory_space<semaphore_mem>>
      %dma_wait3A_287 = arith.constant 0 : i32
      %dma_wait3A_288 = tpu.memref_slice %arg8[%mul3A_279, %dma_wait3A_287] : memref<4096x256xi32, #tpu.memory_space<hbm>> -> memref<128x256xi32, #tpu.memory_space<hbm>>
      %dma_wait3A_289 = arith.constant 0 : i32
      %dma_wait3A_290 = arith.constant 0 : i32
      %dma_wait3A_291 = tpu.memref_slice %run_scoped3A_35[%rem3A_277, %dma_wait3A_289, %dma_wait3A_290] : memref<2x128x256xi32, #tpu.memory_space<vmem>> -> memref<1x128x256xi32, #tpu.memory_space<vmem>>
      %dma_wait3A_292 = tpu.memref_squeeze %dma_wait3A_291 : memref<1x128x256xi32, #tpu.memory_space<vmem>> -> memref<128x256xi32, #tpu.memory_space<vmem>>
      tpu.wait_dma2 semaphore(%dma_wait3A_286 : memref<!tpu.dma_semaphore, #tpu.memory_space<semaphore_mem>>) src(%dma_wait3A_292 : memref<128x256xi32, #tpu.memory_space<vmem>>) dst(%dma_wait3A_288 : memref<128x256xi32, #tpu.memory_space<hbm>>)
      "tpu.trace_stop"() : () -> ()
      tpu.yield
    }) : () -> ()
    %mul3A_25 = arith.constant 1 : i32
    %mul3A_26 = arith.muli %arg1, %mul3A_25 : i32
    %add3A_27 = arith.constant 0 : i32
    %add3A_28 = arith.addi %add3A_27, %mul3A_26 : i32
    %mul3A_29 = arith.constant 16 : i32
    %mul3A_30 = arith.muli %arg0, %mul3A_29 : i32
    %add3A_31 = arith.addi %add3A_28, %mul3A_30 : i32
    %mul3A_32 = arith.constant 1 : i32
    %mul3A_33 = arith.muli %add3A_31, %mul3A_32 : i32
    "tpu.region"() ({
      %run_scoped3A = memref.alloca() : memref<2x1x128xi32, #tpu.memory_space<vmem>>
      %run_scoped3A_34 = tpu.sem_alloc : memref<2x!tpu.dma_semaphore, #tpu.memory_space<semaphore_mem>>
      %run_scoped3A_35 = memref.alloca() : memref<2x128x256xi32, #tpu.memory_space<vmem>>
      %run_scoped3A_36 = tpu.sem_alloc : memref<2x!tpu.dma_semaphore, #tpu.memory_space<semaphore_mem>>
      %add3A_37 = arith.constant 0 : i32
      %add3A_38 = arith.addi %add3A_37, %mul3A_33 : i32
      %select_n3A = arith.constant true
      %select_n3A_39 = arith.constant 0 : i32
      %select_n3A_40 = arith.constant -1 : i32
      %select_n3A_41 = arith.select %select_n3A, %select_n3A_40, %select_n3A_39 : i32
      %eq3A = arith.constant -1 : i32
      %eq3A_42 = arith.cmpi eq, %select_n3A_41, %eq3A : i32
      %select_n3A_43 = arith.constant 0 : i32
      %select_n3A_44 = arith.select %eq3A_42, %select_n3A_43, %select_n3A_41 : i32
      %add3A_45 = arith.constant 0 : i32
      %add3A_46 = arith.addi %add3A_45, %mul3A_33 : i32
      %select_n3A_47 = arith.constant true
      %select_n3A_48 = arith.constant 0 : i32
      %select_n3A_49 = arith.constant 1 : i32
      %select_n3A_50 = arith.select %select_n3A_47, %select_n3A_49, %select_n3A_48 : i32
      %eq3A_51 = arith.constant 1 : i32
      %eq3A_52 = arith.cmpi eq, %select_n3A_50, %eq3A_51 : i32
      %select_n3A_53 = arith.constant 0 : i32
      %select_n3A_54 = arith.select %eq3A_52, %select_n3A_53, %select_n3A_50 : i32
      %add3A_55 = arith.constant 0 : i32
      %add3A_56 = arith.addi %add3A_55, %mul3A_33 : i32
      %select_n3A_57 = arith.constant true
      %select_n3A_58 = arith.constant 0 : i32
      %select_n3A_59 = arith.constant 1 : i32
      %select_n3A_60 = arith.select %select_n3A_57, %select_n3A_59, %select_n3A_58 : i32
      %eq3A_61 = arith.constant 1 : i32
      %eq3A_62 = arith.cmpi eq, %select_n3A_60, %eq3A_61 : i32
      %select_n3A_63 = arith.constant 0 : i32
      %select_n3A_64 = arith.select %eq3A_62, %select_n3A_63, %select_n3A_60 : i32
      %add3A_65 = arith.constant 0 : i32
      %add3A_66 = arith.addi %add3A_65, %mul3A_33 : i32
      "tpu.trace_start"() <{level = 10 : i32, message = "ep_initialize_0"}> : () -> ()
      %rem3A = arith.constant 0 : i32
      %rem3A_67 = arith.constant 2 : i32
      %rem3A_68 = arith.remui %rem3A, %rem3A_67 : i32
      %mul3A_69 = arith.constant 128 : i32
      %mul3A_70 = arith.muli %mul3A_69, %add3A_38 : i32
      %dma_start3A = arith.constant 0 : i32
      %dma_start3A_71 = arith.constant 0 : i32
      %dma_start3A_72 = tpu.memref_slice %run_scoped3A[%rem3A_68, %dma_start3A, %dma_start3A_71] : memref<2x1x128xi32, #tpu.memory_space<vmem>> -> memref<1x1x128xi32, #tpu.memory_space<vmem>>
      %dma_start3A_73 = tpu.memref_squeeze %dma_start3A_72 : memref<1x1x128xi32, #tpu.memory_space<vmem>> -> memref<1x128xi32, #tpu.memory_space<vmem>>
      %dma_start3A_74 = arith.constant 0 : i32
      %dma_start3A_75 = tpu.memref_slice %arg5[%dma_start3A_74, %mul3A_70] : memref<1x4096xi32, #tpu.memory_space<hbm>> -> memref<1x128xi32, #tpu.memory_space<hbm>>
      %dma_start3A_76 = tpu.memref_slice %run_scoped3A_34[%rem3A_68] : memref<2x!tpu.dma_semaphore, #tpu.memory_space<semaphore_mem>> -> memref<1x!tpu.dma_semaphore, #tpu.memory_space<semaphore_mem>>
      %dma_start3A_77 = tpu.memref_squeeze %dma_start3A_76 : memref<1x!tpu.dma_semaphore, #tpu.memory_space<semaphore_mem>> -> memref<!tpu.dma_semaphore, #tpu.memory_space<semaphore_mem>>
      %dma_start3A_78 = arith.constant 0 : i32
      %dma_start3A_79 = arith.constant 0 : i32
      %dma_start3A_80 = tpu.memref_slice %run_scoped3A[%rem3A_68, %dma_start3A_78, %dma_start3A_79] : memref<2x1x128xi32, #tpu.memory_space<vmem>> -> memref<1x1x128xi32, #tpu.memory_space<vmem>>
      %dma_start3A_81 = tpu.memref_squeeze %dma_start3A_80 : memref<1x1x128xi32, #tpu.memory_space<vmem>> -> memref<1x128xi32, #tpu.memory_space<vmem>>
      %dma_start3A_82 = arith.constant 0 : i32
      %dma_start3A_83 = tpu.memref_slice %arg5[%dma_start3A_82, %mul3A_70] : memref<1x4096xi32, #tpu.memory_space<hbm>> -> memref<1x128xi32, #tpu.memory_space<hbm>>
      tpu.enqueue_dma source(%dma_start3A_83 : memref<1x128xi32, #tpu.memory_space<hbm>>) target(%dma_start3A_81 : memref<1x128xi32, #tpu.memory_space<vmem>>) target_semaphore(%dma_start3A_77 : memref<!tpu.dma_semaphore, #tpu.memory_space<semaphore_mem>>)
      %add3A_84 = arith.constant 0 : i32
      %add3A_85 = arith.constant 1 : i32
      %add3A_86 = arith.addi %add3A_84, %add3A_85 : i32
      %select_n3A_87 = arith.constant true
      %select_n3A_88 = arith.constant 0 : i32
      %select_n3A_89 = arith.select %select_n3A_87, %add3A_86, %select_n3A_88 : i32
      "tpu.trace_stop"() : () -> ()
      %scan3A = arith.constant 0 : i32
      %scan3A_90 = arith.constant 0 : i32
      %scan3A_91 = arith.constant 0 : i32
      %scan3A_92 = arith.constant 0 : i32
      %scan3A_93 = arith.constant 0 : i32
      %eq3A_94 = arith.constant 0 : i32
      %eq3A_95 = arith.cmpi eq, %scan3A_93, %eq3A_94 : i32
      %eq3A_96 = arith.constant 0 : i32
      %eq3A_97 = arith.cmpi eq, %scan3A_93, %eq3A_96 : i32
      %add3A_98 = arith.constant 0 : i32
      %add3A_99 = arith.addi %add3A_98, %mul3A_33 : i32
      %select_n3A_100 = arith.constant true
      %select_n3A_101 = arith.constant 0 : i32
      %select_n3A_102 = arith.constant -1 : i32
      %select_n3A_103 = arith.select %select_n3A_100, %select_n3A_102, %select_n3A_101 : i32
      %eq3A_104 = arith.constant -1 : i32
      %eq3A_105 = arith.cmpi eq, %select_n3A_103, %eq3A_104 : i32
      %select_n3A_106 = arith.constant 0 : i32
      %select_n3A_107 = arith.select %eq3A_105, %select_n3A_106, %select_n3A_103 : i32
      %add3A_108 = arith.constant 0 : i32
      %add3A_109 = arith.addi %add3A_108, %mul3A_33 : i32
      %select_n3A_110 = arith.constant true
      %select_n3A_111 = arith.constant 0 : i32
      %select_n3A_112 = arith.constant 1 : i32
      %select_n3A_113 = arith.select %select_n3A_110, %select_n3A_112, %select_n3A_111 : i32
      %eq3A_114 = arith.constant 1 : i32
      %eq3A_115 = arith.cmpi eq, %select_n3A_113, %eq3A_114 : i32
      %select_n3A_116 = arith.constant 0 : i32
      %select_n3A_117 = arith.select %eq3A_115, %select_n3A_116, %select_n3A_113 : i32
      %add3A_118 = arith.constant 0 : i32
      %add3A_119 = arith.addi %add3A_118, %mul3A_33 : i32
      %select_n3A_120 = arith.constant true
      %select_n3A_121 = arith.constant 0 : i32
      %select_n3A_122 = arith.constant 1 : i32
      %select_n3A_123 = arith.select %select_n3A_120, %select_n3A_122, %select_n3A_121 : i32
      %eq3A_124 = arith.constant 1 : i32
      %eq3A_125 = arith.cmpi eq, %select_n3A_123, %eq3A_124 : i32
      %select_n3A_126 = arith.constant 0 : i32
      %select_n3A_127 = arith.select %eq3A_125, %select_n3A_126, %select_n3A_123 : i32
      %add3A_128 = arith.constant 0 : i32
      %add3A_129 = arith.addi %add3A_128, %mul3A_33 : i32
      %ne3A = arith.cmpi ne, %add3A_99, %add3A_119 : i32
      %or3A = arith.constant false
      %or3A_130 = arith.ori %or3A, %ne3A : i1
      %ge3A = arith.constant 0 : i32
      %ge3A_131 = arith.cmpi sge, %scan3A_93, %ge3A : i32
      %not3A = arith.constant true
      %not3A_132 = arith.xori %ge3A_131, %not3A : i1
      %and3A = arith.andi %or3A_130, %not3A_132 : i1
      %convert_element_type3A = arith.extui %and3A : i1 to i32
      %cond3A = arith.constant 0 : i32
      %cond3A_133 = arith.cmpi ne, %convert_element_type3A, %cond3A : i32
      scf.if %cond3A_133 {
        "tpu.trace_start"() <{level = 10 : i32, message = "ep_copy_in"}> : () -> ()
        %rem3A_293 = arith.constant 2 : i32
        %rem3A_294 = arith.remui %select_n3A_89, %rem3A_293 : i32
        %mul3A_295 = arith.constant 128 : i32
        %mul3A_296 = arith.muli %mul3A_295, %add3A_119 : i32
        %dma_start3A_297 = arith.constant 0 : i32
        %dma_start3A_298 = arith.constant 0 : i32
        %dma_start3A_299 = tpu.memref_slice %run_scoped3A[%rem3A_294, %dma_start3A_297, %dma_start3A_298] : memref<2x1x128xi32, #tpu.memory_space<vmem>> -> memref<1x1x128xi32, #tpu.memory_space<vmem>>
        %dma_start3A_300 = tpu.memref_squeeze %dma_start3A_299 : memref<1x1x128xi32, #tpu.memory_space<vmem>> -> memref<1x128xi32, #tpu.memory_space<vmem>>
        %dma_start3A_301 = arith.constant 0 : i32
        %dma_start3A_302 = tpu.memref_slice %arg5[%dma_start3A_301, %mul3A_296] : memref<1x4096xi32, #tpu.memory_space<hbm>> -> memref<1x128xi32, #tpu.memory_space<hbm>>
        %dma_start3A_303 = tpu.memref_slice %run_scoped3A_34[%rem3A_294] : memref<2x!tpu.dma_semaphore, #tpu.memory_space<semaphore_mem>> -> memref<1x!tpu.dma_semaphore, #tpu.memory_space<semaphore_mem>>
        %dma_start3A_304 = tpu.memref_squeeze %dma_start3A_303 : memref<1x!tpu.dma_semaphore, #tpu.memory_space<semaphore_mem>> -> memref<!tpu.dma_semaphore, #tpu.memory_space<semaphore_mem>>
        %dma_start3A_305 = arith.constant 0 : i32
        %dma_start3A_306 = arith.constant 0 : i32
        %dma_start3A_307 = tpu.memref_slice %run_scoped3A[%rem3A_294, %dma_start3A_305, %dma_start3A_306] : memref<2x1x128xi32, #tpu.memory_space<vmem>> -> memref<1x1x128xi32, #tpu.memory_space<vmem>>
        %dma_start3A_308 = tpu.memref_squeeze %dma_start3A_307 : memref<1x1x128xi32, #tpu.memory_space<vmem>> -> memref<1x128xi32, #tpu.memory_space<vmem>>
        %dma_start3A_309 = arith.constant 0 : i32
        %dma_start3A_310 = tpu.memref_slice %arg5[%dma_start3A_309, %mul3A_296] : memref<1x4096xi32, #tpu.memory_space<hbm>> -> memref<1x128xi32, #tpu.memory_space<hbm>>
        tpu.enqueue_dma source(%dma_start3A_310 : memref<1x128xi32, #tpu.memory_space<hbm>>) target(%dma_start3A_308 : memref<1x128xi32, #tpu.memory_space<vmem>>) target_semaphore(%dma_start3A_304 : memref<!tpu.dma_semaphore, #tpu.memory_space<semaphore_mem>>)
        "tpu.trace_stop"() : () -> ()
      } else {
      }
      %and3A_134 = arith.constant true
      %and3A_135 = arith.andi %and3A, %and3A_134 : i1
      %add3A_136 = arith.constant 1 : i32
      %add3A_137 = arith.addi %select_n3A_89, %add3A_136 : i32
      %select_n3A_138 = arith.select %and3A_135, %add3A_137, %select_n3A_89 : i32
      %ne3A_139 = arith.cmpi ne, %add3A_99, %add3A_119 : i32
      %or3A_140 = arith.constant false
      %or3A_141 = arith.ori %or3A_140, %ne3A_139 : i1
      %or3A_142 = arith.constant false
      %or3A_143 = arith.ori %or3A_141, %or3A_142 : i1
      %ge3A_144 = arith.constant 0 : i32
      %ge3A_145 = arith.cmpi sge, %scan3A_93, %ge3A_144 : i32
      %not3A_146 = arith.constant true
      %not3A_147 = arith.xori %ge3A_145, %not3A_146 : i1
      %and3A_148 = arith.andi %or3A_143, %not3A_147 : i1
      %ne3A_149 = arith.cmpi ne, %add3A_99, %add3A_109 : i32
      %or3A_150 = arith.constant false
      %or3A_151 = arith.ori %or3A_150, %ne3A_149 : i1
      %or3A_152 = arith.ori %or3A_151, %eq3A_95 : i1
      %convert_element_type3A_153 = arith.extui %or3A_152 : i1 to i32
      %cond3A_154 = arith.constant 0 : i32
      %cond3A_155 = arith.cmpi ne, %convert_element_type3A_153, %cond3A_154 : i32
      scf.if %cond3A_155 {
        "tpu.trace_start"() <{level = 10 : i32, message = "ep_wait_in"}> : () -> ()
        %mul3A_293 = arith.constant 128 : i32
        %mul3A_294 = arith.muli %mul3A_293, %add3A_99 : i32
        %rem3A_295 = arith.constant 2 : i32
        %rem3A_296 = arith.remui %scan3A, %rem3A_295 : i32
        %dma_wait3A_297 = arith.constant 0 : i32
        %dma_wait3A_298 = arith.constant 0 : i32
        %dma_wait3A_299 = tpu.memref_slice %run_scoped3A[%rem3A_296, %dma_wait3A_297, %dma_wait3A_298] : memref<2x1x128xi32, #tpu.memory_space<vmem>> -> memref<1x1x128xi32, #tpu.memory_space<vmem>>
        %dma_wait3A_300 = tpu.memref_squeeze %dma_wait3A_299 : memref<1x1x128xi32, #tpu.memory_space<vmem>> -> memref<1x128xi32, #tpu.memory_space<vmem>>
        %dma_wait3A_301 = arith.constant 0 : i32
        %dma_wait3A_302 = tpu.memref_slice %arg5[%dma_wait3A_301, %mul3A_294] : memref<1x4096xi32, #tpu.memory_space<hbm>> -> memref<1x128xi32, #tpu.memory_space<hbm>>
        %dma_wait3A_303 = tpu.memref_slice %run_scoped3A_34[%rem3A_296] : memref<2x!tpu.dma_semaphore, #tpu.memory_space<semaphore_mem>> -> memref<1x!tpu.dma_semaphore, #tpu.memory_space<semaphore_mem>>
        %dma_wait3A_304 = tpu.memref_squeeze %dma_wait3A_303 : memref<1x!tpu.dma_semaphore, #tpu.memory_space<semaphore_mem>> -> memref<!tpu.dma_semaphore, #tpu.memory_space<semaphore_mem>>
        %dma_wait3A_305 = arith.constant 0 : i32
        %dma_wait3A_306 = arith.constant 0 : i32
        %dma_wait3A_307 = tpu.memref_slice %run_scoped3A[%rem3A_296, %dma_wait3A_305, %dma_wait3A_306] : memref<2x1x128xi32, #tpu.memory_space<vmem>> -> memref<1x1x128xi32, #tpu.memory_space<vmem>>
        %dma_wait3A_308 = tpu.memref_squeeze %dma_wait3A_307 : memref<1x1x128xi32, #tpu.memory_space<vmem>> -> memref<1x128xi32, #tpu.memory_space<vmem>>
        %dma_wait3A_309 = arith.constant 0 : i32
        %dma_wait3A_310 = tpu.memref_slice %arg5[%dma_wait3A_309, %mul3A_294] : memref<1x4096xi32, #tpu.memory_space<hbm>> -> memref<1x128xi32, #tpu.memory_space<hbm>>
        tpu.wait_dma2 semaphore(%dma_wait3A_304 : memref<!tpu.dma_semaphore, #tpu.memory_space<semaphore_mem>>) src(%dma_wait3A_310 : memref<1x128xi32, #tpu.memory_space<hbm>>) dst(%dma_wait3A_308 : memref<1x128xi32, #tpu.memory_space<vmem>>)
        "tpu.trace_stop"() : () -> ()
      } else {
      }
      %ne3A_156 = arith.cmpi ne, %add3A_99, %add3A_109 : i32
      %or3A_157 = arith.constant false
      %or3A_158 = arith.ori %or3A_157, %ne3A_156 : i1
      %or3A_159 = arith.constant false
      %or3A_160 = arith.ori %or3A_158, %or3A_159 : i1
      %or3A_161 = arith.ori %or3A_160, %eq3A_95 : i1
      %convert_element_type3A_162 = arith.extui %or3A_161 : i1 to i32
      %cond3A_163 = arith.constant 0 : i32
      %cond3A_164 = arith.cmpi ne, %convert_element_type3A_162, %cond3A_163 : i32
      scf.if %cond3A_164 {
      } else {
      }
      %rem3A_165 = arith.constant 2 : i32
      %rem3A_166 = arith.remui %scan3A, %rem3A_165 : i32
      %rem3A_167 = arith.constant 2 : i32
      %rem3A_168 = arith.remui %scan3A_90, %rem3A_167 : i32
      %run_scoped3A_169 = arith.constant 0 : i32
      "tpu.trace_start"() <{level = 10 : i32, message = "ep_run_kernel"}> : () -> ()
      "tpu.region"() ({
        %run_scoped3A_293 = tpu.sem_alloc : memref<!tpu.dma_semaphore, #tpu.memory_space<semaphore_mem>>
        %dma_start3A_294 = arith.constant 0 : i32
        %dma_start3A_295 = arith.constant 0 : i32
        %dma_start3A_296 = tpu.memref_slice %run_scoped3A_35[%rem3A_168, %dma_start3A_294, %dma_start3A_295] : memref<2x128x256xi32, #tpu.memory_space<vmem>> -> memref<1x128x256xi32, #tpu.memory_space<vmem>>
        %dma_start3A_297 = tpu.memref_squeeze %dma_start3A_296 : memref<1x128x256xi32, #tpu.memory_space<vmem>> -> memref<128x256xi32, #tpu.memory_space<vmem>>
        %dma_start3A_298 = arith.constant 0 : i32
        %dma_start3A_299 = arith.constant 0 : i32
        %dma_start3A_300 = tpu.memref_slice %run_scoped3A[%rem3A_166, %dma_start3A_298, %dma_start3A_299] : memref<2x1x128xi32, #tpu.memory_space<vmem>> -> memref<1x1x128xi32, #tpu.memory_space<vmem>>
        %dma_start3A_301 = tpu.memref_squeeze %dma_start3A_300 : memref<1x1x128xi32, #tpu.memory_space<vmem>> -> memref<1x128xi32, #tpu.memory_space<vmem>>
        %dma_start3A_302 = arith.constant 0 : i32
        %dma_start3A_303 = tpu.memref_slice %dma_start3A_301[%run_scoped3A_169, %dma_start3A_302] : memref<1x128xi32, #tpu.memory_space<vmem>> -> memref<1x128xi32, #tpu.memory_space<vmem>>
        %dma_start3A_304 = tpu.memref_squeeze %dma_start3A_303 : memref<1x128xi32, #tpu.memory_space<vmem>> -> memref<128xi32, #tpu.memory_space<vmem>>
        %dma_start3A_305 = arith.constant 0 : i32
        %dma_start3A_306 = arith.constant 0 : i32
        %dma_start3A_307 = tpu.memref_slice %arg3[%dma_start3A_305, %dma_start3A_306] : memref<8192x256xi32, #tpu.memory_space<hbm>> -> memref<8192x256xi32, #tpu.memory_space<hbm>>
        tpu.enqueue_indirect_dma source(%dma_start3A_307 : memref<8192x256xi32, #tpu.memory_space<hbm>>) target(%dma_start3A_297 : memref<128x256xi32, #tpu.memory_space<vmem>>) offsets(%dma_start3A_304 : memref<128xi32, #tpu.memory_space<vmem>>) semaphore(%run_scoped3A_293 : memref<!tpu.dma_semaphore, #tpu.memory_space<semaphore_mem>>)
        %dma_wait3A_308 = arith.constant 0 : i32
        %dma_wait3A_309 = arith.constant 0 : i32
        %dma_wait3A_310 = tpu.memref_slice %run_scoped3A_35[%rem3A_168, %dma_wait3A_308, %dma_wait3A_309] : memref<2x128x256xi32, #tpu.memory_space<vmem>> -> memref<1x128x256xi32, #tpu.memory_space<vmem>>
        %dma_wait3A_311 = tpu.memref_squeeze %dma_wait3A_310 : memref<1x128x256xi32, #tpu.memory_space<vmem>> -> memref<128x256xi32, #tpu.memory_space<vmem>>
        %dma_wait3A_312 = arith.constant 0 : i32
        %dma_wait3A_313 = arith.constant 0 : i32
        %dma_wait3A_314 = tpu.memref_slice %run_scoped3A[%rem3A_166, %dma_wait3A_312, %dma_wait3A_313] : memref<2x1x128xi32, #tpu.memory_space<vmem>> -> memref<1x1x128xi32, #tpu.memory_space<vmem>>
        %dma_wait3A_315 = tpu.memref_squeeze %dma_wait3A_314 : memref<1x1x128xi32, #tpu.memory_space<vmem>> -> memref<1x128xi32, #tpu.memory_space<vmem>>
        %dma_wait3A_316 = arith.constant 0 : i32
        %dma_wait3A_317 = tpu.memref_slice %dma_wait3A_315[%run_scoped3A_169, %dma_wait3A_316] : memref<1x128xi32, #tpu.memory_space<vmem>> -> memref<1x128xi32, #tpu.memory_space<vmem>>
        %dma_wait3A_318 = tpu.memref_squeeze %dma_wait3A_317 : memref<1x128xi32, #tpu.memory_space<vmem>> -> memref<128xi32, #tpu.memory_space<vmem>>
        %dma_wait3A_319 = arith.constant 0 : i32
        %dma_wait3A_320 = arith.constant 0 : i32
        %dma_wait3A_321 = tpu.memref_slice %arg3[%dma_wait3A_319, %dma_wait3A_320] : memref<8192x256xi32, #tpu.memory_space<hbm>> -> memref<8192x256xi32, #tpu.memory_space<hbm>>
        tpu.wait_indirect_dma semaphore(%run_scoped3A_293 : memref<!tpu.dma_semaphore, #tpu.memory_space<semaphore_mem>>) src(%dma_wait3A_321 : memref<8192x256xi32, #tpu.memory_space<hbm>>) dst(%dma_wait3A_311 : memref<128x256xi32, #tpu.memory_space<vmem>>)
        tpu.yield
      }) : () -> ()
      "tpu.trace_stop"() : () -> ()
      %ne3A_170 = arith.cmpi ne, %add3A_99, %add3A_119 : i32
      %or3A_171 = arith.constant false
      %or3A_172 = arith.ori %or3A_171, %ne3A_170 : i1
      %or3A_173 = arith.ori %or3A_172, %eq3A_97 : i1
      %convert_element_type3A_174 = arith.extui %or3A_173 : i1 to i32
      %cond3A_175 = arith.constant 0 : i32
      %cond3A_176 = arith.cmpi ne, %convert_element_type3A_174, %cond3A_175 : i32
      scf.if %cond3A_176 {
      } else {
      }
      %and3A_177 = arith.constant false
      %and3A_178 = arith.andi %or3A_173, %and3A_177 : i1
      %ne3A_179 = arith.cmpi ne, %add3A_99, %add3A_119 : i32
      %or3A_180 = arith.constant false
      %or3A_181 = arith.ori %or3A_180, %ne3A_179 : i1
      %or3A_182 = arith.constant false
      %or3A_183 = arith.ori %or3A_181, %or3A_182 : i1
      %or3A_184 = arith.ori %or3A_183, %eq3A_97 : i1
      %convert_element_type3A_185 = arith.extui %or3A_184 : i1 to i32
      %cond3A_186 = arith.constant 0 : i32
      %cond3A_187 = arith.cmpi ne, %convert_element_type3A_185, %cond3A_186 : i32
      scf.if %cond3A_187 {
        "tpu.trace_start"() <{level = 10 : i32, message = "ep_copy_out"}> : () -> ()
        %rem3A_293 = arith.constant 2 : i32
        %rem3A_294 = arith.remui %scan3A_90, %rem3A_293 : i32
        %mul3A_295 = arith.constant 128 : i32
        %mul3A_296 = arith.muli %mul3A_295, %add3A_99 : i32
        %dma_start3A_297 = arith.constant 0 : i32
        %dma_start3A_298 = arith.constant 0 : i32
        %dma_start3A_299 = tpu.memref_slice %run_scoped3A_35[%rem3A_294, %dma_start3A_297, %dma_start3A_298] : memref<2x128x256xi32, #tpu.memory_space<vmem>> -> memref<1x128x256xi32, #tpu.memory_space<vmem>>
        %dma_start3A_300 = tpu.memref_squeeze %dma_start3A_299 : memref<1x128x256xi32, #tpu.memory_space<vmem>> -> memref<128x256xi32, #tpu.memory_space<vmem>>
        %dma_start3A_301 = arith.constant 0 : i32
        %dma_start3A_302 = tpu.memref_slice %arg9[%mul3A_296, %dma_start3A_301] : memref<4096x256xi32, #tpu.memory_space<hbm>> -> memref<128x256xi32, #tpu.memory_space<hbm>>
        %dma_start3A_303 = tpu.memref_slice %run_scoped3A_36[%rem3A_294] : memref<2x!tpu.dma_semaphore, #tpu.memory_space<semaphore_mem>> -> memref<1x!tpu.dma_semaphore, #tpu.memory_space<semaphore_mem>>
        %dma_start3A_304 = tpu.memref_squeeze %dma_start3A_303 : memref<1x!tpu.dma_semaphore, #tpu.memory_space<semaphore_mem>> -> memref<!tpu.dma_semaphore, #tpu.memory_space<semaphore_mem>>
        %dma_start3A_305 = arith.constant 0 : i32
        %dma_start3A_306 = tpu.memref_slice %arg9[%mul3A_296, %dma_start3A_305] : memref<4096x256xi32, #tpu.memory_space<hbm>> -> memref<128x256xi32, #tpu.memory_space<hbm>>
        %dma_start3A_307 = arith.constant 0 : i32
        %dma_start3A_308 = arith.constant 0 : i32
        %dma_start3A_309 = tpu.memref_slice %run_scoped3A_35[%rem3A_294, %dma_start3A_307, %dma_start3A_308] : memref<2x128x256xi32, #tpu.memory_space<vmem>> -> memref<1x128x256xi32, #tpu.memory_space<vmem>>
        %dma_start3A_310 = tpu.memref_squeeze %dma_start3A_309 : memref<1x128x256xi32, #tpu.memory_space<vmem>> -> memref<128x256xi32, #tpu.memory_space<vmem>>
        tpu.enqueue_dma source(%dma_start3A_310 : memref<128x256xi32, #tpu.memory_space<vmem>>) target(%dma_start3A_306 : memref<128x256xi32, #tpu.memory_space<hbm>>) target_semaphore(%dma_start3A_304 : memref<!tpu.dma_semaphore, #tpu.memory_space<semaphore_mem>>)
        "tpu.trace_stop"() : () -> ()
      } else {
      }
      %and3A_188 = arith.constant true
      %and3A_189 = arith.andi %or3A_184, %and3A_188 : i1
      %add3A_190 = arith.constant 1 : i32
      %add3A_191 = arith.addi %scan3A_90, %add3A_190 : i32
      %select_n3A_192 = arith.select %and3A_189, %add3A_191, %scan3A_90 : i32
      %ne3A_193 = arith.cmpi ne, %add3A_99, %add3A_109 : i32
      %or3A_194 = arith.constant false
      %or3A_195 = arith.ori %or3A_194, %ne3A_193 : i1
      %not3A_196 = arith.constant true
      %not3A_197 = arith.xori %eq3A_95, %not3A_196 : i1
      %and3A_198 = arith.andi %or3A_195, %not3A_197 : i1
      %convert_element_type3A_199 = arith.extui %and3A_198 : i1 to i32
      %cond3A_200 = arith.constant 0 : i32
      %cond3A_201 = arith.cmpi ne, %convert_element_type3A_199, %cond3A_200 : i32
      scf.if %cond3A_201 {
      } else {
      }
      %and3A_202 = arith.constant false
      %and3A_203 = arith.andi %and3A_198, %and3A_202 : i1
      %ne3A_204 = arith.cmpi ne, %add3A_99, %add3A_109 : i32
      %or3A_205 = arith.constant false
      %or3A_206 = arith.ori %or3A_205, %ne3A_204 : i1
      %or3A_207 = arith.constant false
      %or3A_208 = arith.ori %or3A_206, %or3A_207 : i1
      %not3A_209 = arith.constant true
      %not3A_210 = arith.xori %eq3A_95, %not3A_209 : i1
      %and3A_211 = arith.andi %or3A_208, %not3A_210 : i1
      %convert_element_type3A_212 = arith.extui %and3A_211 : i1 to i32
      %cond3A_213 = arith.constant 0 : i32
      %cond3A_214 = arith.cmpi ne, %convert_element_type3A_212, %cond3A_213 : i32
      scf.if %cond3A_214 {
        "tpu.trace_start"() <{level = 10 : i32, message = "ep_wait_out"}> : () -> ()
        %rem3A_293 = arith.constant 2 : i32
        %rem3A_294 = arith.remui %scan3A_91, %rem3A_293 : i32
        %mul3A_295 = arith.constant 128 : i32
        %mul3A_296 = arith.muli %mul3A_295, %add3A_109 : i32
        %dma_wait3A_297 = arith.constant 0 : i32
        %dma_wait3A_298 = arith.constant 0 : i32
        %dma_wait3A_299 = tpu.memref_slice %run_scoped3A_35[%rem3A_294, %dma_wait3A_297, %dma_wait3A_298] : memref<2x128x256xi32, #tpu.memory_space<vmem>> -> memref<1x128x256xi32, #tpu.memory_space<vmem>>
        %dma_wait3A_300 = tpu.memref_squeeze %dma_wait3A_299 : memref<1x128x256xi32, #tpu.memory_space<vmem>> -> memref<128x256xi32, #tpu.memory_space<vmem>>
        %dma_wait3A_301 = arith.constant 0 : i32
        %dma_wait3A_302 = tpu.memref_slice %arg9[%mul3A_296, %dma_wait3A_301] : memref<4096x256xi32, #tpu.memory_space<hbm>> -> memref<128x256xi32, #tpu.memory_space<hbm>>
        %dma_wait3A_303 = tpu.memref_slice %run_scoped3A_36[%rem3A_294] : memref<2x!tpu.dma_semaphore, #tpu.memory_space<semaphore_mem>> -> memref<1x!tpu.dma_semaphore, #tpu.memory_space<semaphore_mem>>
        %dma_wait3A_304 = tpu.memref_squeeze %dma_wait3A_303 : memref<1x!tpu.dma_semaphore, #tpu.memory_space<semaphore_mem>> -> memref<!tpu.dma_semaphore, #tpu.memory_space<semaphore_mem>>
        %dma_wait3A_305 = arith.constant 0 : i32
        %dma_wait3A_306 = tpu.memref_slice %arg9[%mul3A_296, %dma_wait3A_305] : memref<4096x256xi32, #tpu.memory_space<hbm>> -> memref<128x256xi32, #tpu.memory_space<hbm>>
        %dma_wait3A_307 = arith.constant 0 : i32
        %dma_wait3A_308 = arith.constant 0 : i32
        %dma_wait3A_309 = tpu.memref_slice %run_scoped3A_35[%rem3A_294, %dma_wait3A_307, %dma_wait3A_308] : memref<2x128x256xi32, #tpu.memory_space<vmem>> -> memref<1x128x256xi32, #tpu.memory_space<vmem>>
        %dma_wait3A_310 = tpu.memref_squeeze %dma_wait3A_309 : memref<1x128x256xi32, #tpu.memory_space<vmem>> -> memref<128x256xi32, #tpu.memory_space<vmem>>
        tpu.wait_dma2 semaphore(%dma_wait3A_304 : memref<!tpu.dma_semaphore, #tpu.memory_space<semaphore_mem>>) src(%dma_wait3A_310 : memref<128x256xi32, #tpu.memory_space<vmem>>) dst(%dma_wait3A_306 : memref<128x256xi32, #tpu.memory_space<hbm>>)
        "tpu.trace_stop"() : () -> ()
      } else {
      }
      %and3A_215 = arith.constant true
      %and3A_216 = arith.andi %and3A_211, %and3A_215 : i1
      %add3A_217 = arith.constant 1 : i32
      %add3A_218 = arith.addi %scan3A_91, %add3A_217 : i32
      %select_n3A_219 = arith.select %and3A_216, %add3A_218, %scan3A_91 : i32
      %ne3A_220 = arith.cmpi ne, %add3A_99, %add3A_119 : i32
      %or3A_221 = arith.constant false
      %or3A_222 = arith.ori %or3A_221, %ne3A_220 : i1
      %or3A_223 = arith.ori %or3A_222, %eq3A_97 : i1
      %add3A_224 = arith.constant 1 : i32
      %add3A_225 = arith.addi %scan3A, %add3A_224 : i32
      %select_n3A_226 = arith.select %or3A_223, %add3A_225, %scan3A : i32
      %select_n3A_227 = arith.constant true
      %select_n3A_228 = arith.constant 0 : i32
      %select_n3A_229 = arith.constant 1 : i32
      %select_n3A_230 = arith.select %select_n3A_227, %select_n3A_229, %select_n3A_228 : i32
      %eq3A_231 = arith.constant 1 : i32
      %eq3A_232 = arith.cmpi eq, %select_n3A_230, %eq3A_231 : i32
      %select_n3A_233 = arith.constant 0 : i32
      %select_n3A_234 = arith.select %eq3A_232, %select_n3A_233, %select_n3A_230 : i32
      %scan3A_235 = arith.constant 0 : i32
      %scan3A_236 = arith.constant 1 : i32
      %sub3A = arith.constant 1 : i32
      %sub3A_237 = arith.subi %scan3A_235, %sub3A : i32
      %select_n3A_238 = arith.constant true
      %select_n3A_239 = arith.select %select_n3A_238, %sub3A_237, %scan3A_235 : i32
      %eq3A_240 = arith.constant -1 : i32
      %eq3A_241 = arith.cmpi eq, %select_n3A_239, %eq3A_240 : i32
      %select_n3A_242 = arith.constant 0 : i32
      %select_n3A_243 = arith.select %eq3A_241, %select_n3A_242, %select_n3A_239 : i32
      %add3A_244 = arith.constant 0 : i32
      %add3A_245 = arith.addi %add3A_244, %mul3A_33 : i32
      %select_n3A_246 = arith.constant true
      %select_n3A_247 = arith.constant 0 : i32
      %select_n3A_248 = arith.constant -1 : i32
      %select_n3A_249 = arith.select %select_n3A_246, %select_n3A_248, %select_n3A_247 : i32
      %eq3A_250 = arith.constant -1 : i32
      %eq3A_251 = arith.cmpi eq, %select_n3A_249, %eq3A_250 : i32
      %select_n3A_252 = arith.constant 0 : i32
      %select_n3A_253 = arith.select %eq3A_251, %select_n3A_252, %select_n3A_249 : i32
      %add3A_254 = arith.constant 0 : i32
      %add3A_255 = arith.addi %add3A_254, %mul3A_33 : i32
      %select_n3A_256 = arith.constant true
      %select_n3A_257 = arith.constant 0 : i32
      %select_n3A_258 = arith.constant 1 : i32
      %select_n3A_259 = arith.select %select_n3A_256, %select_n3A_258, %select_n3A_257 : i32
      %eq3A_260 = arith.constant 1 : i32
      %eq3A_261 = arith.cmpi eq, %select_n3A_259, %eq3A_260 : i32
      %select_n3A_262 = arith.constant 0 : i32
      %select_n3A_263 = arith.select %eq3A_261, %select_n3A_262, %select_n3A_259 : i32
      %add3A_264 = arith.constant 0 : i32
      %add3A_265 = arith.addi %add3A_264, %mul3A_33 : i32
      %select_n3A_266 = arith.constant true
      %select_n3A_267 = arith.constant 0 : i32
      %select_n3A_268 = arith.constant 1 : i32
      %select_n3A_269 = arith.select %select_n3A_266, %select_n3A_268, %select_n3A_267 : i32
      %eq3A_270 = arith.constant 1 : i32
      %eq3A_271 = arith.cmpi eq, %select_n3A_269, %eq3A_270 : i32
      %select_n3A_272 = arith.constant 0 : i32
      %select_n3A_273 = arith.select %eq3A_271, %select_n3A_272, %select_n3A_269 : i32
      %add3A_274 = arith.constant 0 : i32
      %add3A_275 = arith.addi %add3A_274, %mul3A_33 : i32
      "tpu.trace_start"() <{level = 10 : i32, message = "ep_finalize"}> : () -> ()
      %rem3A_276 = arith.constant 2 : i32
      %rem3A_277 = arith.remui %select_n3A_219, %rem3A_276 : i32
      %mul3A_278 = arith.constant 128 : i32
      %mul3A_279 = arith.muli %mul3A_278, %add3A_245 : i32
      %dma_wait3A = arith.constant 0 : i32
      %dma_wait3A_280 = arith.constant 0 : i32
      %dma_wait3A_281 = tpu.memref_slice %run_scoped3A_35[%rem3A_277, %dma_wait3A, %dma_wait3A_280] : memref<2x128x256xi32, #tpu.memory_space<vmem>> -> memref<1x128x256xi32, #tpu.memory_space<vmem>>
      %dma_wait3A_282 = tpu.memref_squeeze %dma_wait3A_281 : memref<1x128x256xi32, #tpu.memory_space<vmem>> -> memref<128x256xi32, #tpu.memory_space<vmem>>
      %dma_wait3A_283 = arith.constant 0 : i32
      %dma_wait3A_284 = tpu.memref_slice %arg9[%mul3A_279, %dma_wait3A_283] : memref<4096x256xi32, #tpu.memory_space<hbm>> -> memref<128x256xi32, #tpu.memory_space<hbm>>
      %dma_wait3A_285 = tpu.memref_slice %run_scoped3A_36[%rem3A_277] : memref<2x!tpu.dma_semaphore, #tpu.memory_space<semaphore_mem>> -> memref<1x!tpu.dma_semaphore, #tpu.memory_space<semaphore_mem>>
      %dma_wait3A_286 = tpu.memref_squeeze %dma_wait3A_285 : memref<1x!tpu.dma_semaphore, #tpu.memory_space<semaphore_mem>> -> memref<!tpu.dma_semaphore, #tpu.memory_space<semaphore_mem>>
      %dma_wait3A_287 = arith.constant 0 : i32
      %dma_wait3A_288 = tpu.memref_slice %arg9[%mul3A_279, %dma_wait3A_287] : memref<4096x256xi32, #tpu.memory_space<hbm>> -> memref<128x256xi32, #tpu.memory_space<hbm>>
      %dma_wait3A_289 = arith.constant 0 : i32
      %dma_wait3A_290 = arith.constant 0 : i32
      %dma_wait3A_291 = tpu.memref_slice %run_scoped3A_35[%rem3A_277, %dma_wait3A_289, %dma_wait3A_290] : memref<2x128x256xi32, #tpu.memory_space<vmem>> -> memref<1x128x256xi32, #tpu.memory_space<vmem>>
      %dma_wait3A_292 = tpu.memref_squeeze %dma_wait3A_291 : memref<1x128x256xi32, #tpu.memory_space<vmem>> -> memref<128x256xi32, #tpu.memory_space<vmem>>
      tpu.wait_dma2 semaphore(%dma_wait3A_286 : memref<!tpu.dma_semaphore, #tpu.memory_space<semaphore_mem>>) src(%dma_wait3A_292 : memref<128x256xi32, #tpu.memory_space<vmem>>) dst(%dma_wait3A_288 : memref<128x256xi32, #tpu.memory_space<hbm>>)
      "tpu.trace_stop"() : () -> ()
      tpu.yield
    }) : () -> ()
    return
  }
}

#map = affine_map<(d0, d1) -> (0, 0)>
module attributes {stable_mosaic.version = 14 : i64} {
  func.func @scatter_kernel(%arg0: i32, %arg1: i32, %arg2: memref<4096x256xi32, #tpu.memory_space<hbm>>, %arg3: memref<4096x256xi32, #tpu.memory_space<hbm>>, %arg4: memref<1x4096xi32, #tpu.memory_space<hbm>>, %arg5: memref<1x4096xi32, #tpu.memory_space<hbm>>, %arg6: memref<8192x256xi32, #tpu.memory_space<hbm>>, %arg7: memref<8192x256xi32, #tpu.memory_space<hbm>>) attributes {dimension_semantics = [#tpu.dimension_semantics<core_parallel>, #tpu.dimension_semantics<subcore_parallel>], iteration_bounds = array<i64: 2, 16>, scalar_prefetch = 0 : i64, scratch_operands = 0 : i64, tpu.core_type = #tpu.core_type<sc_vector_subcore>, window_params = [{transform_indices = #map}, {transform_indices = #map}, {transform_indices = #map}, {transform_indices = #map}, {transform_indices = #map}, {transform_indices = #map}]} {
    %mul3A = arith.constant 1 : i32
    %mul3A_0 = arith.muli %arg1, %mul3A : i32
    %add3A = arith.constant 0 : i32
    %add3A_1 = arith.addi %add3A, %mul3A_0 : i32
    %mul3A_2 = arith.constant 16 : i32
    %mul3A_3 = arith.muli %arg0, %mul3A_2 : i32
    %add3A_4 = arith.addi %add3A_1, %mul3A_3 : i32
    %mul3A_5 = arith.constant 1 : i32
    %mul3A_6 = arith.muli %add3A_4, %mul3A_5 : i32
    "tpu.region"() ({
      %run_scoped3A = memref.alloca() : memref<2x128x256xi32, #tpu.memory_space<vmem>>
      %run_scoped3A_34 = tpu.sem_alloc : memref<2x!tpu.dma_semaphore, #tpu.memory_space<semaphore_mem>>
      %run_scoped3A_35 = memref.alloca() : memref<2x1x128xi32, #tpu.memory_space<vmem>>
      %run_scoped3A_36 = tpu.sem_alloc : memref<2x!tpu.dma_semaphore, #tpu.memory_space<semaphore_mem>>
      %add3A_37 = arith.constant 0 : i32
      %add3A_38 = arith.addi %add3A_37, %mul3A_6 : i32
      %select_n3A = arith.constant true
      %select_n3A_39 = arith.constant 0 : i32
      %select_n3A_40 = arith.constant -1 : i32
      %select_n3A_41 = arith.select %select_n3A, %select_n3A_40, %select_n3A_39 : i32
      %eq3A = arith.constant -1 : i32
      %eq3A_42 = arith.cmpi eq, %select_n3A_41, %eq3A : i32
      %select_n3A_43 = arith.constant 0 : i32
      %select_n3A_44 = arith.select %eq3A_42, %select_n3A_43, %select_n3A_41 : i32
      %add3A_45 = arith.constant 0 : i32
      %add3A_46 = arith.addi %add3A_45, %mul3A_6 : i32
      %select_n3A_47 = arith.constant true
      %select_n3A_48 = arith.constant 0 : i32
      %select_n3A_49 = arith.constant 1 : i32
      %select_n3A_50 = arith.select %select_n3A_47, %select_n3A_49, %select_n3A_48 : i32
      %eq3A_51 = arith.constant 1 : i32
      %eq3A_52 = arith.cmpi eq, %select_n3A_50, %eq3A_51 : i32
      %select_n3A_53 = arith.constant 0 : i32
      %select_n3A_54 = arith.select %eq3A_52, %select_n3A_53, %select_n3A_50 : i32
      %add3A_55 = arith.constant 0 : i32
      %add3A_56 = arith.addi %add3A_55, %mul3A_6 : i32
      %select_n3A_57 = arith.constant true
      %select_n3A_58 = arith.constant 0 : i32
      %select_n3A_59 = arith.constant 1 : i32
      %select_n3A_60 = arith.select %select_n3A_57, %select_n3A_59, %select_n3A_58 : i32
      %eq3A_61 = arith.constant 1 : i32
      %eq3A_62 = arith.cmpi eq, %select_n3A_60, %eq3A_61 : i32
      %select_n3A_63 = arith.constant 0 : i32
      %select_n3A_64 = arith.select %eq3A_62, %select_n3A_63, %select_n3A_60 : i32
      %add3A_65 = arith.constant 0 : i32
      %add3A_66 = arith.addi %add3A_65, %mul3A_6 : i32
      "tpu.trace_start"() <{level = 10 : i32, message = "ep_initialize_0"}> : () -> ()
      %rem3A = arith.constant 0 : i32
      %rem3A_67 = arith.constant 2 : i32
      %rem3A_68 = arith.remui %rem3A, %rem3A_67 : i32
      %mul3A_69 = arith.constant 128 : i32
      %mul3A_70 = arith.muli %mul3A_69, %add3A_38 : i32
      %dma_start3A = arith.constant 0 : i32
      %dma_start3A_71 = arith.constant 0 : i32
      %dma_start3A_72 = tpu.memref_slice %run_scoped3A[%rem3A_68, %dma_start3A, %dma_start3A_71] : memref<2x128x256xi32, #tpu.memory_space<vmem>> -> memref<1x128x256xi32, #tpu.memory_space<vmem>>
      %dma_start3A_73 = tpu.memref_squeeze %dma_start3A_72 : memref<1x128x256xi32, #tpu.memory_space<vmem>> -> memref<128x256xi32, #tpu.memory_space<vmem>>
      %dma_start3A_74 = arith.constant 0 : i32
      %dma_start3A_75 = tpu.memref_slice %arg2[%mul3A_70, %dma_start3A_74] : memref<4096x256xi32, #tpu.memory_space<hbm>> -> memref<128x256xi32, #tpu.memory_space<hbm>>
      %dma_start3A_76 = tpu.memref_slice %run_scoped3A_34[%rem3A_68] : memref<2x!tpu.dma_semaphore, #tpu.memory_space<semaphore_mem>> -> memref<1x!tpu.dma_semaphore, #tpu.memory_space<semaphore_mem>>
      %dma_start3A_77 = tpu.memref_squeeze %dma_start3A_76 : memref<1x!tpu.dma_semaphore, #tpu.memory_space<semaphore_mem>> -> memref<!tpu.dma_semaphore, #tpu.memory_space<semaphore_mem>>
      %dma_start3A_78 = arith.constant 0 : i32
      %dma_start3A_79 = arith.constant 0 : i32
      %dma_start3A_80 = tpu.memref_slice %run_scoped3A[%rem3A_68, %dma_start3A_78, %dma_start3A_79] : memref<2x128x256xi32, #tpu.memory_space<vmem>> -> memref<1x128x256xi32, #tpu.memory_space<vmem>>
      %dma_start3A_81 = tpu.memref_squeeze %dma_start3A_80 : memref<1x128x256xi32, #tpu.memory_space<vmem>> -> memref<128x256xi32, #tpu.memory_space<vmem>>
      %dma_start3A_82 = arith.constant 0 : i32
      %dma_start3A_83 = tpu.memref_slice %arg2[%mul3A_70, %dma_start3A_82] : memref<4096x256xi32, #tpu.memory_space<hbm>> -> memref<128x256xi32, #tpu.memory_space<hbm>>
      tpu.enqueue_dma source(%dma_start3A_83 : memref<128x256xi32, #tpu.memory_space<hbm>>) target(%dma_start3A_81 : memref<128x256xi32, #tpu.memory_space<vmem>>) target_semaphore(%dma_start3A_77 : memref<!tpu.dma_semaphore, #tpu.memory_space<semaphore_mem>>)
      %add3A_84 = arith.constant 0 : i32
      %add3A_85 = arith.constant 1 : i32
      %add3A_86 = arith.addi %add3A_84, %add3A_85 : i32
      %select_n3A_87 = arith.constant true
      %select_n3A_88 = arith.constant 0 : i32
      %select_n3A_89 = arith.select %select_n3A_87, %add3A_86, %select_n3A_88 : i32
      %rem3A_90 = arith.constant 0 : i32
      %rem3A_91 = arith.constant 2 : i32
      %rem3A_92 = arith.remui %rem3A_90, %rem3A_91 : i32
      %mul3A_93 = arith.constant 128 : i32
      %mul3A_94 = arith.muli %mul3A_93, %add3A_38 : i32
      %dma_start3A_95 = arith.constant 0 : i32
      %dma_start3A_96 = arith.constant 0 : i32
      %dma_start3A_97 = tpu.memref_slice %run_scoped3A_35[%rem3A_92, %dma_start3A_95, %dma_start3A_96] : memref<2x1x128xi32, #tpu.memory_space<vmem>> -> memref<1x1x128xi32, #tpu.memory_space<vmem>>
      %dma_start3A_98 = tpu.memref_squeeze %dma_start3A_97 : memref<1x1x128xi32, #tpu.memory_space<vmem>> -> memref<1x128xi32, #tpu.memory_space<vmem>>
      %dma_start3A_99 = arith.constant 0 : i32
      %dma_start3A_100 = tpu.memref_slice %arg4[%dma_start3A_99, %mul3A_94] : memref<1x4096xi32, #tpu.memory_space<hbm>> -> memref<1x128xi32, #tpu.memory_space<hbm>>
      %dma_start3A_101 = tpu.memref_slice %run_scoped3A_36[%rem3A_92] : memref<2x!tpu.dma_semaphore, #tpu.memory_space<semaphore_mem>> -> memref<1x!tpu.dma_semaphore, #tpu.memory_space<semaphore_mem>>
      %dma_start3A_102 = tpu.memref_squeeze %dma_start3A_101 : memref<1x!tpu.dma_semaphore, #tpu.memory_space<semaphore_mem>> -> memref<!tpu.dma_semaphore, #tpu.memory_space<semaphore_mem>>
      %dma_start3A_103 = arith.constant 0 : i32
      %dma_start3A_104 = arith.constant 0 : i32
      %dma_start3A_105 = tpu.memref_slice %run_scoped3A_35[%rem3A_92, %dma_start3A_103, %dma_start3A_104] : memref<2x1x128xi32, #tpu.memory_space<vmem>> -> memref<1x1x128xi32, #tpu.memory_space<vmem>>
      %dma_start3A_106 = tpu.memref_squeeze %dma_start3A_105 : memref<1x1x128xi32, #tpu.memory_space<vmem>> -> memref<1x128xi32, #tpu.memory_space<vmem>>
      %dma_start3A_107 = arith.constant 0 : i32
      %dma_start3A_108 = tpu.memref_slice %arg4[%dma_start3A_107, %mul3A_94] : memref<1x4096xi32, #tpu.memory_space<hbm>> -> memref<1x128xi32, #tpu.memory_space<hbm>>
      tpu.enqueue_dma source(%dma_start3A_108 : memref<1x128xi32, #tpu.memory_space<hbm>>) target(%dma_start3A_106 : memref<1x128xi32, #tpu.memory_space<vmem>>) target_semaphore(%dma_start3A_102 : memref<!tpu.dma_semaphore, #tpu.memory_space<semaphore_mem>>)
      %add3A_109 = arith.constant 0 : i32
      %add3A_110 = arith.constant 1 : i32
      %add3A_111 = arith.addi %add3A_109, %add3A_110 : i32
      %select_n3A_112 = arith.constant true
      %select_n3A_113 = arith.constant 0 : i32
      %select_n3A_114 = arith.select %select_n3A_112, %add3A_111, %select_n3A_113 : i32
      "tpu.trace_stop"() : () -> ()
      %scan3A = arith.constant 0 : i32
      %scan3A_115 = arith.constant 0 : i32
      %scan3A_116 = arith.constant 0 : i32
      %scan3A_117 = arith.constant 0 : i32
      %eq3A_118 = arith.constant 0 : i32
      %eq3A_119 = arith.cmpi eq, %scan3A_117, %eq3A_118 : i32
      %eq3A_120 = arith.constant 0 : i32
      %eq3A_121 = arith.cmpi eq, %scan3A_117, %eq3A_120 : i32
      %add3A_122 = arith.constant 0 : i32
      %add3A_123 = arith.addi %add3A_122, %mul3A_6 : i32
      %select_n3A_124 = arith.constant true
      %select_n3A_125 = arith.constant 0 : i32
      %select_n3A_126 = arith.constant -1 : i32
      %select_n3A_127 = arith.select %select_n3A_124, %select_n3A_126, %select_n3A_125 : i32
      %eq3A_128 = arith.constant -1 : i32
      %eq3A_129 = arith.cmpi eq, %select_n3A_127, %eq3A_128 : i32
      %select_n3A_130 = arith.constant 0 : i32
      %select_n3A_131 = arith.select %eq3A_129, %select_n3A_130, %select_n3A_127 : i32
      %add3A_132 = arith.constant 0 : i32
      %add3A_133 = arith.addi %add3A_132, %mul3A_6 : i32
      %select_n3A_134 = arith.constant true
      %select_n3A_135 = arith.constant 0 : i32
      %select_n3A_136 = arith.constant 1 : i32
      %select_n3A_137 = arith.select %select_n3A_134, %select_n3A_136, %select_n3A_135 : i32
      %eq3A_138 = arith.constant 1 : i32
      %eq3A_139 = arith.cmpi eq, %select_n3A_137, %eq3A_138 : i32
      %select_n3A_140 = arith.constant 0 : i32
      %select_n3A_141 = arith.select %eq3A_139, %select_n3A_140, %select_n3A_137 : i32
      %add3A_142 = arith.constant 0 : i32
      %add3A_143 = arith.addi %add3A_142, %mul3A_6 : i32
      %select_n3A_144 = arith.constant true
      %select_n3A_145 = arith.constant 0 : i32
      %select_n3A_146 = arith.constant 1 : i32
      %select_n3A_147 = arith.select %select_n3A_144, %select_n3A_146, %select_n3A_145 : i32
      %eq3A_148 = arith.constant 1 : i32
      %eq3A_149 = arith.cmpi eq, %select_n3A_147, %eq3A_148 : i32
      %select_n3A_150 = arith.constant 0 : i32
      %select_n3A_151 = arith.select %eq3A_149, %select_n3A_150, %select_n3A_147 : i32
      %add3A_152 = arith.constant 0 : i32
      %add3A_153 = arith.addi %add3A_152, %mul3A_6 : i32
      %ne3A = arith.cmpi ne, %add3A_123, %add3A_143 : i32
      %or3A = arith.constant false
      %or3A_154 = arith.ori %or3A, %ne3A : i1
      %or3A_155 = arith.constant false
      %or3A_156 = arith.ori %or3A_154, %or3A_155 : i1
      %ge3A = arith.constant 0 : i32
      %ge3A_157 = arith.cmpi sge, %scan3A_117, %ge3A : i32
      %not3A = arith.constant true
      %not3A_158 = arith.xori %ge3A_157, %not3A : i1
      %and3A = arith.andi %or3A_156, %not3A_158 : i1
      %convert_element_type3A = arith.extui %and3A : i1 to i32
      %cond3A = arith.constant 0 : i32
      %cond3A_159 = arith.cmpi ne, %convert_element_type3A, %cond3A : i32
      scf.if %cond3A_159 {
        "tpu.trace_start"() <{level = 10 : i32, message = "ep_copy_in"}> : () -> ()
        %rem3A_311 = arith.constant 2 : i32
        %rem3A_312 = arith.remui %select_n3A_89, %rem3A_311 : i32
        %mul3A_313 = arith.constant 128 : i32
        %mul3A_314 = arith.muli %mul3A_313, %add3A_143 : i32
        %dma_start3A_315 = arith.constant 0 : i32
        %dma_start3A_316 = arith.constant 0 : i32
        %dma_start3A_317 = tpu.memref_slice %run_scoped3A[%rem3A_312, %dma_start3A_315, %dma_start3A_316] : memref<2x128x256xi32, #tpu.memory_space<vmem>> -> memref<1x128x256xi32, #tpu.memory_space<vmem>>
        %dma_start3A_318 = tpu.memref_squeeze %dma_start3A_317 : memref<1x128x256xi32, #tpu.memory_space<vmem>> -> memref<128x256xi32, #tpu.memory_space<vmem>>
        %dma_start3A_319 = arith.constant 0 : i32
        %dma_start3A_320 = tpu.memref_slice %arg2[%mul3A_314, %dma_start3A_319] : memref<4096x256xi32, #tpu.memory_space<hbm>> -> memref<128x256xi32, #tpu.memory_space<hbm>>
        %dma_start3A_321 = tpu.memref_slice %run_scoped3A_34[%rem3A_312] : memref<2x!tpu.dma_semaphore, #tpu.memory_space<semaphore_mem>> -> memref<1x!tpu.dma_semaphore, #tpu.memory_space<semaphore_mem>>
        %dma_start3A_322 = tpu.memref_squeeze %dma_start3A_321 : memref<1x!tpu.dma_semaphore, #tpu.memory_space<semaphore_mem>> -> memref<!tpu.dma_semaphore, #tpu.memory_space<semaphore_mem>>
        %dma_start3A_323 = arith.constant 0 : i32
        %dma_start3A_324 = arith.constant 0 : i32
        %dma_start3A_325 = tpu.memref_slice %run_scoped3A[%rem3A_312, %dma_start3A_323, %dma_start3A_324] : memref<2x128x256xi32, #tpu.memory_space<vmem>> -> memref<1x128x256xi32, #tpu.memory_space<vmem>>
        %dma_start3A_326 = tpu.memref_squeeze %dma_start3A_325 : memref<1x128x256xi32, #tpu.memory_space<vmem>> -> memref<128x256xi32, #tpu.memory_space<vmem>>
        %dma_start3A_327 = arith.constant 0 : i32
        %dma_start3A_328 = tpu.memref_slice %arg2[%mul3A_314, %dma_start3A_327] : memref<4096x256xi32, #tpu.memory_space<hbm>> -> memref<128x256xi32, #tpu.memory_space<hbm>>
        tpu.enqueue_dma source(%dma_start3A_328 : memref<128x256xi32, #tpu.memory_space<hbm>>) target(%dma_start3A_326 : memref<128x256xi32, #tpu.memory_space<vmem>>) target_semaphore(%dma_start3A_322 : memref<!tpu.dma_semaphore, #tpu.memory_space<semaphore_mem>>)
        "tpu.trace_stop"() : () -> ()
      } else {
      }
      %and3A_160 = arith.constant true
      %and3A_161 = arith.andi %and3A, %and3A_160 : i1
      %add3A_162 = arith.constant 1 : i32
      %add3A_163 = arith.addi %select_n3A_89, %add3A_162 : i32
      %select_n3A_164 = arith.select %and3A_161, %add3A_163, %select_n3A_89 : i32
      %ne3A_165 = arith.cmpi ne, %add3A_123, %add3A_143 : i32
      %or3A_166 = arith.constant false
      %or3A_167 = arith.ori %or3A_166, %ne3A_165 : i1
      %ge3A_168 = arith.constant 0 : i32
      %ge3A_169 = arith.cmpi sge, %scan3A_117, %ge3A_168 : i32
      %not3A_170 = arith.constant true
      %not3A_171 = arith.xori %ge3A_169, %not3A_170 : i1
      %and3A_172 = arith.andi %or3A_167, %not3A_171 : i1
      %convert_element_type3A_173 = arith.extui %and3A_172 : i1 to i32
      %cond3A_174 = arith.constant 0 : i32
      %cond3A_175 = arith.cmpi ne, %convert_element_type3A_173, %cond3A_174 : i32
      scf.if %cond3A_175 {
        "tpu.trace_start"() <{level = 10 : i32, message = "ep_copy_in"}> : () -> ()
        %rem3A_311 = arith.constant 2 : i32
        %rem3A_312 = arith.remui %select_n3A_114, %rem3A_311 : i32
        %mul3A_313 = arith.constant 128 : i32
        %mul3A_314 = arith.muli %mul3A_313, %add3A_143 : i32
        %dma_start3A_315 = arith.constant 0 : i32
        %dma_start3A_316 = arith.constant 0 : i32
        %dma_start3A_317 = tpu.memref_slice %run_scoped3A_35[%rem3A_312, %dma_start3A_315, %dma_start3A_316] : memref<2x1x128xi32, #tpu.memory_space<vmem>> -> memref<1x1x128xi32, #tpu.memory_space<vmem>>
        %dma_start3A_318 = tpu.memref_squeeze %dma_start3A_317 : memref<1x1x128xi32, #tpu.memory_space<vmem>> -> memref<1x128xi32, #tpu.memory_space<vmem>>
        %dma_start3A_319 = arith.constant 0 : i32
        %dma_start3A_320 = tpu.memref_slice %arg4[%dma_start3A_319, %mul3A_314] : memref<1x4096xi32, #tpu.memory_space<hbm>> -> memref<1x128xi32, #tpu.memory_space<hbm>>
        %dma_start3A_321 = tpu.memref_slice %run_scoped3A_36[%rem3A_312] : memref<2x!tpu.dma_semaphore, #tpu.memory_space<semaphore_mem>> -> memref<1x!tpu.dma_semaphore, #tpu.memory_space<semaphore_mem>>
        %dma_start3A_322 = tpu.memref_squeeze %dma_start3A_321 : memref<1x!tpu.dma_semaphore, #tpu.memory_space<semaphore_mem>> -> memref<!tpu.dma_semaphore, #tpu.memory_space<semaphore_mem>>
        %dma_start3A_323 = arith.constant 0 : i32
        %dma_start3A_324 = arith.constant 0 : i32
        %dma_start3A_325 = tpu.memref_slice %run_scoped3A_35[%rem3A_312, %dma_start3A_323, %dma_start3A_324] : memref<2x1x128xi32, #tpu.memory_space<vmem>> -> memref<1x1x128xi32, #tpu.memory_space<vmem>>
        %dma_start3A_326 = tpu.memref_squeeze %dma_start3A_325 : memref<1x1x128xi32, #tpu.memory_space<vmem>> -> memref<1x128xi32, #tpu.memory_space<vmem>>
        %dma_start3A_327 = arith.constant 0 : i32
        %dma_start3A_328 = tpu.memref_slice %arg4[%dma_start3A_327, %mul3A_314] : memref<1x4096xi32, #tpu.memory_space<hbm>> -> memref<1x128xi32, #tpu.memory_space<hbm>>
        tpu.enqueue_dma source(%dma_start3A_328 : memref<1x128xi32, #tpu.memory_space<hbm>>) target(%dma_start3A_326 : memref<1x128xi32, #tpu.memory_space<vmem>>) target_semaphore(%dma_start3A_322 : memref<!tpu.dma_semaphore, #tpu.memory_space<semaphore_mem>>)
        "tpu.trace_stop"() : () -> ()
      } else {
      }
      %and3A_176 = arith.constant true
      %and3A_177 = arith.andi %and3A_172, %and3A_176 : i1
      %add3A_178 = arith.constant 1 : i32
      %add3A_179 = arith.addi %select_n3A_114, %add3A_178 : i32
      %select_n3A_180 = arith.select %and3A_177, %add3A_179, %select_n3A_114 : i32
      %ne3A_181 = arith.cmpi ne, %add3A_123, %add3A_133 : i32
      %or3A_182 = arith.constant false
      %or3A_183 = arith.ori %or3A_182, %ne3A_181 : i1
      %or3A_184 = arith.constant false
      %or3A_185 = arith.ori %or3A_183, %or3A_184 : i1
      %or3A_186 = arith.ori %or3A_185, %eq3A_119 : i1
      %convert_element_type3A_187 = arith.extui %or3A_186 : i1 to i32
      %cond3A_188 = arith.constant 0 : i32
      %cond3A_189 = arith.cmpi ne, %convert_element_type3A_187, %cond3A_188 : i32
      scf.if %cond3A_189 {
        "tpu.trace_start"() <{level = 10 : i32, message = "ep_wait_in"}> : () -> ()
        %mul3A_311 = arith.constant 128 : i32
        %mul3A_312 = arith.muli %mul3A_311, %add3A_123 : i32
        %rem3A_313 = arith.constant 2 : i32
        %rem3A_314 = arith.remui %scan3A, %rem3A_313 : i32
        %dma_wait3A = arith.constant 0 : i32
        %dma_wait3A_315 = arith.constant 0 : i32
        %dma_wait3A_316 = tpu.memref_slice %run_scoped3A[%rem3A_314, %dma_wait3A, %dma_wait3A_315] : memref<2x128x256xi32, #tpu.memory_space<vmem>> -> memref<1x128x256xi32, #tpu.memory_space<vmem>>
        %dma_wait3A_317 = tpu.memref_squeeze %dma_wait3A_316 : memref<1x128x256xi32, #tpu.memory_space<vmem>> -> memref<128x256xi32, #tpu.memory_space<vmem>>
        %dma_wait3A_318 = arith.constant 0 : i32
        %dma_wait3A_319 = tpu.memref_slice %arg2[%mul3A_312, %dma_wait3A_318] : memref<4096x256xi32, #tpu.memory_space<hbm>> -> memref<128x256xi32, #tpu.memory_space<hbm>>
        %dma_wait3A_320 = tpu.memref_slice %run_scoped3A_34[%rem3A_314] : memref<2x!tpu.dma_semaphore, #tpu.memory_space<semaphore_mem>> -> memref<1x!tpu.dma_semaphore, #tpu.memory_space<semaphore_mem>>
        %dma_wait3A_321 = tpu.memref_squeeze %dma_wait3A_320 : memref<1x!tpu.dma_semaphore, #tpu.memory_space<semaphore_mem>> -> memref<!tpu.dma_semaphore, #tpu.memory_space<semaphore_mem>>
        %dma_wait3A_322 = arith.constant 0 : i32
        %dma_wait3A_323 = arith.constant 0 : i32
        %dma_wait3A_324 = tpu.memref_slice %run_scoped3A[%rem3A_314, %dma_wait3A_322, %dma_wait3A_323] : memref<2x128x256xi32, #tpu.memory_space<vmem>> -> memref<1x128x256xi32, #tpu.memory_space<vmem>>
        %dma_wait3A_325 = tpu.memref_squeeze %dma_wait3A_324 : memref<1x128x256xi32, #tpu.memory_space<vmem>> -> memref<128x256xi32, #tpu.memory_space<vmem>>
        %dma_wait3A_326 = arith.constant 0 : i32
        %dma_wait3A_327 = tpu.memref_slice %arg2[%mul3A_312, %dma_wait3A_326] : memref<4096x256xi32, #tpu.memory_space<hbm>> -> memref<128x256xi32, #tpu.memory_space<hbm>>
        tpu.wait_dma2 semaphore(%dma_wait3A_321 : memref<!tpu.dma_semaphore, #tpu.memory_space<semaphore_mem>>) src(%dma_wait3A_327 : memref<128x256xi32, #tpu.memory_space<hbm>>) dst(%dma_wait3A_325 : memref<128x256xi32, #tpu.memory_space<vmem>>)
        "tpu.trace_stop"() : () -> ()
      } else {
      }
      %ne3A_190 = arith.cmpi ne, %add3A_123, %add3A_133 : i32
      %or3A_191 = arith.constant false
      %or3A_192 = arith.ori %or3A_191, %ne3A_190 : i1
      %or3A_193 = arith.ori %or3A_192, %eq3A_119 : i1
      %convert_element_type3A_194 = arith.extui %or3A_193 : i1 to i32
      %cond3A_195 = arith.constant 0 : i32
      %cond3A_196 = arith.cmpi ne, %convert_element_type3A_194, %cond3A_195 : i32
      scf.if %cond3A_196 {
        "tpu.trace_start"() <{level = 10 : i32, message = "ep_wait_in"}> : () -> ()
        %mul3A_311 = arith.constant 128 : i32
        %mul3A_312 = arith.muli %mul3A_311, %add3A_123 : i32
        %rem3A_313 = arith.constant 2 : i32
        %rem3A_314 = arith.remui %scan3A_115, %rem3A_313 : i32
        %dma_wait3A = arith.constant 0 : i32
        %dma_wait3A_315 = arith.constant 0 : i32
        %dma_wait3A_316 = tpu.memref_slice %run_scoped3A_35[%rem3A_314, %dma_wait3A, %dma_wait3A_315] : memref<2x1x128xi32, #tpu.memory_space<vmem>> -> memref<1x1x128xi32, #tpu.memory_space<vmem>>
        %dma_wait3A_317 = tpu.memref_squeeze %dma_wait3A_316 : memref<1x1x128xi32, #tpu.memory_space<vmem>> -> memref<1x128xi32, #tpu.memory_space<vmem>>
        %dma_wait3A_318 = arith.constant 0 : i32
        %dma_wait3A_319 = tpu.memref_slice %arg4[%dma_wait3A_318, %mul3A_312] : memref<1x4096xi32, #tpu.memory_space<hbm>> -> memref<1x128xi32, #tpu.memory_space<hbm>>
        %dma_wait3A_320 = tpu.memref_slice %run_scoped3A_36[%rem3A_314] : memref<2x!tpu.dma_semaphore, #tpu.memory_space<semaphore_mem>> -> memref<1x!tpu.dma_semaphore, #tpu.memory_space<semaphore_mem>>
        %dma_wait3A_321 = tpu.memref_squeeze %dma_wait3A_320 : memref<1x!tpu.dma_semaphore, #tpu.memory_space<semaphore_mem>> -> memref<!tpu.dma_semaphore, #tpu.memory_space<semaphore_mem>>
        %dma_wait3A_322 = arith.constant 0 : i32
        %dma_wait3A_323 = arith.constant 0 : i32
        %dma_wait3A_324 = tpu.memref_slice %run_scoped3A_35[%rem3A_314, %dma_wait3A_322, %dma_wait3A_323] : memref<2x1x128xi32, #tpu.memory_space<vmem>> -> memref<1x1x128xi32, #tpu.memory_space<vmem>>
        %dma_wait3A_325 = tpu.memref_squeeze %dma_wait3A_324 : memref<1x1x128xi32, #tpu.memory_space<vmem>> -> memref<1x128xi32, #tpu.memory_space<vmem>>
        %dma_wait3A_326 = arith.constant 0 : i32
        %dma_wait3A_327 = tpu.memref_slice %arg4[%dma_wait3A_326, %mul3A_312] : memref<1x4096xi32, #tpu.memory_space<hbm>> -> memref<1x128xi32, #tpu.memory_space<hbm>>
        tpu.wait_dma2 semaphore(%dma_wait3A_321 : memref<!tpu.dma_semaphore, #tpu.memory_space<semaphore_mem>>) src(%dma_wait3A_327 : memref<1x128xi32, #tpu.memory_space<hbm>>) dst(%dma_wait3A_325 : memref<1x128xi32, #tpu.memory_space<vmem>>)
        "tpu.trace_stop"() : () -> ()
      } else {
      }
      %rem3A_197 = arith.constant 2 : i32
      %rem3A_198 = arith.remui %scan3A, %rem3A_197 : i32
      %rem3A_199 = arith.constant 2 : i32
      %rem3A_200 = arith.remui %scan3A_115, %rem3A_199 : i32
      %run_scoped3A_201 = arith.constant 0 : i32
      "tpu.trace_start"() <{level = 10 : i32, message = "ep_run_kernel"}> : () -> ()
      "tpu.region"() ({
        %run_scoped3A_311 = tpu.sem_alloc : memref<!tpu.dma_semaphore, #tpu.memory_space<semaphore_mem>>
        %dma_start3A_312 = arith.constant 0 : i32
        %dma_start3A_313 = arith.constant 0 : i32
        %dma_start3A_314 = tpu.memref_slice %run_scoped3A[%rem3A_198, %dma_start3A_312, %dma_start3A_313] : memref<2x128x256xi32, #tpu.memory_space<vmem>> -> memref<1x128x256xi32, #tpu.memory_space<vmem>>
        %dma_start3A_315 = tpu.memref_squeeze %dma_start3A_314 : memref<1x128x256xi32, #tpu.memory_space<vmem>> -> memref<128x256xi32, #tpu.memory_space<vmem>>
        %dma_start3A_316 = arith.constant 0 : i32
        %dma_start3A_317 = arith.constant 0 : i32
        %dma_start3A_318 = tpu.memref_slice %run_scoped3A_35[%rem3A_200, %dma_start3A_316, %dma_start3A_317] : memref<2x1x128xi32, #tpu.memory_space<vmem>> -> memref<1x1x128xi32, #tpu.memory_space<vmem>>
        %dma_start3A_319 = tpu.memref_squeeze %dma_start3A_318 : memref<1x1x128xi32, #tpu.memory_space<vmem>> -> memref<1x128xi32, #tpu.memory_space<vmem>>
        %dma_start3A_320 = arith.constant 0 : i32
        %dma_start3A_321 = tpu.memref_slice %dma_start3A_319[%run_scoped3A_201, %dma_start3A_320] : memref<1x128xi32, #tpu.memory_space<vmem>> -> memref<1x128xi32, #tpu.memory_space<vmem>>
        %dma_start3A_322 = tpu.memref_squeeze %dma_start3A_321 : memref<1x128xi32, #tpu.memory_space<vmem>> -> memref<128xi32, #tpu.memory_space<vmem>>
        %dma_start3A_323 = arith.constant 0 : i32
        %dma_start3A_324 = arith.constant 0 : i32
        %dma_start3A_325 = tpu.memref_slice %arg6[%dma_start3A_323, %dma_start3A_324] : memref<8192x256xi32, #tpu.memory_space<hbm>> -> memref<8192x256xi32, #tpu.memory_space<hbm>>
        tpu.enqueue_indirect_dma source(%dma_start3A_315 : memref<128x256xi32, #tpu.memory_space<vmem>>) target(%dma_start3A_325 : memref<8192x256xi32, #tpu.memory_space<hbm>>) offsets(%dma_start3A_322 : memref<128xi32, #tpu.memory_space<vmem>>) semaphore(%run_scoped3A_311 : memref<!tpu.dma_semaphore, #tpu.memory_space<semaphore_mem>>)
        %dma_wait3A = arith.constant 0 : i32
        %dma_wait3A_326 = arith.constant 0 : i32
        %dma_wait3A_327 = tpu.memref_slice %run_scoped3A[%rem3A_198, %dma_wait3A, %dma_wait3A_326] : memref<2x128x256xi32, #tpu.memory_space<vmem>> -> memref<1x128x256xi32, #tpu.memory_space<vmem>>
        %dma_wait3A_328 = tpu.memref_squeeze %dma_wait3A_327 : memref<1x128x256xi32, #tpu.memory_space<vmem>> -> memref<128x256xi32, #tpu.memory_space<vmem>>
        %dma_wait3A_329 = arith.constant 0 : i32
        %dma_wait3A_330 = arith.constant 0 : i32
        %dma_wait3A_331 = tpu.memref_slice %run_scoped3A_35[%rem3A_200, %dma_wait3A_329, %dma_wait3A_330] : memref<2x1x128xi32, #tpu.memory_space<vmem>> -> memref<1x1x128xi32, #tpu.memory_space<vmem>>
        %dma_wait3A_332 = tpu.memref_squeeze %dma_wait3A_331 : memref<1x1x128xi32, #tpu.memory_space<vmem>> -> memref<1x128xi32, #tpu.memory_space<vmem>>
        %dma_wait3A_333 = arith.constant 0 : i32
        %dma_wait3A_334 = tpu.memref_slice %dma_wait3A_332[%run_scoped3A_201, %dma_wait3A_333] : memref<1x128xi32, #tpu.memory_space<vmem>> -> memref<1x128xi32, #tpu.memory_space<vmem>>
        %dma_wait3A_335 = tpu.memref_squeeze %dma_wait3A_334 : memref<1x128xi32, #tpu.memory_space<vmem>> -> memref<128xi32, #tpu.memory_space<vmem>>
        %dma_wait3A_336 = arith.constant 0 : i32
        %dma_wait3A_337 = arith.constant 0 : i32
        %dma_wait3A_338 = tpu.memref_slice %arg6[%dma_wait3A_336, %dma_wait3A_337] : memref<8192x256xi32, #tpu.memory_space<hbm>> -> memref<8192x256xi32, #tpu.memory_space<hbm>>
        tpu.wait_indirect_dma semaphore(%run_scoped3A_311 : memref<!tpu.dma_semaphore, #tpu.memory_space<semaphore_mem>>) src(%dma_wait3A_328 : memref<128x256xi32, #tpu.memory_space<vmem>>) dst(%dma_wait3A_338 : memref<8192x256xi32, #tpu.memory_space<hbm>>)
        tpu.yield
      }) : () -> ()
      "tpu.trace_stop"() : () -> ()
      %ne3A_202 = arith.cmpi ne, %add3A_123, %add3A_143 : i32
      %or3A_203 = arith.constant false
      %or3A_204 = arith.ori %or3A_203, %ne3A_202 : i1
      %or3A_205 = arith.constant false
      %or3A_206 = arith.ori %or3A_204, %or3A_205 : i1
      %or3A_207 = arith.ori %or3A_206, %eq3A_121 : i1
      %convert_element_type3A_208 = arith.extui %or3A_207 : i1 to i32
      %cond3A_209 = arith.constant 0 : i32
      %cond3A_210 = arith.cmpi ne, %convert_element_type3A_208, %cond3A_209 : i32
      scf.if %cond3A_210 {
      } else {
      }
      %and3A_211 = arith.constant false
      %and3A_212 = arith.andi %or3A_207, %and3A_211 : i1
      %ne3A_213 = arith.cmpi ne, %add3A_123, %add3A_143 : i32
      %or3A_214 = arith.constant false
      %or3A_215 = arith.ori %or3A_214, %ne3A_213 : i1
      %or3A_216 = arith.ori %or3A_215, %eq3A_121 : i1
      %convert_element_type3A_217 = arith.extui %or3A_216 : i1 to i32
      %cond3A_218 = arith.constant 0 : i32
      %cond3A_219 = arith.cmpi ne, %convert_element_type3A_217, %cond3A_218 : i32
      scf.if %cond3A_219 {
      } else {
      }
      %and3A_220 = arith.constant false
      %and3A_221 = arith.andi %or3A_216, %and3A_220 : i1
      %ne3A_222 = arith.cmpi ne, %add3A_123, %add3A_133 : i32
      %or3A_223 = arith.constant false
      %or3A_224 = arith.ori %or3A_223, %ne3A_222 : i1
      %or3A_225 = arith.constant false
      %or3A_226 = arith.ori %or3A_224, %or3A_225 : i1
      %not3A_227 = arith.constant true
      %not3A_228 = arith.xori %eq3A_119, %not3A_227 : i1
      %and3A_229 = arith.andi %or3A_226, %not3A_228 : i1
      %convert_element_type3A_230 = arith.extui %and3A_229 : i1 to i32
      %cond3A_231 = arith.constant 0 : i32
      %cond3A_232 = arith.cmpi ne, %convert_element_type3A_230, %cond3A_231 : i32
      scf.if %cond3A_232 {
      } else {
      }
      %and3A_233 = arith.constant false
      %and3A_234 = arith.andi %and3A_229, %and3A_233 : i1
      %ne3A_235 = arith.cmpi ne, %add3A_123, %add3A_133 : i32
      %or3A_236 = arith.constant false
      %or3A_237 = arith.ori %or3A_236, %ne3A_235 : i1
      %not3A_238 = arith.constant true
      %not3A_239 = arith.xori %eq3A_119, %not3A_238 : i1
      %and3A_240 = arith.andi %or3A_237, %not3A_239 : i1
      %convert_element_type3A_241 = arith.extui %and3A_240 : i1 to i32
      %cond3A_242 = arith.constant 0 : i32
      %cond3A_243 = arith.cmpi ne, %convert_element_type3A_241, %cond3A_242 : i32
      scf.if %cond3A_243 {
      } else {
      }
      %and3A_244 = arith.constant false
      %and3A_245 = arith.andi %and3A_240, %and3A_244 : i1
      %ne3A_246 = arith.cmpi ne, %add3A_123, %add3A_143 : i32
      %or3A_247 = arith.constant false
      %or3A_248 = arith.ori %or3A_247, %ne3A_246 : i1
      %or3A_249 = arith.constant false
      %or3A_250 = arith.ori %or3A_248, %or3A_249 : i1
      %or3A_251 = arith.ori %or3A_250, %eq3A_121 : i1
      %add3A_252 = arith.constant 1 : i32
      %add3A_253 = arith.addi %scan3A, %add3A_252 : i32
      %select_n3A_254 = arith.select %or3A_251, %add3A_253, %scan3A : i32
      %ne3A_255 = arith.cmpi ne, %add3A_123, %add3A_143 : i32
      %or3A_256 = arith.constant false
      %or3A_257 = arith.ori %or3A_256, %ne3A_255 : i1
      %or3A_258 = arith.ori %or3A_257, %eq3A_121 : i1
      %add3A_259 = arith.constant 1 : i32
      %add3A_260 = arith.addi %scan3A_115, %add3A_259 : i32
      %select_n3A_261 = arith.select %or3A_258, %add3A_260, %scan3A_115 : i32
      %select_n3A_262 = arith.constant true
      %select_n3A_263 = arith.constant 0 : i32
      %select_n3A_264 = arith.constant 1 : i32
      %select_n3A_265 = arith.select %select_n3A_262, %select_n3A_264, %select_n3A_263 : i32
      %eq3A_266 = arith.constant 1 : i32
      %eq3A_267 = arith.cmpi eq, %select_n3A_265, %eq3A_266 : i32
      %select_n3A_268 = arith.constant 0 : i32
      %select_n3A_269 = arith.select %eq3A_267, %select_n3A_268, %select_n3A_265 : i32
      %scan3A_270 = arith.constant 0 : i32
      %scan3A_271 = arith.constant 1 : i32
      %sub3A = arith.constant 1 : i32
      %sub3A_272 = arith.subi %scan3A_270, %sub3A : i32
      %select_n3A_273 = arith.constant true
      %select_n3A_274 = arith.select %select_n3A_273, %sub3A_272, %scan3A_270 : i32
      %eq3A_275 = arith.constant -1 : i32
      %eq3A_276 = arith.cmpi eq, %select_n3A_274, %eq3A_275 : i32
      %select_n3A_277 = arith.constant 0 : i32
      %select_n3A_278 = arith.select %eq3A_276, %select_n3A_277, %select_n3A_274 : i32
      %add3A_279 = arith.constant 0 : i32
      %add3A_280 = arith.addi %add3A_279, %mul3A_6 : i32
      %select_n3A_281 = arith.constant true
      %select_n3A_282 = arith.constant 0 : i32
      %select_n3A_283 = arith.constant -1 : i32
      %select_n3A_284 = arith.select %select_n3A_281, %select_n3A_283, %select_n3A_282 : i32
      %eq3A_285 = arith.constant -1 : i32
      %eq3A_286 = arith.cmpi eq, %select_n3A_284, %eq3A_285 : i32
      %select_n3A_287 = arith.constant 0 : i32
      %select_n3A_288 = arith.select %eq3A_286, %select_n3A_287, %select_n3A_284 : i32
      %add3A_289 = arith.constant 0 : i32
      %add3A_290 = arith.addi %add3A_289, %mul3A_6 : i32
      %select_n3A_291 = arith.constant true
      %select_n3A_292 = arith.constant 0 : i32
      %select_n3A_293 = arith.constant 1 : i32
      %select_n3A_294 = arith.select %select_n3A_291, %select_n3A_293, %select_n3A_292 : i32
      %eq3A_295 = arith.constant 1 : i32
      %eq3A_296 = arith.cmpi eq, %select_n3A_294, %eq3A_295 : i32
      %select_n3A_297 = arith.constant 0 : i32
      %select_n3A_298 = arith.select %eq3A_296, %select_n3A_297, %select_n3A_294 : i32
      %add3A_299 = arith.constant 0 : i32
      %add3A_300 = arith.addi %add3A_299, %mul3A_6 : i32
      %select_n3A_301 = arith.constant true
      %select_n3A_302 = arith.constant 0 : i32
      %select_n3A_303 = arith.constant 1 : i32
      %select_n3A_304 = arith.select %select_n3A_301, %select_n3A_303, %select_n3A_302 : i32
      %eq3A_305 = arith.constant 1 : i32
      %eq3A_306 = arith.cmpi eq, %select_n3A_304, %eq3A_305 : i32
      %select_n3A_307 = arith.constant 0 : i32
      %select_n3A_308 = arith.select %eq3A_306, %select_n3A_307, %select_n3A_304 : i32
      %add3A_309 = arith.constant 0 : i32
      %add3A_310 = arith.addi %add3A_309, %mul3A_6 : i32
      tpu.yield
    }) : () -> ()
    %mul3A_7 = arith.constant 1 : i32
    %mul3A_8 = arith.muli %arg1, %mul3A_7 : i32
    %add3A_9 = arith.constant 0 : i32
    %add3A_10 = arith.addi %add3A_9, %mul3A_8 : i32
    %mul3A_11 = arith.constant 16 : i32
    %mul3A_12 = arith.muli %arg0, %mul3A_11 : i32
    %add3A_13 = arith.addi %add3A_10, %mul3A_12 : i32
    %mul3A_14 = arith.constant 1 : i32
    %mul3A_15 = arith.muli %add3A_13, %mul3A_14 : i32
    "tpu.region"() ({
      %run_scoped3A = memref.alloca() : memref<2x128x256xi32, #tpu.memory_space<vmem>>
      %run_scoped3A_34 = tpu.sem_alloc : memref<2x!tpu.dma_semaphore, #tpu.memory_space<semaphore_mem>>
      %run_scoped3A_35 = memref.alloca() : memref<2x1x128xi32, #tpu.memory_space<vmem>>
      %run_scoped3A_36 = tpu.sem_alloc : memref<2x!tpu.dma_semaphore, #tpu.memory_space<semaphore_mem>>
      %add3A_37 = arith.constant 0 : i32
      %add3A_38 = arith.addi %add3A_37, %mul3A_15 : i32
      %select_n3A = arith.constant true
      %select_n3A_39 = arith.constant 0 : i32
      %select_n3A_40 = arith.constant -1 : i32
      %select_n3A_41 = arith.select %select_n3A, %select_n3A_40, %select_n3A_39 : i32
      %eq3A = arith.constant -1 : i32
      %eq3A_42 = arith.cmpi eq, %select_n3A_41, %eq3A : i32
      %select_n3A_43 = arith.constant 0 : i32
      %select_n3A_44 = arith.select %eq3A_42, %select_n3A_43, %select_n3A_41 : i32
      %add3A_45 = arith.constant 0 : i32
      %add3A_46 = arith.addi %add3A_45, %mul3A_15 : i32
      %select_n3A_47 = arith.constant true
      %select_n3A_48 = arith.constant 0 : i32
      %select_n3A_49 = arith.constant 1 : i32
      %select_n3A_50 = arith.select %select_n3A_47, %select_n3A_49, %select_n3A_48 : i32
      %eq3A_51 = arith.constant 1 : i32
      %eq3A_52 = arith.cmpi eq, %select_n3A_50, %eq3A_51 : i32
      %select_n3A_53 = arith.constant 0 : i32
      %select_n3A_54 = arith.select %eq3A_52, %select_n3A_53, %select_n3A_50 : i32
      %add3A_55 = arith.constant 0 : i32
      %add3A_56 = arith.addi %add3A_55, %mul3A_15 : i32
      %select_n3A_57 = arith.constant true
      %select_n3A_58 = arith.constant 0 : i32
      %select_n3A_59 = arith.constant 1 : i32
      %select_n3A_60 = arith.select %select_n3A_57, %select_n3A_59, %select_n3A_58 : i32
      %eq3A_61 = arith.constant 1 : i32
      %eq3A_62 = arith.cmpi eq, %select_n3A_60, %eq3A_61 : i32
      %select_n3A_63 = arith.constant 0 : i32
      %select_n3A_64 = arith.select %eq3A_62, %select_n3A_63, %select_n3A_60 : i32
      %add3A_65 = arith.constant 0 : i32
      %add3A_66 = arith.addi %add3A_65, %mul3A_15 : i32
      "tpu.trace_start"() <{level = 10 : i32, message = "ep_initialize_0"}> : () -> ()
      %rem3A = arith.constant 0 : i32
      %rem3A_67 = arith.constant 2 : i32
      %rem3A_68 = arith.remui %rem3A, %rem3A_67 : i32
      %mul3A_69 = arith.constant 128 : i32
      %mul3A_70 = arith.muli %mul3A_69, %add3A_38 : i32
      %dma_start3A = arith.constant 0 : i32
      %dma_start3A_71 = arith.constant 0 : i32
      %dma_start3A_72 = tpu.memref_slice %run_scoped3A[%rem3A_68, %dma_start3A, %dma_start3A_71] : memref<2x128x256xi32, #tpu.memory_space<vmem>> -> memref<1x128x256xi32, #tpu.memory_space<vmem>>
      %dma_start3A_73 = tpu.memref_squeeze %dma_start3A_72 : memref<1x128x256xi32, #tpu.memory_space<vmem>> -> memref<128x256xi32, #tpu.memory_space<vmem>>
      %dma_start3A_74 = arith.constant 0 : i32
      %dma_start3A_75 = tpu.memref_slice %arg3[%mul3A_70, %dma_start3A_74] : memref<4096x256xi32, #tpu.memory_space<hbm>> -> memref<128x256xi32, #tpu.memory_space<hbm>>
      %dma_start3A_76 = tpu.memref_slice %run_scoped3A_34[%rem3A_68] : memref<2x!tpu.dma_semaphore, #tpu.memory_space<semaphore_mem>> -> memref<1x!tpu.dma_semaphore, #tpu.memory_space<semaphore_mem>>
      %dma_start3A_77 = tpu.memref_squeeze %dma_start3A_76 : memref<1x!tpu.dma_semaphore, #tpu.memory_space<semaphore_mem>> -> memref<!tpu.dma_semaphore, #tpu.memory_space<semaphore_mem>>
      %dma_start3A_78 = arith.constant 0 : i32
      %dma_start3A_79 = arith.constant 0 : i32
      %dma_start3A_80 = tpu.memref_slice %run_scoped3A[%rem3A_68, %dma_start3A_78, %dma_start3A_79] : memref<2x128x256xi32, #tpu.memory_space<vmem>> -> memref<1x128x256xi32, #tpu.memory_space<vmem>>
      %dma_start3A_81 = tpu.memref_squeeze %dma_start3A_80 : memref<1x128x256xi32, #tpu.memory_space<vmem>> -> memref<128x256xi32, #tpu.memory_space<vmem>>
      %dma_start3A_82 = arith.constant 0 : i32
      %dma_start3A_83 = tpu.memref_slice %arg3[%mul3A_70, %dma_start3A_82] : memref<4096x256xi32, #tpu.memory_space<hbm>> -> memref<128x256xi32, #tpu.memory_space<hbm>>
      tpu.enqueue_dma source(%dma_start3A_83 : memref<128x256xi32, #tpu.memory_space<hbm>>) target(%dma_start3A_81 : memref<128x256xi32, #tpu.memory_space<vmem>>) target_semaphore(%dma_start3A_77 : memref<!tpu.dma_semaphore, #tpu.memory_space<semaphore_mem>>)
      %add3A_84 = arith.constant 0 : i32
      %add3A_85 = arith.constant 1 : i32
      %add3A_86 = arith.addi %add3A_84, %add3A_85 : i32
      %select_n3A_87 = arith.constant true
      %select_n3A_88 = arith.constant 0 : i32
      %select_n3A_89 = arith.select %select_n3A_87, %add3A_86, %select_n3A_88 : i32
      %rem3A_90 = arith.constant 0 : i32
      %rem3A_91 = arith.constant 2 : i32
      %rem3A_92 = arith.remui %rem3A_90, %rem3A_91 : i32
      %mul3A_93 = arith.constant 128 : i32
      %mul3A_94 = arith.muli %mul3A_93, %add3A_38 : i32
      %dma_start3A_95 = arith.constant 0 : i32
      %dma_start3A_96 = arith.constant 0 : i32
      %dma_start3A_97 = tpu.memref_slice %run_scoped3A_35[%rem3A_92, %dma_start3A_95, %dma_start3A_96] : memref<2x1x128xi32, #tpu.memory_space<vmem>> -> memref<1x1x128xi32, #tpu.memory_space<vmem>>
      %dma_start3A_98 = tpu.memref_squeeze %dma_start3A_97 : memref<1x1x128xi32, #tpu.memory_space<vmem>> -> memref<1x128xi32, #tpu.memory_space<vmem>>
      %dma_start3A_99 = arith.constant 0 : i32
      %dma_start3A_100 = tpu.memref_slice %arg4[%dma_start3A_99, %mul3A_94] : memref<1x4096xi32, #tpu.memory_space<hbm>> -> memref<1x128xi32, #tpu.memory_space<hbm>>
      %dma_start3A_101 = tpu.memref_slice %run_scoped3A_36[%rem3A_92] : memref<2x!tpu.dma_semaphore, #tpu.memory_space<semaphore_mem>> -> memref<1x!tpu.dma_semaphore, #tpu.memory_space<semaphore_mem>>
      %dma_start3A_102 = tpu.memref_squeeze %dma_start3A_101 : memref<1x!tpu.dma_semaphore, #tpu.memory_space<semaphore_mem>> -> memref<!tpu.dma_semaphore, #tpu.memory_space<semaphore_mem>>
      %dma_start3A_103 = arith.constant 0 : i32
      %dma_start3A_104 = arith.constant 0 : i32
      %dma_start3A_105 = tpu.memref_slice %run_scoped3A_35[%rem3A_92, %dma_start3A_103, %dma_start3A_104] : memref<2x1x128xi32, #tpu.memory_space<vmem>> -> memref<1x1x128xi32, #tpu.memory_space<vmem>>
      %dma_start3A_106 = tpu.memref_squeeze %dma_start3A_105 : memref<1x1x128xi32, #tpu.memory_space<vmem>> -> memref<1x128xi32, #tpu.memory_space<vmem>>
      %dma_start3A_107 = arith.constant 0 : i32
      %dma_start3A_108 = tpu.memref_slice %arg4[%dma_start3A_107, %mul3A_94] : memref<1x4096xi32, #tpu.memory_space<hbm>> -> memref<1x128xi32, #tpu.memory_space<hbm>>
      tpu.enqueue_dma source(%dma_start3A_108 : memref<1x128xi32, #tpu.memory_space<hbm>>) target(%dma_start3A_106 : memref<1x128xi32, #tpu.memory_space<vmem>>) target_semaphore(%dma_start3A_102 : memref<!tpu.dma_semaphore, #tpu.memory_space<semaphore_mem>>)
      %add3A_109 = arith.constant 0 : i32
      %add3A_110 = arith.constant 1 : i32
      %add3A_111 = arith.addi %add3A_109, %add3A_110 : i32
      %select_n3A_112 = arith.constant true
      %select_n3A_113 = arith.constant 0 : i32
      %select_n3A_114 = arith.select %select_n3A_112, %add3A_111, %select_n3A_113 : i32
      "tpu.trace_stop"() : () -> ()
      %scan3A = arith.constant 0 : i32
      %scan3A_115 = arith.constant 0 : i32
      %scan3A_116 = arith.constant 0 : i32
      %scan3A_117 = arith.constant 0 : i32
      %eq3A_118 = arith.constant 0 : i32
      %eq3A_119 = arith.cmpi eq, %scan3A_117, %eq3A_118 : i32
      %eq3A_120 = arith.constant 0 : i32
      %eq3A_121 = arith.cmpi eq, %scan3A_117, %eq3A_120 : i32
      %add3A_122 = arith.constant 0 : i32
      %add3A_123 = arith.addi %add3A_122, %mul3A_15 : i32
      %select_n3A_124 = arith.constant true
      %select_n3A_125 = arith.constant 0 : i32
      %select_n3A_126 = arith.constant -1 : i32
      %select_n3A_127 = arith.select %select_n3A_124, %select_n3A_126, %select_n3A_125 : i32
      %eq3A_128 = arith.constant -1 : i32
      %eq3A_129 = arith.cmpi eq, %select_n3A_127, %eq3A_128 : i32
      %select_n3A_130 = arith.constant 0 : i32
      %select_n3A_131 = arith.select %eq3A_129, %select_n3A_130, %select_n3A_127 : i32
      %add3A_132 = arith.constant 0 : i32
      %add3A_133 = arith.addi %add3A_132, %mul3A_15 : i32
      %select_n3A_134 = arith.constant true
      %select_n3A_135 = arith.constant 0 : i32
      %select_n3A_136 = arith.constant 1 : i32
      %select_n3A_137 = arith.select %select_n3A_134, %select_n3A_136, %select_n3A_135 : i32
      %eq3A_138 = arith.constant 1 : i32
      %eq3A_139 = arith.cmpi eq, %select_n3A_137, %eq3A_138 : i32
      %select_n3A_140 = arith.constant 0 : i32
      %select_n3A_141 = arith.select %eq3A_139, %select_n3A_140, %select_n3A_137 : i32
      %add3A_142 = arith.constant 0 : i32
      %add3A_143 = arith.addi %add3A_142, %mul3A_15 : i32
      %select_n3A_144 = arith.constant true
      %select_n3A_145 = arith.constant 0 : i32
      %select_n3A_146 = arith.constant 1 : i32
      %select_n3A_147 = arith.select %select_n3A_144, %select_n3A_146, %select_n3A_145 : i32
      %eq3A_148 = arith.constant 1 : i32
      %eq3A_149 = arith.cmpi eq, %select_n3A_147, %eq3A_148 : i32
      %select_n3A_150 = arith.constant 0 : i32
      %select_n3A_151 = arith.select %eq3A_149, %select_n3A_150, %select_n3A_147 : i32
      %add3A_152 = arith.constant 0 : i32
      %add3A_153 = arith.addi %add3A_152, %mul3A_15 : i32
      %ne3A = arith.cmpi ne, %add3A_123, %add3A_143 : i32
      %or3A = arith.constant false
      %or3A_154 = arith.ori %or3A, %ne3A : i1
      %or3A_155 = arith.constant false
      %or3A_156 = arith.ori %or3A_154, %or3A_155 : i1
      %ge3A = arith.constant 0 : i32
      %ge3A_157 = arith.cmpi sge, %scan3A_117, %ge3A : i32
      %not3A = arith.constant true
      %not3A_158 = arith.xori %ge3A_157, %not3A : i1
      %and3A = arith.andi %or3A_156, %not3A_158 : i1
      %convert_element_type3A = arith.extui %and3A : i1 to i32
      %cond3A = arith.constant 0 : i32
      %cond3A_159 = arith.cmpi ne, %convert_element_type3A, %cond3A : i32
      scf.if %cond3A_159 {
        "tpu.trace_start"() <{level = 10 : i32, message = "ep_copy_in"}> : () -> ()
        %rem3A_311 = arith.constant 2 : i32
        %rem3A_312 = arith.remui %select_n3A_89, %rem3A_311 : i32
        %mul3A_313 = arith.constant 128 : i32
        %mul3A_314 = arith.muli %mul3A_313, %add3A_143 : i32
        %dma_start3A_315 = arith.constant 0 : i32
        %dma_start3A_316 = arith.constant 0 : i32
        %dma_start3A_317 = tpu.memref_slice %run_scoped3A[%rem3A_312, %dma_start3A_315, %dma_start3A_316] : memref<2x128x256xi32, #tpu.memory_space<vmem>> -> memref<1x128x256xi32, #tpu.memory_space<vmem>>
        %dma_start3A_318 = tpu.memref_squeeze %dma_start3A_317 : memref<1x128x256xi32, #tpu.memory_space<vmem>> -> memref<128x256xi32, #tpu.memory_space<vmem>>
        %dma_start3A_319 = arith.constant 0 : i32
        %dma_start3A_320 = tpu.memref_slice %arg3[%mul3A_314, %dma_start3A_319] : memref<4096x256xi32, #tpu.memory_space<hbm>> -> memref<128x256xi32, #tpu.memory_space<hbm>>
        %dma_start3A_321 = tpu.memref_slice %run_scoped3A_34[%rem3A_312] : memref<2x!tpu.dma_semaphore, #tpu.memory_space<semaphore_mem>> -> memref<1x!tpu.dma_semaphore, #tpu.memory_space<semaphore_mem>>
        %dma_start3A_322 = tpu.memref_squeeze %dma_start3A_321 : memref<1x!tpu.dma_semaphore, #tpu.memory_space<semaphore_mem>> -> memref<!tpu.dma_semaphore, #tpu.memory_space<semaphore_mem>>
        %dma_start3A_323 = arith.constant 0 : i32
        %dma_start3A_324 = arith.constant 0 : i32
        %dma_start3A_325 = tpu.memref_slice %run_scoped3A[%rem3A_312, %dma_start3A_323, %dma_start3A_324] : memref<2x128x256xi32, #tpu.memory_space<vmem>> -> memref<1x128x256xi32, #tpu.memory_space<vmem>>
        %dma_start3A_326 = tpu.memref_squeeze %dma_start3A_325 : memref<1x128x256xi32, #tpu.memory_space<vmem>> -> memref<128x256xi32, #tpu.memory_space<vmem>>
        %dma_start3A_327 = arith.constant 0 : i32
        %dma_start3A_328 = tpu.memref_slice %arg3[%mul3A_314, %dma_start3A_327] : memref<4096x256xi32, #tpu.memory_space<hbm>> -> memref<128x256xi32, #tpu.memory_space<hbm>>
        tpu.enqueue_dma source(%dma_start3A_328 : memref<128x256xi32, #tpu.memory_space<hbm>>) target(%dma_start3A_326 : memref<128x256xi32, #tpu.memory_space<vmem>>) target_semaphore(%dma_start3A_322 : memref<!tpu.dma_semaphore, #tpu.memory_space<semaphore_mem>>)
        "tpu.trace_stop"() : () -> ()
      } else {
      }
      %and3A_160 = arith.constant true
      %and3A_161 = arith.andi %and3A, %and3A_160 : i1
      %add3A_162 = arith.constant 1 : i32
      %add3A_163 = arith.addi %select_n3A_89, %add3A_162 : i32
      %select_n3A_164 = arith.select %and3A_161, %add3A_163, %select_n3A_89 : i32
      %ne3A_165 = arith.cmpi ne, %add3A_123, %add3A_143 : i32
      %or3A_166 = arith.constant false
      %or3A_167 = arith.ori %or3A_166, %ne3A_165 : i1
      %ge3A_168 = arith.constant 0 : i32
      %ge3A_169 = arith.cmpi sge, %scan3A_117, %ge3A_168 : i32
      %not3A_170 = arith.constant true
      %not3A_171 = arith.xori %ge3A_169, %not3A_170 : i1
      %and3A_172 = arith.andi %or3A_167, %not3A_171 : i1
      %convert_element_type3A_173 = arith.extui %and3A_172 : i1 to i32
      %cond3A_174 = arith.constant 0 : i32
      %cond3A_175 = arith.cmpi ne, %convert_element_type3A_173, %cond3A_174 : i32
      scf.if %cond3A_175 {
        "tpu.trace_start"() <{level = 10 : i32, message = "ep_copy_in"}> : () -> ()
        %rem3A_311 = arith.constant 2 : i32
        %rem3A_312 = arith.remui %select_n3A_114, %rem3A_311 : i32
        %mul3A_313 = arith.constant 128 : i32
        %mul3A_314 = arith.muli %mul3A_313, %add3A_143 : i32
        %dma_start3A_315 = arith.constant 0 : i32
        %dma_start3A_316 = arith.constant 0 : i32
        %dma_start3A_317 = tpu.memref_slice %run_scoped3A_35[%rem3A_312, %dma_start3A_315, %dma_start3A_316] : memref<2x1x128xi32, #tpu.memory_space<vmem>> -> memref<1x1x128xi32, #tpu.memory_space<vmem>>
        %dma_start3A_318 = tpu.memref_squeeze %dma_start3A_317 : memref<1x1x128xi32, #tpu.memory_space<vmem>> -> memref<1x128xi32, #tpu.memory_space<vmem>>
        %dma_start3A_319 = arith.constant 0 : i32
        %dma_start3A_320 = tpu.memref_slice %arg4[%dma_start3A_319, %mul3A_314] : memref<1x4096xi32, #tpu.memory_space<hbm>> -> memref<1x128xi32, #tpu.memory_space<hbm>>
        %dma_start3A_321 = tpu.memref_slice %run_scoped3A_36[%rem3A_312] : memref<2x!tpu.dma_semaphore, #tpu.memory_space<semaphore_mem>> -> memref<1x!tpu.dma_semaphore, #tpu.memory_space<semaphore_mem>>
        %dma_start3A_322 = tpu.memref_squeeze %dma_start3A_321 : memref<1x!tpu.dma_semaphore, #tpu.memory_space<semaphore_mem>> -> memref<!tpu.dma_semaphore, #tpu.memory_space<semaphore_mem>>
        %dma_start3A_323 = arith.constant 0 : i32
        %dma_start3A_324 = arith.constant 0 : i32
        %dma_start3A_325 = tpu.memref_slice %run_scoped3A_35[%rem3A_312, %dma_start3A_323, %dma_start3A_324] : memref<2x1x128xi32, #tpu.memory_space<vmem>> -> memref<1x1x128xi32, #tpu.memory_space<vmem>>
        %dma_start3A_326 = tpu.memref_squeeze %dma_start3A_325 : memref<1x1x128xi32, #tpu.memory_space<vmem>> -> memref<1x128xi32, #tpu.memory_space<vmem>>
        %dma_start3A_327 = arith.constant 0 : i32
        %dma_start3A_328 = tpu.memref_slice %arg4[%dma_start3A_327, %mul3A_314] : memref<1x4096xi32, #tpu.memory_space<hbm>> -> memref<1x128xi32, #tpu.memory_space<hbm>>
        tpu.enqueue_dma source(%dma_start3A_328 : memref<1x128xi32, #tpu.memory_space<hbm>>) target(%dma_start3A_326 : memref<1x128xi32, #tpu.memory_space<vmem>>) target_semaphore(%dma_start3A_322 : memref<!tpu.dma_semaphore, #tpu.memory_space<semaphore_mem>>)
        "tpu.trace_stop"() : () -> ()
      } else {
      }
      %and3A_176 = arith.constant true
      %and3A_177 = arith.andi %and3A_172, %and3A_176 : i1
      %add3A_178 = arith.constant 1 : i32
      %add3A_179 = arith.addi %select_n3A_114, %add3A_178 : i32
      %select_n3A_180 = arith.select %and3A_177, %add3A_179, %select_n3A_114 : i32
      %ne3A_181 = arith.cmpi ne, %add3A_123, %add3A_133 : i32
      %or3A_182 = arith.constant false
      %or3A_183 = arith.ori %or3A_182, %ne3A_181 : i1
      %or3A_184 = arith.constant false
      %or3A_185 = arith.ori %or3A_183, %or3A_184 : i1
      %or3A_186 = arith.ori %or3A_185, %eq3A_119 : i1
      %convert_element_type3A_187 = arith.extui %or3A_186 : i1 to i32
      %cond3A_188 = arith.constant 0 : i32
      %cond3A_189 = arith.cmpi ne, %convert_element_type3A_187, %cond3A_188 : i32
      scf.if %cond3A_189 {
        "tpu.trace_start"() <{level = 10 : i32, message = "ep_wait_in"}> : () -> ()
        %mul3A_311 = arith.constant 128 : i32
        %mul3A_312 = arith.muli %mul3A_311, %add3A_123 : i32
        %rem3A_313 = arith.constant 2 : i32
        %rem3A_314 = arith.remui %scan3A, %rem3A_313 : i32
        %dma_wait3A = arith.constant 0 : i32
        %dma_wait3A_315 = arith.constant 0 : i32
        %dma_wait3A_316 = tpu.memref_slice %run_scoped3A[%rem3A_314, %dma_wait3A, %dma_wait3A_315] : memref<2x128x256xi32, #tpu.memory_space<vmem>> -> memref<1x128x256xi32, #tpu.memory_space<vmem>>
        %dma_wait3A_317 = tpu.memref_squeeze %dma_wait3A_316 : memref<1x128x256xi32, #tpu.memory_space<vmem>> -> memref<128x256xi32, #tpu.memory_space<vmem>>
        %dma_wait3A_318 = arith.constant 0 : i32
        %dma_wait3A_319 = tpu.memref_slice %arg3[%mul3A_312, %dma_wait3A_318] : memref<4096x256xi32, #tpu.memory_space<hbm>> -> memref<128x256xi32, #tpu.memory_space<hbm>>
        %dma_wait3A_320 = tpu.memref_slice %run_scoped3A_34[%rem3A_314] : memref<2x!tpu.dma_semaphore, #tpu.memory_space<semaphore_mem>> -> memref<1x!tpu.dma_semaphore, #tpu.memory_space<semaphore_mem>>
        %dma_wait3A_321 = tpu.memref_squeeze %dma_wait3A_320 : memref<1x!tpu.dma_semaphore, #tpu.memory_space<semaphore_mem>> -> memref<!tpu.dma_semaphore, #tpu.memory_space<semaphore_mem>>
        %dma_wait3A_322 = arith.constant 0 : i32
        %dma_wait3A_323 = arith.constant 0 : i32
        %dma_wait3A_324 = tpu.memref_slice %run_scoped3A[%rem3A_314, %dma_wait3A_322, %dma_wait3A_323] : memref<2x128x256xi32, #tpu.memory_space<vmem>> -> memref<1x128x256xi32, #tpu.memory_space<vmem>>
        %dma_wait3A_325 = tpu.memref_squeeze %dma_wait3A_324 : memref<1x128x256xi32, #tpu.memory_space<vmem>> -> memref<128x256xi32, #tpu.memory_space<vmem>>
        %dma_wait3A_326 = arith.constant 0 : i32
        %dma_wait3A_327 = tpu.memref_slice %arg3[%mul3A_312, %dma_wait3A_326] : memref<4096x256xi32, #tpu.memory_space<hbm>> -> memref<128x256xi32, #tpu.memory_space<hbm>>
        tpu.wait_dma2 semaphore(%dma_wait3A_321 : memref<!tpu.dma_semaphore, #tpu.memory_space<semaphore_mem>>) src(%dma_wait3A_327 : memref<128x256xi32, #tpu.memory_space<hbm>>) dst(%dma_wait3A_325 : memref<128x256xi32, #tpu.memory_space<vmem>>)
        "tpu.trace_stop"() : () -> ()
      } else {
      }
      %ne3A_190 = arith.cmpi ne, %add3A_123, %add3A_133 : i32
      %or3A_191 = arith.constant false
      %or3A_192 = arith.ori %or3A_191, %ne3A_190 : i1
      %or3A_193 = arith.ori %or3A_192, %eq3A_119 : i1
      %convert_element_type3A_194 = arith.extui %or3A_193 : i1 to i32
      %cond3A_195 = arith.constant 0 : i32
      %cond3A_196 = arith.cmpi ne, %convert_element_type3A_194, %cond3A_195 : i32
      scf.if %cond3A_196 {
        "tpu.trace_start"() <{level = 10 : i32, message = "ep_wait_in"}> : () -> ()
        %mul3A_311 = arith.constant 128 : i32
        %mul3A_312 = arith.muli %mul3A_311, %add3A_123 : i32
        %rem3A_313 = arith.constant 2 : i32
        %rem3A_314 = arith.remui %scan3A_115, %rem3A_313 : i32
        %dma_wait3A = arith.constant 0 : i32
        %dma_wait3A_315 = arith.constant 0 : i32
        %dma_wait3A_316 = tpu.memref_slice %run_scoped3A_35[%rem3A_314, %dma_wait3A, %dma_wait3A_315] : memref<2x1x128xi32, #tpu.memory_space<vmem>> -> memref<1x1x128xi32, #tpu.memory_space<vmem>>
        %dma_wait3A_317 = tpu.memref_squeeze %dma_wait3A_316 : memref<1x1x128xi32, #tpu.memory_space<vmem>> -> memref<1x128xi32, #tpu.memory_space<vmem>>
        %dma_wait3A_318 = arith.constant 0 : i32
        %dma_wait3A_319 = tpu.memref_slice %arg4[%dma_wait3A_318, %mul3A_312] : memref<1x4096xi32, #tpu.memory_space<hbm>> -> memref<1x128xi32, #tpu.memory_space<hbm>>
        %dma_wait3A_320 = tpu.memref_slice %run_scoped3A_36[%rem3A_314] : memref<2x!tpu.dma_semaphore, #tpu.memory_space<semaphore_mem>> -> memref<1x!tpu.dma_semaphore, #tpu.memory_space<semaphore_mem>>
        %dma_wait3A_321 = tpu.memref_squeeze %dma_wait3A_320 : memref<1x!tpu.dma_semaphore, #tpu.memory_space<semaphore_mem>> -> memref<!tpu.dma_semaphore, #tpu.memory_space<semaphore_mem>>
        %dma_wait3A_322 = arith.constant 0 : i32
        %dma_wait3A_323 = arith.constant 0 : i32
        %dma_wait3A_324 = tpu.memref_slice %run_scoped3A_35[%rem3A_314, %dma_wait3A_322, %dma_wait3A_323] : memref<2x1x128xi32, #tpu.memory_space<vmem>> -> memref<1x1x128xi32, #tpu.memory_space<vmem>>
        %dma_wait3A_325 = tpu.memref_squeeze %dma_wait3A_324 : memref<1x1x128xi32, #tpu.memory_space<vmem>> -> memref<1x128xi32, #tpu.memory_space<vmem>>
        %dma_wait3A_326 = arith.constant 0 : i32
        %dma_wait3A_327 = tpu.memref_slice %arg4[%dma_wait3A_326, %mul3A_312] : memref<1x4096xi32, #tpu.memory_space<hbm>> -> memref<1x128xi32, #tpu.memory_space<hbm>>
        tpu.wait_dma2 semaphore(%dma_wait3A_321 : memref<!tpu.dma_semaphore, #tpu.memory_space<semaphore_mem>>) src(%dma_wait3A_327 : memref<1x128xi32, #tpu.memory_space<hbm>>) dst(%dma_wait3A_325 : memref<1x128xi32, #tpu.memory_space<vmem>>)
        "tpu.trace_stop"() : () -> ()
      } else {
      }
      %rem3A_197 = arith.constant 2 : i32
      %rem3A_198 = arith.remui %scan3A, %rem3A_197 : i32
      %rem3A_199 = arith.constant 2 : i32
      %rem3A_200 = arith.remui %scan3A_115, %rem3A_199 : i32
      %run_scoped3A_201 = arith.constant 0 : i32
      "tpu.trace_start"() <{level = 10 : i32, message = "ep_run_kernel"}> : () -> ()
      "tpu.region"() ({
        %run_scoped3A_311 = tpu.sem_alloc : memref<!tpu.dma_semaphore, #tpu.memory_space<semaphore_mem>>
        %dma_start3A_312 = arith.constant 0 : i32
        %dma_start3A_313 = arith.constant 0 : i32
        %dma_start3A_314 = tpu.memref_slice %run_scoped3A[%rem3A_198, %dma_start3A_312, %dma_start3A_313] : memref<2x128x256xi32, #tpu.memory_space<vmem>> -> memref<1x128x256xi32, #tpu.memory_space<vmem>>
        %dma_start3A_315 = tpu.memref_squeeze %dma_start3A_314 : memref<1x128x256xi32, #tpu.memory_space<vmem>> -> memref<128x256xi32, #tpu.memory_space<vmem>>
        %dma_start3A_316 = arith.constant 0 : i32
        %dma_start3A_317 = arith.constant 0 : i32
        %dma_start3A_318 = tpu.memref_slice %run_scoped3A_35[%rem3A_200, %dma_start3A_316, %dma_start3A_317] : memref<2x1x128xi32, #tpu.memory_space<vmem>> -> memref<1x1x128xi32, #tpu.memory_space<vmem>>
        %dma_start3A_319 = tpu.memref_squeeze %dma_start3A_318 : memref<1x1x128xi32, #tpu.memory_space<vmem>> -> memref<1x128xi32, #tpu.memory_space<vmem>>
        %dma_start3A_320 = arith.constant 0 : i32
        %dma_start3A_321 = tpu.memref_slice %dma_start3A_319[%run_scoped3A_201, %dma_start3A_320] : memref<1x128xi32, #tpu.memory_space<vmem>> -> memref<1x128xi32, #tpu.memory_space<vmem>>
        %dma_start3A_322 = tpu.memref_squeeze %dma_start3A_321 : memref<1x128xi32, #tpu.memory_space<vmem>> -> memref<128xi32, #tpu.memory_space<vmem>>
        %dma_start3A_323 = arith.constant 0 : i32
        %dma_start3A_324 = arith.constant 0 : i32
        %dma_start3A_325 = tpu.memref_slice %arg7[%dma_start3A_323, %dma_start3A_324] : memref<8192x256xi32, #tpu.memory_space<hbm>> -> memref<8192x256xi32, #tpu.memory_space<hbm>>
        tpu.enqueue_indirect_dma source(%dma_start3A_315 : memref<128x256xi32, #tpu.memory_space<vmem>>) target(%dma_start3A_325 : memref<8192x256xi32, #tpu.memory_space<hbm>>) offsets(%dma_start3A_322 : memref<128xi32, #tpu.memory_space<vmem>>) semaphore(%run_scoped3A_311 : memref<!tpu.dma_semaphore, #tpu.memory_space<semaphore_mem>>)
        %dma_wait3A = arith.constant 0 : i32
        %dma_wait3A_326 = arith.constant 0 : i32
        %dma_wait3A_327 = tpu.memref_slice %run_scoped3A[%rem3A_198, %dma_wait3A, %dma_wait3A_326] : memref<2x128x256xi32, #tpu.memory_space<vmem>> -> memref<1x128x256xi32, #tpu.memory_space<vmem>>
        %dma_wait3A_328 = tpu.memref_squeeze %dma_wait3A_327 : memref<1x128x256xi32, #tpu.memory_space<vmem>> -> memref<128x256xi32, #tpu.memory_space<vmem>>
        %dma_wait3A_329 = arith.constant 0 : i32
        %dma_wait3A_330 = arith.constant 0 : i32
        %dma_wait3A_331 = tpu.memref_slice %run_scoped3A_35[%rem3A_200, %dma_wait3A_329, %dma_wait3A_330] : memref<2x1x128xi32, #tpu.memory_space<vmem>> -> memref<1x1x128xi32, #tpu.memory_space<vmem>>
        %dma_wait3A_332 = tpu.memref_squeeze %dma_wait3A_331 : memref<1x1x128xi32, #tpu.memory_space<vmem>> -> memref<1x128xi32, #tpu.memory_space<vmem>>
        %dma_wait3A_333 = arith.constant 0 : i32
        %dma_wait3A_334 = tpu.memref_slice %dma_wait3A_332[%run_scoped3A_201, %dma_wait3A_333] : memref<1x128xi32, #tpu.memory_space<vmem>> -> memref<1x128xi32, #tpu.memory_space<vmem>>
        %dma_wait3A_335 = tpu.memref_squeeze %dma_wait3A_334 : memref<1x128xi32, #tpu.memory_space<vmem>> -> memref<128xi32, #tpu.memory_space<vmem>>
        %dma_wait3A_336 = arith.constant 0 : i32
        %dma_wait3A_337 = arith.constant 0 : i32
        %dma_wait3A_338 = tpu.memref_slice %arg7[%dma_wait3A_336, %dma_wait3A_337] : memref<8192x256xi32, #tpu.memory_space<hbm>> -> memref<8192x256xi32, #tpu.memory_space<hbm>>
        tpu.wait_indirect_dma semaphore(%run_scoped3A_311 : memref<!tpu.dma_semaphore, #tpu.memory_space<semaphore_mem>>) src(%dma_wait3A_328 : memref<128x256xi32, #tpu.memory_space<vmem>>) dst(%dma_wait3A_338 : memref<8192x256xi32, #tpu.memory_space<hbm>>)
        tpu.yield
      }) : () -> ()
      "tpu.trace_stop"() : () -> ()
      %ne3A_202 = arith.cmpi ne, %add3A_123, %add3A_143 : i32
      %or3A_203 = arith.constant false
      %or3A_204 = arith.ori %or3A_203, %ne3A_202 : i1
      %or3A_205 = arith.constant false
      %or3A_206 = arith.ori %or3A_204, %or3A_205 : i1
      %or3A_207 = arith.ori %or3A_206, %eq3A_121 : i1
      %convert_element_type3A_208 = arith.extui %or3A_207 : i1 to i32
      %cond3A_209 = arith.constant 0 : i32
      %cond3A_210 = arith.cmpi ne, %convert_element_type3A_208, %cond3A_209 : i32
      scf.if %cond3A_210 {
      } else {
      }
      %and3A_211 = arith.constant false
      %and3A_212 = arith.andi %or3A_207, %and3A_211 : i1
      %ne3A_213 = arith.cmpi ne, %add3A_123, %add3A_143 : i32
      %or3A_214 = arith.constant false
      %or3A_215 = arith.ori %or3A_214, %ne3A_213 : i1
      %or3A_216 = arith.ori %or3A_215, %eq3A_121 : i1
      %convert_element_type3A_217 = arith.extui %or3A_216 : i1 to i32
      %cond3A_218 = arith.constant 0 : i32
      %cond3A_219 = arith.cmpi ne, %convert_element_type3A_217, %cond3A_218 : i32
      scf.if %cond3A_219 {
      } else {
      }
      %and3A_220 = arith.constant false
      %and3A_221 = arith.andi %or3A_216, %and3A_220 : i1
      %ne3A_222 = arith.cmpi ne, %add3A_123, %add3A_133 : i32
      %or3A_223 = arith.constant false
      %or3A_224 = arith.ori %or3A_223, %ne3A_222 : i1
      %or3A_225 = arith.constant false
      %or3A_226 = arith.ori %or3A_224, %or3A_225 : i1
      %not3A_227 = arith.constant true
      %not3A_228 = arith.xori %eq3A_119, %not3A_227 : i1
      %and3A_229 = arith.andi %or3A_226, %not3A_228 : i1
      %convert_element_type3A_230 = arith.extui %and3A_229 : i1 to i32
      %cond3A_231 = arith.constant 0 : i32
      %cond3A_232 = arith.cmpi ne, %convert_element_type3A_230, %cond3A_231 : i32
      scf.if %cond3A_232 {
      } else {
      }
      %and3A_233 = arith.constant false
      %and3A_234 = arith.andi %and3A_229, %and3A_233 : i1
      %ne3A_235 = arith.cmpi ne, %add3A_123, %add3A_133 : i32
      %or3A_236 = arith.constant false
      %or3A_237 = arith.ori %or3A_236, %ne3A_235 : i1
      %not3A_238 = arith.constant true
      %not3A_239 = arith.xori %eq3A_119, %not3A_238 : i1
      %and3A_240 = arith.andi %or3A_237, %not3A_239 : i1
      %convert_element_type3A_241 = arith.extui %and3A_240 : i1 to i32
      %cond3A_242 = arith.constant 0 : i32
      %cond3A_243 = arith.cmpi ne, %convert_element_type3A_241, %cond3A_242 : i32
      scf.if %cond3A_243 {
      } else {
      }
      %and3A_244 = arith.constant false
      %and3A_245 = arith.andi %and3A_240, %and3A_244 : i1
      %ne3A_246 = arith.cmpi ne, %add3A_123, %add3A_143 : i32
      %or3A_247 = arith.constant false
      %or3A_248 = arith.ori %or3A_247, %ne3A_246 : i1
      %or3A_249 = arith.constant false
      %or3A_250 = arith.ori %or3A_248, %or3A_249 : i1
      %or3A_251 = arith.ori %or3A_250, %eq3A_121 : i1
      %add3A_252 = arith.constant 1 : i32
      %add3A_253 = arith.addi %scan3A, %add3A_252 : i32
      %select_n3A_254 = arith.select %or3A_251, %add3A_253, %scan3A : i32
      %ne3A_255 = arith.cmpi ne, %add3A_123, %add3A_143 : i32
      %or3A_256 = arith.constant false
      %or3A_257 = arith.ori %or3A_256, %ne3A_255 : i1
      %or3A_258 = arith.ori %or3A_257, %eq3A_121 : i1
      %add3A_259 = arith.constant 1 : i32
      %add3A_260 = arith.addi %scan3A_115, %add3A_259 : i32
      %select_n3A_261 = arith.select %or3A_258, %add3A_260, %scan3A_115 : i32
      %select_n3A_262 = arith.constant true
      %select_n3A_263 = arith.constant 0 : i32
      %select_n3A_264 = arith.constant 1 : i32
      %select_n3A_265 = arith.select %select_n3A_262, %select_n3A_264, %select_n3A_263 : i32
      %eq3A_266 = arith.constant 1 : i32
      %eq3A_267 = arith.cmpi eq, %select_n3A_265, %eq3A_266 : i32
      %select_n3A_268 = arith.constant 0 : i32
      %select_n3A_269 = arith.select %eq3A_267, %select_n3A_268, %select_n3A_265 : i32
      %scan3A_270 = arith.constant 0 : i32
      %scan3A_271 = arith.constant 1 : i32
      %sub3A = arith.constant 1 : i32
      %sub3A_272 = arith.subi %scan3A_270, %sub3A : i32
      %select_n3A_273 = arith.constant true
      %select_n3A_274 = arith.select %select_n3A_273, %sub3A_272, %scan3A_270 : i32
      %eq3A_275 = arith.constant -1 : i32
      %eq3A_276 = arith.cmpi eq, %select_n3A_274, %eq3A_275 : i32
      %select_n3A_277 = arith.constant 0 : i32
      %select_n3A_278 = arith.select %eq3A_276, %select_n3A_277, %select_n3A_274 : i32
      %add3A_279 = arith.constant 0 : i32
      %add3A_280 = arith.addi %add3A_279, %mul3A_15 : i32
      %select_n3A_281 = arith.constant true
      %select_n3A_282 = arith.constant 0 : i32
      %select_n3A_283 = arith.constant -1 : i32
      %select_n3A_284 = arith.select %select_n3A_281, %select_n3A_283, %select_n3A_282 : i32
      %eq3A_285 = arith.constant -1 : i32
      %eq3A_286 = arith.cmpi eq, %select_n3A_284, %eq3A_285 : i32
      %select_n3A_287 = arith.constant 0 : i32
      %select_n3A_288 = arith.select %eq3A_286, %select_n3A_287, %select_n3A_284 : i32
      %add3A_289 = arith.constant 0 : i32
      %add3A_290 = arith.addi %add3A_289, %mul3A_15 : i32
      %select_n3A_291 = arith.constant true
      %select_n3A_292 = arith.constant 0 : i32
      %select_n3A_293 = arith.constant 1 : i32
      %select_n3A_294 = arith.select %select_n3A_291, %select_n3A_293, %select_n3A_292 : i32
      %eq3A_295 = arith.constant 1 : i32
      %eq3A_296 = arith.cmpi eq, %select_n3A_294, %eq3A_295 : i32
      %select_n3A_297 = arith.constant 0 : i32
      %select_n3A_298 = arith.select %eq3A_296, %select_n3A_297, %select_n3A_294 : i32
      %add3A_299 = arith.constant 0 : i32
      %add3A_300 = arith.addi %add3A_299, %mul3A_15 : i32
      %select_n3A_301 = arith.constant true
      %select_n3A_302 = arith.constant 0 : i32
      %select_n3A_303 = arith.constant 1 : i32
      %select_n3A_304 = arith.select %select_n3A_301, %select_n3A_303, %select_n3A_302 : i32
      %eq3A_305 = arith.constant 1 : i32
      %eq3A_306 = arith.cmpi eq, %select_n3A_304, %eq3A_305 : i32
      %select_n3A_307 = arith.constant 0 : i32
      %select_n3A_308 = arith.select %eq3A_306, %select_n3A_307, %select_n3A_304 : i32
      %add3A_309 = arith.constant 0 : i32
      %add3A_310 = arith.addi %add3A_309, %mul3A_15 : i32
      tpu.yield
    }) : () -> ()
    %mul3A_16 = arith.constant 1 : i32
    %mul3A_17 = arith.muli %arg1, %mul3A_16 : i32
    %add3A_18 = arith.constant 0 : i32
    %add3A_19 = arith.addi %add3A_18, %mul3A_17 : i32
    %mul3A_20 = arith.constant 16 : i32
    %mul3A_21 = arith.muli %arg0, %mul3A_20 : i32
    %add3A_22 = arith.addi %add3A_19, %mul3A_21 : i32
    %mul3A_23 = arith.constant 1 : i32
    %mul3A_24 = arith.muli %add3A_22, %mul3A_23 : i32
    "tpu.region"() ({
      %run_scoped3A = memref.alloca() : memref<2x128x256xi32, #tpu.memory_space<vmem>>
      %run_scoped3A_34 = tpu.sem_alloc : memref<2x!tpu.dma_semaphore, #tpu.memory_space<semaphore_mem>>
      %run_scoped3A_35 = memref.alloca() : memref<2x1x128xi32, #tpu.memory_space<vmem>>
      %run_scoped3A_36 = tpu.sem_alloc : memref<2x!tpu.dma_semaphore, #tpu.memory_space<semaphore_mem>>
      %add3A_37 = arith.constant 0 : i32
      %add3A_38 = arith.addi %add3A_37, %mul3A_24 : i32
      %select_n3A = arith.constant true
      %select_n3A_39 = arith.constant 0 : i32
      %select_n3A_40 = arith.constant -1 : i32
      %select_n3A_41 = arith.select %select_n3A, %select_n3A_40, %select_n3A_39 : i32
      %eq3A = arith.constant -1 : i32
      %eq3A_42 = arith.cmpi eq, %select_n3A_41, %eq3A : i32
      %select_n3A_43 = arith.constant 0 : i32
      %select_n3A_44 = arith.select %eq3A_42, %select_n3A_43, %select_n3A_41 : i32
      %add3A_45 = arith.constant 0 : i32
      %add3A_46 = arith.addi %add3A_45, %mul3A_24 : i32
      %select_n3A_47 = arith.constant true
      %select_n3A_48 = arith.constant 0 : i32
      %select_n3A_49 = arith.constant 1 : i32
      %select_n3A_50 = arith.select %select_n3A_47, %select_n3A_49, %select_n3A_48 : i32
      %eq3A_51 = arith.constant 1 : i32
      %eq3A_52 = arith.cmpi eq, %select_n3A_50, %eq3A_51 : i32
      %select_n3A_53 = arith.constant 0 : i32
      %select_n3A_54 = arith.select %eq3A_52, %select_n3A_53, %select_n3A_50 : i32
      %add3A_55 = arith.constant 0 : i32
      %add3A_56 = arith.addi %add3A_55, %mul3A_24 : i32
      %select_n3A_57 = arith.constant true
      %select_n3A_58 = arith.constant 0 : i32
      %select_n3A_59 = arith.constant 1 : i32
      %select_n3A_60 = arith.select %select_n3A_57, %select_n3A_59, %select_n3A_58 : i32
      %eq3A_61 = arith.constant 1 : i32
      %eq3A_62 = arith.cmpi eq, %select_n3A_60, %eq3A_61 : i32
      %select_n3A_63 = arith.constant 0 : i32
      %select_n3A_64 = arith.select %eq3A_62, %select_n3A_63, %select_n3A_60 : i32
      %add3A_65 = arith.constant 0 : i32
      %add3A_66 = arith.addi %add3A_65, %mul3A_24 : i32
      "tpu.trace_start"() <{level = 10 : i32, message = "ep_initialize_0"}> : () -> ()
      %rem3A = arith.constant 0 : i32
      %rem3A_67 = arith.constant 2 : i32
      %rem3A_68 = arith.remui %rem3A, %rem3A_67 : i32
      %mul3A_69 = arith.constant 128 : i32
      %mul3A_70 = arith.muli %mul3A_69, %add3A_38 : i32
      %dma_start3A = arith.constant 0 : i32
      %dma_start3A_71 = arith.constant 0 : i32
      %dma_start3A_72 = tpu.memref_slice %run_scoped3A[%rem3A_68, %dma_start3A, %dma_start3A_71] : memref<2x128x256xi32, #tpu.memory_space<vmem>> -> memref<1x128x256xi32, #tpu.memory_space<vmem>>
      %dma_start3A_73 = tpu.memref_squeeze %dma_start3A_72 : memref<1x128x256xi32, #tpu.memory_space<vmem>> -> memref<128x256xi32, #tpu.memory_space<vmem>>
      %dma_start3A_74 = arith.constant 0 : i32
      %dma_start3A_75 = tpu.memref_slice %arg2[%mul3A_70, %dma_start3A_74] : memref<4096x256xi32, #tpu.memory_space<hbm>> -> memref<128x256xi32, #tpu.memory_space<hbm>>
      %dma_start3A_76 = tpu.memref_slice %run_scoped3A_34[%rem3A_68] : memref<2x!tpu.dma_semaphore, #tpu.memory_space<semaphore_mem>> -> memref<1x!tpu.dma_semaphore, #tpu.memory_space<semaphore_mem>>
      %dma_start3A_77 = tpu.memref_squeeze %dma_start3A_76 : memref<1x!tpu.dma_semaphore, #tpu.memory_space<semaphore_mem>> -> memref<!tpu.dma_semaphore, #tpu.memory_space<semaphore_mem>>
      %dma_start3A_78 = arith.constant 0 : i32
      %dma_start3A_79 = arith.constant 0 : i32
      %dma_start3A_80 = tpu.memref_slice %run_scoped3A[%rem3A_68, %dma_start3A_78, %dma_start3A_79] : memref<2x128x256xi32, #tpu.memory_space<vmem>> -> memref<1x128x256xi32, #tpu.memory_space<vmem>>
      %dma_start3A_81 = tpu.memref_squeeze %dma_start3A_80 : memref<1x128x256xi32, #tpu.memory_space<vmem>> -> memref<128x256xi32, #tpu.memory_space<vmem>>
      %dma_start3A_82 = arith.constant 0 : i32
      %dma_start3A_83 = tpu.memref_slice %arg2[%mul3A_70, %dma_start3A_82] : memref<4096x256xi32, #tpu.memory_space<hbm>> -> memref<128x256xi32, #tpu.memory_space<hbm>>
      tpu.enqueue_dma source(%dma_start3A_83 : memref<128x256xi32, #tpu.memory_space<hbm>>) target(%dma_start3A_81 : memref<128x256xi32, #tpu.memory_space<vmem>>) target_semaphore(%dma_start3A_77 : memref<!tpu.dma_semaphore, #tpu.memory_space<semaphore_mem>>)
      %add3A_84 = arith.constant 0 : i32
      %add3A_85 = arith.constant 1 : i32
      %add3A_86 = arith.addi %add3A_84, %add3A_85 : i32
      %select_n3A_87 = arith.constant true
      %select_n3A_88 = arith.constant 0 : i32
      %select_n3A_89 = arith.select %select_n3A_87, %add3A_86, %select_n3A_88 : i32
      %rem3A_90 = arith.constant 0 : i32
      %rem3A_91 = arith.constant 2 : i32
      %rem3A_92 = arith.remui %rem3A_90, %rem3A_91 : i32
      %mul3A_93 = arith.constant 128 : i32
      %mul3A_94 = arith.muli %mul3A_93, %add3A_38 : i32
      %dma_start3A_95 = arith.constant 0 : i32
      %dma_start3A_96 = arith.constant 0 : i32
      %dma_start3A_97 = tpu.memref_slice %run_scoped3A_35[%rem3A_92, %dma_start3A_95, %dma_start3A_96] : memref<2x1x128xi32, #tpu.memory_space<vmem>> -> memref<1x1x128xi32, #tpu.memory_space<vmem>>
      %dma_start3A_98 = tpu.memref_squeeze %dma_start3A_97 : memref<1x1x128xi32, #tpu.memory_space<vmem>> -> memref<1x128xi32, #tpu.memory_space<vmem>>
      %dma_start3A_99 = arith.constant 0 : i32
      %dma_start3A_100 = tpu.memref_slice %arg5[%dma_start3A_99, %mul3A_94] : memref<1x4096xi32, #tpu.memory_space<hbm>> -> memref<1x128xi32, #tpu.memory_space<hbm>>
      %dma_start3A_101 = tpu.memref_slice %run_scoped3A_36[%rem3A_92] : memref<2x!tpu.dma_semaphore, #tpu.memory_space<semaphore_mem>> -> memref<1x!tpu.dma_semaphore, #tpu.memory_space<semaphore_mem>>
      %dma_start3A_102 = tpu.memref_squeeze %dma_start3A_101 : memref<1x!tpu.dma_semaphore, #tpu.memory_space<semaphore_mem>> -> memref<!tpu.dma_semaphore, #tpu.memory_space<semaphore_mem>>
      %dma_start3A_103 = arith.constant 0 : i32
      %dma_start3A_104 = arith.constant 0 : i32
      %dma_start3A_105 = tpu.memref_slice %run_scoped3A_35[%rem3A_92, %dma_start3A_103, %dma_start3A_104] : memref<2x1x128xi32, #tpu.memory_space<vmem>> -> memref<1x1x128xi32, #tpu.memory_space<vmem>>
      %dma_start3A_106 = tpu.memref_squeeze %dma_start3A_105 : memref<1x1x128xi32, #tpu.memory_space<vmem>> -> memref<1x128xi32, #tpu.memory_space<vmem>>
      %dma_start3A_107 = arith.constant 0 : i32
      %dma_start3A_108 = tpu.memref_slice %arg5[%dma_start3A_107, %mul3A_94] : memref<1x4096xi32, #tpu.memory_space<hbm>> -> memref<1x128xi32, #tpu.memory_space<hbm>>
      tpu.enqueue_dma source(%dma_start3A_108 : memref<1x128xi32, #tpu.memory_space<hbm>>) target(%dma_start3A_106 : memref<1x128xi32, #tpu.memory_space<vmem>>) target_semaphore(%dma_start3A_102 : memref<!tpu.dma_semaphore, #tpu.memory_space<semaphore_mem>>)
      %add3A_109 = arith.constant 0 : i32
      %add3A_110 = arith.constant 1 : i32
      %add3A_111 = arith.addi %add3A_109, %add3A_110 : i32
      %select_n3A_112 = arith.constant true
      %select_n3A_113 = arith.constant 0 : i32
      %select_n3A_114 = arith.select %select_n3A_112, %add3A_111, %select_n3A_113 : i32
      "tpu.trace_stop"() : () -> ()
      %scan3A = arith.constant 0 : i32
      %scan3A_115 = arith.constant 0 : i32
      %scan3A_116 = arith.constant 0 : i32
      %scan3A_117 = arith.constant 0 : i32
      %eq3A_118 = arith.constant 0 : i32
      %eq3A_119 = arith.cmpi eq, %scan3A_117, %eq3A_118 : i32
      %eq3A_120 = arith.constant 0 : i32
      %eq3A_121 = arith.cmpi eq, %scan3A_117, %eq3A_120 : i32
      %add3A_122 = arith.constant 0 : i32
      %add3A_123 = arith.addi %add3A_122, %mul3A_24 : i32
      %select_n3A_124 = arith.constant true
      %select_n3A_125 = arith.constant 0 : i32
      %select_n3A_126 = arith.constant -1 : i32
      %select_n3A_127 = arith.select %select_n3A_124, %select_n3A_126, %select_n3A_125 : i32
      %eq3A_128 = arith.constant -1 : i32
      %eq3A_129 = arith.cmpi eq, %select_n3A_127, %eq3A_128 : i32
      %select_n3A_130 = arith.constant 0 : i32
      %select_n3A_131 = arith.select %eq3A_129, %select_n3A_130, %select_n3A_127 : i32
      %add3A_132 = arith.constant 0 : i32
      %add3A_133 = arith.addi %add3A_132, %mul3A_24 : i32
      %select_n3A_134 = arith.constant true
      %select_n3A_135 = arith.constant 0 : i32
      %select_n3A_136 = arith.constant 1 : i32
      %select_n3A_137 = arith.select %select_n3A_134, %select_n3A_136, %select_n3A_135 : i32
      %eq3A_138 = arith.constant 1 : i32
      %eq3A_139 = arith.cmpi eq, %select_n3A_137, %eq3A_138 : i32
      %select_n3A_140 = arith.constant 0 : i32
      %select_n3A_141 = arith.select %eq3A_139, %select_n3A_140, %select_n3A_137 : i32
      %add3A_142 = arith.constant 0 : i32
      %add3A_143 = arith.addi %add3A_142, %mul3A_24 : i32
      %select_n3A_144 = arith.constant true
      %select_n3A_145 = arith.constant 0 : i32
      %select_n3A_146 = arith.constant 1 : i32
      %select_n3A_147 = arith.select %select_n3A_144, %select_n3A_146, %select_n3A_145 : i32
      %eq3A_148 = arith.constant 1 : i32
      %eq3A_149 = arith.cmpi eq, %select_n3A_147, %eq3A_148 : i32
      %select_n3A_150 = arith.constant 0 : i32
      %select_n3A_151 = arith.select %eq3A_149, %select_n3A_150, %select_n3A_147 : i32
      %add3A_152 = arith.constant 0 : i32
      %add3A_153 = arith.addi %add3A_152, %mul3A_24 : i32
      %ne3A = arith.cmpi ne, %add3A_123, %add3A_143 : i32
      %or3A = arith.constant false
      %or3A_154 = arith.ori %or3A, %ne3A : i1
      %or3A_155 = arith.constant false
      %or3A_156 = arith.ori %or3A_154, %or3A_155 : i1
      %ge3A = arith.constant 0 : i32
      %ge3A_157 = arith.cmpi sge, %scan3A_117, %ge3A : i32
      %not3A = arith.constant true
      %not3A_158 = arith.xori %ge3A_157, %not3A : i1
      %and3A = arith.andi %or3A_156, %not3A_158 : i1
      %convert_element_type3A = arith.extui %and3A : i1 to i32
      %cond3A = arith.constant 0 : i32
      %cond3A_159 = arith.cmpi ne, %convert_element_type3A, %cond3A : i32
      scf.if %cond3A_159 {
        "tpu.trace_start"() <{level = 10 : i32, message = "ep_copy_in"}> : () -> ()
        %rem3A_311 = arith.constant 2 : i32
        %rem3A_312 = arith.remui %select_n3A_89, %rem3A_311 : i32
        %mul3A_313 = arith.constant 128 : i32
        %mul3A_314 = arith.muli %mul3A_313, %add3A_143 : i32
        %dma_start3A_315 = arith.constant 0 : i32
        %dma_start3A_316 = arith.constant 0 : i32
        %dma_start3A_317 = tpu.memref_slice %run_scoped3A[%rem3A_312, %dma_start3A_315, %dma_start3A_316] : memref<2x128x256xi32, #tpu.memory_space<vmem>> -> memref<1x128x256xi32, #tpu.memory_space<vmem>>
        %dma_start3A_318 = tpu.memref_squeeze %dma_start3A_317 : memref<1x128x256xi32, #tpu.memory_space<vmem>> -> memref<128x256xi32, #tpu.memory_space<vmem>>
        %dma_start3A_319 = arith.constant 0 : i32
        %dma_start3A_320 = tpu.memref_slice %arg2[%mul3A_314, %dma_start3A_319] : memref<4096x256xi32, #tpu.memory_space<hbm>> -> memref<128x256xi32, #tpu.memory_space<hbm>>
        %dma_start3A_321 = tpu.memref_slice %run_scoped3A_34[%rem3A_312] : memref<2x!tpu.dma_semaphore, #tpu.memory_space<semaphore_mem>> -> memref<1x!tpu.dma_semaphore, #tpu.memory_space<semaphore_mem>>
        %dma_start3A_322 = tpu.memref_squeeze %dma_start3A_321 : memref<1x!tpu.dma_semaphore, #tpu.memory_space<semaphore_mem>> -> memref<!tpu.dma_semaphore, #tpu.memory_space<semaphore_mem>>
        %dma_start3A_323 = arith.constant 0 : i32
        %dma_start3A_324 = arith.constant 0 : i32
        %dma_start3A_325 = tpu.memref_slice %run_scoped3A[%rem3A_312, %dma_start3A_323, %dma_start3A_324] : memref<2x128x256xi32, #tpu.memory_space<vmem>> -> memref<1x128x256xi32, #tpu.memory_space<vmem>>
        %dma_start3A_326 = tpu.memref_squeeze %dma_start3A_325 : memref<1x128x256xi32, #tpu.memory_space<vmem>> -> memref<128x256xi32, #tpu.memory_space<vmem>>
        %dma_start3A_327 = arith.constant 0 : i32
        %dma_start3A_328 = tpu.memref_slice %arg2[%mul3A_314, %dma_start3A_327] : memref<4096x256xi32, #tpu.memory_space<hbm>> -> memref<128x256xi32, #tpu.memory_space<hbm>>
        tpu.enqueue_dma source(%dma_start3A_328 : memref<128x256xi32, #tpu.memory_space<hbm>>) target(%dma_start3A_326 : memref<128x256xi32, #tpu.memory_space<vmem>>) target_semaphore(%dma_start3A_322 : memref<!tpu.dma_semaphore, #tpu.memory_space<semaphore_mem>>)
        "tpu.trace_stop"() : () -> ()
      } else {
      }
      %and3A_160 = arith.constant true
      %and3A_161 = arith.andi %and3A, %and3A_160 : i1
      %add3A_162 = arith.constant 1 : i32
      %add3A_163 = arith.addi %select_n3A_89, %add3A_162 : i32
      %select_n3A_164 = arith.select %and3A_161, %add3A_163, %select_n3A_89 : i32
      %ne3A_165 = arith.cmpi ne, %add3A_123, %add3A_143 : i32
      %or3A_166 = arith.constant false
      %or3A_167 = arith.ori %or3A_166, %ne3A_165 : i1
      %ge3A_168 = arith.constant 0 : i32
      %ge3A_169 = arith.cmpi sge, %scan3A_117, %ge3A_168 : i32
      %not3A_170 = arith.constant true
      %not3A_171 = arith.xori %ge3A_169, %not3A_170 : i1
      %and3A_172 = arith.andi %or3A_167, %not3A_171 : i1
      %convert_element_type3A_173 = arith.extui %and3A_172 : i1 to i32
      %cond3A_174 = arith.constant 0 : i32
      %cond3A_175 = arith.cmpi ne, %convert_element_type3A_173, %cond3A_174 : i32
      scf.if %cond3A_175 {
        "tpu.trace_start"() <{level = 10 : i32, message = "ep_copy_in"}> : () -> ()
        %rem3A_311 = arith.constant 2 : i32
        %rem3A_312 = arith.remui %select_n3A_114, %rem3A_311 : i32
        %mul3A_313 = arith.constant 128 : i32
        %mul3A_314 = arith.muli %mul3A_313, %add3A_143 : i32
        %dma_start3A_315 = arith.constant 0 : i32
        %dma_start3A_316 = arith.constant 0 : i32
        %dma_start3A_317 = tpu.memref_slice %run_scoped3A_35[%rem3A_312, %dma_start3A_315, %dma_start3A_316] : memref<2x1x128xi32, #tpu.memory_space<vmem>> -> memref<1x1x128xi32, #tpu.memory_space<vmem>>
        %dma_start3A_318 = tpu.memref_squeeze %dma_start3A_317 : memref<1x1x128xi32, #tpu.memory_space<vmem>> -> memref<1x128xi32, #tpu.memory_space<vmem>>
        %dma_start3A_319 = arith.constant 0 : i32
        %dma_start3A_320 = tpu.memref_slice %arg5[%dma_start3A_319, %mul3A_314] : memref<1x4096xi32, #tpu.memory_space<hbm>> -> memref<1x128xi32, #tpu.memory_space<hbm>>
        %dma_start3A_321 = tpu.memref_slice %run_scoped3A_36[%rem3A_312] : memref<2x!tpu.dma_semaphore, #tpu.memory_space<semaphore_mem>> -> memref<1x!tpu.dma_semaphore, #tpu.memory_space<semaphore_mem>>
        %dma_start3A_322 = tpu.memref_squeeze %dma_start3A_321 : memref<1x!tpu.dma_semaphore, #tpu.memory_space<semaphore_mem>> -> memref<!tpu.dma_semaphore, #tpu.memory_space<semaphore_mem>>
        %dma_start3A_323 = arith.constant 0 : i32
        %dma_start3A_324 = arith.constant 0 : i32
        %dma_start3A_325 = tpu.memref_slice %run_scoped3A_35[%rem3A_312, %dma_start3A_323, %dma_start3A_324] : memref<2x1x128xi32, #tpu.memory_space<vmem>> -> memref<1x1x128xi32, #tpu.memory_space<vmem>>
        %dma_start3A_326 = tpu.memref_squeeze %dma_start3A_325 : memref<1x1x128xi32, #tpu.memory_space<vmem>> -> memref<1x128xi32, #tpu.memory_space<vmem>>
        %dma_start3A_327 = arith.constant 0 : i32
        %dma_start3A_328 = tpu.memref_slice %arg5[%dma_start3A_327, %mul3A_314] : memref<1x4096xi32, #tpu.memory_space<hbm>> -> memref<1x128xi32, #tpu.memory_space<hbm>>
        tpu.enqueue_dma source(%dma_start3A_328 : memref<1x128xi32, #tpu.memory_space<hbm>>) target(%dma_start3A_326 : memref<1x128xi32, #tpu.memory_space<vmem>>) target_semaphore(%dma_start3A_322 : memref<!tpu.dma_semaphore, #tpu.memory_space<semaphore_mem>>)
        "tpu.trace_stop"() : () -> ()
      } else {
      }
      %and3A_176 = arith.constant true
      %and3A_177 = arith.andi %and3A_172, %and3A_176 : i1
      %add3A_178 = arith.constant 1 : i32
      %add3A_179 = arith.addi %select_n3A_114, %add3A_178 : i32
      %select_n3A_180 = arith.select %and3A_177, %add3A_179, %select_n3A_114 : i32
      %ne3A_181 = arith.cmpi ne, %add3A_123, %add3A_133 : i32
      %or3A_182 = arith.constant false
      %or3A_183 = arith.ori %or3A_182, %ne3A_181 : i1
      %or3A_184 = arith.constant false
      %or3A_185 = arith.ori %or3A_183, %or3A_184 : i1
      %or3A_186 = arith.ori %or3A_185, %eq3A_119 : i1
      %convert_element_type3A_187 = arith.extui %or3A_186 : i1 to i32
      %cond3A_188 = arith.constant 0 : i32
      %cond3A_189 = arith.cmpi ne, %convert_element_type3A_187, %cond3A_188 : i32
      scf.if %cond3A_189 {
        "tpu.trace_start"() <{level = 10 : i32, message = "ep_wait_in"}> : () -> ()
        %mul3A_311 = arith.constant 128 : i32
        %mul3A_312 = arith.muli %mul3A_311, %add3A_123 : i32
        %rem3A_313 = arith.constant 2 : i32
        %rem3A_314 = arith.remui %scan3A, %rem3A_313 : i32
        %dma_wait3A = arith.constant 0 : i32
        %dma_wait3A_315 = arith.constant 0 : i32
        %dma_wait3A_316 = tpu.memref_slice %run_scoped3A[%rem3A_314, %dma_wait3A, %dma_wait3A_315] : memref<2x128x256xi32, #tpu.memory_space<vmem>> -> memref<1x128x256xi32, #tpu.memory_space<vmem>>
        %dma_wait3A_317 = tpu.memref_squeeze %dma_wait3A_316 : memref<1x128x256xi32, #tpu.memory_space<vmem>> -> memref<128x256xi32, #tpu.memory_space<vmem>>
        %dma_wait3A_318 = arith.constant 0 : i32
        %dma_wait3A_319 = tpu.memref_slice %arg2[%mul3A_312, %dma_wait3A_318] : memref<4096x256xi32, #tpu.memory_space<hbm>> -> memref<128x256xi32, #tpu.memory_space<hbm>>
        %dma_wait3A_320 = tpu.memref_slice %run_scoped3A_34[%rem3A_314] : memref<2x!tpu.dma_semaphore, #tpu.memory_space<semaphore_mem>> -> memref<1x!tpu.dma_semaphore, #tpu.memory_space<semaphore_mem>>
        %dma_wait3A_321 = tpu.memref_squeeze %dma_wait3A_320 : memref<1x!tpu.dma_semaphore, #tpu.memory_space<semaphore_mem>> -> memref<!tpu.dma_semaphore, #tpu.memory_space<semaphore_mem>>
        %dma_wait3A_322 = arith.constant 0 : i32
        %dma_wait3A_323 = arith.constant 0 : i32
        %dma_wait3A_324 = tpu.memref_slice %run_scoped3A[%rem3A_314, %dma_wait3A_322, %dma_wait3A_323] : memref<2x128x256xi32, #tpu.memory_space<vmem>> -> memref<1x128x256xi32, #tpu.memory_space<vmem>>
        %dma_wait3A_325 = tpu.memref_squeeze %dma_wait3A_324 : memref<1x128x256xi32, #tpu.memory_space<vmem>> -> memref<128x256xi32, #tpu.memory_space<vmem>>
        %dma_wait3A_326 = arith.constant 0 : i32
        %dma_wait3A_327 = tpu.memref_slice %arg2[%mul3A_312, %dma_wait3A_326] : memref<4096x256xi32, #tpu.memory_space<hbm>> -> memref<128x256xi32, #tpu.memory_space<hbm>>
        tpu.wait_dma2 semaphore(%dma_wait3A_321 : memref<!tpu.dma_semaphore, #tpu.memory_space<semaphore_mem>>) src(%dma_wait3A_327 : memref<128x256xi32, #tpu.memory_space<hbm>>) dst(%dma_wait3A_325 : memref<128x256xi32, #tpu.memory_space<vmem>>)
        "tpu.trace_stop"() : () -> ()
      } else {
      }
      %ne3A_190 = arith.cmpi ne, %add3A_123, %add3A_133 : i32
      %or3A_191 = arith.constant false
      %or3A_192 = arith.ori %or3A_191, %ne3A_190 : i1
      %or3A_193 = arith.ori %or3A_192, %eq3A_119 : i1
      %convert_element_type3A_194 = arith.extui %or3A_193 : i1 to i32
      %cond3A_195 = arith.constant 0 : i32
      %cond3A_196 = arith.cmpi ne, %convert_element_type3A_194, %cond3A_195 : i32
      scf.if %cond3A_196 {
        "tpu.trace_start"() <{level = 10 : i32, message = "ep_wait_in"}> : () -> ()
        %mul3A_311 = arith.constant 128 : i32
        %mul3A_312 = arith.muli %mul3A_311, %add3A_123 : i32
        %rem3A_313 = arith.constant 2 : i32
        %rem3A_314 = arith.remui %scan3A_115, %rem3A_313 : i32
        %dma_wait3A = arith.constant 0 : i32
        %dma_wait3A_315 = arith.constant 0 : i32
        %dma_wait3A_316 = tpu.memref_slice %run_scoped3A_35[%rem3A_314, %dma_wait3A, %dma_wait3A_315] : memref<2x1x128xi32, #tpu.memory_space<vmem>> -> memref<1x1x128xi32, #tpu.memory_space<vmem>>
        %dma_wait3A_317 = tpu.memref_squeeze %dma_wait3A_316 : memref<1x1x128xi32, #tpu.memory_space<vmem>> -> memref<1x128xi32, #tpu.memory_space<vmem>>
        %dma_wait3A_318 = arith.constant 0 : i32
        %dma_wait3A_319 = tpu.memref_slice %arg5[%dma_wait3A_318, %mul3A_312] : memref<1x4096xi32, #tpu.memory_space<hbm>> -> memref<1x128xi32, #tpu.memory_space<hbm>>
        %dma_wait3A_320 = tpu.memref_slice %run_scoped3A_36[%rem3A_314] : memref<2x!tpu.dma_semaphore, #tpu.memory_space<semaphore_mem>> -> memref<1x!tpu.dma_semaphore, #tpu.memory_space<semaphore_mem>>
        %dma_wait3A_321 = tpu.memref_squeeze %dma_wait3A_320 : memref<1x!tpu.dma_semaphore, #tpu.memory_space<semaphore_mem>> -> memref<!tpu.dma_semaphore, #tpu.memory_space<semaphore_mem>>
        %dma_wait3A_322 = arith.constant 0 : i32
        %dma_wait3A_323 = arith.constant 0 : i32
        %dma_wait3A_324 = tpu.memref_slice %run_scoped3A_35[%rem3A_314, %dma_wait3A_322, %dma_wait3A_323] : memref<2x1x128xi32, #tpu.memory_space<vmem>> -> memref<1x1x128xi32, #tpu.memory_space<vmem>>
        %dma_wait3A_325 = tpu.memref_squeeze %dma_wait3A_324 : memref<1x1x128xi32, #tpu.memory_space<vmem>> -> memref<1x128xi32, #tpu.memory_space<vmem>>
        %dma_wait3A_326 = arith.constant 0 : i32
        %dma_wait3A_327 = tpu.memref_slice %arg5[%dma_wait3A_326, %mul3A_312] : memref<1x4096xi32, #tpu.memory_space<hbm>> -> memref<1x128xi32, #tpu.memory_space<hbm>>
        tpu.wait_dma2 semaphore(%dma_wait3A_321 : memref<!tpu.dma_semaphore, #tpu.memory_space<semaphore_mem>>) src(%dma_wait3A_327 : memref<1x128xi32, #tpu.memory_space<hbm>>) dst(%dma_wait3A_325 : memref<1x128xi32, #tpu.memory_space<vmem>>)
        "tpu.trace_stop"() : () -> ()
      } else {
      }
      %rem3A_197 = arith.constant 2 : i32
      %rem3A_198 = arith.remui %scan3A, %rem3A_197 : i32
      %rem3A_199 = arith.constant 2 : i32
      %rem3A_200 = arith.remui %scan3A_115, %rem3A_199 : i32
      %run_scoped3A_201 = arith.constant 0 : i32
      "tpu.trace_start"() <{level = 10 : i32, message = "ep_run_kernel"}> : () -> ()
      "tpu.region"() ({
        %run_scoped3A_311 = tpu.sem_alloc : memref<!tpu.dma_semaphore, #tpu.memory_space<semaphore_mem>>
        %dma_start3A_312 = arith.constant 0 : i32
        %dma_start3A_313 = arith.constant 0 : i32
        %dma_start3A_314 = tpu.memref_slice %run_scoped3A[%rem3A_198, %dma_start3A_312, %dma_start3A_313] : memref<2x128x256xi32, #tpu.memory_space<vmem>> -> memref<1x128x256xi32, #tpu.memory_space<vmem>>
        %dma_start3A_315 = tpu.memref_squeeze %dma_start3A_314 : memref<1x128x256xi32, #tpu.memory_space<vmem>> -> memref<128x256xi32, #tpu.memory_space<vmem>>
        %dma_start3A_316 = arith.constant 0 : i32
        %dma_start3A_317 = arith.constant 0 : i32
        %dma_start3A_318 = tpu.memref_slice %run_scoped3A_35[%rem3A_200, %dma_start3A_316, %dma_start3A_317] : memref<2x1x128xi32, #tpu.memory_space<vmem>> -> memref<1x1x128xi32, #tpu.memory_space<vmem>>
        %dma_start3A_319 = tpu.memref_squeeze %dma_start3A_318 : memref<1x1x128xi32, #tpu.memory_space<vmem>> -> memref<1x128xi32, #tpu.memory_space<vmem>>
        %dma_start3A_320 = arith.constant 0 : i32
        %dma_start3A_321 = tpu.memref_slice %dma_start3A_319[%run_scoped3A_201, %dma_start3A_320] : memref<1x128xi32, #tpu.memory_space<vmem>> -> memref<1x128xi32, #tpu.memory_space<vmem>>
        %dma_start3A_322 = tpu.memref_squeeze %dma_start3A_321 : memref<1x128xi32, #tpu.memory_space<vmem>> -> memref<128xi32, #tpu.memory_space<vmem>>
        %dma_start3A_323 = arith.constant 0 : i32
        %dma_start3A_324 = arith.constant 0 : i32
        %dma_start3A_325 = tpu.memref_slice %arg6[%dma_start3A_323, %dma_start3A_324] : memref<8192x256xi32, #tpu.memory_space<hbm>> -> memref<8192x256xi32, #tpu.memory_space<hbm>>
        tpu.enqueue_indirect_dma source(%dma_start3A_315 : memref<128x256xi32, #tpu.memory_space<vmem>>) target(%dma_start3A_325 : memref<8192x256xi32, #tpu.memory_space<hbm>>) offsets(%dma_start3A_322 : memref<128xi32, #tpu.memory_space<vmem>>) semaphore(%run_scoped3A_311 : memref<!tpu.dma_semaphore, #tpu.memory_space<semaphore_mem>>)
        %dma_wait3A = arith.constant 0 : i32
        %dma_wait3A_326 = arith.constant 0 : i32
        %dma_wait3A_327 = tpu.memref_slice %run_scoped3A[%rem3A_198, %dma_wait3A, %dma_wait3A_326] : memref<2x128x256xi32, #tpu.memory_space<vmem>> -> memref<1x128x256xi32, #tpu.memory_space<vmem>>
        %dma_wait3A_328 = tpu.memref_squeeze %dma_wait3A_327 : memref<1x128x256xi32, #tpu.memory_space<vmem>> -> memref<128x256xi32, #tpu.memory_space<vmem>>
        %dma_wait3A_329 = arith.constant 0 : i32
        %dma_wait3A_330 = arith.constant 0 : i32
        %dma_wait3A_331 = tpu.memref_slice %run_scoped3A_35[%rem3A_200, %dma_wait3A_329, %dma_wait3A_330] : memref<2x1x128xi32, #tpu.memory_space<vmem>> -> memref<1x1x128xi32, #tpu.memory_space<vmem>>
        %dma_wait3A_332 = tpu.memref_squeeze %dma_wait3A_331 : memref<1x1x128xi32, #tpu.memory_space<vmem>> -> memref<1x128xi32, #tpu.memory_space<vmem>>
        %dma_wait3A_333 = arith.constant 0 : i32
        %dma_wait3A_334 = tpu.memref_slice %dma_wait3A_332[%run_scoped3A_201, %dma_wait3A_333] : memref<1x128xi32, #tpu.memory_space<vmem>> -> memref<1x128xi32, #tpu.memory_space<vmem>>
        %dma_wait3A_335 = tpu.memref_squeeze %dma_wait3A_334 : memref<1x128xi32, #tpu.memory_space<vmem>> -> memref<128xi32, #tpu.memory_space<vmem>>
        %dma_wait3A_336 = arith.constant 0 : i32
        %dma_wait3A_337 = arith.constant 0 : i32
        %dma_wait3A_338 = tpu.memref_slice %arg6[%dma_wait3A_336, %dma_wait3A_337] : memref<8192x256xi32, #tpu.memory_space<hbm>> -> memref<8192x256xi32, #tpu.memory_space<hbm>>
        tpu.wait_indirect_dma semaphore(%run_scoped3A_311 : memref<!tpu.dma_semaphore, #tpu.memory_space<semaphore_mem>>) src(%dma_wait3A_328 : memref<128x256xi32, #tpu.memory_space<vmem>>) dst(%dma_wait3A_338 : memref<8192x256xi32, #tpu.memory_space<hbm>>)
        tpu.yield
      }) : () -> ()
      "tpu.trace_stop"() : () -> ()
      %ne3A_202 = arith.cmpi ne, %add3A_123, %add3A_143 : i32
      %or3A_203 = arith.constant false
      %or3A_204 = arith.ori %or3A_203, %ne3A_202 : i1
      %or3A_205 = arith.constant false
      %or3A_206 = arith.ori %or3A_204, %or3A_205 : i1
      %or3A_207 = arith.ori %or3A_206, %eq3A_121 : i1
      %convert_element_type3A_208 = arith.extui %or3A_207 : i1 to i32
      %cond3A_209 = arith.constant 0 : i32
      %cond3A_210 = arith.cmpi ne, %convert_element_type3A_208, %cond3A_209 : i32
      scf.if %cond3A_210 {
      } else {
      }
      %and3A_211 = arith.constant false
      %and3A_212 = arith.andi %or3A_207, %and3A_211 : i1
      %ne3A_213 = arith.cmpi ne, %add3A_123, %add3A_143 : i32
      %or3A_214 = arith.constant false
      %or3A_215 = arith.ori %or3A_214, %ne3A_213 : i1
      %or3A_216 = arith.ori %or3A_215, %eq3A_121 : i1
      %convert_element_type3A_217 = arith.extui %or3A_216 : i1 to i32
      %cond3A_218 = arith.constant 0 : i32
      %cond3A_219 = arith.cmpi ne, %convert_element_type3A_217, %cond3A_218 : i32
      scf.if %cond3A_219 {
      } else {
      }
      %and3A_220 = arith.constant false
      %and3A_221 = arith.andi %or3A_216, %and3A_220 : i1
      %ne3A_222 = arith.cmpi ne, %add3A_123, %add3A_133 : i32
      %or3A_223 = arith.constant false
      %or3A_224 = arith.ori %or3A_223, %ne3A_222 : i1
      %or3A_225 = arith.constant false
      %or3A_226 = arith.ori %or3A_224, %or3A_225 : i1
      %not3A_227 = arith.constant true
      %not3A_228 = arith.xori %eq3A_119, %not3A_227 : i1
      %and3A_229 = arith.andi %or3A_226, %not3A_228 : i1
      %convert_element_type3A_230 = arith.extui %and3A_229 : i1 to i32
      %cond3A_231 = arith.constant 0 : i32
      %cond3A_232 = arith.cmpi ne, %convert_element_type3A_230, %cond3A_231 : i32
      scf.if %cond3A_232 {
      } else {
      }
      %and3A_233 = arith.constant false
      %and3A_234 = arith.andi %and3A_229, %and3A_233 : i1
      %ne3A_235 = arith.cmpi ne, %add3A_123, %add3A_133 : i32
      %or3A_236 = arith.constant false
      %or3A_237 = arith.ori %or3A_236, %ne3A_235 : i1
      %not3A_238 = arith.constant true
      %not3A_239 = arith.xori %eq3A_119, %not3A_238 : i1
      %and3A_240 = arith.andi %or3A_237, %not3A_239 : i1
      %convert_element_type3A_241 = arith.extui %and3A_240 : i1 to i32
      %cond3A_242 = arith.constant 0 : i32
      %cond3A_243 = arith.cmpi ne, %convert_element_type3A_241, %cond3A_242 : i32
      scf.if %cond3A_243 {
      } else {
      }
      %and3A_244 = arith.constant false
      %and3A_245 = arith.andi %and3A_240, %and3A_244 : i1
      %ne3A_246 = arith.cmpi ne, %add3A_123, %add3A_143 : i32
      %or3A_247 = arith.constant false
      %or3A_248 = arith.ori %or3A_247, %ne3A_246 : i1
      %or3A_249 = arith.constant false
      %or3A_250 = arith.ori %or3A_248, %or3A_249 : i1
      %or3A_251 = arith.ori %or3A_250, %eq3A_121 : i1
      %add3A_252 = arith.constant 1 : i32
      %add3A_253 = arith.addi %scan3A, %add3A_252 : i32
      %select_n3A_254 = arith.select %or3A_251, %add3A_253, %scan3A : i32
      %ne3A_255 = arith.cmpi ne, %add3A_123, %add3A_143 : i32
      %or3A_256 = arith.constant false
      %or3A_257 = arith.ori %or3A_256, %ne3A_255 : i1
      %or3A_258 = arith.ori %or3A_257, %eq3A_121 : i1
      %add3A_259 = arith.constant 1 : i32
      %add3A_260 = arith.addi %scan3A_115, %add3A_259 : i32
      %select_n3A_261 = arith.select %or3A_258, %add3A_260, %scan3A_115 : i32
      %select_n3A_262 = arith.constant true
      %select_n3A_263 = arith.constant 0 : i32
      %select_n3A_264 = arith.constant 1 : i32
      %select_n3A_265 = arith.select %select_n3A_262, %select_n3A_264, %select_n3A_263 : i32
      %eq3A_266 = arith.constant 1 : i32
      %eq3A_267 = arith.cmpi eq, %select_n3A_265, %eq3A_266 : i32
      %select_n3A_268 = arith.constant 0 : i32
      %select_n3A_269 = arith.select %eq3A_267, %select_n3A_268, %select_n3A_265 : i32
      %scan3A_270 = arith.constant 0 : i32
      %scan3A_271 = arith.constant 1 : i32
      %sub3A = arith.constant 1 : i32
      %sub3A_272 = arith.subi %scan3A_270, %sub3A : i32
      %select_n3A_273 = arith.constant true
      %select_n3A_274 = arith.select %select_n3A_273, %sub3A_272, %scan3A_270 : i32
      %eq3A_275 = arith.constant -1 : i32
      %eq3A_276 = arith.cmpi eq, %select_n3A_274, %eq3A_275 : i32
      %select_n3A_277 = arith.constant 0 : i32
      %select_n3A_278 = arith.select %eq3A_276, %select_n3A_277, %select_n3A_274 : i32
      %add3A_279 = arith.constant 0 : i32
      %add3A_280 = arith.addi %add3A_279, %mul3A_24 : i32
      %select_n3A_281 = arith.constant true
      %select_n3A_282 = arith.constant 0 : i32
      %select_n3A_283 = arith.constant -1 : i32
      %select_n3A_284 = arith.select %select_n3A_281, %select_n3A_283, %select_n3A_282 : i32
      %eq3A_285 = arith.constant -1 : i32
      %eq3A_286 = arith.cmpi eq, %select_n3A_284, %eq3A_285 : i32
      %select_n3A_287 = arith.constant 0 : i32
      %select_n3A_288 = arith.select %eq3A_286, %select_n3A_287, %select_n3A_284 : i32
      %add3A_289 = arith.constant 0 : i32
      %add3A_290 = arith.addi %add3A_289, %mul3A_24 : i32
      %select_n3A_291 = arith.constant true
      %select_n3A_292 = arith.constant 0 : i32
      %select_n3A_293 = arith.constant 1 : i32
      %select_n3A_294 = arith.select %select_n3A_291, %select_n3A_293, %select_n3A_292 : i32
      %eq3A_295 = arith.constant 1 : i32
      %eq3A_296 = arith.cmpi eq, %select_n3A_294, %eq3A_295 : i32
      %select_n3A_297 = arith.constant 0 : i32
      %select_n3A_298 = arith.select %eq3A_296, %select_n3A_297, %select_n3A_294 : i32
      %add3A_299 = arith.constant 0 : i32
      %add3A_300 = arith.addi %add3A_299, %mul3A_24 : i32
      %select_n3A_301 = arith.constant true
      %select_n3A_302 = arith.constant 0 : i32
      %select_n3A_303 = arith.constant 1 : i32
      %select_n3A_304 = arith.select %select_n3A_301, %select_n3A_303, %select_n3A_302 : i32
      %eq3A_305 = arith.constant 1 : i32
      %eq3A_306 = arith.cmpi eq, %select_n3A_304, %eq3A_305 : i32
      %select_n3A_307 = arith.constant 0 : i32
      %select_n3A_308 = arith.select %eq3A_306, %select_n3A_307, %select_n3A_304 : i32
      %add3A_309 = arith.constant 0 : i32
      %add3A_310 = arith.addi %add3A_309, %mul3A_24 : i32
      tpu.yield
    }) : () -> ()
    %mul3A_25 = arith.constant 1 : i32
    %mul3A_26 = arith.muli %arg1, %mul3A_25 : i32
    %add3A_27 = arith.constant 0 : i32
    %add3A_28 = arith.addi %add3A_27, %mul3A_26 : i32
    %mul3A_29 = arith.constant 16 : i32
    %mul3A_30 = arith.muli %arg0, %mul3A_29 : i32
    %add3A_31 = arith.addi %add3A_28, %mul3A_30 : i32
    %mul3A_32 = arith.constant 1 : i32
    %mul3A_33 = arith.muli %add3A_31, %mul3A_32 : i32
    "tpu.region"() ({
      %run_scoped3A = memref.alloca() : memref<2x128x256xi32, #tpu.memory_space<vmem>>
      %run_scoped3A_34 = tpu.sem_alloc : memref<2x!tpu.dma_semaphore, #tpu.memory_space<semaphore_mem>>
      %run_scoped3A_35 = memref.alloca() : memref<2x1x128xi32, #tpu.memory_space<vmem>>
      %run_scoped3A_36 = tpu.sem_alloc : memref<2x!tpu.dma_semaphore, #tpu.memory_space<semaphore_mem>>
      %add3A_37 = arith.constant 0 : i32
      %add3A_38 = arith.addi %add3A_37, %mul3A_33 : i32
      %select_n3A = arith.constant true
      %select_n3A_39 = arith.constant 0 : i32
      %select_n3A_40 = arith.constant -1 : i32
      %select_n3A_41 = arith.select %select_n3A, %select_n3A_40, %select_n3A_39 : i32
      %eq3A = arith.constant -1 : i32
      %eq3A_42 = arith.cmpi eq, %select_n3A_41, %eq3A : i32
      %select_n3A_43 = arith.constant 0 : i32
      %select_n3A_44 = arith.select %eq3A_42, %select_n3A_43, %select_n3A_41 : i32
      %add3A_45 = arith.constant 0 : i32
      %add3A_46 = arith.addi %add3A_45, %mul3A_33 : i32
      %select_n3A_47 = arith.constant true
      %select_n3A_48 = arith.constant 0 : i32
      %select_n3A_49 = arith.constant 1 : i32
      %select_n3A_50 = arith.select %select_n3A_47, %select_n3A_49, %select_n3A_48 : i32
      %eq3A_51 = arith.constant 1 : i32
      %eq3A_52 = arith.cmpi eq, %select_n3A_50, %eq3A_51 : i32
      %select_n3A_53 = arith.constant 0 : i32
      %select_n3A_54 = arith.select %eq3A_52, %select_n3A_53, %select_n3A_50 : i32
      %add3A_55 = arith.constant 0 : i32
      %add3A_56 = arith.addi %add3A_55, %mul3A_33 : i32
      %select_n3A_57 = arith.constant true
      %select_n3A_58 = arith.constant 0 : i32
      %select_n3A_59 = arith.constant 1 : i32
      %select_n3A_60 = arith.select %select_n3A_57, %select_n3A_59, %select_n3A_58 : i32
      %eq3A_61 = arith.constant 1 : i32
      %eq3A_62 = arith.cmpi eq, %select_n3A_60, %eq3A_61 : i32
      %select_n3A_63 = arith.constant 0 : i32
      %select_n3A_64 = arith.select %eq3A_62, %select_n3A_63, %select_n3A_60 : i32
      %add3A_65 = arith.constant 0 : i32
      %add3A_66 = arith.addi %add3A_65, %mul3A_33 : i32
      "tpu.trace_start"() <{level = 10 : i32, message = "ep_initialize_0"}> : () -> ()
      %rem3A = arith.constant 0 : i32
      %rem3A_67 = arith.constant 2 : i32
      %rem3A_68 = arith.remui %rem3A, %rem3A_67 : i32
      %mul3A_69 = arith.constant 128 : i32
      %mul3A_70 = arith.muli %mul3A_69, %add3A_38 : i32
      %dma_start3A = arith.constant 0 : i32
      %dma_start3A_71 = arith.constant 0 : i32
      %dma_start3A_72 = tpu.memref_slice %run_scoped3A[%rem3A_68, %dma_start3A, %dma_start3A_71] : memref<2x128x256xi32, #tpu.memory_space<vmem>> -> memref<1x128x256xi32, #tpu.memory_space<vmem>>
      %dma_start3A_73 = tpu.memref_squeeze %dma_start3A_72 : memref<1x128x256xi32, #tpu.memory_space<vmem>> -> memref<128x256xi32, #tpu.memory_space<vmem>>
      %dma_start3A_74 = arith.constant 0 : i32
      %dma_start3A_75 = tpu.memref_slice %arg3[%mul3A_70, %dma_start3A_74] : memref<4096x256xi32, #tpu.memory_space<hbm>> -> memref<128x256xi32, #tpu.memory_space<hbm>>
      %dma_start3A_76 = tpu.memref_slice %run_scoped3A_34[%rem3A_68] : memref<2x!tpu.dma_semaphore, #tpu.memory_space<semaphore_mem>> -> memref<1x!tpu.dma_semaphore, #tpu.memory_space<semaphore_mem>>
      %dma_start3A_77 = tpu.memref_squeeze %dma_start3A_76 : memref<1x!tpu.dma_semaphore, #tpu.memory_space<semaphore_mem>> -> memref<!tpu.dma_semaphore, #tpu.memory_space<semaphore_mem>>
      %dma_start3A_78 = arith.constant 0 : i32
      %dma_start3A_79 = arith.constant 0 : i32
      %dma_start3A_80 = tpu.memref_slice %run_scoped3A[%rem3A_68, %dma_start3A_78, %dma_start3A_79] : memref<2x128x256xi32, #tpu.memory_space<vmem>> -> memref<1x128x256xi32, #tpu.memory_space<vmem>>
      %dma_start3A_81 = tpu.memref_squeeze %dma_start3A_80 : memref<1x128x256xi32, #tpu.memory_space<vmem>> -> memref<128x256xi32, #tpu.memory_space<vmem>>
      %dma_start3A_82 = arith.constant 0 : i32
      %dma_start3A_83 = tpu.memref_slice %arg3[%mul3A_70, %dma_start3A_82] : memref<4096x256xi32, #tpu.memory_space<hbm>> -> memref<128x256xi32, #tpu.memory_space<hbm>>
      tpu.enqueue_dma source(%dma_start3A_83 : memref<128x256xi32, #tpu.memory_space<hbm>>) target(%dma_start3A_81 : memref<128x256xi32, #tpu.memory_space<vmem>>) target_semaphore(%dma_start3A_77 : memref<!tpu.dma_semaphore, #tpu.memory_space<semaphore_mem>>)
      %add3A_84 = arith.constant 0 : i32
      %add3A_85 = arith.constant 1 : i32
      %add3A_86 = arith.addi %add3A_84, %add3A_85 : i32
      %select_n3A_87 = arith.constant true
      %select_n3A_88 = arith.constant 0 : i32
      %select_n3A_89 = arith.select %select_n3A_87, %add3A_86, %select_n3A_88 : i32
      %rem3A_90 = arith.constant 0 : i32
      %rem3A_91 = arith.constant 2 : i32
      %rem3A_92 = arith.remui %rem3A_90, %rem3A_91 : i32
      %mul3A_93 = arith.constant 128 : i32
      %mul3A_94 = arith.muli %mul3A_93, %add3A_38 : i32
      %dma_start3A_95 = arith.constant 0 : i32
      %dma_start3A_96 = arith.constant 0 : i32
      %dma_start3A_97 = tpu.memref_slice %run_scoped3A_35[%rem3A_92, %dma_start3A_95, %dma_start3A_96] : memref<2x1x128xi32, #tpu.memory_space<vmem>> -> memref<1x1x128xi32, #tpu.memory_space<vmem>>
      %dma_start3A_98 = tpu.memref_squeeze %dma_start3A_97 : memref<1x1x128xi32, #tpu.memory_space<vmem>> -> memref<1x128xi32, #tpu.memory_space<vmem>>
      %dma_start3A_99 = arith.constant 0 : i32
      %dma_start3A_100 = tpu.memref_slice %arg5[%dma_start3A_99, %mul3A_94] : memref<1x4096xi32, #tpu.memory_space<hbm>> -> memref<1x128xi32, #tpu.memory_space<hbm>>
      %dma_start3A_101 = tpu.memref_slice %run_scoped3A_36[%rem3A_92] : memref<2x!tpu.dma_semaphore, #tpu.memory_space<semaphore_mem>> -> memref<1x!tpu.dma_semaphore, #tpu.memory_space<semaphore_mem>>
      %dma_start3A_102 = tpu.memref_squeeze %dma_start3A_101 : memref<1x!tpu.dma_semaphore, #tpu.memory_space<semaphore_mem>> -> memref<!tpu.dma_semaphore, #tpu.memory_space<semaphore_mem>>
      %dma_start3A_103 = arith.constant 0 : i32
      %dma_start3A_104 = arith.constant 0 : i32
      %dma_start3A_105 = tpu.memref_slice %run_scoped3A_35[%rem3A_92, %dma_start3A_103, %dma_start3A_104] : memref<2x1x128xi32, #tpu.memory_space<vmem>> -> memref<1x1x128xi32, #tpu.memory_space<vmem>>
      %dma_start3A_106 = tpu.memref_squeeze %dma_start3A_105 : memref<1x1x128xi32, #tpu.memory_space<vmem>> -> memref<1x128xi32, #tpu.memory_space<vmem>>
      %dma_start3A_107 = arith.constant 0 : i32
      %dma_start3A_108 = tpu.memref_slice %arg5[%dma_start3A_107, %mul3A_94] : memref<1x4096xi32, #tpu.memory_space<hbm>> -> memref<1x128xi32, #tpu.memory_space<hbm>>
      tpu.enqueue_dma source(%dma_start3A_108 : memref<1x128xi32, #tpu.memory_space<hbm>>) target(%dma_start3A_106 : memref<1x128xi32, #tpu.memory_space<vmem>>) target_semaphore(%dma_start3A_102 : memref<!tpu.dma_semaphore, #tpu.memory_space<semaphore_mem>>)
      %add3A_109 = arith.constant 0 : i32
      %add3A_110 = arith.constant 1 : i32
      %add3A_111 = arith.addi %add3A_109, %add3A_110 : i32
      %select_n3A_112 = arith.constant true
      %select_n3A_113 = arith.constant 0 : i32
      %select_n3A_114 = arith.select %select_n3A_112, %add3A_111, %select_n3A_113 : i32
      "tpu.trace_stop"() : () -> ()
      %scan3A = arith.constant 0 : i32
      %scan3A_115 = arith.constant 0 : i32
      %scan3A_116 = arith.constant 0 : i32
      %scan3A_117 = arith.constant 0 : i32
      %eq3A_118 = arith.constant 0 : i32
      %eq3A_119 = arith.cmpi eq, %scan3A_117, %eq3A_118 : i32
      %eq3A_120 = arith.constant 0 : i32
      %eq3A_121 = arith.cmpi eq, %scan3A_117, %eq3A_120 : i32
      %add3A_122 = arith.constant 0 : i32
      %add3A_123 = arith.addi %add3A_122, %mul3A_33 : i32
      %select_n3A_124 = arith.constant true
      %select_n3A_125 = arith.constant 0 : i32
      %select_n3A_126 = arith.constant -1 : i32
      %select_n3A_127 = arith.select %select_n3A_124, %select_n3A_126, %select_n3A_125 : i32
      %eq3A_128 = arith.constant -1 : i32
      %eq3A_129 = arith.cmpi eq, %select_n3A_127, %eq3A_128 : i32
      %select_n3A_130 = arith.constant 0 : i32
      %select_n3A_131 = arith.select %eq3A_129, %select_n3A_130, %select_n3A_127 : i32
      %add3A_132 = arith.constant 0 : i32
      %add3A_133 = arith.addi %add3A_132, %mul3A_33 : i32
      %select_n3A_134 = arith.constant true
      %select_n3A_135 = arith.constant 0 : i32
      %select_n3A_136 = arith.constant 1 : i32
      %select_n3A_137 = arith.select %select_n3A_134, %select_n3A_136, %select_n3A_135 : i32
      %eq3A_138 = arith.constant 1 : i32
      %eq3A_139 = arith.cmpi eq, %select_n3A_137, %eq3A_138 : i32
      %select_n3A_140 = arith.constant 0 : i32
      %select_n3A_141 = arith.select %eq3A_139, %select_n3A_140, %select_n3A_137 : i32
      %add3A_142 = arith.constant 0 : i32
      %add3A_143 = arith.addi %add3A_142, %mul3A_33 : i32
      %select_n3A_144 = arith.constant true
      %select_n3A_145 = arith.constant 0 : i32
      %select_n3A_146 = arith.constant 1 : i32
      %select_n3A_147 = arith.select %select_n3A_144, %select_n3A_146, %select_n3A_145 : i32
      %eq3A_148 = arith.constant 1 : i32
      %eq3A_149 = arith.cmpi eq, %select_n3A_147, %eq3A_148 : i32
      %select_n3A_150 = arith.constant 0 : i32
      %select_n3A_151 = arith.select %eq3A_149, %select_n3A_150, %select_n3A_147 : i32
      %add3A_152 = arith.constant 0 : i32
      %add3A_153 = arith.addi %add3A_152, %mul3A_33 : i32
      %ne3A = arith.cmpi ne, %add3A_123, %add3A_143 : i32
      %or3A = arith.constant false
      %or3A_154 = arith.ori %or3A, %ne3A : i1
      %or3A_155 = arith.constant false
      %or3A_156 = arith.ori %or3A_154, %or3A_155 : i1
      %ge3A = arith.constant 0 : i32
      %ge3A_157 = arith.cmpi sge, %scan3A_117, %ge3A : i32
      %not3A = arith.constant true
      %not3A_158 = arith.xori %ge3A_157, %not3A : i1
      %and3A = arith.andi %or3A_156, %not3A_158 : i1
      %convert_element_type3A = arith.extui %and3A : i1 to i32
      %cond3A = arith.constant 0 : i32
      %cond3A_159 = arith.cmpi ne, %convert_element_type3A, %cond3A : i32
      scf.if %cond3A_159 {
        "tpu.trace_start"() <{level = 10 : i32, message = "ep_copy_in"}> : () -> ()
        %rem3A_311 = arith.constant 2 : i32
        %rem3A_312 = arith.remui %select_n3A_89, %rem3A_311 : i32
        %mul3A_313 = arith.constant 128 : i32
        %mul3A_314 = arith.muli %mul3A_313, %add3A_143 : i32
        %dma_start3A_315 = arith.constant 0 : i32
        %dma_start3A_316 = arith.constant 0 : i32
        %dma_start3A_317 = tpu.memref_slice %run_scoped3A[%rem3A_312, %dma_start3A_315, %dma_start3A_316] : memref<2x128x256xi32, #tpu.memory_space<vmem>> -> memref<1x128x256xi32, #tpu.memory_space<vmem>>
        %dma_start3A_318 = tpu.memref_squeeze %dma_start3A_317 : memref<1x128x256xi32, #tpu.memory_space<vmem>> -> memref<128x256xi32, #tpu.memory_space<vmem>>
        %dma_start3A_319 = arith.constant 0 : i32
        %dma_start3A_320 = tpu.memref_slice %arg3[%mul3A_314, %dma_start3A_319] : memref<4096x256xi32, #tpu.memory_space<hbm>> -> memref<128x256xi32, #tpu.memory_space<hbm>>
        %dma_start3A_321 = tpu.memref_slice %run_scoped3A_34[%rem3A_312] : memref<2x!tpu.dma_semaphore, #tpu.memory_space<semaphore_mem>> -> memref<1x!tpu.dma_semaphore, #tpu.memory_space<semaphore_mem>>
        %dma_start3A_322 = tpu.memref_squeeze %dma_start3A_321 : memref<1x!tpu.dma_semaphore, #tpu.memory_space<semaphore_mem>> -> memref<!tpu.dma_semaphore, #tpu.memory_space<semaphore_mem>>
        %dma_start3A_323 = arith.constant 0 : i32
        %dma_start3A_324 = arith.constant 0 : i32
        %dma_start3A_325 = tpu.memref_slice %run_scoped3A[%rem3A_312, %dma_start3A_323, %dma_start3A_324] : memref<2x128x256xi32, #tpu.memory_space<vmem>> -> memref<1x128x256xi32, #tpu.memory_space<vmem>>
        %dma_start3A_326 = tpu.memref_squeeze %dma_start3A_325 : memref<1x128x256xi32, #tpu.memory_space<vmem>> -> memref<128x256xi32, #tpu.memory_space<vmem>>
        %dma_start3A_327 = arith.constant 0 : i32
        %dma_start3A_328 = tpu.memref_slice %arg3[%mul3A_314, %dma_start3A_327] : memref<4096x256xi32, #tpu.memory_space<hbm>> -> memref<128x256xi32, #tpu.memory_space<hbm>>
        tpu.enqueue_dma source(%dma_start3A_328 : memref<128x256xi32, #tpu.memory_space<hbm>>) target(%dma_start3A_326 : memref<128x256xi32, #tpu.memory_space<vmem>>) target_semaphore(%dma_start3A_322 : memref<!tpu.dma_semaphore, #tpu.memory_space<semaphore_mem>>)
        "tpu.trace_stop"() : () -> ()
      } else {
      }
      %and3A_160 = arith.constant true
      %and3A_161 = arith.andi %and3A, %and3A_160 : i1
      %add3A_162 = arith.constant 1 : i32
      %add3A_163 = arith.addi %select_n3A_89, %add3A_162 : i32
      %select_n3A_164 = arith.select %and3A_161, %add3A_163, %select_n3A_89 : i32
      %ne3A_165 = arith.cmpi ne, %add3A_123, %add3A_143 : i32
      %or3A_166 = arith.constant false
      %or3A_167 = arith.ori %or3A_166, %ne3A_165 : i1
      %ge3A_168 = arith.constant 0 : i32
      %ge3A_169 = arith.cmpi sge, %scan3A_117, %ge3A_168 : i32
      %not3A_170 = arith.constant true
      %not3A_171 = arith.xori %ge3A_169, %not3A_170 : i1
      %and3A_172 = arith.andi %or3A_167, %not3A_171 : i1
      %convert_element_type3A_173 = arith.extui %and3A_172 : i1 to i32
      %cond3A_174 = arith.constant 0 : i32
      %cond3A_175 = arith.cmpi ne, %convert_element_type3A_173, %cond3A_174 : i32
      scf.if %cond3A_175 {
        "tpu.trace_start"() <{level = 10 : i32, message = "ep_copy_in"}> : () -> ()
        %rem3A_311 = arith.constant 2 : i32
        %rem3A_312 = arith.remui %select_n3A_114, %rem3A_311 : i32
        %mul3A_313 = arith.constant 128 : i32
        %mul3A_314 = arith.muli %mul3A_313, %add3A_143 : i32
        %dma_start3A_315 = arith.constant 0 : i32
        %dma_start3A_316 = arith.constant 0 : i32
        %dma_start3A_317 = tpu.memref_slice %run_scoped3A_35[%rem3A_312, %dma_start3A_315, %dma_start3A_316] : memref<2x1x128xi32, #tpu.memory_space<vmem>> -> memref<1x1x128xi32, #tpu.memory_space<vmem>>
        %dma_start3A_318 = tpu.memref_squeeze %dma_start3A_317 : memref<1x1x128xi32, #tpu.memory_space<vmem>> -> memref<1x128xi32, #tpu.memory_space<vmem>>
        %dma_start3A_319 = arith.constant 0 : i32
        %dma_start3A_320 = tpu.memref_slice %arg5[%dma_start3A_319, %mul3A_314] : memref<1x4096xi32, #tpu.memory_space<hbm>> -> memref<1x128xi32, #tpu.memory_space<hbm>>
        %dma_start3A_321 = tpu.memref_slice %run_scoped3A_36[%rem3A_312] : memref<2x!tpu.dma_semaphore, #tpu.memory_space<semaphore_mem>> -> memref<1x!tpu.dma_semaphore, #tpu.memory_space<semaphore_mem>>
        %dma_start3A_322 = tpu.memref_squeeze %dma_start3A_321 : memref<1x!tpu.dma_semaphore, #tpu.memory_space<semaphore_mem>> -> memref<!tpu.dma_semaphore, #tpu.memory_space<semaphore_mem>>
        %dma_start3A_323 = arith.constant 0 : i32
        %dma_start3A_324 = arith.constant 0 : i32
        %dma_start3A_325 = tpu.memref_slice %run_scoped3A_35[%rem3A_312, %dma_start3A_323, %dma_start3A_324] : memref<2x1x128xi32, #tpu.memory_space<vmem>> -> memref<1x1x128xi32, #tpu.memory_space<vmem>>
        %dma_start3A_326 = tpu.memref_squeeze %dma_start3A_325 : memref<1x1x128xi32, #tpu.memory_space<vmem>> -> memref<1x128xi32, #tpu.memory_space<vmem>>
        %dma_start3A_327 = arith.constant 0 : i32
        %dma_start3A_328 = tpu.memref_slice %arg5[%dma_start3A_327, %mul3A_314] : memref<1x4096xi32, #tpu.memory_space<hbm>> -> memref<1x128xi32, #tpu.memory_space<hbm>>
        tpu.enqueue_dma source(%dma_start3A_328 : memref<1x128xi32, #tpu.memory_space<hbm>>) target(%dma_start3A_326 : memref<1x128xi32, #tpu.memory_space<vmem>>) target_semaphore(%dma_start3A_322 : memref<!tpu.dma_semaphore, #tpu.memory_space<semaphore_mem>>)
        "tpu.trace_stop"() : () -> ()
      } else {
      }
      %and3A_176 = arith.constant true
      %and3A_177 = arith.andi %and3A_172, %and3A_176 : i1
      %add3A_178 = arith.constant 1 : i32
      %add3A_179 = arith.addi %select_n3A_114, %add3A_178 : i32
      %select_n3A_180 = arith.select %and3A_177, %add3A_179, %select_n3A_114 : i32
      %ne3A_181 = arith.cmpi ne, %add3A_123, %add3A_133 : i32
      %or3A_182 = arith.constant false
      %or3A_183 = arith.ori %or3A_182, %ne3A_181 : i1
      %or3A_184 = arith.constant false
      %or3A_185 = arith.ori %or3A_183, %or3A_184 : i1
      %or3A_186 = arith.ori %or3A_185, %eq3A_119 : i1
      %convert_element_type3A_187 = arith.extui %or3A_186 : i1 to i32
      %cond3A_188 = arith.constant 0 : i32
      %cond3A_189 = arith.cmpi ne, %convert_element_type3A_187, %cond3A_188 : i32
      scf.if %cond3A_189 {
        "tpu.trace_start"() <{level = 10 : i32, message = "ep_wait_in"}> : () -> ()
        %mul3A_311 = arith.constant 128 : i32
        %mul3A_312 = arith.muli %mul3A_311, %add3A_123 : i32
        %rem3A_313 = arith.constant 2 : i32
        %rem3A_314 = arith.remui %scan3A, %rem3A_313 : i32
        %dma_wait3A = arith.constant 0 : i32
        %dma_wait3A_315 = arith.constant 0 : i32
        %dma_wait3A_316 = tpu.memref_slice %run_scoped3A[%rem3A_314, %dma_wait3A, %dma_wait3A_315] : memref<2x128x256xi32, #tpu.memory_space<vmem>> -> memref<1x128x256xi32, #tpu.memory_space<vmem>>
        %dma_wait3A_317 = tpu.memref_squeeze %dma_wait3A_316 : memref<1x128x256xi32, #tpu.memory_space<vmem>> -> memref<128x256xi32, #tpu.memory_space<vmem>>
        %dma_wait3A_318 = arith.constant 0 : i32
        %dma_wait3A_319 = tpu.memref_slice %arg3[%mul3A_312, %dma_wait3A_318] : memref<4096x256xi32, #tpu.memory_space<hbm>> -> memref<128x256xi32, #tpu.memory_space<hbm>>
        %dma_wait3A_320 = tpu.memref_slice %run_scoped3A_34[%rem3A_314] : memref<2x!tpu.dma_semaphore, #tpu.memory_space<semaphore_mem>> -> memref<1x!tpu.dma_semaphore, #tpu.memory_space<semaphore_mem>>
        %dma_wait3A_321 = tpu.memref_squeeze %dma_wait3A_320 : memref<1x!tpu.dma_semaphore, #tpu.memory_space<semaphore_mem>> -> memref<!tpu.dma_semaphore, #tpu.memory_space<semaphore_mem>>
        %dma_wait3A_322 = arith.constant 0 : i32
        %dma_wait3A_323 = arith.constant 0 : i32
        %dma_wait3A_324 = tpu.memref_slice %run_scoped3A[%rem3A_314, %dma_wait3A_322, %dma_wait3A_323] : memref<2x128x256xi32, #tpu.memory_space<vmem>> -> memref<1x128x256xi32, #tpu.memory_space<vmem>>
        %dma_wait3A_325 = tpu.memref_squeeze %dma_wait3A_324 : memref<1x128x256xi32, #tpu.memory_space<vmem>> -> memref<128x256xi32, #tpu.memory_space<vmem>>
        %dma_wait3A_326 = arith.constant 0 : i32
        %dma_wait3A_327 = tpu.memref_slice %arg3[%mul3A_312, %dma_wait3A_326] : memref<4096x256xi32, #tpu.memory_space<hbm>> -> memref<128x256xi32, #tpu.memory_space<hbm>>
        tpu.wait_dma2 semaphore(%dma_wait3A_321 : memref<!tpu.dma_semaphore, #tpu.memory_space<semaphore_mem>>) src(%dma_wait3A_327 : memref<128x256xi32, #tpu.memory_space<hbm>>) dst(%dma_wait3A_325 : memref<128x256xi32, #tpu.memory_space<vmem>>)
        "tpu.trace_stop"() : () -> ()
      } else {
      }
      %ne3A_190 = arith.cmpi ne, %add3A_123, %add3A_133 : i32
      %or3A_191 = arith.constant false
      %or3A_192 = arith.ori %or3A_191, %ne3A_190 : i1
      %or3A_193 = arith.ori %or3A_192, %eq3A_119 : i1
      %convert_element_type3A_194 = arith.extui %or3A_193 : i1 to i32
      %cond3A_195 = arith.constant 0 : i32
      %cond3A_196 = arith.cmpi ne, %convert_element_type3A_194, %cond3A_195 : i32
      scf.if %cond3A_196 {
        "tpu.trace_start"() <{level = 10 : i32, message = "ep_wait_in"}> : () -> ()
        %mul3A_311 = arith.constant 128 : i32
        %mul3A_312 = arith.muli %mul3A_311, %add3A_123 : i32
        %rem3A_313 = arith.constant 2 : i32
        %rem3A_314 = arith.remui %scan3A_115, %rem3A_313 : i32
        %dma_wait3A = arith.constant 0 : i32
        %dma_wait3A_315 = arith.constant 0 : i32
        %dma_wait3A_316 = tpu.memref_slice %run_scoped3A_35[%rem3A_314, %dma_wait3A, %dma_wait3A_315] : memref<2x1x128xi32, #tpu.memory_space<vmem>> -> memref<1x1x128xi32, #tpu.memory_space<vmem>>
        %dma_wait3A_317 = tpu.memref_squeeze %dma_wait3A_316 : memref<1x1x128xi32, #tpu.memory_space<vmem>> -> memref<1x128xi32, #tpu.memory_space<vmem>>
        %dma_wait3A_318 = arith.constant 0 : i32
        %dma_wait3A_319 = tpu.memref_slice %arg5[%dma_wait3A_318, %mul3A_312] : memref<1x4096xi32, #tpu.memory_space<hbm>> -> memref<1x128xi32, #tpu.memory_space<hbm>>
        %dma_wait3A_320 = tpu.memref_slice %run_scoped3A_36[%rem3A_314] : memref<2x!tpu.dma_semaphore, #tpu.memory_space<semaphore_mem>> -> memref<1x!tpu.dma_semaphore, #tpu.memory_space<semaphore_mem>>
        %dma_wait3A_321 = tpu.memref_squeeze %dma_wait3A_320 : memref<1x!tpu.dma_semaphore, #tpu.memory_space<semaphore_mem>> -> memref<!tpu.dma_semaphore, #tpu.memory_space<semaphore_mem>>
        %dma_wait3A_322 = arith.constant 0 : i32
        %dma_wait3A_323 = arith.constant 0 : i32
        %dma_wait3A_324 = tpu.memref_slice %run_scoped3A_35[%rem3A_314, %dma_wait3A_322, %dma_wait3A_323] : memref<2x1x128xi32, #tpu.memory_space<vmem>> -> memref<1x1x128xi32, #tpu.memory_space<vmem>>
        %dma_wait3A_325 = tpu.memref_squeeze %dma_wait3A_324 : memref<1x1x128xi32, #tpu.memory_space<vmem>> -> memref<1x128xi32, #tpu.memory_space<vmem>>
        %dma_wait3A_326 = arith.constant 0 : i32
        %dma_wait3A_327 = tpu.memref_slice %arg5[%dma_wait3A_326, %mul3A_312] : memref<1x4096xi32, #tpu.memory_space<hbm>> -> memref<1x128xi32, #tpu.memory_space<hbm>>
        tpu.wait_dma2 semaphore(%dma_wait3A_321 : memref<!tpu.dma_semaphore, #tpu.memory_space<semaphore_mem>>) src(%dma_wait3A_327 : memref<1x128xi32, #tpu.memory_space<hbm>>) dst(%dma_wait3A_325 : memref<1x128xi32, #tpu.memory_space<vmem>>)
        "tpu.trace_stop"() : () -> ()
      } else {
      }
      %rem3A_197 = arith.constant 2 : i32
      %rem3A_198 = arith.remui %scan3A, %rem3A_197 : i32
      %rem3A_199 = arith.constant 2 : i32
      %rem3A_200 = arith.remui %scan3A_115, %rem3A_199 : i32
      %run_scoped3A_201 = arith.constant 0 : i32
      "tpu.trace_start"() <{level = 10 : i32, message = "ep_run_kernel"}> : () -> ()
      "tpu.region"() ({
        %run_scoped3A_311 = tpu.sem_alloc : memref<!tpu.dma_semaphore, #tpu.memory_space<semaphore_mem>>
        %dma_start3A_312 = arith.constant 0 : i32
        %dma_start3A_313 = arith.constant 0 : i32
        %dma_start3A_314 = tpu.memref_slice %run_scoped3A[%rem3A_198, %dma_start3A_312, %dma_start3A_313] : memref<2x128x256xi32, #tpu.memory_space<vmem>> -> memref<1x128x256xi32, #tpu.memory_space<vmem>>
        %dma_start3A_315 = tpu.memref_squeeze %dma_start3A_314 : memref<1x128x256xi32, #tpu.memory_space<vmem>> -> memref<128x256xi32, #tpu.memory_space<vmem>>
        %dma_start3A_316 = arith.constant 0 : i32
        %dma_start3A_317 = arith.constant 0 : i32
        %dma_start3A_318 = tpu.memref_slice %run_scoped3A_35[%rem3A_200, %dma_start3A_316, %dma_start3A_317] : memref<2x1x128xi32, #tpu.memory_space<vmem>> -> memref<1x1x128xi32, #tpu.memory_space<vmem>>
        %dma_start3A_319 = tpu.memref_squeeze %dma_start3A_318 : memref<1x1x128xi32, #tpu.memory_space<vmem>> -> memref<1x128xi32, #tpu.memory_space<vmem>>
        %dma_start3A_320 = arith.constant 0 : i32
        %dma_start3A_321 = tpu.memref_slice %dma_start3A_319[%run_scoped3A_201, %dma_start3A_320] : memref<1x128xi32, #tpu.memory_space<vmem>> -> memref<1x128xi32, #tpu.memory_space<vmem>>
        %dma_start3A_322 = tpu.memref_squeeze %dma_start3A_321 : memref<1x128xi32, #tpu.memory_space<vmem>> -> memref<128xi32, #tpu.memory_space<vmem>>
        %dma_start3A_323 = arith.constant 0 : i32
        %dma_start3A_324 = arith.constant 0 : i32
        %dma_start3A_325 = tpu.memref_slice %arg7[%dma_start3A_323, %dma_start3A_324] : memref<8192x256xi32, #tpu.memory_space<hbm>> -> memref<8192x256xi32, #tpu.memory_space<hbm>>
        tpu.enqueue_indirect_dma source(%dma_start3A_315 : memref<128x256xi32, #tpu.memory_space<vmem>>) target(%dma_start3A_325 : memref<8192x256xi32, #tpu.memory_space<hbm>>) offsets(%dma_start3A_322 : memref<128xi32, #tpu.memory_space<vmem>>) semaphore(%run_scoped3A_311 : memref<!tpu.dma_semaphore, #tpu.memory_space<semaphore_mem>>)
        %dma_wait3A = arith.constant 0 : i32
        %dma_wait3A_326 = arith.constant 0 : i32
        %dma_wait3A_327 = tpu.memref_slice %run_scoped3A[%rem3A_198, %dma_wait3A, %dma_wait3A_326] : memref<2x128x256xi32, #tpu.memory_space<vmem>> -> memref<1x128x256xi32, #tpu.memory_space<vmem>>
        %dma_wait3A_328 = tpu.memref_squeeze %dma_wait3A_327 : memref<1x128x256xi32, #tpu.memory_space<vmem>> -> memref<128x256xi32, #tpu.memory_space<vmem>>
        %dma_wait3A_329 = arith.constant 0 : i32
        %dma_wait3A_330 = arith.constant 0 : i32
        %dma_wait3A_331 = tpu.memref_slice %run_scoped3A_35[%rem3A_200, %dma_wait3A_329, %dma_wait3A_330] : memref<2x1x128xi32, #tpu.memory_space<vmem>> -> memref<1x1x128xi32, #tpu.memory_space<vmem>>
        %dma_wait3A_332 = tpu.memref_squeeze %dma_wait3A_331 : memref<1x1x128xi32, #tpu.memory_space<vmem>> -> memref<1x128xi32, #tpu.memory_space<vmem>>
        %dma_wait3A_333 = arith.constant 0 : i32
        %dma_wait3A_334 = tpu.memref_slice %dma_wait3A_332[%run_scoped3A_201, %dma_wait3A_333] : memref<1x128xi32, #tpu.memory_space<vmem>> -> memref<1x128xi32, #tpu.memory_space<vmem>>
        %dma_wait3A_335 = tpu.memref_squeeze %dma_wait3A_334 : memref<1x128xi32, #tpu.memory_space<vmem>> -> memref<128xi32, #tpu.memory_space<vmem>>
        %dma_wait3A_336 = arith.constant 0 : i32
        %dma_wait3A_337 = arith.constant 0 : i32
        %dma_wait3A_338 = tpu.memref_slice %arg7[%dma_wait3A_336, %dma_wait3A_337] : memref<8192x256xi32, #tpu.memory_space<hbm>> -> memref<8192x256xi32, #tpu.memory_space<hbm>>
        tpu.wait_indirect_dma semaphore(%run_scoped3A_311 : memref<!tpu.dma_semaphore, #tpu.memory_space<semaphore_mem>>) src(%dma_wait3A_328 : memref<128x256xi32, #tpu.memory_space<vmem>>) dst(%dma_wait3A_338 : memref<8192x256xi32, #tpu.memory_space<hbm>>)
        tpu.yield
      }) : () -> ()
      "tpu.trace_stop"() : () -> ()
      %ne3A_202 = arith.cmpi ne, %add3A_123, %add3A_143 : i32
      %or3A_203 = arith.constant false
      %or3A_204 = arith.ori %or3A_203, %ne3A_202 : i1
      %or3A_205 = arith.constant false
      %or3A_206 = arith.ori %or3A_204, %or3A_205 : i1
      %or3A_207 = arith.ori %or3A_206, %eq3A_121 : i1
      %convert_element_type3A_208 = arith.extui %or3A_207 : i1 to i32
      %cond3A_209 = arith.constant 0 : i32
      %cond3A_210 = arith.cmpi ne, %convert_element_type3A_208, %cond3A_209 : i32
      scf.if %cond3A_210 {
      } else {
      }
      %and3A_211 = arith.constant false
      %and3A_212 = arith.andi %or3A_207, %and3A_211 : i1
      %ne3A_213 = arith.cmpi ne, %add3A_123, %add3A_143 : i32
      %or3A_214 = arith.constant false
      %or3A_215 = arith.ori %or3A_214, %ne3A_213 : i1
      %or3A_216 = arith.ori %or3A_215, %eq3A_121 : i1
      %convert_element_type3A_217 = arith.extui %or3A_216 : i1 to i32
      %cond3A_218 = arith.constant 0 : i32
      %cond3A_219 = arith.cmpi ne, %convert_element_type3A_217, %cond3A_218 : i32
      scf.if %cond3A_219 {
      } else {
      }
      %and3A_220 = arith.constant false
      %and3A_221 = arith.andi %or3A_216, %and3A_220 : i1
      %ne3A_222 = arith.cmpi ne, %add3A_123, %add3A_133 : i32
      %or3A_223 = arith.constant false
      %or3A_224 = arith.ori %or3A_223, %ne3A_222 : i1
      %or3A_225 = arith.constant false
      %or3A_226 = arith.ori %or3A_224, %or3A_225 : i1
      %not3A_227 = arith.constant true
      %not3A_228 = arith.xori %eq3A_119, %not3A_227 : i1
      %and3A_229 = arith.andi %or3A_226, %not3A_228 : i1
      %convert_element_type3A_230 = arith.extui %and3A_229 : i1 to i32
      %cond3A_231 = arith.constant 0 : i32
      %cond3A_232 = arith.cmpi ne, %convert_element_type3A_230, %cond3A_231 : i32
      scf.if %cond3A_232 {
      } else {
      }
      %and3A_233 = arith.constant false
      %and3A_234 = arith.andi %and3A_229, %and3A_233 : i1
      %ne3A_235 = arith.cmpi ne, %add3A_123, %add3A_133 : i32
      %or3A_236 = arith.constant false
      %or3A_237 = arith.ori %or3A_236, %ne3A_235 : i1
      %not3A_238 = arith.constant true
      %not3A_239 = arith.xori %eq3A_119, %not3A_238 : i1
      %and3A_240 = arith.andi %or3A_237, %not3A_239 : i1
      %convert_element_type3A_241 = arith.extui %and3A_240 : i1 to i32
      %cond3A_242 = arith.constant 0 : i32
      %cond3A_243 = arith.cmpi ne, %convert_element_type3A_241, %cond3A_242 : i32
      scf.if %cond3A_243 {
      } else {
      }
      %and3A_244 = arith.constant false
      %and3A_245 = arith.andi %and3A_240, %and3A_244 : i1
      %ne3A_246 = arith.cmpi ne, %add3A_123, %add3A_143 : i32
      %or3A_247 = arith.constant false
      %or3A_248 = arith.ori %or3A_247, %ne3A_246 : i1
      %or3A_249 = arith.constant false
      %or3A_250 = arith.ori %or3A_248, %or3A_249 : i1
      %or3A_251 = arith.ori %or3A_250, %eq3A_121 : i1
      %add3A_252 = arith.constant 1 : i32
      %add3A_253 = arith.addi %scan3A, %add3A_252 : i32
      %select_n3A_254 = arith.select %or3A_251, %add3A_253, %scan3A : i32
      %ne3A_255 = arith.cmpi ne, %add3A_123, %add3A_143 : i32
      %or3A_256 = arith.constant false
      %or3A_257 = arith.ori %or3A_256, %ne3A_255 : i1
      %or3A_258 = arith.ori %or3A_257, %eq3A_121 : i1
      %add3A_259 = arith.constant 1 : i32
      %add3A_260 = arith.addi %scan3A_115, %add3A_259 : i32
      %select_n3A_261 = arith.select %or3A_258, %add3A_260, %scan3A_115 : i32
      %select_n3A_262 = arith.constant true
      %select_n3A_263 = arith.constant 0 : i32
      %select_n3A_264 = arith.constant 1 : i32
      %select_n3A_265 = arith.select %select_n3A_262, %select_n3A_264, %select_n3A_263 : i32
      %eq3A_266 = arith.constant 1 : i32
      %eq3A_267 = arith.cmpi eq, %select_n3A_265, %eq3A_266 : i32
      %select_n3A_268 = arith.constant 0 : i32
      %select_n3A_269 = arith.select %eq3A_267, %select_n3A_268, %select_n3A_265 : i32
      %scan3A_270 = arith.constant 0 : i32
      %scan3A_271 = arith.constant 1 : i32
      %sub3A = arith.constant 1 : i32
      %sub3A_272 = arith.subi %scan3A_270, %sub3A : i32
      %select_n3A_273 = arith.constant true
      %select_n3A_274 = arith.select %select_n3A_273, %sub3A_272, %scan3A_270 : i32
      %eq3A_275 = arith.constant -1 : i32
      %eq3A_276 = arith.cmpi eq, %select_n3A_274, %eq3A_275 : i32
      %select_n3A_277 = arith.constant 0 : i32
      %select_n3A_278 = arith.select %eq3A_276, %select_n3A_277, %select_n3A_274 : i32
      %add3A_279 = arith.constant 0 : i32
      %add3A_280 = arith.addi %add3A_279, %mul3A_33 : i32
      %select_n3A_281 = arith.constant true
      %select_n3A_282 = arith.constant 0 : i32
      %select_n3A_283 = arith.constant -1 : i32
      %select_n3A_284 = arith.select %select_n3A_281, %select_n3A_283, %select_n3A_282 : i32
      %eq3A_285 = arith.constant -1 : i32
      %eq3A_286 = arith.cmpi eq, %select_n3A_284, %eq3A_285 : i32
      %select_n3A_287 = arith.constant 0 : i32
      %select_n3A_288 = arith.select %eq3A_286, %select_n3A_287, %select_n3A_284 : i32
      %add3A_289 = arith.constant 0 : i32
      %add3A_290 = arith.addi %add3A_289, %mul3A_33 : i32
      %select_n3A_291 = arith.constant true
      %select_n3A_292 = arith.constant 0 : i32
      %select_n3A_293 = arith.constant 1 : i32
      %select_n3A_294 = arith.select %select_n3A_291, %select_n3A_293, %select_n3A_292 : i32
      %eq3A_295 = arith.constant 1 : i32
      %eq3A_296 = arith.cmpi eq, %select_n3A_294, %eq3A_295 : i32
      %select_n3A_297 = arith.constant 0 : i32
      %select_n3A_298 = arith.select %eq3A_296, %select_n3A_297, %select_n3A_294 : i32
      %add3A_299 = arith.constant 0 : i32
      %add3A_300 = arith.addi %add3A_299, %mul3A_33 : i32
      %select_n3A_301 = arith.constant true
      %select_n3A_302 = arith.constant 0 : i32
      %select_n3A_303 = arith.constant 1 : i32
      %select_n3A_304 = arith.select %select_n3A_301, %select_n3A_303, %select_n3A_302 : i32
      %eq3A_305 = arith.constant 1 : i32
      %eq3A_306 = arith.cmpi eq, %select_n3A_304, %eq3A_305 : i32
      %select_n3A_307 = arith.constant 0 : i32
      %select_n3A_308 = arith.select %eq3A_306, %select_n3A_307, %select_n3A_304 : i32
      %add3A_309 = arith.constant 0 : i32
      %add3A_310 = arith.addi %add3A_309, %mul3A_33 : i32
      tpu.yield
    }) : () -> ()
    return
  }
}

module attributes {stable_mosaic.version = 14 : i64} {
  func.func @_att_route_body(%arg0: i32, %arg1: i32, %arg2: memref<1x256x1024xf32, #tpu.memory_space<vmem>>, %arg3: memref<8x1024xf32, #tpu.memory_space<vmem>>, %arg4: memref<8x1024xf32, #tpu.memory_space<vmem>>, %arg5: memref<256x1024xf32, #tpu.memory_space<vmem>>, %arg6: memref<1024x1024xbf16, #tpu.memory_space<vmem>>, %arg7: memref<1024x1024xbf16, #tpu.memory_space<vmem>>, %arg8: memref<1024x1024xbf16, #tpu.memory_space<vmem>>, %arg9: memref<1024x1024xbf16, #tpu.memory_space<vmem>>, %arg10: memref<1024x1024xbf16, #tpu.memory_space<vmem>>, %arg11: memref<1024x384xbf16, #tpu.memory_space<vmem>>, %arg12: memref<1x8xf32, #tpu.memory_space<vmem>>, %arg13: memref<1x256x1024xf32, #tpu.memory_space<vmem>>, %arg14: memref<1x256x256xi32, #tpu.memory_space<vmem>>, %arg15: memref<1x256x256xi32, #tpu.memory_space<vmem>>, %arg16: memref<1x256x8xi32, #tpu.memory_space<vmem>>, %arg17: memref<1x256x8xf32, #tpu.memory_space<vmem>>, %arg18: memref<1x1024xf32, #tpu.memory_space<vmem>>, %arg19: memref<1x1024xf32, #tpu.memory_space<vmem>>) attributes {dimension_semantics = [#tpu.dimension_semantics<arbitrary>, #tpu.dimension_semantics<arbitrary>], iteration_bounds = array<i64: 2, 8>, scalar_prefetch = 0 : i64, scratch_operands = 2 : i64, tpu.core_type = #tpu.core_type<tc>, window_params = [{transform_indices = @transform_0, window_bounds = array<i64: 1, 256, 1024>}, {pipeline_mode = #tpu.pipeline_mode<synchronous>, transform_indices = @transform_1, window_bounds = array<i64: 8, 1024>}, {pipeline_mode = #tpu.pipeline_mode<synchronous>, transform_indices = @transform_2, window_bounds = array<i64: 8, 1024>}, {pipeline_mode = #tpu.pipeline_mode<synchronous>, transform_indices = @transform_3, window_bounds = array<i64: 256, 1024>}, {pipeline_mode = #tpu.pipeline_mode<synchronous>, transform_indices = @transform_4, window_bounds = array<i64: 1024, 1024>}, {pipeline_mode = #tpu.pipeline_mode<synchronous>, transform_indices = @transform_5, window_bounds = array<i64: 1024, 1024>}, {pipeline_mode = #tpu.pipeline_mode<synchronous>, transform_indices = @transform_6, window_bounds = array<i64: 1024, 1024>}, {pipeline_mode = #tpu.pipeline_mode<synchronous>, transform_indices = @transform_7, window_bounds = array<i64: 1024, 1024>}, {pipeline_mode = #tpu.pipeline_mode<synchronous>, transform_indices = @transform_8, window_bounds = array<i64: 1024, 1024>}, {pipeline_mode = #tpu.pipeline_mode<synchronous>, transform_indices = @transform_9, window_bounds = array<i64: 1024, 384>}, {pipeline_mode = #tpu.pipeline_mode<synchronous>, transform_indices = @transform_10, window_bounds = array<i64: 1, 8>}, {transform_indices = @transform_11, window_bounds = array<i64: 1, 256, 1024>}, {transform_indices = @transform_12, window_bounds = array<i64: 1, 256, 256>}, {transform_indices = @transform_13, window_bounds = array<i64: 1, 256, 256>}, {transform_indices = @transform_14, window_bounds = array<i64: 1, 256, 8>}, {transform_indices = @transform_15, window_bounds = array<i64: 1, 256, 8>}]} {
    %eq3A = arith.constant 0 : i32
    %eq3A_0 = arith.cmpi eq, %arg1, %eq3A : i32
    %convert_element_type3A = arith.extui %eq3A_0 : i1 to i32
    %cond3A = arith.constant 0 : i32
    %cond3A_1 = arith.cmpi ne, %convert_element_type3A, %cond3A : i32
    scf.if %cond3A_1 {
      %broadcast_in_dim3A_433 = arith.constant 0.000000e+00 : f32
      %broadcast_in_dim3A_434 = vector.broadcast %broadcast_in_dim3A_433 : f32 to vector<1x1024xf32>
      %swap3A_435 = arith.constant 0 : index
      %swap3A_436 = arith.constant 0 : index
      %swap3A_437 = vector.load %arg18[%swap3A_435, %swap3A_436] : memref<1x1024xf32, #tpu.memory_space<vmem>>, vector<1x1024xf32>
      tpu.vector_store %arg18[%swap3A_435, %swap3A_436], %broadcast_in_dim3A_434 {strides = array<i32>} : memref<1x1024xf32, #tpu.memory_space<vmem>>, vector<1x1024xf32>,
      %broadcast_in_dim3A_438 = arith.constant 0.000000e+00 : f32
      %broadcast_in_dim3A_439 = vector.broadcast %broadcast_in_dim3A_438 : f32 to vector<1x1024xf32>
      %swap3A_440 = arith.constant 0 : index
      %swap3A_441 = arith.constant 0 : index
      %swap3A_442 = vector.load %arg19[%swap3A_440, %swap3A_441] : memref<1x1024xf32, #tpu.memory_space<vmem>>, vector<1x1024xf32>
      tpu.vector_store %arg19[%swap3A_440, %swap3A_441], %broadcast_in_dim3A_439 {strides = array<i32>} : memref<1x1024xf32, #tpu.memory_space<vmem>>, vector<1x1024xf32>,
    } else {
    }
    %get3A = arith.constant 0 : index
    %get3A_2 = arith.constant 0 : index
    %get3A_3 = arith.constant 0 : index
    %get3A_4 = vector.load %arg2[%get3A, %get3A_2, %get3A_3] : memref<1x256x1024xf32, #tpu.memory_space<vmem>>, vector<1x256x1024xf32>
    %get3A_5 = vector.shape_cast %get3A_4 : vector<1x256x1024xf32> to vector<256x1024xf32>
    %get3A_6 = arith.constant 0 : index
    %get3A_7 = arith.constant 0 : index
    %get3A_8 = vector.load %arg3[%get3A_6, %get3A_7] : memref<8x1024xf32, #tpu.memory_space<vmem>>, vector<1x1024xf32>
    %get3A_9 = arith.constant 1 : index
    %get3A_10 = arith.constant 0 : index
    %get3A_11 = vector.load %arg3[%get3A_9, %get3A_10] : memref<8x1024xf32, #tpu.memory_space<vmem>>, vector<1x1024xf32>
    %get3A_12 = arith.constant 2 : index
    %get3A_13 = arith.constant 0 : index
    %get3A_14 = vector.load %arg3[%get3A_12, %get3A_13] : memref<8x1024xf32, #tpu.memory_space<vmem>>, vector<1x1024xf32>
    %get3A_15 = arith.constant 4 : index
    %get3A_16 = arith.constant 0 : index
    %get3A_17 = vector.load %arg3[%get3A_15, %get3A_16] : memref<8x1024xf32, #tpu.memory_space<vmem>>, vector<1x1024xf32>
    %get3A_18 = arith.constant 5 : index
    %get3A_19 = arith.constant 0 : index
    %get3A_20 = vector.load %arg3[%get3A_18, %get3A_19] : memref<8x1024xf32, #tpu.memory_space<vmem>>, vector<1x1024xf32>
    %get3A_21 = arith.constant 6 : index
    %get3A_22 = arith.constant 0 : index
    %get3A_23 = vector.load %arg3[%get3A_21, %get3A_22] : memref<8x1024xf32, #tpu.memory_space<vmem>>, vector<1x1024xf32>
    %get3A_24 = arith.constant 7 : index
    %get3A_25 = arith.constant 0 : index
    %get3A_26 = vector.load %arg3[%get3A_24, %get3A_25] : memref<8x1024xf32, #tpu.memory_space<vmem>>, vector<1x1024xf32>
    %reduce_sum3A = arith.constant dense<0.000000e+00> : vector<256xf32>
    %reduce_sum3A_27 = vector.multi_reduction <add>, %get3A_5, %reduce_sum3A [1] : vector<256x1024xf32> to vector<256xf32>
    %broadcast_in_dim3A = vector.shape_cast %reduce_sum3A_27 : vector<256xf32> to vector<256x1xf32>
    %div3A = arith.constant 1.024000e+03 : f32
    %div3A_28 = vector.broadcast %div3A : f32 to vector<256x1xf32>
    %div3A_29 = arith.divf %broadcast_in_dim3A, %div3A_28 : vector<256x1xf32>
    %sub3A = vector.broadcast %div3A_29 : vector<256x1xf32> to vector<256x1024xf32>
    %sub3A_30 = arith.subf %get3A_5, %sub3A : vector<256x1024xf32>
    %mul3A = arith.mulf %sub3A_30, %sub3A_30 : vector<256x1024xf32>
    %reduce_sum3A_31 = arith.constant dense<0.000000e+00> : vector<256xf32>
    %reduce_sum3A_32 = vector.multi_reduction <add>, %mul3A, %reduce_sum3A_31 [1] : vector<256x1024xf32> to vector<256xf32>
    %broadcast_in_dim3A_33 = vector.shape_cast %reduce_sum3A_32 : vector<256xf32> to vector<256x1xf32>
    %div3A_34 = arith.constant 1.024000e+03 : f32
    %div3A_35 = vector.broadcast %div3A_34 : f32 to vector<256x1xf32>
    %div3A_36 = arith.divf %broadcast_in_dim3A_33, %div3A_35 : vector<256x1xf32>
    %add3A = arith.constant 9.99999974E-6 : f32
    %add3A_37 = vector.broadcast %add3A : f32 to vector<256x1xf32>
    %add3A_38 = arith.addf %div3A_36, %add3A_37 : vector<256x1xf32>
    %rsqrt3A = math.rsqrt %add3A_38 : vector<256x1xf32>
    %mul3A_39 = vector.broadcast %rsqrt3A : vector<256x1xf32> to vector<256x1024xf32>
    %mul3A_40 = arith.mulf %sub3A_30, %mul3A_39 : vector<256x1024xf32>
    %mul3A_41 = vector.broadcast %get3A_17 : vector<1x1024xf32> to vector<256x1024xf32>
    %mul3A_42 = arith.mulf %mul3A_40, %mul3A_41 : vector<256x1024xf32>
    %add3A_43 = vector.broadcast %get3A_20 : vector<1x1024xf32> to vector<256x1024xf32>
    %add3A_44 = arith.addf %mul3A_42, %add3A_43 : vector<256x1024xf32>
    %get3A_45 = arith.constant 0 : index
    %get3A_46 = arith.constant 0 : index
    %get3A_47 = vector.load %arg18[%get3A_45, %get3A_46] : memref<1x1024xf32, #tpu.memory_space<vmem>>, vector<1x1024xf32>
    %slice3A = vector.extract_strided_slice %add3A_44 {offsets = [0, 0], sizes = [255, 1024], strides = [1, 1]} : vector<256x1024xf32> to vector<255x1024xf32>
    %concatenate3A = tpu.concatenate %get3A_47, %slice3A in 0 : vector<1x1024xf32>, vector<255x1024xf32> -> vector<256x1024xf32>
    %slice3A_48 = vector.extract_strided_slice %add3A_44 {offsets = [255, 0], sizes = [1, 1024], strides = [1, 1]} : vector<256x1024xf32> to vector<1x1024xf32>
    %swap3A = arith.constant 0 : index
    %swap3A_49 = arith.constant 0 : index
    %swap3A_50 = vector.load %arg18[%swap3A, %swap3A_49] : memref<1x1024xf32, #tpu.memory_space<vmem>>, vector<1x1024xf32>
    tpu.vector_store %arg18[%swap3A, %swap3A_49], %slice3A_48 {strides = array<i32>} : memref<1x1024xf32, #tpu.memory_space<vmem>>, vector<1x1024xf32>,
    %mul3A_51 = vector.broadcast %get3A_8 : vector<1x1024xf32> to vector<256x1024xf32>
    %mul3A_52 = arith.mulf %add3A_44, %mul3A_51 : vector<256x1024xf32>
    %sub3A_53 = arith.constant 1.000000e+00 : f32
    %sub3A_54 = vector.broadcast %sub3A_53 : f32 to vector<1x1024xf32>
    %sub3A_55 = arith.subf %sub3A_54, %get3A_8 : vector<1x1024xf32>
    %mul3A_56 = vector.broadcast %sub3A_55 : vector<1x1024xf32> to vector<256x1024xf32>
    %mul3A_57 = arith.mulf %concatenate3A, %mul3A_56 : vector<256x1024xf32>
    %add3A_58 = arith.addf %mul3A_52, %mul3A_57 : vector<256x1024xf32>
    %mul3A_59 = vector.broadcast %get3A_11 : vector<1x1024xf32> to vector<256x1024xf32>
    %mul3A_60 = arith.mulf %add3A_44, %mul3A_59 : vector<256x1024xf32>
    %sub3A_61 = arith.constant 1.000000e+00 : f32
    %sub3A_62 = vector.broadcast %sub3A_61 : f32 to vector<1x1024xf32>
    %sub3A_63 = arith.subf %sub3A_62, %get3A_11 : vector<1x1024xf32>
    %mul3A_64 = vector.broadcast %sub3A_63 : vector<1x1024xf32> to vector<256x1024xf32>
    %mul3A_65 = arith.mulf %concatenate3A, %mul3A_64 : vector<256x1024xf32>
    %add3A_66 = arith.addf %mul3A_60, %mul3A_65 : vector<256x1024xf32>
    %mul3A_67 = vector.broadcast %get3A_14 : vector<1x1024xf32> to vector<256x1024xf32>
    %mul3A_68 = arith.mulf %add3A_44, %mul3A_67 : vector<256x1024xf32>
    %sub3A_69 = arith.constant 1.000000e+00 : f32
    %sub3A_70 = vector.broadcast %sub3A_69 : f32 to vector<1x1024xf32>
    %sub3A_71 = arith.subf %sub3A_70, %get3A_14 : vector<1x1024xf32>
    %mul3A_72 = vector.broadcast %sub3A_71 : vector<1x1024xf32> to vector<256x1024xf32>
    %mul3A_73 = arith.mulf %concatenate3A, %mul3A_72 : vector<256x1024xf32>
    %add3A_74 = arith.addf %mul3A_68, %mul3A_73 : vector<256x1024xf32>
    %convert_element_type3A_75 = arith.truncf %add3A_58 : vector<256x1024xf32> to vector<256x1024xbf16>
    %get3A_76 = arith.constant 0 : index
    %get3A_77 = arith.constant 0 : index
    %get3A_78 = vector.load %arg6[%get3A_76, %get3A_77] : memref<1024x1024xbf16, #tpu.memory_space<vmem>>, vector<1024x1024xbf16>
    %dot_general3A = arith.constant dense<0.000000e+00> : vector<256x1024xf32>
    %dot_general3A_79 = tpu.matmul %convert_element_type3A_75, %get3A_78, %dot_general3A {dimension_numbers = #tpu.dot_dimension_numbers<[1], [0], [0], [1], [0, 0, 1, 1], [], []>, transpose_lhs_hint = false} : vector<256x1024xbf16>, vector<1024x1024xbf16>, vector<256x1024xf32> -> vector<256x1024xf32>
    %logistic3A = arith.negf %dot_general3A_79 : vector<256x1024xf32>
    %logistic3A_80 = math.exp %logistic3A : vector<256x1024xf32>
    %logistic3A_81 = arith.constant 1.000000e+00 : f32
    %logistic3A_82 = vector.broadcast %logistic3A_81 : f32 to vector<256x1024xf32>
    %logistic3A_83 = arith.addf %logistic3A_82, %logistic3A_80 : vector<256x1024xf32>
    %logistic3A_84 = arith.divf %logistic3A_82, %logistic3A_83 : vector<256x1024xf32>
    %convert_element_type3A_85 = arith.truncf %add3A_66 : vector<256x1024xf32> to vector<256x1024xbf16>
    %get3A_86 = arith.constant 0 : index
    %get3A_87 = arith.constant 0 : index
    %get3A_88 = vector.load %arg7[%get3A_86, %get3A_87] : memref<1024x1024xbf16, #tpu.memory_space<vmem>>, vector<1024x1024xbf16>
    %dot_general3A_89 = arith.constant dense<0.000000e+00> : vector<256x1024xf32>
    %dot_general3A_90 = tpu.matmul %convert_element_type3A_85, %get3A_88, %dot_general3A_89 {dimension_numbers = #tpu.dot_dimension_numbers<[1], [0], [0], [1], [0, 0, 1, 1], [], []>, transpose_lhs_hint = false} : vector<256x1024xbf16>, vector<1024x1024xbf16>, vector<256x1024xf32> -> vector<256x1024xf32>
    %convert_element_type3A_91 = arith.truncf %add3A_74 : vector<256x1024xf32> to vector<256x1024xbf16>
    %get3A_92 = arith.constant 0 : index
    %get3A_93 = arith.constant 0 : index
    %get3A_94 = vector.load %arg8[%get3A_92, %get3A_93] : memref<1024x1024xbf16, #tpu.memory_space<vmem>>, vector<1024x1024xbf16>
    %dot_general3A_95 = arith.constant dense<0.000000e+00> : vector<256x1024xf32>
    %dot_general3A_96 = tpu.matmul %convert_element_type3A_91, %get3A_94, %dot_general3A_95 {dimension_numbers = #tpu.dot_dimension_numbers<[1], [0], [0], [1], [0, 0, 1, 1], [], []>, transpose_lhs_hint = false} : vector<256x1024xbf16>, vector<1024x1024xbf16>, vector<256x1024xf32> -> vector<256x1024xf32>
    %convert_element_type3A_97 = arith.truncf %add3A_74 : vector<256x1024xf32> to vector<256x1024xbf16>
    %get3A_98 = arith.constant 0 : index
    %get3A_99 = arith.constant 0 : index
    %get3A_100 = vector.load %arg9[%get3A_98, %get3A_99] : memref<1024x1024xbf16, #tpu.memory_space<vmem>>, vector<1024x1024xbf16>
    %dot_general3A_101 = arith.constant dense<0.000000e+00> : vector<256x1024xf32>
    %dot_general3A_102 = tpu.matmul %convert_element_type3A_97, %get3A_100, %dot_general3A_101 {dimension_numbers = #tpu.dot_dimension_numbers<[1], [0], [0], [1], [0, 0, 1, 1], [], []>, transpose_lhs_hint = false} : vector<256x1024xbf16>, vector<1024x1024xbf16>, vector<256x1024xf32> -> vector<256x1024xf32>
    %logistic3A_103 = arith.negf %dot_general3A_102 : vector<256x1024xf32>
    %logistic3A_104 = math.exp %logistic3A_103 : vector<256x1024xf32>
    %logistic3A_105 = arith.constant 1.000000e+00 : f32
    %logistic3A_106 = vector.broadcast %logistic3A_105 : f32 to vector<256x1024xf32>
    %logistic3A_107 = arith.addf %logistic3A_106, %logistic3A_104 : vector<256x1024xf32>
    %logistic3A_108 = arith.divf %logistic3A_106, %logistic3A_107 : vector<256x1024xf32>
    %mul3A_109 = arith.mulf %dot_general3A_96, %logistic3A_108 : vector<256x1024xf32>
    %sub3A_110 = arith.subf %dot_general3A_96, %mul3A_109 : vector<256x1024xf32>
    %mul3A_111 = arith.mulf %dot_general3A_90, %sub3A_110 : vector<256x1024xf32>
    %broadcast_in_dim3A_112 = arith.constant 0.000000e+00 : f32
    %broadcast_in_dim3A_113 = vector.broadcast %broadcast_in_dim3A_112 : f32 to vector<1x1024xf32>
    %slice3A_114 = vector.extract_strided_slice %mul3A_111 {offsets = [0, 0], sizes = [255, 1024], strides = [1, 1]} : vector<256x1024xf32> to vector<255x1024xf32>
    %concatenate3A_115 = tpu.concatenate %broadcast_in_dim3A_113, %slice3A_114 in 0 : vector<1x1024xf32>, vector<255x1024xf32> -> vector<256x1024xf32>
    %get3A_116 = arith.constant 0 : index
    %get3A_117 = arith.constant 0 : index
    %get3A_118 = vector.load %arg4[%get3A_116, %get3A_117] : memref<8x1024xf32, #tpu.memory_space<vmem>>, vector<1x1024xf32>
    %mul3A_119 = vector.broadcast %get3A_118 : vector<1x1024xf32> to vector<256x1024xf32>
    %mul3A_120 = arith.mulf %mul3A_119, %concatenate3A_115 : vector<256x1024xf32>
    %add3A_121 = arith.addf %mul3A_111, %mul3A_120 : vector<256x1024xf32>
    %broadcast_in_dim3A_122 = arith.constant 0.000000e+00 : f32
    %broadcast_in_dim3A_123 = vector.broadcast %broadcast_in_dim3A_122 : f32 to vector<2x1024xf32>
    %slice3A_124 = vector.extract_strided_slice %add3A_121 {offsets = [0, 0], sizes = [254, 1024], strides = [1, 1]} : vector<256x1024xf32> to vector<254x1024xf32>
    %concatenate3A_125 = tpu.concatenate %broadcast_in_dim3A_123, %slice3A_124 in 0 : vector<2x1024xf32>, vector<254x1024xf32> -> vector<256x1024xf32>
    %get3A_126 = arith.constant 1 : index
    %get3A_127 = arith.constant 0 : index
    %get3A_128 = vector.load %arg4[%get3A_126, %get3A_127] : memref<8x1024xf32, #tpu.memory_space<vmem>>, vector<1x1024xf32>
    %mul3A_129 = vector.broadcast %get3A_128 : vector<1x1024xf32> to vector<256x1024xf32>
    %mul3A_130 = arith.mulf %mul3A_129, %concatenate3A_125 : vector<256x1024xf32>
    %add3A_131 = arith.addf %add3A_121, %mul3A_130 : vector<256x1024xf32>
    %broadcast_in_dim3A_132 = arith.constant 0.000000e+00 : f32
    %broadcast_in_dim3A_133 = vector.broadcast %broadcast_in_dim3A_132 : f32 to vector<4x1024xf32>
    %slice3A_134 = vector.extract_strided_slice %add3A_131 {offsets = [0, 0], sizes = [252, 1024], strides = [1, 1]} : vector<256x1024xf32> to vector<252x1024xf32>
    %concatenate3A_135 = tpu.concatenate %broadcast_in_dim3A_133, %slice3A_134 in 0 : vector<4x1024xf32>, vector<252x1024xf32> -> vector<256x1024xf32>
    %get3A_136 = arith.constant 2 : index
    %get3A_137 = arith.constant 0 : index
    %get3A_138 = vector.load %arg4[%get3A_136, %get3A_137] : memref<8x1024xf32, #tpu.memory_space<vmem>>, vector<1x1024xf32>
    %mul3A_139 = vector.broadcast %get3A_138 : vector<1x1024xf32> to vector<256x1024xf32>
    %mul3A_140 = arith.mulf %mul3A_139, %concatenate3A_135 : vector<256x1024xf32>
    %add3A_141 = arith.addf %add3A_131, %mul3A_140 : vector<256x1024xf32>
    %broadcast_in_dim3A_142 = arith.constant 0.000000e+00 : f32
    %broadcast_in_dim3A_143 = vector.broadcast %broadcast_in_dim3A_142 : f32 to vector<8x1024xf32>
    %slice3A_144 = vector.extract_strided_slice %add3A_141 {offsets = [0, 0], sizes = [248, 1024], strides = [1, 1]} : vector<256x1024xf32> to vector<248x1024xf32>
    %concatenate3A_145 = tpu.concatenate %broadcast_in_dim3A_143, %slice3A_144 in 0 : vector<8x1024xf32>, vector<248x1024xf32> -> vector<256x1024xf32>
    %get3A_146 = arith.constant 3 : index
    %get3A_147 = arith.constant 0 : index
    %get3A_148 = vector.load %arg4[%get3A_146, %get3A_147] : memref<8x1024xf32, #tpu.memory_space<vmem>>, vector<1x1024xf32>
    %mul3A_149 = vector.broadcast %get3A_148 : vector<1x1024xf32> to vector<256x1024xf32>
    %mul3A_150 = arith.mulf %mul3A_149, %concatenate3A_145 : vector<256x1024xf32>
    %add3A_151 = arith.addf %add3A_141, %mul3A_150 : vector<256x1024xf32>
    %broadcast_in_dim3A_152 = arith.constant 0.000000e+00 : f32
    %broadcast_in_dim3A_153 = vector.broadcast %broadcast_in_dim3A_152 : f32 to vector<16x1024xf32>
    %slice3A_154 = vector.extract_strided_slice %add3A_151 {offsets = [0, 0], sizes = [240, 1024], strides = [1, 1]} : vector<256x1024xf32> to vector<240x1024xf32>
    %concatenate3A_155 = tpu.concatenate %broadcast_in_dim3A_153, %slice3A_154 in 0 : vector<16x1024xf32>, vector<240x1024xf32> -> vector<256x1024xf32>
    %get3A_156 = arith.constant 4 : index
    %get3A_157 = arith.constant 0 : index
    %get3A_158 = vector.load %arg4[%get3A_156, %get3A_157] : memref<8x1024xf32, #tpu.memory_space<vmem>>, vector<1x1024xf32>
    %mul3A_159 = vector.broadcast %get3A_158 : vector<1x1024xf32> to vector<256x1024xf32>
    %mul3A_160 = arith.mulf %mul3A_159, %concatenate3A_155 : vector<256x1024xf32>
    %add3A_161 = arith.addf %add3A_151, %mul3A_160 : vector<256x1024xf32>
    %broadcast_in_dim3A_162 = arith.constant 0.000000e+00 : f32
    %broadcast_in_dim3A_163 = vector.broadcast %broadcast_in_dim3A_162 : f32 to vector<32x1024xf32>
    %slice3A_164 = vector.extract_strided_slice %add3A_161 {offsets = [0, 0], sizes = [224, 1024], strides = [1, 1]} : vector<256x1024xf32> to vector<224x1024xf32>
    %concatenate3A_165 = tpu.concatenate %broadcast_in_dim3A_163, %slice3A_164 in 0 : vector<32x1024xf32>, vector<224x1024xf32> -> vector<256x1024xf32>
    %get3A_166 = arith.constant 5 : index
    %get3A_167 = arith.constant 0 : index
    %get3A_168 = vector.load %arg4[%get3A_166, %get3A_167] : memref<8x1024xf32, #tpu.memory_space<vmem>>, vector<1x1024xf32>
    %mul3A_169 = vector.broadcast %get3A_168 : vector<1x1024xf32> to vector<256x1024xf32>
    %mul3A_170 = arith.mulf %mul3A_169, %concatenate3A_165 : vector<256x1024xf32>
    %add3A_171 = arith.addf %add3A_161, %mul3A_170 : vector<256x1024xf32>
    %broadcast_in_dim3A_172 = arith.constant 0.000000e+00 : f32
    %broadcast_in_dim3A_173 = vector.broadcast %broadcast_in_dim3A_172 : f32 to vector<64x1024xf32>
    %slice3A_174 = vector.extract_strided_slice %add3A_171 {offsets = [0, 0], sizes = [192, 1024], strides = [1, 1]} : vector<256x1024xf32> to vector<192x1024xf32>
    %concatenate3A_175 = tpu.concatenate %broadcast_in_dim3A_173, %slice3A_174 in 0 : vector<64x1024xf32>, vector<192x1024xf32> -> vector<256x1024xf32>
    %get3A_176 = arith.constant 6 : index
    %get3A_177 = arith.constant 0 : index
    %get3A_178 = vector.load %arg4[%get3A_176, %get3A_177] : memref<8x1024xf32, #tpu.memory_space<vmem>>, vector<1x1024xf32>
    %mul3A_179 = vector.broadcast %get3A_178 : vector<1x1024xf32> to vector<256x1024xf32>
    %mul3A_180 = arith.mulf %mul3A_179, %concatenate3A_175 : vector<256x1024xf32>
    %add3A_181 = arith.addf %add3A_171, %mul3A_180 : vector<256x1024xf32>
    %broadcast_in_dim3A_182 = arith.constant 0.000000e+00 : f32
    %broadcast_in_dim3A_183 = vector.broadcast %broadcast_in_dim3A_182 : f32 to vector<128x1024xf32>
    %slice3A_184 = vector.extract_strided_slice %add3A_181 {offsets = [0, 0], sizes = [128, 1024], strides = [1, 1]} : vector<256x1024xf32> to vector<128x1024xf32>
    %concatenate3A_185 = tpu.concatenate %broadcast_in_dim3A_183, %slice3A_184 in 0 : vector<128x1024xf32>, vector<128x1024xf32> -> vector<256x1024xf32>
    %get3A_186 = arith.constant 7 : index
    %get3A_187 = arith.constant 0 : index
    %get3A_188 = vector.load %arg4[%get3A_186, %get3A_187] : memref<8x1024xf32, #tpu.memory_space<vmem>>, vector<1x1024xf32>
    %mul3A_189 = vector.broadcast %get3A_188 : vector<1x1024xf32> to vector<256x1024xf32>
    %mul3A_190 = arith.mulf %mul3A_189, %concatenate3A_185 : vector<256x1024xf32>
    %add3A_191 = arith.addf %add3A_181, %mul3A_190 : vector<256x1024xf32>
    %get3A_192 = arith.constant 0 : index
    %get3A_193 = arith.constant 0 : index
    %get3A_194 = vector.load %arg5[%get3A_192, %get3A_193] : memref<256x1024xf32, #tpu.memory_space<vmem>>, vector<256x1024xf32>
    %get3A_195 = arith.constant 0 : index
    %get3A_196 = arith.constant 0 : index
    %get3A_197 = vector.load %arg19[%get3A_195, %get3A_196] : memref<1x1024xf32, #tpu.memory_space<vmem>>, vector<1x1024xf32>
    %mul3A_198 = vector.broadcast %get3A_197 : vector<1x1024xf32> to vector<256x1024xf32>
    %mul3A_199 = arith.mulf %get3A_194, %mul3A_198 : vector<256x1024xf32>
    %add3A_200 = arith.addf %add3A_191, %mul3A_199 : vector<256x1024xf32>
    %slice3A_201 = vector.extract_strided_slice %add3A_200 {offsets = [255, 0], sizes = [1, 1024], strides = [1, 1]} : vector<256x1024xf32> to vector<1x1024xf32>
    %swap3A_202 = arith.constant 0 : index
    %swap3A_203 = arith.constant 0 : index
    %swap3A_204 = vector.load %arg19[%swap3A_202, %swap3A_203] : memref<1x1024xf32, #tpu.memory_space<vmem>>, vector<1x1024xf32>
    tpu.vector_store %arg19[%swap3A_202, %swap3A_203], %slice3A_201 {strides = array<i32>} : memref<1x1024xf32, #tpu.memory_space<vmem>>, vector<1x1024xf32>,
    %mul3A_205 = arith.mulf %logistic3A_84, %add3A_200 : vector<256x1024xf32>
    %convert_element_type3A_206 = arith.truncf %mul3A_205 : vector<256x1024xf32> to vector<256x1024xbf16>
    %get3A_207 = arith.constant 0 : index
    %get3A_208 = arith.constant 0 : index
    %get3A_209 = vector.load %arg10[%get3A_207, %get3A_208] : memref<1024x1024xbf16, #tpu.memory_space<vmem>>, vector<1024x1024xbf16>
    %dot_general3A_210 = arith.constant dense<0.000000e+00> : vector<256x1024xf32>
    %dot_general3A_211 = tpu.matmul %convert_element_type3A_206, %get3A_209, %dot_general3A_210 {dimension_numbers = #tpu.dot_dimension_numbers<[1], [0], [0], [1], [0, 0, 1, 1], [], []>, transpose_lhs_hint = false} : vector<256x1024xbf16>, vector<1024x1024xbf16>, vector<256x1024xf32> -> vector<256x1024xf32>
    %add3A_212 = arith.addf %get3A_5, %dot_general3A_211 : vector<256x1024xf32>
    %swap3A_213 = arith.constant 0 : index
    %swap3A_214 = arith.constant 0 : index
    %swap3A_215 = arith.constant 0 : index
    %swap3A_216 = vector.load %arg13[%swap3A_213, %swap3A_214, %swap3A_215] : memref<1x256x1024xf32, #tpu.memory_space<vmem>>, vector<1x256x1024xf32>
    %swap3A_217 = vector.shape_cast %swap3A_216 : vector<1x256x1024xf32> to vector<256x1024xf32>
    %swap3A_218 = vector.shape_cast %add3A_212 : vector<256x1024xf32> to vector<1x256x1024xf32>
    tpu.vector_store %arg13[%swap3A_213, %swap3A_214, %swap3A_215], %swap3A_218 {strides = array<i32>} : memref<1x256x1024xf32, #tpu.memory_space<vmem>>, vector<1x256x1024xf32>,
    %reduce_sum3A_219 = arith.constant dense<0.000000e+00> : vector<256xf32>
    %reduce_sum3A_220 = vector.multi_reduction <add>, %add3A_212, %reduce_sum3A_219 [1] : vector<256x1024xf32> to vector<256xf32>
    %broadcast_in_dim3A_221 = vector.shape_cast %reduce_sum3A_220 : vector<256xf32> to vector<256x1xf32>
    %div3A_222 = arith.constant 1.024000e+03 : f32
    %div3A_223 = vector.broadcast %div3A_222 : f32 to vector<256x1xf32>
    %div3A_224 = arith.divf %broadcast_in_dim3A_221, %div3A_223 : vector<256x1xf32>
    %sub3A_225 = vector.broadcast %div3A_224 : vector<256x1xf32> to vector<256x1024xf32>
    %sub3A_226 = arith.subf %add3A_212, %sub3A_225 : vector<256x1024xf32>
    %mul3A_227 = arith.mulf %sub3A_226, %sub3A_226 : vector<256x1024xf32>
    %reduce_sum3A_228 = arith.constant dense<0.000000e+00> : vector<256xf32>
    %reduce_sum3A_229 = vector.multi_reduction <add>, %mul3A_227, %reduce_sum3A_228 [1] : vector<256x1024xf32> to vector<256xf32>
    %broadcast_in_dim3A_230 = vector.shape_cast %reduce_sum3A_229 : vector<256xf32> to vector<256x1xf32>
    %div3A_231 = arith.constant 1.024000e+03 : f32
    %div3A_232 = vector.broadcast %div3A_231 : f32 to vector<256x1xf32>
    %div3A_233 = arith.divf %broadcast_in_dim3A_230, %div3A_232 : vector<256x1xf32>
    %add3A_234 = arith.constant 9.99999974E-6 : f32
    %add3A_235 = vector.broadcast %add3A_234 : f32 to vector<256x1xf32>
    %add3A_236 = arith.addf %div3A_233, %add3A_235 : vector<256x1xf32>
    %rsqrt3A_237 = math.rsqrt %add3A_236 : vector<256x1xf32>
    %mul3A_238 = vector.broadcast %rsqrt3A_237 : vector<256x1xf32> to vector<256x1024xf32>
    %mul3A_239 = arith.mulf %sub3A_226, %mul3A_238 : vector<256x1024xf32>
    %mul3A_240 = vector.broadcast %get3A_23 : vector<1x1024xf32> to vector<256x1024xf32>
    %mul3A_241 = arith.mulf %mul3A_239, %mul3A_240 : vector<256x1024xf32>
    %add3A_242 = vector.broadcast %get3A_26 : vector<1x1024xf32> to vector<256x1024xf32>
    %add3A_243 = arith.addf %mul3A_241, %add3A_242 : vector<256x1024xf32>
    %slice3A_244 = vector.extract_strided_slice %add3A_243 {offsets = [0, 0], sizes = [256, 256], strides = [1, 1]} : vector<256x1024xf32> to vector<256x256xf32>
    %slice3A_245 = vector.extract_strided_slice %add3A_243 {offsets = [0, 256], sizes = [256, 256], strides = [1, 1]} : vector<256x1024xf32> to vector<256x256xf32>
    %bitcast_convert_type3A = tpu.bitcast %slice3A_244 : vector<256x256xf32> -> vector<256x256xi32>
    %add3A_246 = arith.constant 32767 : i32
    %add3A_247 = vector.broadcast %add3A_246 : i32 to vector<256x256xi32>
    %add3A_248 = arith.addi %bitcast_convert_type3A, %add3A_247 : vector<256x256xi32>
    %shift_right_logical3A = arith.constant 16 : i32
    %shift_right_logical3A_249 = vector.broadcast %shift_right_logical3A : i32 to vector<256x256xi32>
    %shift_right_logical3A_250 = arith.shrui %bitcast_convert_type3A, %shift_right_logical3A_249 : vector<256x256xi32>
    %and3A = arith.constant 1 : i32
    %and3A_251 = vector.broadcast %and3A : i32 to vector<256x256xi32>
    %and3A_252 = arith.andi %shift_right_logical3A_250, %and3A_251 : vector<256x256xi32>
    %add3A_253 = arith.addi %add3A_248, %and3A_252 : vector<256x256xi32>
    %and3A_254 = arith.constant -65536 : i32
    %and3A_255 = vector.broadcast %and3A_254 : i32 to vector<256x256xi32>
    %and3A_256 = arith.andi %add3A_253, %and3A_255 : vector<256x256xi32>
    %bitcast_convert_type3A_257 = tpu.bitcast %slice3A_245 : vector<256x256xf32> -> vector<256x256xi32>
    %add3A_258 = arith.constant 32767 : i32
    %add3A_259 = vector.broadcast %add3A_258 : i32 to vector<256x256xi32>
    %add3A_260 = arith.addi %bitcast_convert_type3A_257, %add3A_259 : vector<256x256xi32>
    %shift_right_logical3A_261 = arith.constant 16 : i32
    %shift_right_logical3A_262 = vector.broadcast %shift_right_logical3A_261 : i32 to vector<256x256xi32>
    %shift_right_logical3A_263 = arith.shrui %bitcast_convert_type3A_257, %shift_right_logical3A_262 : vector<256x256xi32>
    %and3A_264 = arith.constant 1 : i32
    %and3A_265 = vector.broadcast %and3A_264 : i32 to vector<256x256xi32>
    %and3A_266 = arith.andi %shift_right_logical3A_263, %and3A_265 : vector<256x256xi32>
    %add3A_267 = arith.addi %add3A_260, %and3A_266 : vector<256x256xi32>
    %and3A_268 = arith.constant -65536 : i32
    %and3A_269 = vector.broadcast %and3A_268 : i32 to vector<256x256xi32>
    %and3A_270 = arith.andi %add3A_267, %and3A_269 : vector<256x256xi32>
    %shift_right_logical3A_271 = arith.constant 16 : i32
    %shift_right_logical3A_272 = vector.broadcast %shift_right_logical3A_271 : i32 to vector<256x256xi32>
    %shift_right_logical3A_273 = arith.shrui %and3A_270, %shift_right_logical3A_272 : vector<256x256xi32>
    %or3A = arith.ori %and3A_256, %shift_right_logical3A_273 : vector<256x256xi32>
    %swap3A_274 = arith.constant 0 : index
    %swap3A_275 = arith.constant 0 : index
    %swap3A_276 = arith.constant 0 : index
    %swap3A_277 = vector.load %arg14[%swap3A_274, %swap3A_275, %swap3A_276] : memref<1x256x256xi32, #tpu.memory_space<vmem>>, vector<1x256x256xi32>
    %swap3A_278 = vector.shape_cast %swap3A_277 : vector<1x256x256xi32> to vector<256x256xi32>
    %swap3A_279 = vector.shape_cast %or3A : vector<256x256xi32> to vector<1x256x256xi32>
    tpu.vector_store %arg14[%swap3A_274, %swap3A_275, %swap3A_276], %swap3A_279 {strides = array<i32>} : memref<1x256x256xi32, #tpu.memory_space<vmem>>, vector<1x256x256xi32>,
    %slice3A_280 = vector.extract_strided_slice %add3A_243 {offsets = [0, 512], sizes = [256, 256], strides = [1, 1]} : vector<256x1024xf32> to vector<256x256xf32>
    %slice3A_281 = vector.extract_strided_slice %add3A_243 {offsets = [0, 768], sizes = [256, 256], strides = [1, 1]} : vector<256x1024xf32> to vector<256x256xf32>
    %bitcast_convert_type3A_282 = tpu.bitcast %slice3A_280 : vector<256x256xf32> -> vector<256x256xi32>
    %add3A_283 = arith.constant 32767 : i32
    %add3A_284 = vector.broadcast %add3A_283 : i32 to vector<256x256xi32>
    %add3A_285 = arith.addi %bitcast_convert_type3A_282, %add3A_284 : vector<256x256xi32>
    %shift_right_logical3A_286 = arith.constant 16 : i32
    %shift_right_logical3A_287 = vector.broadcast %shift_right_logical3A_286 : i32 to vector<256x256xi32>
    %shift_right_logical3A_288 = arith.shrui %bitcast_convert_type3A_282, %shift_right_logical3A_287 : vector<256x256xi32>
    %and3A_289 = arith.constant 1 : i32
    %and3A_290 = vector.broadcast %and3A_289 : i32 to vector<256x256xi32>
    %and3A_291 = arith.andi %shift_right_logical3A_288, %and3A_290 : vector<256x256xi32>
    %add3A_292 = arith.addi %add3A_285, %and3A_291 : vector<256x256xi32>
    %and3A_293 = arith.constant -65536 : i32
    %and3A_294 = vector.broadcast %and3A_293 : i32 to vector<256x256xi32>
    %and3A_295 = arith.andi %add3A_292, %and3A_294 : vector<256x256xi32>
    %bitcast_convert_type3A_296 = tpu.bitcast %slice3A_281 : vector<256x256xf32> -> vector<256x256xi32>
    %add3A_297 = arith.constant 32767 : i32
    %add3A_298 = vector.broadcast %add3A_297 : i32 to vector<256x256xi32>
    %add3A_299 = arith.addi %bitcast_convert_type3A_296, %add3A_298 : vector<256x256xi32>
    %shift_right_logical3A_300 = arith.constant 16 : i32
    %shift_right_logical3A_301 = vector.broadcast %shift_right_logical3A_300 : i32 to vector<256x256xi32>
    %shift_right_logical3A_302 = arith.shrui %bitcast_convert_type3A_296, %shift_right_logical3A_301 : vector<256x256xi32>
    %and3A_303 = arith.constant 1 : i32
    %and3A_304 = vector.broadcast %and3A_303 : i32 to vector<256x256xi32>
    %and3A_305 = arith.andi %shift_right_logical3A_302, %and3A_304 : vector<256x256xi32>
    %add3A_306 = arith.addi %add3A_299, %and3A_305 : vector<256x256xi32>
    %and3A_307 = arith.constant -65536 : i32
    %and3A_308 = vector.broadcast %and3A_307 : i32 to vector<256x256xi32>
    %and3A_309 = arith.andi %add3A_306, %and3A_308 : vector<256x256xi32>
    %shift_right_logical3A_310 = arith.constant 16 : i32
    %shift_right_logical3A_311 = vector.broadcast %shift_right_logical3A_310 : i32 to vector<256x256xi32>
    %shift_right_logical3A_312 = arith.shrui %and3A_309, %shift_right_logical3A_311 : vector<256x256xi32>
    %or3A_313 = arith.ori %and3A_295, %shift_right_logical3A_312 : vector<256x256xi32>
    %swap3A_314 = arith.constant 0 : index
    %swap3A_315 = arith.constant 0 : index
    %swap3A_316 = arith.constant 0 : index
    %swap3A_317 = vector.load %arg15[%swap3A_314, %swap3A_315, %swap3A_316] : memref<1x256x256xi32, #tpu.memory_space<vmem>>, vector<1x256x256xi32>
    %swap3A_318 = vector.shape_cast %swap3A_317 : vector<1x256x256xi32> to vector<256x256xi32>
    %swap3A_319 = vector.shape_cast %or3A_313 : vector<256x256xi32> to vector<1x256x256xi32>
    tpu.vector_store %arg15[%swap3A_314, %swap3A_315, %swap3A_316], %swap3A_319 {strides = array<i32>} : memref<1x256x256xi32, #tpu.memory_space<vmem>>, vector<1x256x256xi32>,
    %convert_element_type3A_320 = arith.truncf %add3A_243 : vector<256x1024xf32> to vector<256x1024xbf16>
    %get3A_321 = arith.constant 0 : index
    %get3A_322 = arith.constant 0 : index
    %get3A_323 = vector.load %arg11[%get3A_321, %get3A_322] : memref<1024x384xbf16, #tpu.memory_space<vmem>>, vector<1024x384xbf16>
    %dot_general3A_324 = arith.constant dense<0.000000e+00> : vector<256x384xf32>
    %dot_general3A_325 = tpu.matmul %convert_element_type3A_320, %get3A_323, %dot_general3A_324 {dimension_numbers = #tpu.dot_dimension_numbers<[1], [0], [0], [1], [0, 0, 1, 1], [], []>, transpose_lhs_hint = false} : vector<256x1024xbf16>, vector<1024x384xbf16>, vector<256x384xf32> -> vector<256x384xf32>
    %slice3A_326 = vector.extract_strided_slice %dot_general3A_325 {offsets = [0, 0], sizes = [256, 8], strides = [1, 1]} : vector<256x384xf32> to vector<256x8xf32>
    %logistic3A_327 = arith.negf %slice3A_326 : vector<256x8xf32>
    %logistic3A_328 = math.exp %logistic3A_327 : vector<256x8xf32>
    %logistic3A_329 = arith.constant 1.000000e+00 : f32
    %logistic3A_330 = vector.broadcast %logistic3A_329 : f32 to vector<256x8xf32>
    %logistic3A_331 = arith.addf %logistic3A_330, %logistic3A_328 : vector<256x8xf32>
    %logistic3A_332 = arith.divf %logistic3A_330, %logistic3A_331 : vector<256x8xf32>
    %slice3A_333 = vector.extract_strided_slice %dot_general3A_325 {offsets = [0, 128], sizes = [256, 1], strides = [1, 1]} : vector<256x384xf32> to vector<256x1xf32>
    %custom_jvp_call3A = arith.constant 0.000000e+00 : f32
    %max3A = vector.broadcast %custom_jvp_call3A : f32 to vector<256x1xf32>
    %max3A_334 = arith.maximumf %slice3A_333, %max3A : vector<256x1xf32>
    %sub3A_335 = vector.broadcast %custom_jvp_call3A : f32 to vector<256x1xf32>
    %sub3A_336 = arith.subf %slice3A_333, %sub3A_335 : vector<256x1xf32>
    %ne3A = arith.cmpf one, %sub3A_336, %sub3A_336 : vector<256x1xf32>
    %add3A_337 = vector.broadcast %custom_jvp_call3A : f32 to vector<256x1xf32>
    %add3A_338 = arith.addf %slice3A_333, %add3A_337 : vector<256x1xf32>
    %abs3A = math.absf %sub3A_336 : vector<256x1xf32>
    %neg3A = arith.constant 0.000000e+00 : f32
    %neg3A_339 = vector.broadcast %neg3A : f32 to vector<256x1xf32>
    %neg3A_340 = arith.subf %neg3A_339, %abs3A : vector<256x1xf32>
    %exp3A = math.exp %neg3A_340 : vector<256x1xf32>
    %log1p3A = math.log1p %exp3A : vector<256x1xf32>
    %add3A_341 = arith.addf %max3A_334, %log1p3A : vector<256x1xf32>
    %select_n3A = arith.select %ne3A, %add3A_338, %add3A_341 : vector<256x1xi1>, vector<256x1xf32>
    %slice3A_342 = vector.extract_strided_slice %dot_general3A_325 {offsets = [0, 256], sizes = [256, 8], strides = [1, 1]} : vector<256x384xf32> to vector<256x8xf32>
    %reduce_max3A = arith.constant dense<0xFF800000> : vector<256xf32>
    %reduce_max3A_343 = vector.multi_reduction <maximumf>, %slice3A_342, %reduce_max3A [1] : vector<256x8xf32> to vector<256xf32>
    %broadcast_in_dim3A_344 = vector.shape_cast %reduce_max3A_343 : vector<256xf32> to vector<256x1xf32>
    %sub3A_345 = vector.broadcast %broadcast_in_dim3A_344 : vector<256x1xf32> to vector<256x8xf32>
    %sub3A_346 = arith.subf %slice3A_342, %sub3A_345 : vector<256x8xf32>
    %exp3A_347 = math.exp %sub3A_346 : vector<256x8xf32>
    %reduce_sum3A_348 = arith.constant dense<0.000000e+00> : vector<256xf32>
    %reduce_sum3A_349 = vector.multi_reduction <add>, %exp3A_347, %reduce_sum3A_348 [1] : vector<256x8xf32> to vector<256xf32>
    %broadcast_in_dim3A_350 = vector.shape_cast %reduce_sum3A_349 : vector<256xf32> to vector<256x1xf32>
    %div3A_351 = vector.broadcast %broadcast_in_dim3A_350 : vector<256x1xf32> to vector<256x8xf32>
    %div3A_352 = arith.divf %exp3A_347, %div3A_351 : vector<256x8xf32>
    %get3A_353 = arith.constant 0 : index
    %get3A_354 = arith.constant 0 : index
    %get3A_355 = vector.load %arg12[%get3A_353, %get3A_354] : memref<1x8xf32, #tpu.memory_space<vmem>>, vector<1x8xf32>
    %mul3A_356 = vector.broadcast %get3A_355 : vector<1x8xf32> to vector<256x8xf32>
    %mul3A_357 = arith.mulf %logistic3A_332, %mul3A_356 : vector<256x8xf32>
    %mul3A_358 = vector.broadcast %select_n3A : vector<256x1xf32> to vector<256x8xf32>
    %mul3A_359 = arith.mulf %div3A_352, %mul3A_358 : vector<256x8xf32>
    %add3A_360 = arith.addf %mul3A_357, %mul3A_359 : vector<256x8xf32>
    %reduce_max3A_361 = arith.constant dense<0xFF800000> : vector<256xf32>
    %reduce_max3A_362 = vector.multi_reduction <maximumf>, %add3A_360, %reduce_max3A_361 [1] : vector<256x8xf32> to vector<256xf32>
    %broadcast_in_dim3A_363 = vector.shape_cast %reduce_max3A_362 : vector<256xf32> to vector<256x1xf32>
    %argmax3A = tpu.reduce_index %add3A_360 {axis = 1 : i32, kind = #tpu.reduction_kind<arg_max>} : vector<256x8xf32> -> vector<256xi32>
    %reshape3A = vector.shape_cast %argmax3A : vector<256xi32> to vector<256x1xi32>
    %iota3A = tpu.iota {dimensions = array<i32: 1>} : vector<256x8xi32>
    %eq3A_364 = vector.broadcast %reshape3A : vector<256x1xi32> to vector<256x8xi32>
    %eq3A_365 = arith.cmpi eq, %iota3A, %eq3A_364 : vector<256x8xi32>
    %jit3A = arith.constant 0xFF800000 : f32
    %broadcast_in_dim3A_366 = vector.broadcast %jit3A : f32 to vector<256x8xf32>
    %select_n3A_367 = arith.select %eq3A_365, %broadcast_in_dim3A_366, %add3A_360 : vector<256x8xi1>, vector<256x8xf32>
    %reduce_max3A_368 = arith.constant dense<0xFF800000> : vector<256xf32>
    %reduce_max3A_369 = vector.multi_reduction <maximumf>, %select_n3A_367, %reduce_max3A_368 [1] : vector<256x8xf32> to vector<256xf32>
    %broadcast_in_dim3A_370 = vector.shape_cast %reduce_max3A_369 : vector<256xf32> to vector<256x1xf32>
    %argmax3A_371 = tpu.reduce_index %select_n3A_367 {axis = 1 : i32, kind = #tpu.reduction_kind<arg_max>} : vector<256x8xf32> -> vector<256xi32>
    %reshape3A_372 = vector.shape_cast %argmax3A_371 : vector<256xi32> to vector<256x1xi32>
    %sub3A_373 = arith.subf %broadcast_in_dim3A_363, %broadcast_in_dim3A_370 : vector<256x1xf32>
    %logistic3A_374 = arith.negf %sub3A_373 : vector<256x1xf32>
    %logistic3A_375 = math.exp %logistic3A_374 : vector<256x1xf32>
    %logistic3A_376 = arith.constant 1.000000e+00 : f32
    %logistic3A_377 = vector.broadcast %logistic3A_376 : f32 to vector<256x1xf32>
    %logistic3A_378 = arith.addf %logistic3A_377, %logistic3A_375 : vector<256x1xf32>
    %logistic3A_379 = arith.divf %logistic3A_377, %logistic3A_378 : vector<256x1xf32>
    %sub3A_380 = arith.subf %broadcast_in_dim3A_370, %broadcast_in_dim3A_363 : vector<256x1xf32>
    %logistic3A_381 = arith.negf %sub3A_380 : vector<256x1xf32>
    %logistic3A_382 = math.exp %logistic3A_381 : vector<256x1xf32>
    %logistic3A_383 = arith.constant 1.000000e+00 : f32
    %logistic3A_384 = vector.broadcast %logistic3A_383 : f32 to vector<256x1xf32>
    %logistic3A_385 = arith.addf %logistic3A_384, %logistic3A_382 : vector<256x1xf32>
    %logistic3A_386 = arith.divf %logistic3A_384, %logistic3A_385 : vector<256x1xf32>
    %eq3A_387 = arith.constant 0 : i32
    %eq3A_388 = vector.broadcast %eq3A_387 : i32 to vector<256x8xi32>
    %eq3A_389 = arith.cmpi eq, %iota3A, %eq3A_388 : vector<256x8xi32>
    %jit3A_390 = arith.constant 0 : i32
    %broadcast_in_dim3A_391 = vector.shape_cast %reshape3A : vector<256x1xi32> to vector<256x1xi32>
    %broadcast_in_dim3A_392 = vector.broadcast %broadcast_in_dim3A_391 : vector<256x1xi32> to vector<256x8xi32>
    %broadcast_in_dim3A_393 = vector.broadcast %jit3A_390 : i32 to vector<256x8xi32>
    %select_n3A_394 = arith.select %eq3A_389, %broadcast_in_dim3A_392, %broadcast_in_dim3A_393 : vector<256x8xi1>, vector<256x8xi32>
    %eq3A_395 = arith.constant 1 : i32
    %eq3A_396 = vector.broadcast %eq3A_395 : i32 to vector<256x8xi32>
    %eq3A_397 = arith.cmpi eq, %iota3A, %eq3A_396 : vector<256x8xi32>
    %jit3A_398 = arith.constant 0 : i32
    %broadcast_in_dim3A_399 = vector.shape_cast %reshape3A_372 : vector<256x1xi32> to vector<256x1xi32>
    %broadcast_in_dim3A_400 = vector.broadcast %broadcast_in_dim3A_399 : vector<256x1xi32> to vector<256x8xi32>
    %broadcast_in_dim3A_401 = vector.broadcast %jit3A_398 : i32 to vector<256x8xi32>
    %select_n3A_402 = arith.select %eq3A_397, %broadcast_in_dim3A_400, %broadcast_in_dim3A_401 : vector<256x8xi1>, vector<256x8xi32>
    %add3A_403 = arith.addi %select_n3A_394, %select_n3A_402 : vector<256x8xi32>
    %swap3A_404 = arith.constant 0 : index
    %swap3A_405 = arith.constant 0 : index
    %swap3A_406 = arith.constant 0 : index
    %swap3A_407 = vector.load %arg16[%swap3A_404, %swap3A_405, %swap3A_406] : memref<1x256x8xi32, #tpu.memory_space<vmem>>, vector<1x256x8xi32>
    %swap3A_408 = vector.shape_cast %swap3A_407 : vector<1x256x8xi32> to vector<256x8xi32>
    %swap3A_409 = vector.shape_cast %add3A_403 : vector<256x8xi32> to vector<1x256x8xi32>
    tpu.vector_store %arg16[%swap3A_404, %swap3A_405, %swap3A_406], %swap3A_409 {strides = array<i32>} : memref<1x256x8xi32, #tpu.memory_space<vmem>>, vector<1x256x8xi32>,
    %eq3A_410 = arith.constant 0 : i32
    %eq3A_411 = vector.broadcast %eq3A_410 : i32 to vector<256x8xi32>
    %eq3A_412 = arith.cmpi eq, %iota3A, %eq3A_411 : vector<256x8xi32>
    %jit3A_413 = arith.constant 0.000000e+00 : f32
    %broadcast_in_dim3A_414 = vector.shape_cast %logistic3A_379 : vector<256x1xf32> to vector<256x1xf32>
    %broadcast_in_dim3A_415 = vector.broadcast %broadcast_in_dim3A_414 : vector<256x1xf32> to vector<256x8xf32>
    %broadcast_in_dim3A_416 = vector.broadcast %jit3A_413 : f32 to vector<256x8xf32>
    %select_n3A_417 = arith.select %eq3A_412, %broadcast_in_dim3A_415, %broadcast_in_dim3A_416 : vector<256x8xi1>, vector<256x8xf32>
    %eq3A_418 = arith.constant 1 : i32
    %eq3A_419 = vector.broadcast %eq3A_418 : i32 to vector<256x8xi32>
    %eq3A_420 = arith.cmpi eq, %iota3A, %eq3A_419 : vector<256x8xi32>
    %jit3A_421 = arith.constant 0.000000e+00 : f32
    %broadcast_in_dim3A_422 = vector.shape_cast %logistic3A_386 : vector<256x1xf32> to vector<256x1xf32>
    %broadcast_in_dim3A_423 = vector.broadcast %broadcast_in_dim3A_422 : vector<256x1xf32> to vector<256x8xf32>
    %broadcast_in_dim3A_424 = vector.broadcast %jit3A_421 : f32 to vector<256x8xf32>
    %select_n3A_425 = arith.select %eq3A_420, %broadcast_in_dim3A_423, %broadcast_in_dim3A_424 : vector<256x8xi1>, vector<256x8xf32>
    %add3A_426 = arith.addf %select_n3A_417, %select_n3A_425 : vector<256x8xf32>
    %swap3A_427 = arith.constant 0 : index
    %swap3A_428 = arith.constant 0 : index
    %swap3A_429 = arith.constant 0 : index
    %swap3A_430 = vector.load %arg17[%swap3A_427, %swap3A_428, %swap3A_429] : memref<1x256x8xf32, #tpu.memory_space<vmem>>, vector<1x256x8xf32>
    %swap3A_431 = vector.shape_cast %swap3A_430 : vector<1x256x8xf32> to vector<256x8xf32>
    %swap3A_432 = vector.shape_cast %add3A_426 : vector<256x8xf32> to vector<1x256x8xf32>
    tpu.vector_store %arg17[%swap3A_427, %swap3A_428, %swap3A_429], %swap3A_432 {strides = array<i32>} : memref<1x256x8xf32, #tpu.memory_space<vmem>>, vector<1x256x8xf32>,
    return
  }
  func.func @transform_0(%arg0: i32, %arg1: i32) -> (i32, i32, i32) {
    %c0_i32 = arith.constant 0 : i32
    %c0_i32_0 = arith.constant 0 : i32
    return %arg0, %arg1, %c0_i32 : i32, i32, i32
  }
  func.func @transform_1(%arg0: i32, %arg1: i32) -> (i32, i32) {
    %c0_i32 = arith.constant 0 : i32
    %c0_i32_0 = arith.constant 0 : i32
    %c0_i32_1 = arith.constant 0 : i32
    return %c0_i32, %c0_i32_0 : i32, i32
  }
  func.func @transform_2(%arg0: i32, %arg1: i32) -> (i32, i32) {
    %c0_i32 = arith.constant 0 : i32
    %c0_i32_0 = arith.constant 0 : i32
    %c0_i32_1 = arith.constant 0 : i32
    return %c0_i32, %c0_i32_0 : i32, i32
  }
  func.func @transform_3(%arg0: i32, %arg1: i32) -> (i32, i32) {
    %c0_i32 = arith.constant 0 : i32
    %c0_i32_0 = arith.constant 0 : i32
    %c0_i32_1 = arith.constant 0 : i32
    return %c0_i32, %c0_i32_0 : i32, i32
  }
  func.func @transform_4(%arg0: i32, %arg1: i32) -> (i32, i32) {
    %c0_i32 = arith.constant 0 : i32
    %c0_i32_0 = arith.constant 0 : i32
    %c0_i32_1 = arith.constant 0 : i32
    return %c0_i32, %c0_i32_0 : i32, i32
  }
  func.func @transform_5(%arg0: i32, %arg1: i32) -> (i32, i32) {
    %c0_i32 = arith.constant 0 : i32
    %c0_i32_0 = arith.constant 0 : i32
    %c0_i32_1 = arith.constant 0 : i32
    return %c0_i32, %c0_i32_0 : i32, i32
  }
  func.func @transform_6(%arg0: i32, %arg1: i32) -> (i32, i32) {
    %c0_i32 = arith.constant 0 : i32
    %c0_i32_0 = arith.constant 0 : i32
    %c0_i32_1 = arith.constant 0 : i32
    return %c0_i32, %c0_i32_0 : i32, i32
  }
  func.func @transform_7(%arg0: i32, %arg1: i32) -> (i32, i32) {
    %c0_i32 = arith.constant 0 : i32
    %c0_i32_0 = arith.constant 0 : i32
    %c0_i32_1 = arith.constant 0 : i32
    return %c0_i32, %c0_i32_0 : i32, i32
  }
  func.func @transform_8(%arg0: i32, %arg1: i32) -> (i32, i32) {
    %c0_i32 = arith.constant 0 : i32
    %c0_i32_0 = arith.constant 0 : i32
    %c0_i32_1 = arith.constant 0 : i32
    return %c0_i32, %c0_i32_0 : i32, i32
  }
  func.func @transform_9(%arg0: i32, %arg1: i32) -> (i32, i32) {
    %c0_i32 = arith.constant 0 : i32
    %c0_i32_0 = arith.constant 0 : i32
    %c0_i32_1 = arith.constant 0 : i32
    return %c0_i32, %c0_i32_0 : i32, i32
  }
  func.func @transform_10(%arg0: i32, %arg1: i32) -> (i32, i32) {
    %c0_i32 = arith.constant 0 : i32
    %c0_i32_0 = arith.constant 0 : i32
    %c0_i32_1 = arith.constant 0 : i32
    return %c0_i32, %c0_i32_0 : i32, i32
  }
  func.func @transform_11(%arg0: i32, %arg1: i32) -> (i32, i32, i32) {
    %c0_i32 = arith.constant 0 : i32
    %c0_i32_0 = arith.constant 0 : i32
    return %arg0, %arg1, %c0_i32 : i32, i32, i32
  }
  func.func @transform_12(%arg0: i32, %arg1: i32) -> (i32, i32, i32) {
    %c0_i32 = arith.constant 0 : i32
    %c0_i32_0 = arith.constant 0 : i32
    return %arg0, %arg1, %c0_i32 : i32, i32, i32
  }
  func.func @transform_13(%arg0: i32, %arg1: i32) -> (i32, i32, i32) {
    %c0_i32 = arith.constant 0 : i32
    %c0_i32_0 = arith.constant 0 : i32
    return %arg0, %arg1, %c0_i32 : i32, i32, i32
  }
  func.func @transform_14(%arg0: i32, %arg1: i32) -> (i32, i32, i32) {
    %c0_i32 = arith.constant 0 : i32
    %c0_i32_0 = arith.constant 0 : i32
    return %arg0, %arg1, %c0_i32 : i32, i32, i32
  }
  func.func @transform_15(%arg0: i32, %arg1: i32) -> (i32, i32, i32) {
    %c0_i32 = arith.constant 0 : i32
    %c0_i32_0 = arith.constant 0 : i32
    return %arg0, %arg1, %c0_i32 : i32, i32, i32
  }
}

module attributes {stable_mosaic.version = 14 : i64} {
  func.func @_pos_body(%arg0: i32, %arg1: memref<4096x8xi32, #tpu.memory_space<vmem>>, %arg2: memref<4096x1xi32, #tpu.memory_space<vmem>>, %arg3: memref<4096x1xi32, #tpu.memory_space<vmem>>, %arg4: memref<64x8xi32, #tpu.memory_space<vmem>>) attributes {dimension_semantics = [#tpu.dimension_semantics<arbitrary>], iteration_bounds = array<i64: 1>, scalar_prefetch = 0 : i64, scratch_operands = 0 : i64, tpu.core_type = #tpu.core_type<tc>, window_params = [{pipeline_mode = #tpu.pipeline_mode<synchronous>, transform_indices = @transform_0, window_bounds = array<i64: 4096, 8>}, {pipeline_mode = #tpu.pipeline_mode<synchronous>, transform_indices = @transform_1, window_bounds = array<i64: 4096, 1>}, {pipeline_mode = #tpu.pipeline_mode<synchronous>, transform_indices = @transform_2, window_bounds = array<i64: 4096, 1>}, {pipeline_mode = #tpu.pipeline_mode<synchronous>, transform_indices = @transform_3, window_bounds = array<i64: 64, 8>}]} {
    %get3A = arith.constant 0 : index
    %get3A_0 = arith.constant 0 : index
    %get3A_1 = vector.load %arg1[%get3A, %get3A_0] : memref<4096x8xi32, #tpu.memory_space<vmem>>, vector<4096x1xi32>
    %get3A_2 = arith.constant 0 : index
    %get3A_3 = arith.constant 1 : index
    %get3A_4 = vector.load %arg1[%get3A_2, %get3A_3] : memref<4096x8xi32, #tpu.memory_space<vmem>>, vector<4096x1xi32>
    %iota3A = tpu.iota {dimensions = array<i32: 1>} : vector<4096x8xi32>
    %eq3A = vector.broadcast %get3A_1 : vector<4096x1xi32> to vector<4096x8xi32>
    %eq3A_5 = arith.cmpi eq, %iota3A, %eq3A : vector<4096x8xi32>
    %convert_element_type3A = arith.extui %eq3A_5 : vector<4096x8xi1> to vector<4096x8xi32>
    %convert_element_type3A_6 = arith.sitofp %convert_element_type3A : vector<4096x8xi32> to vector<4096x8xf32>
    %eq3A_7 = vector.broadcast %get3A_4 : vector<4096x1xi32> to vector<4096x8xi32>
    %eq3A_8 = arith.cmpi eq, %iota3A, %eq3A_7 : vector<4096x8xi32>
    %convert_element_type3A_9 = arith.extui %eq3A_8 : vector<4096x8xi1> to vector<4096x8xi32>
    %convert_element_type3A_10 = arith.sitofp %convert_element_type3A_9 : vector<4096x8xi32> to vector<4096x8xf32>
    %add3A = arith.addf %convert_element_type3A_6, %convert_element_type3A_10 : vector<4096x8xf32>
    %broadcast_in_dim3A = arith.constant 0.000000e+00 : f32
    %broadcast_in_dim3A_11 = vector.broadcast %broadcast_in_dim3A : f32 to vector<1x8xf32>
    %slice3A = vector.extract_strided_slice %add3A {offsets = [0, 0], sizes = [4095, 8], strides = [1, 1]} : vector<4096x8xf32> to vector<4095x8xf32>
    %concatenate3A = tpu.concatenate %broadcast_in_dim3A_11, %slice3A in 0 : vector<1x8xf32>, vector<4095x8xf32> -> vector<4096x8xf32>
    %add3A_12 = arith.addf %add3A, %concatenate3A : vector<4096x8xf32>
    %broadcast_in_dim3A_13 = arith.constant 0.000000e+00 : f32
    %broadcast_in_dim3A_14 = vector.broadcast %broadcast_in_dim3A_13 : f32 to vector<2x8xf32>
    %slice3A_15 = vector.extract_strided_slice %add3A_12 {offsets = [0, 0], sizes = [4094, 8], strides = [1, 1]} : vector<4096x8xf32> to vector<4094x8xf32>
    %concatenate3A_16 = tpu.concatenate %broadcast_in_dim3A_14, %slice3A_15 in 0 : vector<2x8xf32>, vector<4094x8xf32> -> vector<4096x8xf32>
    %add3A_17 = arith.addf %add3A_12, %concatenate3A_16 : vector<4096x8xf32>
    %broadcast_in_dim3A_18 = arith.constant 0.000000e+00 : f32
    %broadcast_in_dim3A_19 = vector.broadcast %broadcast_in_dim3A_18 : f32 to vector<4x8xf32>
    %slice3A_20 = vector.extract_strided_slice %add3A_17 {offsets = [0, 0], sizes = [4092, 8], strides = [1, 1]} : vector<4096x8xf32> to vector<4092x8xf32>
    %concatenate3A_21 = tpu.concatenate %broadcast_in_dim3A_19, %slice3A_20 in 0 : vector<4x8xf32>, vector<4092x8xf32> -> vector<4096x8xf32>
    %add3A_22 = arith.addf %add3A_17, %concatenate3A_21 : vector<4096x8xf32>
    %broadcast_in_dim3A_23 = arith.constant 0.000000e+00 : f32
    %broadcast_in_dim3A_24 = vector.broadcast %broadcast_in_dim3A_23 : f32 to vector<8x8xf32>
    %slice3A_25 = vector.extract_strided_slice %add3A_22 {offsets = [0, 0], sizes = [4088, 8], strides = [1, 1]} : vector<4096x8xf32> to vector<4088x8xf32>
    %concatenate3A_26 = tpu.concatenate %broadcast_in_dim3A_24, %slice3A_25 in 0 : vector<8x8xf32>, vector<4088x8xf32> -> vector<4096x8xf32>
    %add3A_27 = arith.addf %add3A_22, %concatenate3A_26 : vector<4096x8xf32>
    %broadcast_in_dim3A_28 = arith.constant 0.000000e+00 : f32
    %broadcast_in_dim3A_29 = vector.broadcast %broadcast_in_dim3A_28 : f32 to vector<16x8xf32>
    %slice3A_30 = vector.extract_strided_slice %add3A_27 {offsets = [0, 0], sizes = [4080, 8], strides = [1, 1]} : vector<4096x8xf32> to vector<4080x8xf32>
    %concatenate3A_31 = tpu.concatenate %broadcast_in_dim3A_29, %slice3A_30 in 0 : vector<16x8xf32>, vector<4080x8xf32> -> vector<4096x8xf32>
    %add3A_32 = arith.addf %add3A_27, %concatenate3A_31 : vector<4096x8xf32>
    %broadcast_in_dim3A_33 = arith.constant 0.000000e+00 : f32
    %broadcast_in_dim3A_34 = vector.broadcast %broadcast_in_dim3A_33 : f32 to vector<32x8xf32>
    %slice3A_35 = vector.extract_strided_slice %add3A_32 {offsets = [0, 0], sizes = [4064, 8], strides = [1, 1]} : vector<4096x8xf32> to vector<4064x8xf32>
    %concatenate3A_36 = tpu.concatenate %broadcast_in_dim3A_34, %slice3A_35 in 0 : vector<32x8xf32>, vector<4064x8xf32> -> vector<4096x8xf32>
    %add3A_37 = arith.addf %add3A_32, %concatenate3A_36 : vector<4096x8xf32>
    %broadcast_in_dim3A_38 = arith.constant 0.000000e+00 : f32
    %broadcast_in_dim3A_39 = vector.broadcast %broadcast_in_dim3A_38 : f32 to vector<64x8xf32>
    %slice3A_40 = vector.extract_strided_slice %add3A_37 {offsets = [0, 0], sizes = [4032, 8], strides = [1, 1]} : vector<4096x8xf32> to vector<4032x8xf32>
    %concatenate3A_41 = tpu.concatenate %broadcast_in_dim3A_39, %slice3A_40 in 0 : vector<64x8xf32>, vector<4032x8xf32> -> vector<4096x8xf32>
    %add3A_42 = arith.addf %add3A_37, %concatenate3A_41 : vector<4096x8xf32>
    %broadcast_in_dim3A_43 = arith.constant 0.000000e+00 : f32
    %broadcast_in_dim3A_44 = vector.broadcast %broadcast_in_dim3A_43 : f32 to vector<128x8xf32>
    %slice3A_45 = vector.extract_strided_slice %add3A_42 {offsets = [0, 0], sizes = [3968, 8], strides = [1, 1]} : vector<4096x8xf32> to vector<3968x8xf32>
    %concatenate3A_46 = tpu.concatenate %broadcast_in_dim3A_44, %slice3A_45 in 0 : vector<128x8xf32>, vector<3968x8xf32> -> vector<4096x8xf32>
    %add3A_47 = arith.addf %add3A_42, %concatenate3A_46 : vector<4096x8xf32>
    %broadcast_in_dim3A_48 = arith.constant 0.000000e+00 : f32
    %broadcast_in_dim3A_49 = vector.broadcast %broadcast_in_dim3A_48 : f32 to vector<256x8xf32>
    %slice3A_50 = vector.extract_strided_slice %add3A_47 {offsets = [0, 0], sizes = [3840, 8], strides = [1, 1]} : vector<4096x8xf32> to vector<3840x8xf32>
    %concatenate3A_51 = tpu.concatenate %broadcast_in_dim3A_49, %slice3A_50 in 0 : vector<256x8xf32>, vector<3840x8xf32> -> vector<4096x8xf32>
    %add3A_52 = arith.addf %add3A_47, %concatenate3A_51 : vector<4096x8xf32>
    %broadcast_in_dim3A_53 = arith.constant 0.000000e+00 : f32
    %broadcast_in_dim3A_54 = vector.broadcast %broadcast_in_dim3A_53 : f32 to vector<512x8xf32>
    %slice3A_55 = vector.extract_strided_slice %add3A_52 {offsets = [0, 0], sizes = [3584, 8], strides = [1, 1]} : vector<4096x8xf32> to vector<3584x8xf32>
    %concatenate3A_56 = tpu.concatenate %broadcast_in_dim3A_54, %slice3A_55 in 0 : vector<512x8xf32>, vector<3584x8xf32> -> vector<4096x8xf32>
    %add3A_57 = arith.addf %add3A_52, %concatenate3A_56 : vector<4096x8xf32>
    %broadcast_in_dim3A_58 = arith.constant 0.000000e+00 : f32
    %broadcast_in_dim3A_59 = vector.broadcast %broadcast_in_dim3A_58 : f32 to vector<1024x8xf32>
    %slice3A_60 = vector.extract_strided_slice %add3A_57 {offsets = [0, 0], sizes = [3072, 8], strides = [1, 1]} : vector<4096x8xf32> to vector<3072x8xf32>
    %concatenate3A_61 = tpu.concatenate %broadcast_in_dim3A_59, %slice3A_60 in 0 : vector<1024x8xf32>, vector<3072x8xf32> -> vector<4096x8xf32>
    %add3A_62 = arith.addf %add3A_57, %concatenate3A_61 : vector<4096x8xf32>
    %broadcast_in_dim3A_63 = arith.constant 0.000000e+00 : f32
    %broadcast_in_dim3A_64 = vector.broadcast %broadcast_in_dim3A_63 : f32 to vector<2048x8xf32>
    %slice3A_65 = vector.extract_strided_slice %add3A_62 {offsets = [0, 0], sizes = [2048, 8], strides = [1, 1]} : vector<4096x8xf32> to vector<2048x8xf32>
    %concatenate3A_66 = tpu.concatenate %broadcast_in_dim3A_64, %slice3A_65 in 0 : vector<2048x8xf32>, vector<2048x8xf32> -> vector<4096x8xf32>
    %add3A_67 = arith.addf %add3A_62, %concatenate3A_66 : vector<4096x8xf32>
    %sub3A = arith.subf %add3A_67, %add3A : vector<4096x8xf32>
    %slice3A_68 = vector.extract_strided_slice %add3A_67 {offsets = [4095, 0], sizes = [1, 8], strides = [1, 1]} : vector<4096x8xf32> to vector<1x8xf32>
    %broadcast_in_dim3A_69 = arith.constant 0.000000e+00 : f32
    %broadcast_in_dim3A_70 = vector.broadcast %broadcast_in_dim3A_69 : f32 to vector<1x1xf32>
    %slice3A_71 = vector.extract_strided_slice %slice3A_68 {offsets = [0, 0], sizes = [1, 7], strides = [1, 1]} : vector<1x8xf32> to vector<1x7xf32>
    %concatenate3A_72 = tpu.concatenate %broadcast_in_dim3A_70, %slice3A_71 in 1 : vector<1x1xf32>, vector<1x7xf32> -> vector<1x8xf32>
    %add3A_73 = arith.addf %slice3A_68, %concatenate3A_72 : vector<1x8xf32>
    %broadcast_in_dim3A_74 = arith.constant 0.000000e+00 : f32
    %broadcast_in_dim3A_75 = vector.broadcast %broadcast_in_dim3A_74 : f32 to vector<1x2xf32>
    %slice3A_76 = vector.extract_strided_slice %add3A_73 {offsets = [0, 0], sizes = [1, 6], strides = [1, 1]} : vector<1x8xf32> to vector<1x6xf32>
    %concatenate3A_77 = tpu.concatenate %broadcast_in_dim3A_75, %slice3A_76 in 1 : vector<1x2xf32>, vector<1x6xf32> -> vector<1x8xf32>
    %add3A_78 = arith.addf %add3A_73, %concatenate3A_77 : vector<1x8xf32>
    %broadcast_in_dim3A_79 = arith.constant 0.000000e+00 : f32
    %broadcast_in_dim3A_80 = vector.broadcast %broadcast_in_dim3A_79 : f32 to vector<1x4xf32>
    %slice3A_81 = vector.extract_strided_slice %add3A_78 {offsets = [0, 0], sizes = [1, 4], strides = [1, 1]} : vector<1x8xf32> to vector<1x4xf32>
    %concatenate3A_82 = tpu.concatenate %broadcast_in_dim3A_80, %slice3A_81 in 1 : vector<1x4xf32>, vector<1x4xf32> -> vector<1x8xf32>
    %add3A_83 = arith.addf %add3A_78, %concatenate3A_82 : vector<1x8xf32>
    %sub3A_84 = arith.subf %add3A_83, %slice3A_68 : vector<1x8xf32>
    %add3A_85 = vector.broadcast %sub3A_84 : vector<1x8xf32> to vector<4096x8xf32>
    %add3A_86 = arith.addf %sub3A, %add3A_85 : vector<4096x8xf32>
    %eq3A_87 = vector.broadcast %get3A_1 : vector<4096x1xi32> to vector<4096x8xi32>
    %eq3A_88 = arith.cmpi eq, %iota3A, %eq3A_87 : vector<4096x8xi32>
    %jit3A = arith.constant 0.000000e+00 : f32
    %broadcast_in_dim3A_89 = vector.broadcast %jit3A : f32 to vector<4096x8xf32>
    %select_n3A = arith.select %eq3A_88, %add3A_86, %broadcast_in_dim3A_89 : vector<4096x8xi1>, vector<4096x8xf32>
    %reduce_sum3A = arith.constant dense<0.000000e+00> : vector<4096xf32>
    %reduce_sum3A_90 = vector.multi_reduction <add>, %select_n3A, %reduce_sum3A [1] : vector<4096x8xf32> to vector<4096xf32>
    %broadcast_in_dim3A_91 = vector.shape_cast %reduce_sum3A_90 : vector<4096xf32> to vector<4096x1xf32>
    %convert_element_type3A_92 = arith.fptosi %broadcast_in_dim3A_91 : vector<4096x1xf32> to vector<4096x1xi32>
    %swap3A = arith.constant 0 : index
    %swap3A_93 = arith.constant 0 : index
    %swap3A_94 = vector.load %arg2[%swap3A, %swap3A_93] : memref<4096x1xi32, #tpu.memory_space<vmem>>, vector<4096x1xi32>
    tpu.vector_store %arg2[%swap3A, %swap3A_93], %convert_element_type3A_92 {strides = array<i32>} : memref<4096x1xi32, #tpu.memory_space<vmem>>, vector<4096x1xi32>,
    %eq3A_95 = vector.broadcast %get3A_4 : vector<4096x1xi32> to vector<4096x8xi32>
    %eq3A_96 = arith.cmpi eq, %iota3A, %eq3A_95 : vector<4096x8xi32>
    %jit3A_97 = arith.constant 0.000000e+00 : f32
    %broadcast_in_dim3A_98 = vector.broadcast %jit3A_97 : f32 to vector<4096x8xf32>
    %select_n3A_99 = arith.select %eq3A_96, %add3A_86, %broadcast_in_dim3A_98 : vector<4096x8xi1>, vector<4096x8xf32>
    %reduce_sum3A_100 = arith.constant dense<0.000000e+00> : vector<4096xf32>
    %reduce_sum3A_101 = vector.multi_reduction <add>, %select_n3A_99, %reduce_sum3A_100 [1] : vector<4096x8xf32> to vector<4096xf32>
    %broadcast_in_dim3A_102 = vector.shape_cast %reduce_sum3A_101 : vector<4096xf32> to vector<4096x1xf32>
    %convert_element_type3A_103 = arith.fptosi %broadcast_in_dim3A_102 : vector<4096x1xf32> to vector<4096x1xi32>
    %swap3A_104 = arith.constant 0 : index
    %swap3A_105 = arith.constant 0 : index
    %swap3A_106 = vector.load %arg3[%swap3A_104, %swap3A_105] : memref<4096x1xi32, #tpu.memory_space<vmem>>, vector<4096x1xi32>
    tpu.vector_store %arg3[%swap3A_104, %swap3A_105], %convert_element_type3A_103 {strides = array<i32>} : memref<4096x1xi32, #tpu.memory_space<vmem>>, vector<4096x1xi32>,
    %add3A_107 = arith.addf %sub3A_84, %slice3A_68 : vector<1x8xf32>
    %div3A = arith.constant 2.560000e+02 : f32
    %div3A_108 = vector.broadcast %div3A : f32 to vector<1x8xf32>
    %div3A_109 = arith.divf %sub3A_84, %div3A_108 : vector<1x8xf32>
    %floor3A = math.floor %div3A_109 : vector<1x8xf32>
    %div3A_110 = arith.constant 2.560000e+02 : f32
    %div3A_111 = vector.broadcast %div3A_110 : f32 to vector<1x8xf32>
    %div3A_112 = arith.divf %add3A_107, %div3A_111 : vector<1x8xf32>
    %ceil3A = math.ceil %div3A_112 : vector<1x8xf32>
    %gt3A = arith.constant 0.000000e+00 : f32
    %gt3A_113 = vector.broadcast %gt3A : f32 to vector<1x8xf32>
    %gt3A_114 = arith.cmpf ogt, %slice3A_68, %gt3A_113 : vector<1x8xf32>
    %sub3A_115 = arith.subf %ceil3A, %floor3A : vector<1x8xf32>
    %jit3A_116 = arith.constant 0.000000e+00 : f32
    %broadcast_in_dim3A_117 = vector.broadcast %jit3A_116 : f32 to vector<1x8xf32>
    %select_n3A_118 = arith.select %gt3A_114, %sub3A_115, %broadcast_in_dim3A_117 : vector<1x8xi1>, vector<1x8xf32>
    %broadcast_in_dim3A_119 = arith.constant 0.000000e+00 : f32
    %broadcast_in_dim3A_120 = vector.broadcast %broadcast_in_dim3A_119 : f32 to vector<1x1xf32>
    %slice3A_121 = vector.extract_strided_slice %select_n3A_118 {offsets = [0, 0], sizes = [1, 7], strides = [1, 1]} : vector<1x8xf32> to vector<1x7xf32>
    %concatenate3A_122 = tpu.concatenate %broadcast_in_dim3A_120, %slice3A_121 in 1 : vector<1x1xf32>, vector<1x7xf32> -> vector<1x8xf32>
    %add3A_123 = arith.addf %select_n3A_118, %concatenate3A_122 : vector<1x8xf32>
    %broadcast_in_dim3A_124 = arith.constant 0.000000e+00 : f32
    %broadcast_in_dim3A_125 = vector.broadcast %broadcast_in_dim3A_124 : f32 to vector<1x2xf32>
    %slice3A_126 = vector.extract_strided_slice %add3A_123 {offsets = [0, 0], sizes = [1, 6], strides = [1, 1]} : vector<1x8xf32> to vector<1x6xf32>
    %concatenate3A_127 = tpu.concatenate %broadcast_in_dim3A_125, %slice3A_126 in 1 : vector<1x2xf32>, vector<1x6xf32> -> vector<1x8xf32>
    %add3A_128 = arith.addf %add3A_123, %concatenate3A_127 : vector<1x8xf32>
    %broadcast_in_dim3A_129 = arith.constant 0.000000e+00 : f32
    %broadcast_in_dim3A_130 = vector.broadcast %broadcast_in_dim3A_129 : f32 to vector<1x4xf32>
    %slice3A_131 = vector.extract_strided_slice %add3A_128 {offsets = [0, 0], sizes = [1, 4], strides = [1, 1]} : vector<1x8xf32> to vector<1x4xf32>
    %concatenate3A_132 = tpu.concatenate %broadcast_in_dim3A_130, %slice3A_131 in 1 : vector<1x4xf32>, vector<1x4xf32> -> vector<1x8xf32>
    %add3A_133 = arith.addf %add3A_128, %concatenate3A_132 : vector<1x8xf32>
    %sub3A_134 = arith.subf %add3A_133, %select_n3A_118 : vector<1x8xf32>
    %iota3A_135 = tpu.iota {dimensions = array<i32: 0>} : vector<64x1xi32>
    %convert_element_type3A_136 = arith.sitofp %iota3A_135 : vector<64x1xi32> to vector<64x1xf32>
    %ge3A = vector.broadcast %convert_element_type3A_136 : vector<64x1xf32> to vector<64x8xf32>
    %ge3A_137 = vector.broadcast %sub3A_134 : vector<1x8xf32> to vector<64x8xf32>
    %ge3A_138 = arith.cmpf oge, %ge3A, %ge3A_137 : vector<64x8xf32>
    %add3A_139 = arith.addf %sub3A_134, %select_n3A_118 : vector<1x8xf32>
    %lt3A = vector.broadcast %convert_element_type3A_136 : vector<64x1xf32> to vector<64x8xf32>
    %lt3A_140 = vector.broadcast %add3A_139 : vector<1x8xf32> to vector<64x8xf32>
    %lt3A_141 = arith.cmpf olt, %lt3A, %lt3A_140 : vector<64x8xf32>
    %and3A = arith.andi %ge3A_138, %lt3A_141 : vector<64x8xi1>
    %convert_element_type3A_142 = arith.extui %and3A : vector<64x8xi1> to vector<64x8xi32>
    %convert_element_type3A_143 = arith.sitofp %convert_element_type3A_142 : vector<64x8xi32> to vector<64x8xf32>
    %reduce_sum3A_144 = arith.constant dense<0.000000e+00> : vector<64xf32>
    %reduce_sum3A_145 = vector.multi_reduction <add>, %convert_element_type3A_143, %reduce_sum3A_144 [1] : vector<64x8xf32> to vector<64xf32>
    %broadcast_in_dim3A_146 = vector.shape_cast %reduce_sum3A_145 : vector<64xf32> to vector<64x1xf32>
    %iota3A_147 = tpu.iota {dimensions = array<i32: 1>} : vector<64x8xi32>
    %convert_element_type3A_148 = arith.sitofp %iota3A_147 : vector<64x8xi32> to vector<64x8xf32>
    %mul3A = arith.mulf %convert_element_type3A_143, %convert_element_type3A_148 : vector<64x8xf32>
    %reduce_sum3A_149 = arith.constant dense<0.000000e+00> : vector<64xf32>
    %reduce_sum3A_150 = vector.multi_reduction <add>, %mul3A, %reduce_sum3A_149 [1] : vector<64x8xf32> to vector<64xf32>
    %broadcast_in_dim3A_151 = vector.shape_cast %reduce_sum3A_150 : vector<64xf32> to vector<64x1xf32>
    %mul3A_152 = vector.broadcast %floor3A : vector<1x8xf32> to vector<64x8xf32>
    %mul3A_153 = arith.mulf %convert_element_type3A_143, %mul3A_152 : vector<64x8xf32>
    %reduce_sum3A_154 = arith.constant dense<0.000000e+00> : vector<64xf32>
    %reduce_sum3A_155 = vector.multi_reduction <add>, %mul3A_153, %reduce_sum3A_154 [1] : vector<64x8xf32> to vector<64xf32>
    %broadcast_in_dim3A_156 = vector.shape_cast %reduce_sum3A_155 : vector<64xf32> to vector<64x1xf32>
    %mul3A_157 = vector.broadcast %sub3A_134 : vector<1x8xf32> to vector<64x8xf32>
    %mul3A_158 = arith.mulf %convert_element_type3A_143, %mul3A_157 : vector<64x8xf32>
    %reduce_sum3A_159 = arith.constant dense<0.000000e+00> : vector<64xf32>
    %reduce_sum3A_160 = vector.multi_reduction <add>, %mul3A_158, %reduce_sum3A_159 [1] : vector<64x8xf32> to vector<64xf32>
    %broadcast_in_dim3A_161 = vector.shape_cast %reduce_sum3A_160 : vector<64xf32> to vector<64x1xf32>
    %sub3A_162 = arith.subf %convert_element_type3A_136, %broadcast_in_dim3A_161 : vector<64x1xf32>
    %add3A_163 = arith.addf %broadcast_in_dim3A_156, %sub3A_162 : vector<64x1xf32>
    %mul3A_164 = vector.broadcast %sub3A_84 : vector<1x8xf32> to vector<64x8xf32>
    %mul3A_165 = arith.mulf %convert_element_type3A_143, %mul3A_164 : vector<64x8xf32>
    %reduce_sum3A_166 = arith.constant dense<0.000000e+00> : vector<64xf32>
    %reduce_sum3A_167 = vector.multi_reduction <add>, %mul3A_165, %reduce_sum3A_166 [1] : vector<64x8xf32> to vector<64xf32>
    %broadcast_in_dim3A_168 = vector.shape_cast %reduce_sum3A_167 : vector<64xf32> to vector<64x1xf32>
    %mul3A_169 = arith.constant 2.560000e+02 : f32
    %mul3A_170 = vector.broadcast %mul3A_169 : f32 to vector<64x1xf32>
    %mul3A_171 = arith.mulf %add3A_163, %mul3A_170 : vector<64x1xf32>
    %sub3A_172 = arith.subf %broadcast_in_dim3A_168, %mul3A_171 : vector<64x1xf32>
    %max3A = arith.constant 0.000000e+00 : f32
    %max3A_173 = vector.broadcast %max3A : f32 to vector<64x1xf32>
    %max3A_174 = arith.maximumf %sub3A_172, %max3A_173 : vector<64x1xf32>
    %mul3A_175 = vector.broadcast %add3A_107 : vector<1x8xf32> to vector<64x8xf32>
    %mul3A_176 = arith.mulf %convert_element_type3A_143, %mul3A_175 : vector<64x8xf32>
    %reduce_sum3A_177 = arith.constant dense<0.000000e+00> : vector<64xf32>
    %reduce_sum3A_178 = vector.multi_reduction <add>, %mul3A_176, %reduce_sum3A_177 [1] : vector<64x8xf32> to vector<64xf32>
    %broadcast_in_dim3A_179 = vector.shape_cast %reduce_sum3A_178 : vector<64xf32> to vector<64x1xf32>
    %mul3A_180 = arith.constant 2.560000e+02 : f32
    %mul3A_181 = vector.broadcast %mul3A_180 : f32 to vector<64x1xf32>
    %mul3A_182 = arith.mulf %add3A_163, %mul3A_181 : vector<64x1xf32>
    %sub3A_183 = arith.subf %broadcast_in_dim3A_179, %mul3A_182 : vector<64x1xf32>
    %min3A = arith.constant 2.560000e+02 : f32
    %min3A_184 = vector.broadcast %min3A : f32 to vector<64x1xf32>
    %min3A_185 = arith.minimumf %sub3A_183, %min3A_184 : vector<64x1xf32>
    %gt3A_186 = arith.constant 0.000000e+00 : f32
    %gt3A_187 = vector.broadcast %gt3A_186 : f32 to vector<64x1xf32>
    %gt3A_188 = arith.cmpf ogt, %broadcast_in_dim3A_146, %gt3A_187 : vector<64x1xf32>
    %jit3A_189 = arith.constant 3.100000e+01 : f32
    %broadcast_in_dim3A_190 = vector.broadcast %jit3A_189 : f32 to vector<64x1xf32>
    %select_n3A_191 = arith.select %gt3A_188, %add3A_163, %broadcast_in_dim3A_190 : vector<64x1xi1>, vector<64x1xf32>
    %gt3A_192 = arith.constant 0.000000e+00 : f32
    %gt3A_193 = vector.broadcast %gt3A_192 : f32 to vector<64x1xf32>
    %gt3A_194 = arith.cmpf ogt, %broadcast_in_dim3A_146, %gt3A_193 : vector<64x1xf32>
    %jit3A_195 = arith.constant 7.000000e+00 : f32
    %broadcast_in_dim3A_196 = vector.broadcast %jit3A_195 : f32 to vector<64x1xf32>
    %select_n3A_197 = arith.select %gt3A_194, %broadcast_in_dim3A_151, %broadcast_in_dim3A_196 : vector<64x1xi1>, vector<64x1xf32>
    %gt3A_198 = arith.constant 0.000000e+00 : f32
    %gt3A_199 = vector.broadcast %gt3A_198 : f32 to vector<64x1xf32>
    %gt3A_200 = arith.cmpf ogt, %broadcast_in_dim3A_146, %gt3A_199 : vector<64x1xf32>
    %jit3A_201 = arith.constant 0.000000e+00 : f32
    %broadcast_in_dim3A_202 = vector.broadcast %jit3A_201 : f32 to vector<64x1xf32>
    %select_n3A_203 = arith.select %gt3A_200, %max3A_174, %broadcast_in_dim3A_202 : vector<64x1xi1>, vector<64x1xf32>
    %gt3A_204 = arith.constant 0.000000e+00 : f32
    %gt3A_205 = vector.broadcast %gt3A_204 : f32 to vector<64x1xf32>
    %gt3A_206 = arith.cmpf ogt, %broadcast_in_dim3A_146, %gt3A_205 : vector<64x1xf32>
    %jit3A_207 = arith.constant 0.000000e+00 : f32
    %broadcast_in_dim3A_208 = vector.broadcast %jit3A_207 : f32 to vector<64x1xf32>
    %select_n3A_209 = arith.select %gt3A_206, %min3A_185, %broadcast_in_dim3A_208 : vector<64x1xi1>, vector<64x1xf32>
    %broadcast_in_dim3A_210 = arith.constant -1.000000e+00 : f32
    %broadcast_in_dim3A_211 = vector.broadcast %broadcast_in_dim3A_210 : f32 to vector<1x1xf32>
    %slice3A_212 = vector.extract_strided_slice %select_n3A_191 {offsets = [0, 0], sizes = [63, 1], strides = [1, 1]} : vector<64x1xf32> to vector<63x1xf32>
    %concatenate3A_213 = tpu.concatenate %broadcast_in_dim3A_211, %slice3A_212 in 0 : vector<1x1xf32>, vector<63x1xf32> -> vector<64x1xf32>
    %ne3A = arith.cmpf one, %select_n3A_191, %concatenate3A_213 : vector<64x1xf32>
    %gt3A_214 = arith.constant 0.000000e+00 : f32
    %gt3A_215 = vector.broadcast %gt3A_214 : f32 to vector<64x1xf32>
    %gt3A_216 = arith.cmpf ogt, %broadcast_in_dim3A_146, %gt3A_215 : vector<64x1xf32>
    %and3A_217 = arith.andi %ne3A, %gt3A_216 : vector<64x1xi1>
    %convert_element_type3A_218 = arith.extui %and3A_217 : vector<64x1xi1> to vector<64x1xi32>
    %convert_element_type3A_219 = arith.sitofp %convert_element_type3A_218 : vector<64x1xi32> to vector<64x1xf32>
    %iota3A_220 = tpu.iota {dimensions = array<i32: 1>} : vector<64x8xi32>
    %eq3A_221 = arith.constant 0 : i32
    %eq3A_222 = vector.broadcast %eq3A_221 : i32 to vector<64x8xi32>
    %eq3A_223 = arith.cmpi eq, %iota3A_220, %eq3A_222 : vector<64x8xi32>
    %jit3A_224 = arith.constant 0.000000e+00 : f32
    %broadcast_in_dim3A_225 = vector.shape_cast %select_n3A_191 : vector<64x1xf32> to vector<64x1xf32>
    %broadcast_in_dim3A_226 = vector.broadcast %broadcast_in_dim3A_225 : vector<64x1xf32> to vector<64x8xf32>
    %broadcast_in_dim3A_227 = vector.broadcast %jit3A_224 : f32 to vector<64x8xf32>
    %select_n3A_228 = arith.select %eq3A_223, %broadcast_in_dim3A_226, %broadcast_in_dim3A_227 : vector<64x8xi1>, vector<64x8xf32>
    %eq3A_229 = arith.constant 1 : i32
    %eq3A_230 = vector.broadcast %eq3A_229 : i32 to vector<64x8xi32>
    %eq3A_231 = arith.cmpi eq, %iota3A_220, %eq3A_230 : vector<64x8xi32>
    %jit3A_232 = arith.constant 0.000000e+00 : f32
    %broadcast_in_dim3A_233 = vector.shape_cast %select_n3A_197 : vector<64x1xf32> to vector<64x1xf32>
    %broadcast_in_dim3A_234 = vector.broadcast %broadcast_in_dim3A_233 : vector<64x1xf32> to vector<64x8xf32>
    %broadcast_in_dim3A_235 = vector.broadcast %jit3A_232 : f32 to vector<64x8xf32>
    %select_n3A_236 = arith.select %eq3A_231, %broadcast_in_dim3A_234, %broadcast_in_dim3A_235 : vector<64x8xi1>, vector<64x8xf32>
    %add3A_237 = arith.addf %select_n3A_228, %select_n3A_236 : vector<64x8xf32>
    %eq3A_238 = arith.constant 2 : i32
    %eq3A_239 = vector.broadcast %eq3A_238 : i32 to vector<64x8xi32>
    %eq3A_240 = arith.cmpi eq, %iota3A_220, %eq3A_239 : vector<64x8xi32>
    %jit3A_241 = arith.constant 0.000000e+00 : f32
    %broadcast_in_dim3A_242 = vector.shape_cast %select_n3A_203 : vector<64x1xf32> to vector<64x1xf32>
    %broadcast_in_dim3A_243 = vector.broadcast %broadcast_in_dim3A_242 : vector<64x1xf32> to vector<64x8xf32>
    %broadcast_in_dim3A_244 = vector.broadcast %jit3A_241 : f32 to vector<64x8xf32>
    %select_n3A_245 = arith.select %eq3A_240, %broadcast_in_dim3A_243, %broadcast_in_dim3A_244 : vector<64x8xi1>, vector<64x8xf32>
    %add3A_246 = arith.addf %add3A_237, %select_n3A_245 : vector<64x8xf32>
    %eq3A_247 = arith.constant 3 : i32
    %eq3A_248 = vector.broadcast %eq3A_247 : i32 to vector<64x8xi32>
    %eq3A_249 = arith.cmpi eq, %iota3A_220, %eq3A_248 : vector<64x8xi32>
    %jit3A_250 = arith.constant 0.000000e+00 : f32
    %broadcast_in_dim3A_251 = vector.shape_cast %select_n3A_209 : vector<64x1xf32> to vector<64x1xf32>
    %broadcast_in_dim3A_252 = vector.broadcast %broadcast_in_dim3A_251 : vector<64x1xf32> to vector<64x8xf32>
    %broadcast_in_dim3A_253 = vector.broadcast %jit3A_250 : f32 to vector<64x8xf32>
    %select_n3A_254 = arith.select %eq3A_249, %broadcast_in_dim3A_252, %broadcast_in_dim3A_253 : vector<64x8xi1>, vector<64x8xf32>
    %add3A_255 = arith.addf %add3A_246, %select_n3A_254 : vector<64x8xf32>
    %eq3A_256 = arith.constant 4 : i32
    %eq3A_257 = vector.broadcast %eq3A_256 : i32 to vector<64x8xi32>
    %eq3A_258 = arith.cmpi eq, %iota3A_220, %eq3A_257 : vector<64x8xi32>
    %jit3A_259 = arith.constant 0.000000e+00 : f32
    %broadcast_in_dim3A_260 = vector.shape_cast %convert_element_type3A_219 : vector<64x1xf32> to vector<64x1xf32>
    %broadcast_in_dim3A_261 = vector.broadcast %broadcast_in_dim3A_260 : vector<64x1xf32> to vector<64x8xf32>
    %broadcast_in_dim3A_262 = vector.broadcast %jit3A_259 : f32 to vector<64x8xf32>
    %select_n3A_263 = arith.select %eq3A_258, %broadcast_in_dim3A_261, %broadcast_in_dim3A_262 : vector<64x8xi1>, vector<64x8xf32>
    %add3A_264 = arith.addf %add3A_255, %select_n3A_263 : vector<64x8xf32>
    %convert_element_type3A_265 = arith.fptosi %add3A_264 : vector<64x8xf32> to vector<64x8xi32>
    %swap3A_266 = arith.constant 0 : index
    %swap3A_267 = arith.constant 0 : index
    %swap3A_268 = vector.load %arg4[%swap3A_266, %swap3A_267] : memref<64x8xi32, #tpu.memory_space<vmem>>, vector<64x8xi32>
    tpu.vector_store %arg4[%swap3A_266, %swap3A_267], %convert_element_type3A_265 {strides = array<i32>} : memref<64x8xi32, #tpu.memory_space<vmem>>, vector<64x8xi32>,
    return
  }
  func.func @transform_0(%arg0: i32) -> (i32, i32) {
    %c0_i32 = arith.constant 0 : i32
    %c0_i32_0 = arith.constant 0 : i32
    %c0_i32_1 = arith.constant 0 : i32
    return %c0_i32, %c0_i32_0 : i32, i32
  }
  func.func @transform_1(%arg0: i32) -> (i32, i32) {
    %c0_i32 = arith.constant 0 : i32
    %c0_i32_0 = arith.constant 0 : i32
    %c0_i32_1 = arith.constant 0 : i32
    return %c0_i32, %c0_i32_0 : i32, i32
  }
  func.func @transform_2(%arg0: i32) -> (i32, i32) {
    %c0_i32 = arith.constant 0 : i32
    %c0_i32_0 = arith.constant 0 : i32
    %c0_i32_1 = arith.constant 0 : i32
    return %c0_i32, %c0_i32_0 : i32, i32
  }
  func.func @transform_3(%arg0: i32) -> (i32, i32) {
    %c0_i32 = arith.constant 0 : i32
    %c0_i32_0 = arith.constant 0 : i32
    %c0_i32_1 = arith.constant 0 : i32
    return %c0_i32, %c0_i32_0 : i32, i32
  }
}

module attributes {stable_mosaic.version = 14 : i64} {
  func.func @_ffn_body(%arg0: i32, %arg1: memref<39xi32, #tpu.memory_space<smem>>, %arg2: memref<39xi32, #tpu.memory_space<smem>>, %arg3: memref<39xi32, #tpu.memory_space<smem>>, %arg4: memref<39xi32, #tpu.memory_space<smem>>, %arg5: memref<39xi32, #tpu.memory_space<smem>>, %arg6: memref<256x256xi32, #tpu.memory_space<vmem>>, %arg7: memref<256x256xi32, #tpu.memory_space<vmem>>, %arg8: memref<1x1024x2048xbf16, #tpu.memory_space<vmem>>, %arg9: memref<1x2048x1024xbf16, #tpu.memory_space<vmem>>, %arg10: memref<256x256xi32, #tpu.memory_space<vmem>>, %arg11: memref<256x256xi32, #tpu.memory_space<vmem>>) attributes {dimension_semantics = [#tpu.dimension_semantics<arbitrary>], iteration_bounds = array<i64: 39>, scalar_prefetch = 5 : i64, scratch_operands = 0 : i64, tpu.core_type = #tpu.core_type<tc>, window_params = [{transform_indices = @transform_0, window_bounds = array<i64: 256, 256>}, {transform_indices = @transform_1, window_bounds = array<i64: 256, 256>}, {transform_indices = @transform_2, window_bounds = array<i64: 1, 1024, 2048>}, {transform_indices = @transform_3, window_bounds = array<i64: 1, 2048, 1024>}, {transform_indices = @transform_4, window_bounds = array<i64: 256, 256>}, {transform_indices = @transform_5, window_bounds = array<i64: 256, 256>}]} {
    %get3A = arith.constant 0 : index
    %get3A_0 = arith.constant 0 : index
    %get3A_1 = vector.load %arg6[%get3A, %get3A_0] : memref<256x256xi32, #tpu.memory_space<vmem>>, vector<256x256xi32>
    %and3A = arith.constant -65536 : i32
    %and3A_2 = vector.broadcast %and3A : i32 to vector<256x256xi32>
    %and3A_3 = arith.andi %get3A_1, %and3A_2 : vector<256x256xi32>
    %shift_left3A = arith.constant 16 : i32
    %shift_left3A_4 = vector.broadcast %shift_left3A : i32 to vector<256x256xi32>
    %shift_left3A_5 = arith.shli %get3A_1, %shift_left3A_4 : vector<256x256xi32>
    %bitcast_convert_type3A = tpu.bitcast %and3A_3 : vector<256x256xi32> -> vector<256x256xf32>
    %bitcast_convert_type3A_6 = tpu.bitcast %shift_left3A_5 : vector<256x256xi32> -> vector<256x256xf32>
    %get3A_7 = arith.constant 0 : index
    %get3A_8 = arith.constant 0 : index
    %get3A_9 = vector.load %arg7[%get3A_7, %get3A_8] : memref<256x256xi32, #tpu.memory_space<vmem>>, vector<256x256xi32>
    %and3A_10 = arith.constant -65536 : i32
    %and3A_11 = vector.broadcast %and3A_10 : i32 to vector<256x256xi32>
    %and3A_12 = arith.andi %get3A_9, %and3A_11 : vector<256x256xi32>
    %shift_left3A_13 = arith.constant 16 : i32
    %shift_left3A_14 = vector.broadcast %shift_left3A_13 : i32 to vector<256x256xi32>
    %shift_left3A_15 = arith.shli %get3A_9, %shift_left3A_14 : vector<256x256xi32>
    %bitcast_convert_type3A_16 = tpu.bitcast %and3A_12 : vector<256x256xi32> -> vector<256x256xf32>
    %bitcast_convert_type3A_17 = tpu.bitcast %shift_left3A_15 : vector<256x256xi32> -> vector<256x256xf32>
    %get3A_18 = arith.constant 0 : index
    %get3A_19 = arith.constant 0 : index
    %get3A_20 = arith.constant 0 : index
    %get3A_21 = vector.load %arg8[%get3A_18, %get3A_19, %get3A_20] : memref<1x1024x2048xbf16, #tpu.memory_space<vmem>>, vector<1x1024x2048xbf16>
    %get3A_22 = vector.shape_cast %get3A_21 : vector<1x1024x2048xbf16> to vector<1024x2048xbf16>
    %slice3A = vector.extract_strided_slice %get3A_22 {offsets = [0, 0], sizes = [256, 2048], strides = [1, 1]} : vector<1024x2048xbf16> to vector<256x2048xbf16>
    %convert_element_type3A = arith.truncf %bitcast_convert_type3A : vector<256x256xf32> to vector<256x256xbf16>
    %dot_general3A = arith.constant dense<0.000000e+00> : vector<256x2048xf32>
    %dot_general3A_23 = tpu.matmul %convert_element_type3A, %slice3A, %dot_general3A {dimension_numbers = #tpu.dot_dimension_numbers<[1], [0], [0], [1], [0, 0, 1, 1], [], []>, transpose_lhs_hint = false} : vector<256x256xbf16>, vector<256x2048xbf16>, vector<256x2048xf32> -> vector<256x2048xf32>
    %slice3A_24 = vector.extract_strided_slice %get3A_22 {offsets = [256, 0], sizes = [256, 2048], strides = [1, 1]} : vector<1024x2048xbf16> to vector<256x2048xbf16>
    %convert_element_type3A_25 = arith.truncf %bitcast_convert_type3A_6 : vector<256x256xf32> to vector<256x256xbf16>
    %dot_general3A_26 = arith.constant dense<0.000000e+00> : vector<256x2048xf32>
    %dot_general3A_27 = tpu.matmul %convert_element_type3A_25, %slice3A_24, %dot_general3A_26 {dimension_numbers = #tpu.dot_dimension_numbers<[1], [0], [0], [1], [0, 0, 1, 1], [], []>, transpose_lhs_hint = false} : vector<256x256xbf16>, vector<256x2048xbf16>, vector<256x2048xf32> -> vector<256x2048xf32>
    %add3A = arith.addf %dot_general3A_23, %dot_general3A_27 : vector<256x2048xf32>
    %slice3A_28 = vector.extract_strided_slice %get3A_22 {offsets = [512, 0], sizes = [256, 2048], strides = [1, 1]} : vector<1024x2048xbf16> to vector<256x2048xbf16>
    %convert_element_type3A_29 = arith.truncf %bitcast_convert_type3A_16 : vector<256x256xf32> to vector<256x256xbf16>
    %dot_general3A_30 = arith.constant dense<0.000000e+00> : vector<256x2048xf32>
    %dot_general3A_31 = tpu.matmul %convert_element_type3A_29, %slice3A_28, %dot_general3A_30 {dimension_numbers = #tpu.dot_dimension_numbers<[1], [0], [0], [1], [0, 0, 1, 1], [], []>, transpose_lhs_hint = false} : vector<256x256xbf16>, vector<256x2048xbf16>, vector<256x2048xf32> -> vector<256x2048xf32>
    %add3A_32 = arith.addf %add3A, %dot_general3A_31 : vector<256x2048xf32>
    %slice3A_33 = vector.extract_strided_slice %get3A_22 {offsets = [768, 0], sizes = [256, 2048], strides = [1, 1]} : vector<1024x2048xbf16> to vector<256x2048xbf16>
    %convert_element_type3A_34 = arith.truncf %bitcast_convert_type3A_17 : vector<256x256xf32> to vector<256x256xbf16>
    %dot_general3A_35 = arith.constant dense<0.000000e+00> : vector<256x2048xf32>
    %dot_general3A_36 = tpu.matmul %convert_element_type3A_34, %slice3A_33, %dot_general3A_35 {dimension_numbers = #tpu.dot_dimension_numbers<[1], [0], [0], [1], [0, 0, 1, 1], [], []>, transpose_lhs_hint = false} : vector<256x256xbf16>, vector<256x2048xbf16>, vector<256x2048xf32> -> vector<256x2048xf32>
    %add3A_37 = arith.addf %add3A_32, %dot_general3A_36 : vector<256x2048xf32>
    %max3A = arith.constant 0.000000e+00 : f32
    %max3A_38 = vector.broadcast %max3A : f32 to vector<256x2048xf32>
    %max3A_39 = arith.maximumf %add3A_37, %max3A_38 : vector<256x2048xf32>
    %square3A = arith.mulf %max3A_39, %max3A_39 : vector<256x2048xf32>
    %convert_element_type3A_40 = arith.truncf %square3A : vector<256x2048xf32> to vector<256x2048xbf16>
    %get3A_41 = arith.constant 0 : index
    %get3A_42 = arith.constant 0 : index
    %get3A_43 = arith.constant 0 : index
    %get3A_44 = vector.load %arg9[%get3A_41, %get3A_42, %get3A_43] : memref<1x2048x1024xbf16, #tpu.memory_space<vmem>>, vector<1x2048x1024xbf16>
    %get3A_45 = vector.shape_cast %get3A_44 : vector<1x2048x1024xbf16> to vector<2048x1024xbf16>
    %dot_general3A_46 = arith.constant dense<0.000000e+00> : vector<256x1024xf32>
    %dot_general3A_47 = tpu.matmul %convert_element_type3A_40, %get3A_45, %dot_general3A_46 {dimension_numbers = #tpu.dot_dimension_numbers<[1], [0], [0], [1], [0, 0, 1, 1], [], []>, transpose_lhs_hint = false} : vector<256x2048xbf16>, vector<2048x1024xbf16>, vector<256x1024xf32> -> vector<256x1024xf32>
    %iota3A = tpu.iota {dimensions = array<i32: 0>} : vector<256x1xi32>
    %get3A_48 = arith.index_cast %arg0 : i32 to index
    %get3A_49 = memref.load %arg3[%get3A_48] : memref<39xi32, #tpu.memory_space<smem>>
    %ge3A = vector.broadcast %get3A_49 : i32 to vector<256x1xi32>
    %ge3A_50 = arith.cmpi sge, %iota3A, %ge3A : vector<256x1xi32>
    %get3A_51 = arith.index_cast %arg0 : i32 to index
    %get3A_52 = memref.load %arg4[%get3A_51] : memref<39xi32, #tpu.memory_space<smem>>
    %lt3A = vector.broadcast %get3A_52 : i32 to vector<256x1xi32>
    %lt3A_53 = arith.cmpi slt, %iota3A, %lt3A : vector<256x1xi32>
    %and3A_54 = arith.andi %ge3A_50, %lt3A_53 : vector<256x1xi1>
    %slice3A_55 = vector.extract_strided_slice %dot_general3A_47 {offsets = [0, 0], sizes = [256, 256], strides = [1, 1]} : vector<256x1024xf32> to vector<256x256xf32>
    %slice3A_56 = vector.extract_strided_slice %dot_general3A_47 {offsets = [0, 256], sizes = [256, 256], strides = [1, 1]} : vector<256x1024xf32> to vector<256x256xf32>
    %bitcast_convert_type3A_57 = tpu.bitcast %slice3A_55 : vector<256x256xf32> -> vector<256x256xi32>
    %add3A_58 = arith.constant 32767 : i32
    %add3A_59 = vector.broadcast %add3A_58 : i32 to vector<256x256xi32>
    %add3A_60 = arith.addi %bitcast_convert_type3A_57, %add3A_59 : vector<256x256xi32>
    %shift_right_logical3A = arith.constant 16 : i32
    %shift_right_logical3A_61 = vector.broadcast %shift_right_logical3A : i32 to vector<256x256xi32>
    %shift_right_logical3A_62 = arith.shrui %bitcast_convert_type3A_57, %shift_right_logical3A_61 : vector<256x256xi32>
    %and3A_63 = arith.constant 1 : i32
    %and3A_64 = vector.broadcast %and3A_63 : i32 to vector<256x256xi32>
    %and3A_65 = arith.andi %shift_right_logical3A_62, %and3A_64 : vector<256x256xi32>
    %add3A_66 = arith.addi %add3A_60, %and3A_65 : vector<256x256xi32>
    %and3A_67 = arith.constant -65536 : i32
    %and3A_68 = vector.broadcast %and3A_67 : i32 to vector<256x256xi32>
    %and3A_69 = arith.andi %add3A_66, %and3A_68 : vector<256x256xi32>
    %bitcast_convert_type3A_70 = tpu.bitcast %slice3A_56 : vector<256x256xf32> -> vector<256x256xi32>
    %add3A_71 = arith.constant 32767 : i32
    %add3A_72 = vector.broadcast %add3A_71 : i32 to vector<256x256xi32>
    %add3A_73 = arith.addi %bitcast_convert_type3A_70, %add3A_72 : vector<256x256xi32>
    %shift_right_logical3A_74 = arith.constant 16 : i32
    %shift_right_logical3A_75 = vector.broadcast %shift_right_logical3A_74 : i32 to vector<256x256xi32>
    %shift_right_logical3A_76 = arith.shrui %bitcast_convert_type3A_70, %shift_right_logical3A_75 : vector<256x256xi32>
    %and3A_77 = arith.constant 1 : i32
    %and3A_78 = vector.broadcast %and3A_77 : i32 to vector<256x256xi32>
    %and3A_79 = arith.andi %shift_right_logical3A_76, %and3A_78 : vector<256x256xi32>
    %add3A_80 = arith.addi %add3A_73, %and3A_79 : vector<256x256xi32>
    %and3A_81 = arith.constant -65536 : i32
    %and3A_82 = vector.broadcast %and3A_81 : i32 to vector<256x256xi32>
    %and3A_83 = arith.andi %add3A_80, %and3A_82 : vector<256x256xi32>
    %shift_right_logical3A_84 = arith.constant 16 : i32
    %shift_right_logical3A_85 = vector.broadcast %shift_right_logical3A_84 : i32 to vector<256x256xi32>
    %shift_right_logical3A_86 = arith.shrui %and3A_83, %shift_right_logical3A_85 : vector<256x256xi32>
    %or3A = arith.ori %and3A_69, %shift_right_logical3A_86 : vector<256x256xi32>
    %jit3A = arith.constant 0 : i32
    %broadcast_in_dim3A = vector.shape_cast %and3A_54 : vector<256x1xi1> to vector<256x1xi1>
    %broadcast_in_dim3A_87 = vector.broadcast %broadcast_in_dim3A : vector<256x1xi1> to vector<256x256xi1>
    %broadcast_in_dim3A_88 = vector.broadcast %jit3A : i32 to vector<256x256xi32>
    %select_n3A = arith.select %broadcast_in_dim3A_87, %or3A, %broadcast_in_dim3A_88 : vector<256x256xi1>, vector<256x256xi32>
    %slice3A_89 = vector.extract_strided_slice %dot_general3A_47 {offsets = [0, 512], sizes = [256, 256], strides = [1, 1]} : vector<256x1024xf32> to vector<256x256xf32>
    %slice3A_90 = vector.extract_strided_slice %dot_general3A_47 {offsets = [0, 768], sizes = [256, 256], strides = [1, 1]} : vector<256x1024xf32> to vector<256x256xf32>
    %bitcast_convert_type3A_91 = tpu.bitcast %slice3A_89 : vector<256x256xf32> -> vector<256x256xi32>
    %add3A_92 = arith.constant 32767 : i32
    %add3A_93 = vector.broadcast %add3A_92 : i32 to vector<256x256xi32>
    %add3A_94 = arith.addi %bitcast_convert_type3A_91, %add3A_93 : vector<256x256xi32>
    %shift_right_logical3A_95 = arith.constant 16 : i32
    %shift_right_logical3A_96 = vector.broadcast %shift_right_logical3A_95 : i32 to vector<256x256xi32>
    %shift_right_logical3A_97 = arith.shrui %bitcast_convert_type3A_91, %shift_right_logical3A_96 : vector<256x256xi32>
    %and3A_98 = arith.constant 1 : i32
    %and3A_99 = vector.broadcast %and3A_98 : i32 to vector<256x256xi32>
    %and3A_100 = arith.andi %shift_right_logical3A_97, %and3A_99 : vector<256x256xi32>
    %add3A_101 = arith.addi %add3A_94, %and3A_100 : vector<256x256xi32>
    %and3A_102 = arith.constant -65536 : i32
    %and3A_103 = vector.broadcast %and3A_102 : i32 to vector<256x256xi32>
    %and3A_104 = arith.andi %add3A_101, %and3A_103 : vector<256x256xi32>
    %bitcast_convert_type3A_105 = tpu.bitcast %slice3A_90 : vector<256x256xf32> -> vector<256x256xi32>
    %add3A_106 = arith.constant 32767 : i32
    %add3A_107 = vector.broadcast %add3A_106 : i32 to vector<256x256xi32>
    %add3A_108 = arith.addi %bitcast_convert_type3A_105, %add3A_107 : vector<256x256xi32>
    %shift_right_logical3A_109 = arith.constant 16 : i32
    %shift_right_logical3A_110 = vector.broadcast %shift_right_logical3A_109 : i32 to vector<256x256xi32>
    %shift_right_logical3A_111 = arith.shrui %bitcast_convert_type3A_105, %shift_right_logical3A_110 : vector<256x256xi32>
    %and3A_112 = arith.constant 1 : i32
    %and3A_113 = vector.broadcast %and3A_112 : i32 to vector<256x256xi32>
    %and3A_114 = arith.andi %shift_right_logical3A_111, %and3A_113 : vector<256x256xi32>
    %add3A_115 = arith.addi %add3A_108, %and3A_114 : vector<256x256xi32>
    %and3A_116 = arith.constant -65536 : i32
    %and3A_117 = vector.broadcast %and3A_116 : i32 to vector<256x256xi32>
    %and3A_118 = arith.andi %add3A_115, %and3A_117 : vector<256x256xi32>
    %shift_right_logical3A_119 = arith.constant 16 : i32
    %shift_right_logical3A_120 = vector.broadcast %shift_right_logical3A_119 : i32 to vector<256x256xi32>
    %shift_right_logical3A_121 = arith.shrui %and3A_118, %shift_right_logical3A_120 : vector<256x256xi32>
    %or3A_122 = arith.ori %and3A_104, %shift_right_logical3A_121 : vector<256x256xi32>
    %jit3A_123 = arith.constant 0 : i32
    %broadcast_in_dim3A_124 = vector.shape_cast %and3A_54 : vector<256x1xi1> to vector<256x1xi1>
    %broadcast_in_dim3A_125 = vector.broadcast %broadcast_in_dim3A_124 : vector<256x1xi1> to vector<256x256xi1>
    %broadcast_in_dim3A_126 = vector.broadcast %jit3A_123 : i32 to vector<256x256xi32>
    %select_n3A_127 = arith.select %broadcast_in_dim3A_125, %or3A_122, %broadcast_in_dim3A_126 : vector<256x256xi1>, vector<256x256xi32>
    %get3A_128 = arith.index_cast %arg0 : i32 to index
    %get3A_129 = memref.load %arg5[%get3A_128] : memref<39xi32, #tpu.memory_space<smem>>
    %eq3A = arith.constant 1 : i32
    %eq3A_130 = arith.cmpi eq, %get3A_129, %eq3A : i32
    %convert_element_type3A_131 = arith.extui %eq3A_130 : i1 to i32
    %cond3A = arith.constant 0 : i32
    %cond3A_132 = arith.cmpi ne, %convert_element_type3A_131, %cond3A : i32
    scf.if %cond3A_132 {
      %swap3A = arith.constant 0 : index
      %swap3A_140 = arith.constant 0 : index
      %swap3A_141 = vector.load %arg10[%swap3A, %swap3A_140] : memref<256x256xi32, #tpu.memory_space<vmem>>, vector<256x256xi32>
      tpu.vector_store %arg10[%swap3A, %swap3A_140], %select_n3A {strides = array<i32>} : memref<256x256xi32, #tpu.memory_space<vmem>>, vector<256x256xi32>,
      %swap3A_142 = arith.constant 0 : index
      %swap3A_143 = arith.constant 0 : index
      %swap3A_144 = vector.load %arg11[%swap3A_142, %swap3A_143] : memref<256x256xi32, #tpu.memory_space<vmem>>, vector<256x256xi32>
      tpu.vector_store %arg11[%swap3A_142, %swap3A_143], %select_n3A_127 {strides = array<i32>} : memref<256x256xi32, #tpu.memory_space<vmem>>, vector<256x256xi32>,
    } else {
    }
    %get3A_133 = arith.index_cast %arg0 : i32 to index
    %get3A_134 = memref.load %arg5[%get3A_133] : memref<39xi32, #tpu.memory_space<smem>>
    %eq3A_135 = arith.constant 0 : i32
    %eq3A_136 = arith.cmpi eq, %get3A_134, %eq3A_135 : i32
    %convert_element_type3A_137 = arith.extui %eq3A_136 : i1 to i32
    %cond3A_138 = arith.constant 0 : i32
    %cond3A_139 = arith.cmpi ne, %convert_element_type3A_137, %cond3A_138 : i32
    scf.if %cond3A_139 {
      %get3A_140 = arith.constant 0 : index
      %get3A_141 = arith.constant 0 : index
      %get3A_142 = vector.load %arg10[%get3A_140, %get3A_141] : memref<256x256xi32, #tpu.memory_space<vmem>>, vector<256x256xi32>
      %add3A_143 = arith.addi %get3A_142, %select_n3A : vector<256x256xi32>
      %swap3A = arith.constant 0 : index
      %swap3A_144 = arith.constant 0 : index
      %swap3A_145 = vector.load %arg10[%swap3A, %swap3A_144] : memref<256x256xi32, #tpu.memory_space<vmem>>, vector<256x256xi32>
      tpu.vector_store %arg10[%swap3A, %swap3A_144], %add3A_143 {strides = array<i32>} : memref<256x256xi32, #tpu.memory_space<vmem>>, vector<256x256xi32>,
      %get3A_146 = arith.constant 0 : index
      %get3A_147 = arith.constant 0 : index
      %get3A_148 = vector.load %arg11[%get3A_146, %get3A_147] : memref<256x256xi32, #tpu.memory_space<vmem>>, vector<256x256xi32>
      %add3A_149 = arith.addi %get3A_148, %select_n3A_127 : vector<256x256xi32>
      %swap3A_150 = arith.constant 0 : index
      %swap3A_151 = arith.constant 0 : index
      %swap3A_152 = vector.load %arg11[%swap3A_150, %swap3A_151] : memref<256x256xi32, #tpu.memory_space<vmem>>, vector<256x256xi32>
      tpu.vector_store %arg11[%swap3A_150, %swap3A_151], %add3A_149 {strides = array<i32>} : memref<256x256xi32, #tpu.memory_space<vmem>>, vector<256x256xi32>,
    } else {
    }
    return
  }
  func.func @transform_0(%arg0: i32, %arg1: memref<39xi32, #tpu.memory_space<smem>>, %arg2: memref<39xi32, #tpu.memory_space<smem>>, %arg3: memref<39xi32, #tpu.memory_space<smem>>, %arg4: memref<39xi32, #tpu.memory_space<smem>>, %arg5: memref<39xi32, #tpu.memory_space<smem>>) -> (i32, i32) {
    %get3A = arith.index_cast %arg0 : i32 to index
    %get3A_0 = memref.load %arg1[%get3A] : memref<39xi32, #tpu.memory_space<smem>>
    %c0_i32 = arith.constant 0 : i32
    %c0_i32_1 = arith.constant 0 : i32
    return %get3A_0, %c0_i32 : i32, i32
  }
  func.func @transform_1(%arg0: i32, %arg1: memref<39xi32, #tpu.memory_space<smem>>, %arg2: memref<39xi32, #tpu.memory_space<smem>>, %arg3: memref<39xi32, #tpu.memory_space<smem>>, %arg4: memref<39xi32, #tpu.memory_space<smem>>, %arg5: memref<39xi32, #tpu.memory_space<smem>>) -> (i32, i32) {
    %get3A = arith.index_cast %arg0 : i32 to index
    %get3A_0 = memref.load %arg1[%get3A] : memref<39xi32, #tpu.memory_space<smem>>
    %c0_i32 = arith.constant 0 : i32
    %c0_i32_1 = arith.constant 0 : i32
    return %get3A_0, %c0_i32 : i32, i32
  }
  func.func @transform_2(%arg0: i32, %arg1: memref<39xi32, #tpu.memory_space<smem>>, %arg2: memref<39xi32, #tpu.memory_space<smem>>, %arg3: memref<39xi32, #tpu.memory_space<smem>>, %arg4: memref<39xi32, #tpu.memory_space<smem>>, %arg5: memref<39xi32, #tpu.memory_space<smem>>) -> (i32, i32, i32) {
    %get3A = arith.index_cast %arg0 : i32 to index
    %get3A_0 = memref.load %arg2[%get3A] : memref<39xi32, #tpu.memory_space<smem>>
    %c0_i32 = arith.constant 0 : i32
    %c0_i32_1 = arith.constant 0 : i32
    %c0_i32_2 = arith.constant 0 : i32
    return %get3A_0, %c0_i32, %c0_i32_1 : i32, i32, i32
  }
  func.func @transform_3(%arg0: i32, %arg1: memref<39xi32, #tpu.memory_space<smem>>, %arg2: memref<39xi32, #tpu.memory_space<smem>>, %arg3: memref<39xi32, #tpu.memory_space<smem>>, %arg4: memref<39xi32, #tpu.memory_space<smem>>, %arg5: memref<39xi32, #tpu.memory_space<smem>>) -> (i32, i32, i32) {
    %get3A = arith.index_cast %arg0 : i32 to index
    %get3A_0 = memref.load %arg2[%get3A] : memref<39xi32, #tpu.memory_space<smem>>
    %c0_i32 = arith.constant 0 : i32
    %c0_i32_1 = arith.constant 0 : i32
    %c0_i32_2 = arith.constant 0 : i32
    return %get3A_0, %c0_i32, %c0_i32_1 : i32, i32, i32
  }
  func.func @transform_4(%arg0: i32, %arg1: memref<39xi32, #tpu.memory_space<smem>>, %arg2: memref<39xi32, #tpu.memory_space<smem>>, %arg3: memref<39xi32, #tpu.memory_space<smem>>, %arg4: memref<39xi32, #tpu.memory_space<smem>>, %arg5: memref<39xi32, #tpu.memory_space<smem>>) -> (i32, i32) {
    %get3A = arith.index_cast %arg0 : i32 to index
    %get3A_0 = memref.load %arg1[%get3A] : memref<39xi32, #tpu.memory_space<smem>>
    %c0_i32 = arith.constant 0 : i32
    %c0_i32_1 = arith.constant 0 : i32
    return %get3A_0, %c0_i32 : i32, i32
  }
  func.func @transform_5(%arg0: i32, %arg1: memref<39xi32, #tpu.memory_space<smem>>, %arg2: memref<39xi32, #tpu.memory_space<smem>>, %arg3: memref<39xi32, #tpu.memory_space<smem>>, %arg4: memref<39xi32, #tpu.memory_space<smem>>, %arg5: memref<39xi32, #tpu.memory_space<smem>>) -> (i32, i32) {
    %get3A = arith.index_cast %arg0 : i32 to index
    %get3A_0 = memref.load %arg1[%get3A] : memref<39xi32, #tpu.memory_space<smem>>
    %c0_i32 = arith.constant 0 : i32
    %c0_i32_1 = arith.constant 0 : i32
    return %get3A_0, %c0_i32 : i32, i32
  }
}

module attributes {stable_mosaic.version = 14 : i64} {
  func.func @_combine_body(%arg0: i32, %arg1: memref<512x1024xf32, #tpu.memory_space<vmem>>, %arg2: memref<512x256xi32, #tpu.memory_space<vmem>>, %arg3: memref<512x256xi32, #tpu.memory_space<vmem>>, %arg4: memref<512x256xi32, #tpu.memory_space<vmem>>, %arg5: memref<512x256xi32, #tpu.memory_space<vmem>>, %arg6: memref<512x8xf32, #tpu.memory_space<vmem>>, %arg7: memref<512x1024xf32, #tpu.memory_space<vmem>>) attributes {dimension_semantics = [#tpu.dimension_semantics<arbitrary>], iteration_bounds = array<i64: 8>, scalar_prefetch = 0 : i64, scratch_operands = 0 : i64, tpu.core_type = #tpu.core_type<tc>, window_params = [{transform_indices = @transform_0, window_bounds = array<i64: 512, 1024>}, {transform_indices = @transform_1, window_bounds = array<i64: 512, 256>}, {transform_indices = @transform_2, window_bounds = array<i64: 512, 256>}, {transform_indices = @transform_3, window_bounds = array<i64: 512, 256>}, {transform_indices = @transform_4, window_bounds = array<i64: 512, 256>}, {transform_indices = @transform_5, window_bounds = array<i64: 512, 8>}, {transform_indices = @transform_6, window_bounds = array<i64: 512, 1024>}]} {
    %get3A = arith.constant 0 : index
    %get3A_0 = arith.constant 0 : index
    %get3A_1 = vector.load %arg6[%get3A, %get3A_0] : memref<512x8xf32, #tpu.memory_space<vmem>>, vector<512x1xf32>
    %get3A_2 = arith.constant 0 : index
    %get3A_3 = arith.constant 1 : index
    %get3A_4 = vector.load %arg6[%get3A_2, %get3A_3] : memref<512x8xf32, #tpu.memory_space<vmem>>, vector<512x1xf32>
    %get3A_5 = arith.constant 0 : index
    %get3A_6 = arith.constant 0 : index
    %get3A_7 = vector.load %arg1[%get3A_5, %get3A_6] : memref<512x1024xf32, #tpu.memory_space<vmem>>, vector<512x1024xf32>
    %get3A_8 = arith.constant 0 : index
    %get3A_9 = arith.constant 0 : index
    %get3A_10 = vector.load %arg2[%get3A_8, %get3A_9] : memref<512x256xi32, #tpu.memory_space<vmem>>, vector<512x256xi32>
    %and3A = arith.constant -65536 : i32
    %and3A_11 = vector.broadcast %and3A : i32 to vector<512x256xi32>
    %and3A_12 = arith.andi %get3A_10, %and3A_11 : vector<512x256xi32>
    %shift_left3A = arith.constant 16 : i32
    %shift_left3A_13 = vector.broadcast %shift_left3A : i32 to vector<512x256xi32>
    %shift_left3A_14 = arith.shli %get3A_10, %shift_left3A_13 : vector<512x256xi32>
    %bitcast_convert_type3A = tpu.bitcast %and3A_12 : vector<512x256xi32> -> vector<512x256xf32>
    %bitcast_convert_type3A_15 = tpu.bitcast %shift_left3A_14 : vector<512x256xi32> -> vector<512x256xf32>
    %get3A_16 = arith.constant 0 : index
    %get3A_17 = arith.constant 0 : index
    %get3A_18 = vector.load %arg3[%get3A_16, %get3A_17] : memref<512x256xi32, #tpu.memory_space<vmem>>, vector<512x256xi32>
    %and3A_19 = arith.constant -65536 : i32
    %and3A_20 = vector.broadcast %and3A_19 : i32 to vector<512x256xi32>
    %and3A_21 = arith.andi %get3A_18, %and3A_20 : vector<512x256xi32>
    %shift_left3A_22 = arith.constant 16 : i32
    %shift_left3A_23 = vector.broadcast %shift_left3A_22 : i32 to vector<512x256xi32>
    %shift_left3A_24 = arith.shli %get3A_18, %shift_left3A_23 : vector<512x256xi32>
    %bitcast_convert_type3A_25 = tpu.bitcast %and3A_21 : vector<512x256xi32> -> vector<512x256xf32>
    %bitcast_convert_type3A_26 = tpu.bitcast %shift_left3A_24 : vector<512x256xi32> -> vector<512x256xf32>
    %get3A_27 = arith.constant 0 : index
    %get3A_28 = arith.constant 0 : index
    %get3A_29 = vector.load %arg4[%get3A_27, %get3A_28] : memref<512x256xi32, #tpu.memory_space<vmem>>, vector<512x256xi32>
    %and3A_30 = arith.constant -65536 : i32
    %and3A_31 = vector.broadcast %and3A_30 : i32 to vector<512x256xi32>
    %and3A_32 = arith.andi %get3A_29, %and3A_31 : vector<512x256xi32>
    %shift_left3A_33 = arith.constant 16 : i32
    %shift_left3A_34 = vector.broadcast %shift_left3A_33 : i32 to vector<512x256xi32>
    %shift_left3A_35 = arith.shli %get3A_29, %shift_left3A_34 : vector<512x256xi32>
    %bitcast_convert_type3A_36 = tpu.bitcast %and3A_32 : vector<512x256xi32> -> vector<512x256xf32>
    %bitcast_convert_type3A_37 = tpu.bitcast %shift_left3A_35 : vector<512x256xi32> -> vector<512x256xf32>
    %get3A_38 = arith.constant 0 : index
    %get3A_39 = arith.constant 0 : index
    %get3A_40 = vector.load %arg5[%get3A_38, %get3A_39] : memref<512x256xi32, #tpu.memory_space<vmem>>, vector<512x256xi32>
    %and3A_41 = arith.constant -65536 : i32
    %and3A_42 = vector.broadcast %and3A_41 : i32 to vector<512x256xi32>
    %and3A_43 = arith.andi %get3A_40, %and3A_42 : vector<512x256xi32>
    %shift_left3A_44 = arith.constant 16 : i32
    %shift_left3A_45 = vector.broadcast %shift_left3A_44 : i32 to vector<512x256xi32>
    %shift_left3A_46 = arith.shli %get3A_40, %shift_left3A_45 : vector<512x256xi32>
    %bitcast_convert_type3A_47 = tpu.bitcast %and3A_43 : vector<512x256xi32> -> vector<512x256xf32>
    %bitcast_convert_type3A_48 = tpu.bitcast %shift_left3A_46 : vector<512x256xi32> -> vector<512x256xf32>
    %slice3A = vector.extract_strided_slice %get3A_7 {offsets = [0, 0], sizes = [512, 256], strides = [1, 1]} : vector<512x1024xf32> to vector<512x256xf32>
    %mul3A = vector.broadcast %get3A_1 : vector<512x1xf32> to vector<512x256xf32>
    %mul3A_49 = arith.mulf %mul3A, %bitcast_convert_type3A : vector<512x256xf32>
    %add3A = arith.addf %slice3A, %mul3A_49 : vector<512x256xf32>
    %mul3A_50 = vector.broadcast %get3A_4 : vector<512x1xf32> to vector<512x256xf32>
    %mul3A_51 = arith.mulf %mul3A_50, %bitcast_convert_type3A_36 : vector<512x256xf32>
    %add3A_52 = arith.addf %add3A, %mul3A_51 : vector<512x256xf32>
    %swap3A = arith.constant 0 : index
    %swap3A_53 = arith.constant 0 : index
    %swap3A_54 = vector.load %arg7[%swap3A, %swap3A_53] : memref<512x1024xf32, #tpu.memory_space<vmem>>, vector<512x256xf32>
    tpu.vector_store %arg7[%swap3A, %swap3A_53], %add3A_52 {strides = array<i32>} : memref<512x1024xf32, #tpu.memory_space<vmem>>, vector<512x256xf32>,
    %slice3A_55 = vector.extract_strided_slice %get3A_7 {offsets = [0, 256], sizes = [512, 256], strides = [1, 1]} : vector<512x1024xf32> to vector<512x256xf32>
    %mul3A_56 = vector.broadcast %get3A_1 : vector<512x1xf32> to vector<512x256xf32>
    %mul3A_57 = arith.mulf %mul3A_56, %bitcast_convert_type3A_15 : vector<512x256xf32>
    %add3A_58 = arith.addf %slice3A_55, %mul3A_57 : vector<512x256xf32>
    %mul3A_59 = vector.broadcast %get3A_4 : vector<512x1xf32> to vector<512x256xf32>
    %mul3A_60 = arith.mulf %mul3A_59, %bitcast_convert_type3A_37 : vector<512x256xf32>
    %add3A_61 = arith.addf %add3A_58, %mul3A_60 : vector<512x256xf32>
    %swap3A_62 = arith.constant 0 : index
    %swap3A_63 = arith.constant 256 : index
    %swap3A_64 = vector.load %arg7[%swap3A_62, %swap3A_63] : memref<512x1024xf32, #tpu.memory_space<vmem>>, vector<512x256xf32>
    tpu.vector_store %arg7[%swap3A_62, %swap3A_63], %add3A_61 {strides = array<i32>} : memref<512x1024xf32, #tpu.memory_space<vmem>>, vector<512x256xf32>,
    %slice3A_65 = vector.extract_strided_slice %get3A_7 {offsets = [0, 512], sizes = [512, 256], strides = [1, 1]} : vector<512x1024xf32> to vector<512x256xf32>
    %mul3A_66 = vector.broadcast %get3A_1 : vector<512x1xf32> to vector<512x256xf32>
    %mul3A_67 = arith.mulf %mul3A_66, %bitcast_convert_type3A_25 : vector<512x256xf32>
    %add3A_68 = arith.addf %slice3A_65, %mul3A_67 : vector<512x256xf32>
    %mul3A_69 = vector.broadcast %get3A_4 : vector<512x1xf32> to vector<512x256xf32>
    %mul3A_70 = arith.mulf %mul3A_69, %bitcast_convert_type3A_47 : vector<512x256xf32>
    %add3A_71 = arith.addf %add3A_68, %mul3A_70 : vector<512x256xf32>
    %swap3A_72 = arith.constant 0 : index
    %swap3A_73 = arith.constant 512 : index
    %swap3A_74 = vector.load %arg7[%swap3A_72, %swap3A_73] : memref<512x1024xf32, #tpu.memory_space<vmem>>, vector<512x256xf32>
    tpu.vector_store %arg7[%swap3A_72, %swap3A_73], %add3A_71 {strides = array<i32>} : memref<512x1024xf32, #tpu.memory_space<vmem>>, vector<512x256xf32>,
    %slice3A_75 = vector.extract_strided_slice %get3A_7 {offsets = [0, 768], sizes = [512, 256], strides = [1, 1]} : vector<512x1024xf32> to vector<512x256xf32>
    %mul3A_76 = vector.broadcast %get3A_1 : vector<512x1xf32> to vector<512x256xf32>
    %mul3A_77 = arith.mulf %mul3A_76, %bitcast_convert_type3A_26 : vector<512x256xf32>
    %add3A_78 = arith.addf %slice3A_75, %mul3A_77 : vector<512x256xf32>
    %mul3A_79 = vector.broadcast %get3A_4 : vector<512x1xf32> to vector<512x256xf32>
    %mul3A_80 = arith.mulf %mul3A_79, %bitcast_convert_type3A_48 : vector<512x256xf32>
    %add3A_81 = arith.addf %add3A_78, %mul3A_80 : vector<512x256xf32>
    %swap3A_82 = arith.constant 0 : index
    %swap3A_83 = arith.constant 768 : index
    %swap3A_84 = vector.load %arg7[%swap3A_82, %swap3A_83] : memref<512x1024xf32, #tpu.memory_space<vmem>>, vector<512x256xf32>
    tpu.vector_store %arg7[%swap3A_82, %swap3A_83], %add3A_81 {strides = array<i32>} : memref<512x1024xf32, #tpu.memory_space<vmem>>, vector<512x256xf32>,
    return
  }
  func.func @transform_0(%arg0: i32) -> (i32, i32) {
    %c0_i32 = arith.constant 0 : i32
    %c0_i32_0 = arith.constant 0 : i32
    return %arg0, %c0_i32 : i32, i32
  }
  func.func @transform_1(%arg0: i32) -> (i32, i32) {
    %c0_i32 = arith.constant 0 : i32
    %c0_i32_0 = arith.constant 0 : i32
    return %arg0, %c0_i32 : i32, i32
  }
  func.func @transform_2(%arg0: i32) -> (i32, i32) {
    %c0_i32 = arith.constant 0 : i32
    %c0_i32_0 = arith.constant 0 : i32
    return %arg0, %c0_i32 : i32, i32
  }
  func.func @transform_3(%arg0: i32) -> (i32, i32) {
    %c0_i32 = arith.constant 0 : i32
    %c0_i32_0 = arith.constant 0 : i32
    return %arg0, %c0_i32 : i32, i32
  }
  func.func @transform_4(%arg0: i32) -> (i32, i32) {
    %c0_i32 = arith.constant 0 : i32
    %c0_i32_0 = arith.constant 0 : i32
    return %arg0, %c0_i32 : i32, i32
  }
  func.func @transform_5(%arg0: i32) -> (i32, i32) {
    %c0_i32 = arith.constant 0 : i32
    %c0_i32_0 = arith.constant 0 : i32
    return %arg0, %c0_i32 : i32, i32
  }
  func.func @transform_6(%arg0: i32) -> (i32, i32) {
    %c0_i32 = arith.constant 0 : i32
    %c0_i32_0 = arith.constant 0 : i32
    return %arg0, %c0_i32 : i32, i32
  }
}

</mosaic_0001>

<sc_bundles>
// kernel: kernel.11.cloned.1.call-start
scs
__scs_entry_jumppad:
0x0: {  	(pc) =	sbr.rel $0x88, $3  }
0x1: {  	(tag) =	ssettag $0x0;
	lr =	simm.s32 $0x1  }
0x2: {  	[smem:$0x3F8D] =	sst lr;
	_ =	strace $0xD0000000  }
0x3: {  	_ = 	snop  }
0x4: {  	_ = 	snop  }
0x5: {  	_ = 	snop  }
0x6: {  	_ = 	snop  }
0x7: {  	_ = 	snop  }
__scs_overlays_trampoline_lowered:
0x8: {  	[smem:$0x3F9C] =	sst s0  }
0x9: {  	[smem:$0x3F9D] =	sst s1  }
0xa: {  	[smem:$0x3F9E] =	sst s2  }
0xb: {  	[smem:$0x3F9F] =	sst s3  }
0xc: {  	[smem:$0x3FA0] =	sst s4  }
0xd: {  	[smem:$0x3FA1] =	sst s5  }
0xe: {  	[smem:$0x3FA2] =	sst s6  }
0xf: {  	[smem:$0x3FA3] =	sst s7  }
0x10: {  	[smem:$0x3FA4] =	sst s8  }
0x11: {  	[smem:$0x3FA5] =	sst s9;
	s0 =	simm.s32 @!p0 $0x0  }
0x12: {  	s1 =	sld [smem:$0x3F8B];
	s0 =	simm.s32 @p0 $0x1  }
0x13: {  	[smem:$0x3FA6] =	sst s0;
	s0 =	simm.s32 @!p1 $0x0  }
0x14: {  	s2 =	sld [smem:$0x3F8A];
	s0 =	simm.s32 @p1 $0x1  }
0x15: {  	[smem:$0x3FA7] =	sst s0;
	s0 =	simm.s32 @!p2 $0x0  }
0x16: {  	s3 =	sld [smem:$0x3FDB];
	s0 =	simm.s32 @p2 $0x1  }
0x17: {  	s4 =	simm.s32 $0x1BF5;
	[smem:$0x3FA9] =	sst s0  }
0x18: {  	s0 =	sld [smem:$0x3F8C];
	_ =	swait.ge [sflag:s4], $0x0  }
0x19: {  	s7 =	sld [smem:$0x3F8D]  }
0x1a: {  	s8 =	sadd.s32 $0xFFFFE003, lr  }
0x1b: {  	s9 =	sadd.s32 $0xFFFFFEF7, lr;
	s5 =	simm.s32 $0xFFFFFFFF;
	p2 =	slt.u32 s8, $0xFFFFF086  }
0x1c: {  	p1 =	slt.u32 s9, $0xF7A;
	s5 =	simm.s32 @!p2 $0x0  }
0x1d: {  	s5 =	simm.s32 @p1 $0x1;
	p0 =	seq.s32 s7, s2  }
0x1e: {  	s7 =	smul.u32 @!p0 $0xF7A, s2;
	p2 =	seq.s32 @!p0 s5, $0x0  }
0x1f: {  	s9 =	smul.u32 $0xF7A, s1;
	s8 =	simm.s32 @!p0 $0x1BF5;
	p2 =	por !p2, p0  }
0x20: {  	[sflag:s8] =	ssyncset.s32 @!p0 $0xFFFFF086;
	s6 =	sadd.s32 @!p0 s3, s7;
	s7 =	simm.s32 @!p0 $0x108  }
0x21: {  	s3 =	sadd.s32 s3, s9;
	s6 =	sadd.s32 @!p0 $0x88, s6;
	s7 =	simm.s32 @p2 $0x1082  }
0x22: {  	[simem:s7], [sflag:s8] =	dma.local @!p0 [hbm:s6], $0xF7A  }
0x23: {  	s9 =	sor.u32 $0xD0000000, s2;
	s6 =	simm.s32 $0x108;
	_ =	swait.ge @!p0 [sflag:s8], $0x0  }
0x24: {  	s3 =	sadd.s32 $0x88, s3;
	s6 =	simm.s32 @!p1 $0x1082;
	[sflag:s4] =	ssyncset.s32 $0xFFFFF086  }
0x25: {  	[simem:s6], [sflag:s4] =	dma.local [hbm:s3], $0xF7A  }
0x26: {  	[smem:$0x3F8D] =	sst s1;
	(tag) =	ssettag s2;
	_ =	strace s9  }
0x27: {  	s1 =	sld [smem:$0x3F9D]  }
0x28: {  	s2 =	sld [smem:$0x3F9E]  }
0x29: {  	s4 =	sld [smem:$0x3FA0]  }
0x2a: {  	p0 =	seq.s32 s5, $0x0;
	s5 =	sld [smem:$0x3FA1]  }
0x2b: {  	s6 =	sld [smem:$0x3FA2]  }
0x2c: {  	s7 =	sld [smem:$0x3FA3]  }
0x2d: {  	s3 =	simm.s32 $0x108;
	s8 =	sld [smem:$0x3FA4]  }
0x2e: {  	s3 =	simm.s32 @!p0 $0x1082;
	s9 =	sld [smem:$0x3FA5]  }
0x2f: {  	lr =	sadd.s32 s0, s3;
	s0 =	sld [smem:$0x3F9C]  }
0x30: {  	s3 =	sld [smem:$0x3F9F]  }
0x31: {  	[smem:$0x3FA8] =	sst s10  }
0x32: {  	s10 =	sld [smem:$0x3FA6];
	_ =	sdelay $0x3  }
0x33: {  	p0 =	seq.s32 s10, $0x1;
	s10 =	sld [smem:$0x3FA8];
	_ =	sdelay $0x3  }
0x34: {  	[smem:$0x3FA8] =	sst s10  }
0x35: {  	s10 =	sld [smem:$0x3FA7];
	_ =	sdelay $0x3  }
0x36: {  	p1 =	seq.s32 s10, $0x1;
	s10 =	sld [smem:$0x3FA8];
	_ =	sdelay $0x3  }
0x37: {  	[smem:$0x3FA8] =	sst s10  }
0x38: {  	s10 =	sld [smem:$0x3FA9]  }
0x39: {  	_ = 	snop;
	(pc) =	sbr.ind lr, $3  }
0x3a: {  	_ = 	snop  }
0x3b: {  	_ = 	snop  }
0x3c: {  	p2 =	seq.s32 s10, $0x1;
	s10 =	sld [smem:$0x3FA8]  }
0x3d: {  	_ =	shalt  }
0x3e: {  	_ =	shalt  }
0x3f: {  	_ =	shalt  }
0x40: {  	_ =	shalt  }
0x41: {  	_ =	shalt  }
0x42: {  	_ =	shalt  }
0x43: {  	_ =	shalt  }
0x44: {  	_ =	shalt  }
0x45: {  	_ =	shalt  }
0x46: {  	_ =	shalt  }
0x47: {  	_ =	shalt  }
0x48: {  	_ =	shalt  }
0x49: {  	_ =	shalt  }
0x4a: {  	_ =	shalt  }
0x4b: {  	_ =	shalt  }
0x4c: {  	_ =	shalt  }
0x4d: {  	_ =	shalt  }
0x4e: {  	_ =	shalt  }
0x4f: {  	_ =	shalt  }
0x50: {  	_ =	shalt  }
0x51: {  	_ =	shalt  }
0x52: {  	_ =	shalt  }
0x53: {  	_ =	shalt  }
0x54: {  	_ =	shalt  }
0x55: {  	_ =	shalt  }
0x56: {  	_ =	shalt  }
0x57: {  	_ =	shalt  }
0x58: {  	_ =	shalt  }
0x59: {  	_ =	shalt  }
0x5a: {  	_ =	shalt  }
0x5b: {  	_ =	shalt  }
0x5c: {  	_ =	shalt  }
0x5d: {  	_ =	shalt  }
0x5e: {  	_ =	shalt  }
0x5f: {  	_ =	shalt  }
0x60: {  	_ =	shalt  }
0x61: {  	_ =	shalt  }
0x62: {  	_ =	shalt  }
0x63: {  	_ =	shalt  }
0x64: {  	_ =	shalt  }
0x65: {  	_ =	shalt  }
0x66: {  	_ =	shalt  }
0x67: {  	_ =	shalt  }
0x68: {  	_ =	shalt  }
0x69: {  	_ =	shalt  }
0x6a: {  	_ =	shalt  }
0x6b: {  	_ =	shalt  }
0x6c: {  	_ =	shalt  }
0x6d: {  	_ =	shalt  }
0x6e: {  	_ =	shalt  }
0x6f: {  	_ =	shalt  }
0x70: {  	_ =	shalt  }
0x71: {  	_ =	shalt  }
0x72: {  	_ =	shalt  }
0x73: {  	_ =	shalt  }
0x74: {  	_ =	shalt  }
0x75: {  	_ =	shalt  }
0x76: {  	_ =	shalt  }
0x77: {  	_ =	shalt  }
0x78: {  	_ =	shalt  }
0x79: {  	_ =	shalt  }
0x7a: {  	_ =	shalt  }
0x7b: {  	_ =	shalt  }
0x7c: {  	_ =	shalt  }
0x7d: {  	_ =	shalt  }
0x7e: {  	_ =	shalt  }
0x7f: {  	_ =	shalt  }
0x80: {  	_ =	shalt  }
0x81: {  	_ =	shalt  }
0x82: {  	_ =	shalt  }
0x83: {  	_ =	shalt  }
0x84: {  	_ =	shalt  }
0x85: {  	_ =	shalt  }
0x86: {  	_ =	shalt  }
0x87: {  	_ =	shalt  }
.Lfunc_end0:
.L_simem_size_0:
called_computation.1_lowered:
.L_overlay_start_0:
0x88: {  	s2 =	sld [smem:$0x3FD9]  }
0x89: {  	s3 =	sld [smem:$0x3FFE];
	_ =	sdelay $0x1  }
0x8a: {  	s1 =	srdreg.scid  }
0x8b: {  	s0 =	sand.u32 $0x1, s1  }
0x8c: {  	s17 =	sshll.u32 s0, $0xA;
	s2 =	sadd.s32 s3, s2  }
0x8d: {  	s2 =	sadd.s32 s2, s17  }
0x8e: {  	[smem:$0x3FB4] =	sst s2  }
0x8f: {  	_ = 	snop  }
0x90: {  	s2 =	sld [smem:$0x3FD0];
	(tm) =	ssettm $0x1  }
0x91: {  	s18 =	sld [smem:$0x3FFB];
	_ =	sdelay $0x3  }
0x92: {  	_ =	strace s18  }
0x93: {  	s3 =	sld [smem:$0x3FFC];
	_ =	sdelay $0x3  }
0x94: {  	_ =	strace s3  }
0x95: {  	s3 =	sld [smem:$0x3FFD];
	_ =	sdelay $0x3  }
0x96: {  	_ =	strace s3  }
0x97: {  	_ =	strace $0x8FFFFFFF  }
0x98: {  	s19 =	sld [smem:$0x3FDB];
	_ =	sdelay $0x1  }
0x99: {  	s4 =	simm.s32 $_scs_section_size  }
0x9a: {  	s5 =	simm.s32 $_size__tile_overlayer_lowered;
	s6 =	simm.s32 $_tile_overlayer_lowered  }
0x9b: {  	s22 =	simm.s32 $0x1BFF;
	s21 =	sshll.u32 s6, $0x1;
	s3 =	sadd.s32 s4, s19  }
0x9c: {  	s7 =	simm.s32 $0x0;
	s20 =	sshll.u32 s5, $0x1;
	s5 =	sadd.s32 s21, s3  }
0x9d: {  	[timem:s7], [sflag:s22] =	dma.local [hbm:s5], s20  }
0x9e: {  	_ =	swait.ge [sflag:s22], s20  }
0x9f: {  	s4 =	ssub.s32 $0x0, s20;
	[sflag:s22] =	ssyncset.done $0x0  }
0xa0: {  	[sflag:s22] =	ssyncadd.s32 s4;
	_ =	sdelay $0x1  }
0xa1: {  	s23 =	simm.s32 $0x1B8B  }
0xa2: {  	_ =	swait.ge [sflag:s23], $0x1  }
0xa3: {  	[sflag:s23] =	ssyncset.done $0x0  }
0xa4: {  	s25 =	simm.s32 $0x1B8E;
	s24 =	sld [smem:$0x3FFE];
	[sflag:s23] =	ssyncadd.s32 $0xFFFFFFFF  }
0xa5: {  	s26 =	simm.s32 $execute0_lowered;
	[smem:$0x3FD2] =	sst s25  }
0xa6: {  	s5 =	sshll.u32 s26, $0x1;
	_ =	strace $0x80000059;
	[dreg:$0x1] =	wrdreg $0xFFFFFFFF  }
0xa7: {  	s28 =	simm.s32 $_size_execute0_lowered;
	s3 =	sadd.s32 s3, s5;
	[dreg:$0x0] =	wrdreg $0x0  }
0xa8: {  	s5 =	sshll.u32 s28, $0x1;
	[dreg:$0x2] =	wrdreg s3  }
0xa9: {  	[dreg:$0x3] =	wrdreg s5  }
0xaa: {  	[dreg:$0x4] =	wrdreg $0xC0  }
0xab: {  	_ =	task [dreg:s7], $0x5FFFF  }
0xac: {  	[dreg:$0x1] =	wrdreg $0xFFFFFFFF  }
0xad: {  	[dreg:$0x0] =	wrdreg $0x60  }
0xae: {  	[dreg:$0x2] =	wrdreg s2  }
0xaf: {  	[dreg:$0x3] =	wrdreg s24  }
0xb0: {  	[dreg:$0x4] =	wrdreg $0x9  }
0xb1: {  	_ =	task.clear_ibuf [dreg:s7], $0x5FFFF;
	_ =	strace $0x90000059  }
0xb2: {  	s29 =	simm.s32 $0x9;
	_ =	strace $0x8000006F  }
0xb3: {  	_ =	swait.ge [sflag:s29], $0x1  }
0xb4: {  	[sflag:s29] =	ssyncadd.s32 $0xFFFFFFFF  }
0xb5: {  	_ =	strace $0x9000006F  }
0xb6: {  	_ =	sfence  }
0xb7: {  	s30 =	sld [smem:$0x0];
	_ =	sdelay $0x2  }
0xb8: {  	s31 =	sshll.u32 s1, $0xD;
	s1 =	sshrl.u32 s1, $0x2  }
0xb9: {  	s3 =	sand.u32 $0x4000, s31;
	s1 =	sadd.s32 s1, s30  }
0xba: {  	s0 =	sor.u32 s3, s0;
	s1 =	sshll.u32 s1, $0x11  }
0xbb: {  	s0 =	sor.u32 s1, s0  }
0xbc: {  	s0 =	sadd.s32 $0x8F2B, s0  }
0xbd: {  	[sflag:s0] =	ssyncadd.remote.s32 $0x1  }
0xbe: {  	_ =	sfence.sel $0xFFFF  }
0xbf: {  	[dreg:$0x0] =	wrdreg $0xFFFFFFFF;
	(pc) =	sbr.abs _section_cstart, $3  }
0xc0: {  	[dreg:$0x1] =	wrdreg $0xFFFFFFFF  }
0xc1: {  	_ =	task.clear_ibuf [dreg:s7], $0x2FFFF;
	_ =	strace $0x9FFFFFFF  }
0xc2: {  	(tm) =	ssettm $0x7FFFFFFF  }
0xc3: {  	_ =	shalt  }
tec
execute0_lowered:
.L_overlay_start_1:
0x0: {  	(tag) =	ssettag $0x1  }
0x1: {  	s1 =	rddreg [dreg:$0x0]  }
0x2: {  	s5 =	rddreg [dreg:$0x1]  }
0x3: {  	s0 =	rddreg [dreg:$0x2];
	s4 =	srdreg.scid  }
0x4: {  	s3 =	simm.s32 $0x0;
	s2 =	stileid.u32;
	s12 =	simm.s32 $0x1  }
0x5: {  	s13 =	simm.s32 $0x100;
	s14 =	simm.s32 $0x900;
	s15 =	simm.s32 $0x1100  }
0x6: {  	s16 =	simm.s32 $0x1900;
	s17 =	simm.s32 $0x2100;
	s18 =	simm.s32 $0x2900  }
0x7: {  	s19 =	simm.s32 $0x3100;
	s20 =	simm.s32 $0x3900;
	s21 =	simm.s32 $0x4100  }
0x8: {  	s22 =	simm.s32 $0x4900;
	s23 =	simm.s32 $0x5100;
	s24 =	simm.s32 $0x5900  }
0x9: {  	s25 =	simm.s32 $0x6100;
	s28 =	simm.s32 $0x7100;
	s29 =	simm.s32 $0x7900  }
0xa: {  	s30 =	simm.s32 $0x5;
	s31 =	simm.s32 $0x3;
	s6 =	sand.u32 $0x1, s4  }
0xb: {  	[smem:$0x7FF] =	sst s3;
	s8 =	sshll.u32 s2, $0x7;
	s7 =	sshll.u32 s6, $0xB  }
0xc: {  	s4 =	sadd.s32 $0xC0C00, s5;
	s6 =	ssub.s32 $0x2, s6;
	s7 =	sor.u32 s8, s7  }
0xd: {  	_ =	strace $0x8000005A;
	s26 =	sshrl.u32 s6, $0x1;
	s8 =	sshrl.u32 s7, $0x3  }
0xe: {  	s7 =	sshll.u32 s7, $0x5;
	s11 =	ssub.s32 s6, s26;
	s8 =	sadd.s32 s8, s5  }
0xf: {  	v2 =	vlaneseq.u32;
	s26 =	simm.s32 $0x6900;
	s10 =	sadd.s32 s7, s5;
	s5 =	sadd.s32 $0xC0800, s8  }
0x10: {  	vm0 =	vmmov $0xffff;
	v1 =	vshrl.u32 v2, $0x3;
	s6 =	sadd.s32 $0x800, s10;
	s7 =	sadd.s32 $0xA0800, s10;
	s8 =	sadd.s32 $0xC0A00, s8  }
0x11: {  	v0 =	vand.u32 $0x7, v2;
	v2 =	vor.u32 $0x8, v2;
	v1 =	vmul.u32 $0x8, v1;
	s11 =	smax.u32 s11, $0x1;
	s9 =	sadd.s32 $0x100C00, s10;
	s10 =	sadd.s32 $0x120C00, s10  }
.LBB2_1:
0x12: {  	_ =	strace $0x8000005B  }
0x13: {  	[tilespmem:s3], [sflag:$0x1] =	stream.linear.gather [hbm4b:s5+s3], $0x80, $0x200038;
	[tilespmem:$0x10100] =	vst v63  }
0x14: {  	_ =	strace $0x9000005B  }
0x15: {  	_ =	strace $0x8000005C  }
0x16: {  	_ =	swait.ge [sflag:s12], $0x80  }
0x17: {  	[sflag:s12] =	ssyncset.done $0x0  }
0x18: {  	[sflag:s12] =	ssyncadd.s32 $0xFFFFFF80  }
0x19: {  	_ =	strace $0x9000005C  }
0x1a: {  	_ =	strace $0x8000005D  }
0x1b: {  	v3 =	vld [tilespmem:$0x0];
	_ =	sdelay $0x4  }
0x1c: {  	v4 =	vshll.u32 v3, $0x1  }
0x1d: {  	v3 =	vand.u32 $0x7, v3;
	v4 =	vand.u32 $0xFFFFFFF0, v4  }
0x1e: {  	v3 =	vor.u32 v3, v4  }
0x1f: {  	v4 =	vperm.xlane v3, v0;
	_ =	sdelay $0x1  }
0x20: {  	v3 =	vperm.xlane v3, v2;
	v4 =	vadd.s32 v1, v4;
	_ =	sdelay $0x1  }
0x21: {  	v3 =	vadd.s32 v1, v3;
	_ =	sdelay $0x2  }
0x22: {  	[tilespmem:s13], [sflag:$0x5] =	stream.indirect_vreg.gather [hbm4b:s1+s3], $0x80, v4, vm0, $0x2000b8;
	[tilespmem:$0x10100] =	vst v63  }
0x23: {  	_ = 	snop  }
0x24: {  	[tilespmem:s14], [sflag:$0x5] =	stream.indirect_vreg.gather [hbm4b:s1+s3], $0x80, v3, vm0, $0x2000b8;
	[tilespmem:$0x10100] =	vst v63  }
0x25: {  	v3 =	vld [tilespmem:$0x10];
	_ =	sdelay $0x4  }
0x26: {  	v33 =	vshll.u32 v3, $0x1  }
0x27: {  	v3 =	vand.u32 $0x7, v3;
	v4 =	vand.u32 $0xFFFFFFF0, v33  }
0x28: {  	v3 =	vor.u32 v3, v4  }
0x29: {  	v4 =	vperm.xlane v3, v0;
	_ =	sdelay $0x1  }
0x2a: {  	v3 =	vperm.xlane v3, v2;
	v4 =	vadd.s32 v1, v4;
	_ =	sdelay $0x1  }
0x2b: {  	v3 =	vadd.s32 v1, v3;
	_ =	sdelay $0x2  }
0x2c: {  	[tilespmem:s15], [sflag:$0x5] =	stream.indirect_vreg.gather [hbm4b:s1+s3], $0x80, v4, vm0, $0x2000b8;
	[tilespmem:$0x10100] =	vst v63  }
0x2d: {  	_ = 	snop  }
0x2e: {  	[tilespmem:s16], [sflag:$0x5] =	stream.indirect_vreg.gather [hbm4b:s1+s3], $0x80, v3, vm0, $0x2000b8;
	[tilespmem:$0x10100] =	vst v63  }
0x2f: {  	v3 =	vld [tilespmem:$0x20];
	_ =	sdelay $0x4  }
0x30: {  	v34 =	vshll.u32 v3, $0x1  }
0x31: {  	v3 =	vand.u32 $0x7, v3;
	v4 =	vand.u32 $0xFFFFFFF0, v34  }
0x32: {  	v3 =	vor.u32 v3, v4  }
0x33: {  	v4 =	vperm.xlane v3, v0;
	_ =	sdelay $0x1  }
0x34: {  	v3 =	vperm.xlane v3, v2;
	v4 =	vadd.s32 v1, v4;
	_ =	sdelay $0x1  }
0x35: {  	v3 =	vadd.s32 v1, v3;
	_ =	sdelay $0x2  }
0x36: {  	[tilespmem:s17], [sflag:$0x5] =	stream.indirect_vreg.gather [hbm4b:s1+s3], $0x80, v4, vm0, $0x2000b8;
	[tilespmem:$0x10100] =	vst v63  }
0x37: {  	_ = 	snop  }
0x38: {  	[tilespmem:s18], [sflag:$0x5] =	stream.indirect_vreg.gather [hbm4b:s1+s3], $0x80, v3, vm0, $0x2000b8;
	[tilespmem:$0x10100] =	vst v63  }
0x39: {  	v3 =	vld [tilespmem:$0x30];
	_ =	sdelay $0x4  }
0x3a: {  	v35 =	vshll.u32 v3, $0x1  }
0x3b: {  	v3 =	vand.u32 $0x7, v3;
	v4 =	vand.u32 $0xFFFFFFF0, v35  }
0x3c: {  	v3 =	vor.u32 v3, v4  }
0x3d: {  	v4 =	vperm.xlane v3, v0;
	_ =	sdelay $0x1  }
0x3e: {  	v3 =	vperm.xlane v3, v2;
	v4 =	vadd.s32 v1, v4;
	_ =	sdelay $0x1  }
0x3f: {  	v3 =	vadd.s32 v1, v3;
	_ =	sdelay $0x2  }
0x40: {  	[tilespmem:s19], [sflag:$0x5] =	stream.indirect_vreg.gather [hbm4b:s1+s3], $0x80, v4, vm0, $0x2000b8;
	[tilespmem:$0x10100] =	vst v63  }
0x41: {  	_ = 	snop  }
0x42: {  	[tilespmem:s20], [sflag:$0x5] =	stream.indirect_vreg.gather [hbm4b:s1+s3], $0x80, v3, vm0, $0x2000b8;
	[tilespmem:$0x10100] =	vst v63  }
0x43: {  	v3 =	vld [tilespmem:$0x40];
	_ =	sdelay $0x4  }
0x44: {  	v36 =	vshll.u32 v3, $0x1  }
0x45: {  	v3 =	vand.u32 $0x7, v3;
	v4 =	vand.u32 $0xFFFFFFF0, v36  }
0x46: {  	v3 =	vor.u32 v3, v4  }
0x47: {  	v4 =	vperm.xlane v3, v0;
	_ =	sdelay $0x1  }
0x48: {  	v3 =	vperm.xlane v3, v2;
	v4 =	vadd.s32 v1, v4;
	_ =	sdelay $0x1  }
0x49: {  	v3 =	vadd.s32 v1, v3;
	_ =	sdelay $0x2  }
0x4a: {  	[tilespmem:s21], [sflag:$0x5] =	stream.indirect_vreg.gather [hbm4b:s1+s3], $0x80, v4, vm0, $0x2000b8;
	[tilespmem:$0x10100] =	vst v63  }
0x4b: {  	_ = 	snop  }
0x4c: {  	[tilespmem:s22], [sflag:$0x5] =	stream.indirect_vreg.gather [hbm4b:s1+s3], $0x80, v3, vm0, $0x2000b8;
	[tilespmem:$0x10100] =	vst v63  }
0x4d: {  	v3 =	vld [tilespmem:$0x50];
	_ =	sdelay $0x4  }
0x4e: {  	v37 =	vshll.u32 v3, $0x1  }
0x4f: {  	v3 =	vand.u32 $0x7, v3;
	v4 =	vand.u32 $0xFFFFFFF0, v37  }
0x50: {  	v3 =	vor.u32 v3, v4  }
0x51: {  	v4 =	vperm.xlane v3, v0;
	_ =	sdelay $0x1  }
0x52: {  	v3 =	vperm.xlane v3, v2;
	v4 =	vadd.s32 v1, v4;
	_ =	sdelay $0x1  }
0x53: {  	v3 =	vadd.s32 v1, v3;
	_ =	sdelay $0x2  }
0x54: {  	[tilespmem:s23], [sflag:$0x5] =	stream.indirect_vreg.gather [hbm4b:s1+s3], $0x80, v4, vm0, $0x2000b8;
	[tilespmem:$0x10100] =	vst v63  }
0x55: {  	_ = 	snop  }
0x56: {  	[tilespmem:s24], [sflag:$0x5] =	stream.indirect_vreg.gather [hbm4b:s1+s3], $0x80, v3, vm0, $0x2000b8;
	[tilespmem:$0x10100] =	vst v63  }
0x57: {  	v3 =	vld [tilespmem:$0x60];
	_ =	sdelay $0x4  }
0x58: {  	v38 =	vshll.u32 v3, $0x1  }
0x59: {  	v3 =	vand.u32 $0x7, v3;
	v4 =	vand.u32 $0xFFFFFFF0, v38  }
0x5a: {  	v3 =	vor.u32 v3, v4  }
0x5b: {  	v4 =	vperm.xlane v3, v0;
	_ =	sdelay $0x1  }
0x5c: {  	v3 =	vperm.xlane v3, v2;
	v4 =	vadd.s32 v1, v4;
	_ =	sdelay $0x1  }
0x5d: {  	v3 =	vadd.s32 v1, v3;
	_ =	sdelay $0x2  }
0x5e: {  	[tilespmem:s25], [sflag:$0x5] =	stream.indirect_vreg.gather [hbm4b:s1+s3], $0x80, v4, vm0, $0x2000b8;
	[tilespmem:$0x10100] =	vst v63  }
0x5f: {  	_ = 	snop  }
0x60: {  	[tilespmem:s26], [sflag:$0x5] =	stream.indirect_vreg.gather [hbm4b:s1+s3], $0x80, v3, vm0, $0x2000b8;
	[tilespmem:$0x10100] =	vst v63  }
0x61: {  	v3 =	vld [tilespmem:$0x70];
	_ =	sdelay $0x4  }
0x62: {  	v39 =	vshll.u32 v3, $0x1  }
0x63: {  	v3 =	vand.u32 $0x7, v3;
	v4 =	vand.u32 $0xFFFFFFF0, v39  }
0x64: {  	v3 =	vor.u32 v3, v4  }
0x65: {  	v4 =	vperm.xlane v3, v0;
	_ =	sdelay $0x1  }
0x66: {  	v3 =	vperm.xlane v3, v2;
	v4 =	vadd.s32 v1, v4;
	_ =	sdelay $0x1  }
0x67: {  	v3 =	vadd.s32 v1, v3;
	_ =	sdelay $0x2  }
0x68: {  	[tilespmem:s28], [sflag:$0x5] =	stream.indirect_vreg.gather [hbm4b:s1+s3], $0x80, v4, vm0, $0x2000b8;
	[tilespmem:$0x10100] =	vst v63  }
0x69: {  	_ = 	snop  }
0x6a: {  	[tilespmem:s29], [sflag:$0x5] =	stream.indirect_vreg.gather [hbm4b:s1+s3], $0x80, v3, vm0, $0x2000b8;
	[tilespmem:$0x10100] =	vst v63  }
0x6b: {  	_ =	swait.ge [sflag:s30], $0x8000  }
0x6c: {  	[sflag:s30] =	ssyncset.done $0x0  }
0x6d: {  	[sflag:s30] =	ssyncadd.s32 $0xFFFF8000  }
0x6e: {  	_ =	strace $0x9000005D  }
0x6f: {  	_ =	strace $0x8000005E  }
0x70: {  	[hbm4b:s6+s3] =	stream.linear.scatter [tilespmem:s13], [sflag:$0x3], $0x8000, $0x200038;
	[tilespmem:$0x10100] =	vst v63  }
0x71: {  	_ =	strace $0x9000005E  }
0x72: {  	_ =	strace $0x8000005F  }
0x73: {  	_ =	swait.ge [sflag:s31], $0x8000  }
0x74: {  	[sflag:s31] =	ssyncset.done $0x0  }
0x75: {  	[sflag:s31] =	ssyncadd.s32 $0xFFFF8000  }
0x76: {  	_ =	strace $0x9000005F  }
0x77: {  	_ =	strace $0x80000060  }
0x78: {  	[tilespmem:s3], [sflag:$0x1] =	stream.linear.gather [hbm4b:s5+s3], $0x80, $0x200038;
	[tilespmem:$0x10100] =	vst v63  }
0x79: {  	_ =	strace $0x90000060  }
0x7a: {  	_ =	strace $0x80000061  }
0x7b: {  	_ =	swait.ge [sflag:s12], $0x80  }
0x7c: {  	[sflag:s12] =	ssyncset.done $0x0  }
0x7d: {  	[sflag:s12] =	ssyncadd.s32 $0xFFFFFF80  }
0x7e: {  	_ =	strace $0x90000061  }
0x7f: {  	_ =	strace $0x80000062  }
0x80: {  	v3 =	vld [tilespmem:$0x0];
	_ =	sdelay $0x4  }
0x81: {  	v40 =	vshll.u32 v3, $0x1  }
0x82: {  	v3 =	vand.u32 $0x7, v3;
	v4 =	vand.u32 $0xFFFFFFF0, v40  }
0x83: {  	v3 =	vor.u32 v3, v4  }
0x84: {  	v4 =	vperm.xlane v3, v0;
	_ =	sdelay $0x1  }
0x85: {  	v3 =	vperm.xlane v3, v2;
	v4 =	vadd.s32 v1, v4;
	_ =	sdelay $0x1  }
0x86: {  	v3 =	vadd.s32 v1, v3;
	_ =	sdelay $0x2  }
0x87: {  	[tilespmem:s13], [sflag:$0x5] =	stream.indirect_vreg.gather [hbm4b:s4+s3], $0x80, v4, vm0, $0x2000b8;
	[tilespmem:$0x10100] =	vst v63  }
0x88: {  	_ = 	snop  }
0x89: {  	[tilespmem:s14], [sflag:$0x5] =	stream.indirect_vreg.gather [hbm4b:s4+s3], $0x80, v3, vm0, $0x2000b8;
	[tilespmem:$0x10100] =	vst v63  }
0x8a: {  	v3 =	vld [tilespmem:$0x10];
	_ =	sdelay $0x4  }
0x8b: {  	v41 =	vshll.u32 v3, $0x1  }
0x8c: {  	v3 =	vand.u32 $0x7, v3;
	v4 =	vand.u32 $0xFFFFFFF0, v41  }
0x8d: {  	v3 =	vor.u32 v3, v4  }
0x8e: {  	v4 =	vperm.xlane v3, v0;
	_ =	sdelay $0x1  }
0x8f: {  	v3 =	vperm.xlane v3, v2;
	v4 =	vadd.s32 v1, v4;
	_ =	sdelay $0x1  }
0x90: {  	v3 =	vadd.s32 v1, v3;
	_ =	sdelay $0x2  }
0x91: {  	[tilespmem:s15], [sflag:$0x5] =	stream.indirect_vreg.gather [hbm4b:s4+s3], $0x80, v4, vm0, $0x2000b8;
	[tilespmem:$0x10100] =	vst v63  }
0x92: {  	_ = 	snop  }
0x93: {  	[tilespmem:s16], [sflag:$0x5] =	stream.indirect_vreg.gather [hbm4b:s4+s3], $0x80, v3, vm0, $0x2000b8;
	[tilespmem:$0x10100] =	vst v63  }
0x94: {  	v3 =	vld [tilespmem:$0x20];
	_ =	sdelay $0x4  }
0x95: {  	v42 =	vshll.u32 v3, $0x1  }
0x96: {  	v3 =	vand.u32 $0x7, v3;
	v4 =	vand.u32 $0xFFFFFFF0, v42  }
0x97: {  	v3 =	vor.u32 v3, v4  }
0x98: {  	v4 =	vperm.xlane v3, v0;
	_ =	sdelay $0x1  }
0x99: {  	v3 =	vperm.xlane v3, v2;
	v4 =	vadd.s32 v1, v4;
	_ =	sdelay $0x1  }
0x9a: {  	v3 =	vadd.s32 v1, v3;
	_ =	sdelay $0x2  }
0x9b: {  	[tilespmem:s17], [sflag:$0x5] =	stream.indirect_vreg.gather [hbm4b:s4+s3], $0x80, v4, vm0, $0x2000b8;
	[tilespmem:$0x10100] =	vst v63  }
0x9c: {  	_ = 	snop  }
0x9d: {  	[tilespmem:s18], [sflag:$0x5] =	stream.indirect_vreg.gather [hbm4b:s4+s3], $0x80, v3, vm0, $0x2000b8;
	[tilespmem:$0x10100] =	vst v63  }
0x9e: {  	v3 =	vld [tilespmem:$0x30];
	_ =	sdelay $0x4  }
0x9f: {  	v43 =	vshll.u32 v3, $0x1  }
0xa0: {  	v3 =	vand.u32 $0x7, v3;
	v4 =	vand.u32 $0xFFFFFFF0, v43  }
0xa1: {  	v3 =	vor.u32 v3, v4  }
0xa2: {  	v4 =	vperm.xlane v3, v0;
	_ =	sdelay $0x1  }
0xa3: {  	v3 =	vperm.xlane v3, v2;
	v4 =	vadd.s32 v1, v4;
	_ =	sdelay $0x1  }
0xa4: {  	v3 =	vadd.s32 v1, v3;
	_ =	sdelay $0x2  }
0xa5: {  	[tilespmem:s19], [sflag:$0x5] =	stream.indirect_vreg.gather [hbm4b:s4+s3], $0x80, v4, vm0, $0x2000b8;
	[tilespmem:$0x10100] =	vst v63  }
0xa6: {  	_ = 	snop  }
0xa7: {  	[tilespmem:s20], [sflag:$0x5] =	stream.indirect_vreg.gather [hbm4b:s4+s3], $0x80, v3, vm0, $0x2000b8;
	[tilespmem:$0x10100] =	vst v63  }
0xa8: {  	v3 =	vld [tilespmem:$0x40];
	_ =	sdelay $0x4  }
0xa9: {  	v44 =	vshll.u32 v3, $0x1  }
0xaa: {  	v3 =	vand.u32 $0x7, v3;
	v4 =	vand.u32 $0xFFFFFFF0, v44  }
0xab: {  	v3 =	vor.u32 v3, v4  }
0xac: {  	v4 =	vperm.xlane v3, v0;
	_ =	sdelay $0x1  }
0xad: {  	v3 =	vperm.xlane v3, v2;
	v4 =	vadd.s32 v1, v4;
	_ =	sdelay $0x1  }
0xae: {  	v3 =	vadd.s32 v1, v3;
	_ =	sdelay $0x2  }
0xaf: {  	[tilespmem:s21], [sflag:$0x5] =	stream.indirect_vreg.gather [hbm4b:s4+s3], $0x80, v4, vm0, $0x2000b8;
	[tilespmem:$0x10100] =	vst v63  }
0xb0: {  	_ = 	snop  }
0xb1: {  	[tilespmem:s22], [sflag:$0x5] =	stream.indirect_vreg.gather [hbm4b:s4+s3], $0x80, v3, vm0, $0x2000b8;
	[tilespmem:$0x10100] =	vst v63  }
0xb2: {  	v3 =	vld [tilespmem:$0x50];
	_ =	sdelay $0x4  }
0xb3: {  	v45 =	vshll.u32 v3, $0x1  }
0xb4: {  	v3 =	vand.u32 $0x7, v3;
	v4 =	vand.u32 $0xFFFFFFF0, v45  }
0xb5: {  	v3 =	vor.u32 v3, v4  }
0xb6: {  	v4 =	vperm.xlane v3, v0;
	_ =	sdelay $0x1  }
0xb7: {  	v3 =	vperm.xlane v3, v2;
	v4 =	vadd.s32 v1, v4;
	_ =	sdelay $0x1  }
0xb8: {  	v3 =	vadd.s32 v1, v3;
	_ =	sdelay $0x2  }
0xb9: {  	[tilespmem:s23], [sflag:$0x5] =	stream.indirect_vreg.gather [hbm4b:s4+s3], $0x80, v4, vm0, $0x2000b8;
	[tilespmem:$0x10100] =	vst v63  }
0xba: {  	_ = 	snop  }
0xbb: {  	[tilespmem:s24], [sflag:$0x5] =	stream.indirect_vreg.gather [hbm4b:s4+s3], $0x80, v3, vm0, $0x2000b8;
	[tilespmem:$0x10100] =	vst v63  }
0xbc: {  	v3 =	vld [tilespmem:$0x60];
	_ =	sdelay $0x4  }
0xbd: {  	v46 =	vshll.u32 v3, $0x1  }
0xbe: {  	v3 =	vand.u32 $0x7, v3;
	v4 =	vand.u32 $0xFFFFFFF0, v46  }
0xbf: {  	v3 =	vor.u32 v3, v4  }
0xc0: {  	v4 =	vperm.xlane v3, v0;
	_ =	sdelay $0x1  }
0xc1: {  	v3 =	vperm.xlane v3, v2;
	v4 =	vadd.s32 v1, v4;
	_ =	sdelay $0x1  }
0xc2: {  	v3 =	vadd.s32 v1, v3;
	_ =	sdelay $0x2  }
0xc3: {  	[tilespmem:s25], [sflag:$0x5] =	stream.indirect_vreg.gather [hbm4b:s4+s3], $0x80, v4, vm0, $0x2000b8;
	[tilespmem:$0x10100] =	vst v63  }
0xc4: {  	_ = 	snop  }
0xc5: {  	[tilespmem:s26], [sflag:$0x5] =	stream.indirect_vreg.gather [hbm4b:s4+s3], $0x80, v3, vm0, $0x2000b8;
	[tilespmem:$0x10100] =	vst v63  }
0xc6: {  	v3 =	vld [tilespmem:$0x70];
	_ =	sdelay $0x4  }
0xc7: {  	v47 =	vshll.u32 v3, $0x1  }
0xc8: {  	v3 =	vand.u32 $0x7, v3;
	v4 =	vand.u32 $0xFFFFFFF0, v47  }
0xc9: {  	v3 =	vor.u32 v3, v4  }
0xca: {  	v4 =	vperm.xlane v3, v0;
	_ =	sdelay $0x1  }
0xcb: {  	v3 =	vperm.xlane v3, v2;
	v4 =	vadd.s32 v1, v4;
	_ =	sdelay $0x1  }
0xcc: {  	v3 =	vadd.s32 v1, v3;
	_ =	sdelay $0x2  }
0xcd: {  	[tilespmem:s28], [sflag:$0x5] =	stream.indirect_vreg.gather [hbm4b:s4+s3], $0x80, v4, vm0, $0x2000b8;
	[tilespmem:$0x10100] =	vst v63  }
0xce: {  	_ = 	snop  }
0xcf: {  	[tilespmem:s29], [sflag:$0x5] =	stream.indirect_vreg.gather [hbm4b:s4+s3], $0x80, v3, vm0, $0x2000b8;
	[tilespmem:$0x10100] =	vst v63  }
0xd0: {  	_ =	swait.ge [sflag:s30], $0x8000  }
0xd1: {  	[sflag:s30] =	ssyncset.done $0x0  }
0xd2: {  	[sflag:s30] =	ssyncadd.s32 $0xFFFF8000  }
0xd3: {  	_ =	strace $0x90000062  }
0xd4: {  	_ =	strace $0x80000063  }
0xd5: {  	[hbm4b:s7+s3] =	stream.linear.scatter [tilespmem:s13], [sflag:$0x3], $0x8000, $0x200038;
	[tilespmem:$0x10100] =	vst v63  }
0xd6: {  	_ =	strace $0x90000063  }
0xd7: {  	_ =	strace $0x80000064  }
0xd8: {  	_ =	swait.ge [sflag:s31], $0x8000  }
0xd9: {  	[sflag:s31] =	ssyncset.done $0x0  }
0xda: {  	[sflag:s31] =	ssyncadd.s32 $0xFFFF8000  }
0xdb: {  	_ =	strace $0x90000064  }
0xdc: {  	_ =	strace $0x80000065  }
0xdd: {  	[tilespmem:s3], [sflag:$0x1] =	stream.linear.gather [hbm4b:s8+s3], $0x80, $0x200038;
	[tilespmem:$0x10100] =	vst v63  }
0xde: {  	_ =	strace $0x90000065  }
0xdf: {  	_ =	strace $0x80000066  }
0xe0: {  	_ =	swait.ge [sflag:s12], $0x80  }
0xe1: {  	[sflag:s12] =	ssyncset.done $0x0  }
0xe2: {  	[sflag:s12] =	ssyncadd.s32 $0xFFFFFF80  }
0xe3: {  	_ =	strace $0x90000066  }
0xe4: {  	_ =	strace $0x80000067  }
0xe5: {  	v3 =	vld [tilespmem:$0x0];
	_ =	sdelay $0x4  }
0xe6: {  	v48 =	vshll.u32 v3, $0x1  }
0xe7: {  	v3 =	vand.u32 $0x7, v3;
	v4 =	vand.u32 $0xFFFFFFF0, v48  }
0xe8: {  	v3 =	vor.u32 v3, v4  }
0xe9: {  	v4 =	vperm.xlane v3, v0;
	_ =	sdelay $0x1  }
0xea: {  	v3 =	vperm.xlane v3, v2;
	v4 =	vadd.s32 v1, v4;
	_ =	sdelay $0x1  }
0xeb: {  	v3 =	vadd.s32 v1, v3;
	_ =	sdelay $0x2  }
0xec: {  	[tilespmem:s13], [sflag:$0x5] =	stream.indirect_vreg.gather [hbm4b:s1+s3], $0x80, v4, vm0, $0x2000b8;
	[tilespmem:$0x10100] =	vst v63  }
0xed: {  	_ = 	snop  }
0xee: {  	[tilespmem:s14], [sflag:$0x5] =	stream.indirect_vreg.gather [hbm4b:s1+s3], $0x80, v3, vm0, $0x2000b8;
	[tilespmem:$0x10100] =	vst v63  }
0xef: {  	v3 =	vld [tilespmem:$0x10];
	_ =	sdelay $0x4  }
0xf0: {  	v49 =	vshll.u32 v3, $0x1  }
0xf1: {  	v3 =	vand.u32 $0x7, v3;
	v4 =	vand.u32 $0xFFFFFFF0, v49  }
0xf2: {  	v3 =	vor.u32 v3, v4  }
0xf3: {  	v4 =	vperm.xlane v3, v0;
	_ =	sdelay $0x1  }
0xf4: {  	v3 =	vperm.xlane v3, v2;
	v4 =	vadd.s32 v1, v4;
	_ =	sdelay $0x1  }
0xf5: {  	v3 =	vadd.s32 v1, v3;
	_ =	sdelay $0x2  }
0xf6: {  	[tilespmem:s15], [sflag:$0x5] =	stream.indirect_vreg.gather [hbm4b:s1+s3], $0x80, v4, vm0, $0x2000b8;
	[tilespmem:$0x10100] =	vst v63  }
0xf7: {  	_ = 	snop  }
0xf8: {  	[tilespmem:s16], [sflag:$0x5] =	stream.indirect_vreg.gather [hbm4b:s1+s3], $0x80, v3, vm0, $0x2000b8;
	[tilespmem:$0x10100] =	vst v63  }
0xf9: {  	v3 =	vld [tilespmem:$0x20];
	_ =	sdelay $0x4  }
0xfa: {  	v50 =	vshll.u32 v3, $0x1  }
0xfb: {  	v3 =	vand.u32 $0x7, v3;
	v4 =	vand.u32 $0xFFFFFFF0, v50  }
0xfc: {  	v3 =	vor.u32 v3, v4  }
0xfd: {  	v4 =	vperm.xlane v3, v0;
	_ =	sdelay $0x1  }
0xfe: {  	v3 =	vperm.xlane v3, v2;
	v4 =	vadd.s32 v1, v4;
	_ =	sdelay $0x1  }
0xff: {  	v3 =	vadd.s32 v1, v3;
	_ =	sdelay $0x2  }
0x100: {  	[tilespmem:s17], [sflag:$0x5] =	stream.indirect_vreg.gather [hbm4b:s1+s3], $0x80, v4, vm0, $0x2000b8;
	[tilespmem:$0x10100] =	vst v63  }
0x101: {  	_ = 	snop  }
0x102: {  	[tilespmem:s18], [sflag:$0x5] =	stream.indirect_vreg.gather [hbm4b:s1+s3], $0x80, v3, vm0, $0x2000b8;
	[tilespmem:$0x10100] =	vst v63  }
0x103: {  	v3 =	vld [tilespmem:$0x30];
	_ =	sdelay $0x4  }
0x104: {  	v51 =	vshll.u32 v3, $0x1  }
0x105: {  	v3 =	vand.u32 $0x7, v3;
	v4 =	vand.u32 $0xFFFFFFF0, v51  }
0x106: {  	v3 =	vor.u32 v3, v4  }
0x107: {  	v4 =	vperm.xlane v3, v0;
	_ =	sdelay $0x1  }
0x108: {  	v3 =	vperm.xlane v3, v2;
	v4 =	vadd.s32 v1, v4;
	_ =	sdelay $0x1  }
0x109: {  	v3 =	vadd.s32 v1, v3;
	_ =	sdelay $0x2  }
0x10a: {  	[tilespmem:s19], [sflag:$0x5] =	stream.indirect_vreg.gather [hbm4b:s1+s3], $0x80, v4, vm0, $0x2000b8;
	[tilespmem:$0x10100] =	vst v63  }
0x10b: {  	_ = 	snop  }
0x10c: {  	[tilespmem:s20], [sflag:$0x5] =	stream.indirect_vreg.gather [hbm4b:s1+s3], $0x80, v3, vm0, $0x2000b8;
	[tilespmem:$0x10100] =	vst v63  }
0x10d: {  	v3 =	vld [tilespmem:$0x40];
	_ =	sdelay $0x4  }
0x10e: {  	v52 =	vshll.u32 v3, $0x1  }
0x10f: {  	v3 =	vand.u32 $0x7, v3;
	v4 =	vand.u32 $0xFFFFFFF0, v52  }
0x110: {  	v3 =	vor.u32 v3, v4  }
0x111: {  	v4 =	vperm.xlane v3, v0;
	_ =	sdelay $0x1  }
0x112: {  	v3 =	vperm.xlane v3, v2;
	v4 =	vadd.s32 v1, v4;
	_ =	sdelay $0x1  }
0x113: {  	v3 =	vadd.s32 v1, v3;
	_ =	sdelay $0x2  }
0x114: {  	[tilespmem:s21], [sflag:$0x5] =	stream.indirect_vreg.gather [hbm4b:s1+s3], $0x80, v4, vm0, $0x2000b8;
	[tilespmem:$0x10100] =	vst v63  }
0x115: {  	_ = 	snop  }
0x116: {  	[tilespmem:s22], [sflag:$0x5] =	stream.indirect_vreg.gather [hbm4b:s1+s3], $0x80, v3, vm0, $0x2000b8;
	[tilespmem:$0x10100] =	vst v63  }
0x117: {  	v3 =	vld [tilespmem:$0x50];
	_ =	sdelay $0x4  }
0x118: {  	v53 =	vshll.u32 v3, $0x1  }
0x119: {  	v3 =	vand.u32 $0x7, v3;
	v4 =	vand.u32 $0xFFFFFFF0, v53  }
0x11a: {  	v3 =	vor.u32 v3, v4  }
0x11b: {  	v4 =	vperm.xlane v3, v0;
	_ =	sdelay $0x1  }
0x11c: {  	v3 =	vperm.xlane v3, v2;
	v4 =	vadd.s32 v1, v4;
	_ =	sdelay $0x1  }
0x11d: {  	v3 =	vadd.s32 v1, v3;
	_ =	sdelay $0x2  }
0x11e: {  	[tilespmem:s23], [sflag:$0x5] =	stream.indirect_vreg.gather [hbm4b:s1+s3], $0x80, v4, vm0, $0x2000b8;
	[tilespmem:$0x10100] =	vst v63  }
0x11f: {  	_ = 	snop  }
0x120: {  	[tilespmem:s24], [sflag:$0x5] =	stream.indirect_vreg.gather [hbm4b:s1+s3], $0x80, v3, vm0, $0x2000b8;
	[tilespmem:$0x10100] =	vst v63  }
0x121: {  	v3 =	vld [tilespmem:$0x60];
	_ =	sdelay $0x4  }
0x122: {  	v54 =	vshll.u32 v3, $0x1  }
0x123: {  	v3 =	vand.u32 $0x7, v3;
	v4 =	vand.u32 $0xFFFFFFF0, v54  }
0x124: {  	v3 =	vor.u32 v3, v4  }
0x125: {  	v4 =	vperm.xlane v3, v0;
	_ =	sdelay $0x1  }
0x126: {  	v3 =	vperm.xlane v3, v2;
	v4 =	vadd.s32 v1, v4;
	_ =	sdelay $0x1  }
0x127: {  	v3 =	vadd.s32 v1, v3;
	_ =	sdelay $0x2  }
0x128: {  	[tilespmem:s25], [sflag:$0x5] =	stream.indirect_vreg.gather [hbm4b:s1+s3], $0x80, v4, vm0, $0x2000b8;
	[tilespmem:$0x10100] =	vst v63  }
0x129: {  	_ = 	snop  }
0x12a: {  	[tilespmem:s26], [sflag:$0x5] =	stream.indirect_vreg.gather [hbm4b:s1+s3], $0x80, v3, vm0, $0x2000b8;
	[tilespmem:$0x10100] =	vst v63  }
0x12b: {  	v3 =	vld [tilespmem:$0x70];
	_ =	sdelay $0x4  }
0x12c: {  	v55 =	vshll.u32 v3, $0x1  }
0x12d: {  	v3 =	vand.u32 $0x7, v3;
	v4 =	vand.u32 $0xFFFFFFF0, v55  }
0x12e: {  	v3 =	vor.u32 v3, v4  }
0x12f: {  	v4 =	vperm.xlane v3, v0;
	_ =	sdelay $0x1  }
0x130: {  	v3 =	vperm.xlane v3, v2;
	v4 =	vadd.s32 v1, v4;
	_ =	sdelay $0x1  }
0x131: {  	v3 =	vadd.s32 v1, v3;
	_ =	sdelay $0x2  }
0x132: {  	[tilespmem:s28], [sflag:$0x5] =	stream.indirect_vreg.gather [hbm4b:s1+s3], $0x80, v4, vm0, $0x2000b8;
	[tilespmem:$0x10100] =	vst v63  }
0x133: {  	_ = 	snop  }
0x134: {  	[tilespmem:s29], [sflag:$0x5] =	stream.indirect_vreg.gather [hbm4b:s1+s3], $0x80, v3, vm0, $0x2000b8;
	[tilespmem:$0x10100] =	vst v63  }
0x135: {  	_ =	swait.ge [sflag:s30], $0x8000  }
0x136: {  	[sflag:s30] =	ssyncset.done $0x0  }
0x137: {  	[sflag:s30] =	ssyncadd.s32 $0xFFFF8000  }
0x138: {  	_ =	strace $0x90000067  }
0x139: {  	_ =	strace $0x80000068  }
0x13a: {  	[hbm4b:s9+s3] =	stream.linear.scatter [tilespmem:s13], [sflag:$0x3], $0x8000, $0x200038;
	[tilespmem:$0x10100] =	vst v63  }
0x13b: {  	_ =	strace $0x90000068  }
0x13c: {  	_ =	strace $0x80000069  }
0x13d: {  	_ =	swait.ge [sflag:s31], $0x8000  }
0x13e: {  	[sflag:s31] =	ssyncset.done $0x0  }
0x13f: {  	[sflag:s31] =	ssyncadd.s32 $0xFFFF8000  }
0x140: {  	_ =	strace $0x90000069  }
0x141: {  	_ =	strace $0x8000006A  }
0x142: {  	[tilespmem:s3], [sflag:$0x1] =	stream.linear.gather [hbm4b:s8+s3], $0x80, $0x200038;
	[tilespmem:$0x10100] =	vst v63  }
0x143: {  	_ =	strace $0x9000006A  }
0x144: {  	_ =	strace $0x8000006B  }
0x145: {  	_ =	swait.ge [sflag:s12], $0x80  }
0x146: {  	[sflag:s12] =	ssyncset.done $0x0  }
0x147: {  	[sflag:s12] =	ssyncadd.s32 $0xFFFFFF80  }
0x148: {  	_ =	strace $0x9000006B  }
0x149: {  	_ =	strace $0x8000006C  }
0x14a: {  	v3 =	vld [tilespmem:$0x0];
	_ =	sdelay $0x4  }
0x14b: {  	v56 =	vshll.u32 v3, $0x1  }
0x14c: {  	v3 =	vand.u32 $0x7, v3;
	v4 =	vand.u32 $0xFFFFFFF0, v56  }
0x14d: {  	v3 =	vor.u32 v3, v4  }
0x14e: {  	v4 =	vperm.xlane v3, v0;
	_ =	sdelay $0x1  }
0x14f: {  	v3 =	vperm.xlane v3, v2;
	v4 =	vadd.s32 v1, v4;
	_ =	sdelay $0x1  }
0x150: {  	v3 =	vadd.s32 v1, v3;
	_ =	sdelay $0x2  }
0x151: {  	[tilespmem:s13], [sflag:$0x5] =	stream.indirect_vreg.gather [hbm4b:s4+s3], $0x80, v4, vm0, $0x2000b8;
	[tilespmem:$0x10100] =	vst v63  }
0x152: {  	_ = 	snop  }
0x153: {  	[tilespmem:s14], [sflag:$0x5] =	stream.indirect_vreg.gather [hbm4b:s4+s3], $0x80, v3, vm0, $0x2000b8;
	[tilespmem:$0x10100] =	vst v63  }
0x154: {  	v3 =	vld [tilespmem:$0x10];
	_ =	sdelay $0x4  }
0x155: {  	v57 =	vshll.u32 v3, $0x1  }
0x156: {  	v3 =	vand.u32 $0x7, v3;
	v4 =	vand.u32 $0xFFFFFFF0, v57  }
0x157: {  	v3 =	vor.u32 v3, v4  }
0x158: {  	v4 =	vperm.xlane v3, v0;
	_ =	sdelay $0x1  }
0x159: {  	v3 =	vperm.xlane v3, v2;
	v4 =	vadd.s32 v1, v4;
	_ =	sdelay $0x1  }
0x15a: {  	v3 =	vadd.s32 v1, v3;
	_ =	sdelay $0x2  }
0x15b: {  	[tilespmem:s15], [sflag:$0x5] =	stream.indirect_vreg.gather [hbm4b:s4+s3], $0x80, v4, vm0, $0x2000b8;
	[tilespmem:$0x10100] =	vst v63  }
0x15c: {  	_ = 	snop  }
0x15d: {  	[tilespmem:s16], [sflag:$0x5] =	stream.indirect_vreg.gather [hbm4b:s4+s3], $0x80, v3, vm0, $0x2000b8;
	[tilespmem:$0x10100] =	vst v63  }
0x15e: {  	v3 =	vld [tilespmem:$0x20];
	_ =	sdelay $0x4  }
0x15f: {  	v58 =	vshll.u32 v3, $0x1  }
0x160: {  	v3 =	vand.u32 $0x7, v3;
	v4 =	vand.u32 $0xFFFFFFF0, v58  }
0x161: {  	v3 =	vor.u32 v3, v4  }
0x162: {  	v4 =	vperm.xlane v3, v0;
	_ =	sdelay $0x1  }
0x163: {  	v3 =	vperm.xlane v3, v2;
	v4 =	vadd.s32 v1, v4;
	_ =	sdelay $0x1  }
0x164: {  	v3 =	vadd.s32 v1, v3;
	_ =	sdelay $0x2  }
0x165: {  	[tilespmem:s17], [sflag:$0x5] =	stream.indirect_vreg.gather [hbm4b:s4+s3], $0x80, v4, vm0, $0x2000b8;
	[tilespmem:$0x10100] =	vst v63  }
0x166: {  	_ = 	snop  }
0x167: {  	[tilespmem:s18], [sflag:$0x5] =	stream.indirect_vreg.gather [hbm4b:s4+s3], $0x80, v3, vm0, $0x2000b8;
	[tilespmem:$0x10100] =	vst v63  }
0x168: {  	v3 =	vld [tilespmem:$0x30];
	_ =	sdelay $0x4  }
0x169: {  	v59 =	vshll.u32 v3, $0x1  }
0x16a: {  	v3 =	vand.u32 $0x7, v3;
	v4 =	vand.u32 $0xFFFFFFF0, v59  }
0x16b: {  	v3 =	vor.u32 v3, v4  }
0x16c: {  	v4 =	vperm.xlane v3, v0;
	_ =	sdelay $0x1  }
0x16d: {  	v3 =	vperm.xlane v3, v2;
	v4 =	vadd.s32 v1, v4;
	_ =	sdelay $0x1  }
0x16e: {  	v3 =	vadd.s32 v1, v3;
	_ =	sdelay $0x2  }
0x16f: {  	[tilespmem:s19], [sflag:$0x5] =	stream.indirect_vreg.gather [hbm4b:s4+s3], $0x80, v4, vm0, $0x2000b8;
	[tilespmem:$0x10100] =	vst v63  }
0x170: {  	_ = 	snop  }
0x171: {  	[tilespmem:s20], [sflag:$0x5] =	stream.indirect_vreg.gather [hbm4b:s4+s3], $0x80, v3, vm0, $0x2000b8;
	[tilespmem:$0x10100] =	vst v63  }
0x172: {  	v3 =	vld [tilespmem:$0x40];
	_ =	sdelay $0x4  }
0x173: {  	v60 =	vshll.u32 v3, $0x1  }
0x174: {  	v3 =	vand.u32 $0x7, v3;
	v4 =	vand.u32 $0xFFFFFFF0, v60  }
0x175: {  	v3 =	vor.u32 v3, v4  }
0x176: {  	v4 =	vperm.xlane v3, v0;
	_ =	sdelay $0x1  }
0x177: {  	v3 =	vperm.xlane v3, v2;
	v4 =	vadd.s32 v1, v4;
	_ =	sdelay $0x1  }
0x178: {  	v3 =	vadd.s32 v1, v3;
	_ =	sdelay $0x2  }
0x179: {  	[tilespmem:s21], [sflag:$0x5] =	stream.indirect_vreg.gather [hbm4b:s4+s3], $0x80, v4, vm0, $0x2000b8;
	[tilespmem:$0x10100] =	vst v63  }
0x17a: {  	_ = 	snop  }
0x17b: {  	[tilespmem:s22], [sflag:$0x5] =	stream.indirect_vreg.gather [hbm4b:s4+s3], $0x80, v3, vm0, $0x2000b8;
	[tilespmem:$0x10100] =	vst v63  }
0x17c: {  	v3 =	vld [tilespmem:$0x50];
	_ =	sdelay $0x4  }
0x17d: {  	v61 =	vshll.u32 v3, $0x1  }
0x17e: {  	v3 =	vand.u32 $0x7, v3;
	v4 =	vand.u32 $0xFFFFFFF0, v61  }
0x17f: {  	v3 =	vor.u32 v3, v4  }
0x180: {  	v4 =	vperm.xlane v3, v0;
	_ =	sdelay $0x1  }
0x181: {  	v3 =	vperm.xlane v3, v2;
	v4 =	vadd.s32 v1, v4;
	_ =	sdelay $0x1  }
0x182: {  	v3 =	vadd.s32 v1, v3;
	_ =	sdelay $0x2  }
0x183: {  	[tilespmem:s23], [sflag:$0x5] =	stream.indirect_vreg.gather [hbm4b:s4+s3], $0x80, v4, vm0, $0x2000b8;
	[tilespmem:$0x10100] =	vst v63  }
0x184: {  	_ = 	snop  }
0x185: {  	[tilespmem:s24], [sflag:$0x5] =	stream.indirect_vreg.gather [hbm4b:s4+s3], $0x80, v3, vm0, $0x2000b8;
	[tilespmem:$0x10100] =	vst v63  }
0x186: {  	v3 =	vld [tilespmem:$0x60];
	_ =	sdelay $0x4  }
0x187: {  	v62 =	vshll.u32 v3, $0x1  }
0x188: {  	v3 =	vand.u32 $0x7, v3;
	v4 =	vand.u32 $0xFFFFFFF0, v62  }
0x189: {  	v3 =	vor.u32 v3, v4  }
0x18a: {  	v4 =	vperm.xlane v3, v0;
	_ =	sdelay $0x1  }
0x18b: {  	v3 =	vperm.xlane v3, v2;
	v4 =	vadd.s32 v1, v4;
	_ =	sdelay $0x1  }
0x18c: {  	v3 =	vadd.s32 v1, v3;
	_ =	sdelay $0x2  }
0x18d: {  	[tilespmem:s25], [sflag:$0x5] =	stream.indirect_vreg.gather [hbm4b:s4+s3], $0x80, v4, vm0, $0x2000b8;
	[tilespmem:$0x10100] =	vst v63  }
0x18e: {  	_ = 	snop  }
0x18f: {  	[tilespmem:s26], [sflag:$0x5] =	stream.indirect_vreg.gather [hbm4b:s4+s3], $0x80, v3, vm0, $0x2000b8;
	[tilespmem:$0x10100] =	vst v63  }
0x190: {  	v3 =	vld [tilespmem:$0x70];
	_ =	sdelay $0x4  }
0x191: {  	v63 =	vshll.u32 v3, $0x1  }
0x192: {  	v3 =	vand.u32 $0x7, v3;
	v4 =	vand.u32 $0xFFFFFFF0, v63  }
0x193: {  	v3 =	vor.u32 v3, v4  }
0x194: {  	v4 =	vperm.xlane v3, v0;
	_ =	sdelay $0x1  }
0x195: {  	v3 =	vperm.xlane v3, v2;
	v4 =	vadd.s32 v1, v4;
	_ =	sdelay $0x1  }
0x196: {  	v3 =	vadd.s32 v1, v3;
	_ =	sdelay $0x2  }
0x197: {  	[tilespmem:s28], [sflag:$0x5] =	stream.indirect_vreg.gather [hbm4b:s4+s3], $0x80, v4, vm0, $0x2000b8;
	[tilespmem:$0x10100] =	vst v63  }
0x198: {  	_ = 	snop  }
0x199: {  	[tilespmem:s29], [sflag:$0x5] =	stream.indirect_vreg.gather [hbm4b:s4+s3], $0x80, v3, vm0, $0x2000b8;
	[tilespmem:$0x10100] =	vst v63  }
0x19a: {  	_ =	swait.ge [sflag:s30], $0x8000  }
0x19b: {  	[sflag:s30] =	ssyncset.done $0x0  }
0x19c: {  	[sflag:s30] =	ssyncadd.s32 $0xFFFF8000  }
0x19d: {  	_ =	strace $0x9000006C  }
0x19e: {  	_ =	strace $0x8000006D  }
0x19f: {  	[hbm4b:s10+s3] =	stream.linear.scatter [tilespmem:s13], [sflag:$0x3], $0x8000, $0x200038;
	[tilespmem:$0x10100] =	vst v63  }
0x1a0: {  	p0 =	sne.s32 s11, $0x1;
	_ =	strace $0x9000006D  }
.Ltmp0:
0x1a1: {  	_ =	strace $0x8000006E;
	(pc) =	sbr.rel @p0 .LBB2_1-.Ltmp0, $4  }
0x1a2: {  	_ =	swait.ge [sflag:s31], $0x8000  }
0x1a3: {  	[sflag:s31] =	ssyncset.done $0x0  }
0x1a4: {  	[sflag:s31] =	ssyncadd.s32 $0xFFFF8000  }
0x1a5: {  	s11 =	sadd.s32 $0xFFFFFFFF, s11;
	_ =	strace $0x9000006E  }
0x1a6: {  	_ =	sfence.sel $0x180000  }
0x1a7: {  	[bflag:$0x0] =	sbarrier.arrive $0xFFFF  }
0x1a8: {  	p0 =	sne.s32 s2, $0x0;
	_ =	strace $0x9000005A  }
0x1a9: {  	s0 =	sadd.s32 @!p0 $0x100000, s0;
	[bflag:$0x2] =	sbarrier.arrive $0xFFFF  }
0x1aa: {  	[sflag:s0] =	ssyncadd.tile.s32 @!p0 $0x1;
	_ =	shalt  }
.Lfunc_end2:
_tile_overlayer_lowered:
.L_overlay_start_2:
0x1ab: {  	(tag) =	ssettag $0x2  }
0x1ac: {  	s0 =	rddreg [dreg:$0x0];
	s2 =	stileid.u32  }
0x1ad: {  	s1 =	rddreg [dreg:$0x1];
	p0 =	sne.s32 s2, $0x0  }
0x1ae: {  	s3 =	rddreg [dreg:$0x2];
	[bflag:$0x3] =	sbarrier.arrive $0xFFFF;
	s2 =	simm.s32 @!p0 $0x1C01  }
0x1af: {  	[timem:s3], [sflag:s2] =	dma.local @!p0 [hbm:s0], s1  }
0x1b0: {  	s0 =	simm.s32 @!p0 $0x1  }
0x1b1: {  	_ =	swait.ge @!p0 [sflag:s0], s1  }
0x1b2: {  	s1 =	ssub.s32 @!p0 $0x0, s1;
	[sflag:s0] =	ssyncset.done @!p0 $0x0  }
0x1b3: {  	[sflag:s0] =	ssyncadd.s32 @!p0 s1  }
0x1b4: {  	[bflag:$0x3] =	sbarrier.arrive $0xFFFF  }
0x1b5: {  	_ =	shalt  }

// kernel: kernel.8.cloned.1.call-start
scs
__scs_entry_jumppad:
0x0: {  	(pc) =	sbr.rel $0x88, $3  }
0x1: {  	(tag) =	ssettag $0x0;
	lr =	simm.s32 $0x1  }
0x2: {  	[smem:$0x3F8D] =	sst lr;
	_ =	strace $0xD0000000  }
0x3: {  	_ = 	snop  }
0x4: {  	_ = 	snop  }
0x5: {  	_ = 	snop  }
0x6: {  	_ = 	snop  }
0x7: {  	_ = 	snop  }
__scs_overlays_trampoline_lowered:
0x8: {  	[smem:$0x3F9C] =	sst s0  }
0x9: {  	[smem:$0x3F9D] =	sst s1  }
0xa: {  	[smem:$0x3F9E] =	sst s2  }
0xb: {  	[smem:$0x3F9F] =	sst s3  }
0xc: {  	[smem:$0x3FA0] =	sst s4  }
0xd: {  	[smem:$0x3FA1] =	sst s5  }
0xe: {  	[smem:$0x3FA2] =	sst s6  }
0xf: {  	[smem:$0x3FA3] =	sst s7  }
0x10: {  	[smem:$0x3FA4] =	sst s8  }
0x11: {  	[smem:$0x3FA5] =	sst s9;
	s0 =	simm.s32 @!p0 $0x0  }
0x12: {  	s1 =	sld [smem:$0x3F8B];
	s0 =	simm.s32 @p0 $0x1  }
0x13: {  	[smem:$0x3FA6] =	sst s0;
	s0 =	simm.s32 @!p1 $0x0  }
0x14: {  	s2 =	sld [smem:$0x3F8A];
	s0 =	simm.s32 @p1 $0x1  }
0x15: {  	[smem:$0x3FA7] =	sst s0;
	s0 =	simm.s32 @!p2 $0x0  }
0x16: {  	s3 =	sld [smem:$0x3FDB];
	s0 =	simm.s32 @p2 $0x1  }
0x17: {  	s4 =	simm.s32 $0x1BF5;
	[smem:$0x3FA9] =	sst s0  }
0x18: {  	s0 =	sld [smem:$0x3F8C];
	_ =	swait.ge [sflag:s4], $0x0  }
0x19: {  	s7 =	sld [smem:$0x3F8D]  }
0x1a: {  	s8 =	sadd.s32 $0xFFFFE003, lr  }
0x1b: {  	s9 =	sadd.s32 $0xFFFFFEF7, lr;
	s5 =	simm.s32 $0xFFFFFFFF;
	p2 =	slt.u32 s8, $0xFFFFF086  }
0x1c: {  	p1 =	slt.u32 s9, $0xF7A;
	s5 =	simm.s32 @!p2 $0x0  }
0x1d: {  	s5 =	simm.s32 @p1 $0x1;
	p0 =	seq.s32 s7, s2  }
0x1e: {  	s7 =	smul.u32 @!p0 $0xF7A, s2;
	p2 =	seq.s32 @!p0 s5, $0x0  }
0x1f: {  	s9 =	smul.u32 $0xF7A, s1;
	s8 =	simm.s32 @!p0 $0x1BF5;
	p2 =	por !p2, p0  }
0x20: {  	[sflag:s8] =	ssyncset.s32 @!p0 $0xFFFFF086;
	s6 =	sadd.s32 @!p0 s3, s7;
	s7 =	simm.s32 @!p0 $0x108  }
0x21: {  	s3 =	sadd.s32 s3, s9;
	s6 =	sadd.s32 @!p0 $0x88, s6;
	s7 =	simm.s32 @p2 $0x1082  }
0x22: {  	[simem:s7], [sflag:s8] =	dma.local @!p0 [hbm:s6], $0xF7A  }
0x23: {  	s9 =	sor.u32 $0xD0000000, s2;
	s6 =	simm.s32 $0x108;
	_ =	swait.ge @!p0 [sflag:s8], $0x0  }
0x24: {  	s3 =	sadd.s32 $0x88, s3;
	s6 =	simm.s32 @!p1 $0x1082;
	[sflag:s4] =	ssyncset.s32 $0xFFFFF086  }
0x25: {  	[simem:s6], [sflag:s4] =	dma.local [hbm:s3], $0xF7A  }
0x26: {  	[smem:$0x3F8D] =	sst s1;
	(tag) =	ssettag s2;
	_ =	strace s9  }
0x27: {  	s1 =	sld [smem:$0x3F9D]  }
0x28: {  	s2 =	sld [smem:$0x3F9E]  }
0x29: {  	s4 =	sld [smem:$0x3FA0]  }
0x2a: {  	p0 =	seq.s32 s5, $0x0;
	s5 =	sld [smem:$0x3FA1]  }
0x2b: {  	s6 =	sld [smem:$0x3FA2]  }
0x2c: {  	s7 =	sld [smem:$0x3FA3]  }
0x2d: {  	s3 =	simm.s32 $0x108;
	s8 =	sld [smem:$0x3FA4]  }
0x2e: {  	s3 =	simm.s32 @!p0 $0x1082;
	s9 =	sld [smem:$0x3FA5]  }
0x2f: {  	lr =	sadd.s32 s0, s3;
	s0 =	sld [smem:$0x3F9C]  }
0x30: {  	s3 =	sld [smem:$0x3F9F]  }
0x31: {  	[smem:$0x3FA8] =	sst s10  }
0x32: {  	s10 =	sld [smem:$0x3FA6];
	_ =	sdelay $0x3  }
0x33: {  	p0 =	seq.s32 s10, $0x1;
	s10 =	sld [smem:$0x3FA8];
	_ =	sdelay $0x3  }
0x34: {  	[smem:$0x3FA8] =	sst s10  }
0x35: {  	s10 =	sld [smem:$0x3FA7];
	_ =	sdelay $0x3  }
0x36: {  	p1 =	seq.s32 s10, $0x1;
	s10 =	sld [smem:$0x3FA8];
	_ =	sdelay $0x3  }
0x37: {  	[smem:$0x3FA8] =	sst s10  }
0x38: {  	s10 =	sld [smem:$0x3FA9]  }
0x39: {  	_ = 	snop;
	(pc) =	sbr.ind lr, $3  }
0x3a: {  	_ = 	snop  }
0x3b: {  	_ = 	snop  }
0x3c: {  	p2 =	seq.s32 s10, $0x1;
	s10 =	sld [smem:$0x3FA8]  }
0x3d: {  	_ =	shalt  }
0x3e: {  	_ =	shalt  }
0x3f: {  	_ =	shalt  }
0x40: {  	_ =	shalt  }
0x41: {  	_ =	shalt  }
0x42: {  	_ =	shalt  }
0x43: {  	_ =	shalt  }
0x44: {  	_ =	shalt  }
0x45: {  	_ =	shalt  }
0x46: {  	_ =	shalt  }
0x47: {  	_ =	shalt  }
0x48: {  	_ =	shalt  }
0x49: {  	_ =	shalt  }
0x4a: {  	_ =	shalt  }
0x4b: {  	_ =	shalt  }
0x4c: {  	_ =	shalt  }
0x4d: {  	_ =	shalt  }
0x4e: {  	_ =	shalt  }
0x4f: {  	_ =	shalt  }
0x50: {  	_ =	shalt  }
0x51: {  	_ =	shalt  }
0x52: {  	_ =	shalt  }
0x53: {  	_ =	shalt  }
0x54: {  	_ =	shalt  }
0x55: {  	_ =	shalt  }
0x56: {  	_ =	shalt  }
0x57: {  	_ =	shalt  }
0x58: {  	_ =	shalt  }
0x59: {  	_ =	shalt  }
0x5a: {  	_ =	shalt  }
0x5b: {  	_ =	shalt  }
0x5c: {  	_ =	shalt  }
0x5d: {  	_ =	shalt  }
0x5e: {  	_ =	shalt  }
0x5f: {  	_ =	shalt  }
0x60: {  	_ =	shalt  }
0x61: {  	_ =	shalt  }
0x62: {  	_ =	shalt  }
0x63: {  	_ =	shalt  }
0x64: {  	_ =	shalt  }
0x65: {  	_ =	shalt  }
0x66: {  	_ =	shalt  }
0x67: {  	_ =	shalt  }
0x68: {  	_ =	shalt  }
0x69: {  	_ =	shalt  }
0x6a: {  	_ =	shalt  }
0x6b: {  	_ =	shalt  }
0x6c: {  	_ =	shalt  }
0x6d: {  	_ =	shalt  }
0x6e: {  	_ =	shalt  }
0x6f: {  	_ =	shalt  }
0x70: {  	_ =	shalt  }
0x71: {  	_ =	shalt  }
0x72: {  	_ =	shalt  }
0x73: {  	_ =	shalt  }
0x74: {  	_ =	shalt  }
0x75: {  	_ =	shalt  }
0x76: {  	_ =	shalt  }
0x77: {  	_ =	shalt  }
0x78: {  	_ =	shalt  }
0x79: {  	_ =	shalt  }
0x7a: {  	_ =	shalt  }
0x7b: {  	_ =	shalt  }
0x7c: {  	_ =	shalt  }
0x7d: {  	_ =	shalt  }
0x7e: {  	_ =	shalt  }
0x7f: {  	_ =	shalt  }
0x80: {  	_ =	shalt  }
0x81: {  	_ =	shalt  }
0x82: {  	_ =	shalt  }
0x83: {  	_ =	shalt  }
0x84: {  	_ =	shalt  }
0x85: {  	_ =	shalt  }
0x86: {  	_ =	shalt  }
0x87: {  	_ =	shalt  }
.Lfunc_end0:
.L_simem_size_0:
called_computation_lowered:
.L_overlay_start_0:
0x88: {  	s2 =	sld [smem:$0x3FD9]  }
0x89: {  	s3 =	sld [smem:$0x3FFE];
	_ =	sdelay $0x1  }
0x8a: {  	s1 =	srdreg.scid  }
0x8b: {  	s0 =	sand.u32 $0x1, s1  }
0x8c: {  	s17 =	sshll.u32 s0, $0xA;
	s2 =	sadd.s32 s3, s2  }
0x8d: {  	s2 =	sadd.s32 s2, s17  }
0x8e: {  	[smem:$0x3FB4] =	sst s2  }
0x8f: {  	_ = 	snop  }
0x90: {  	s2 =	sld [smem:$0x3FD0];
	(tm) =	ssettm $0x1  }
0x91: {  	s18 =	sld [smem:$0x3FFB];
	_ =	sdelay $0x3  }
0x92: {  	_ =	strace s18  }
0x93: {  	s3 =	sld [smem:$0x3FFC];
	_ =	sdelay $0x3  }
0x94: {  	_ =	strace s3  }
0x95: {  	s3 =	sld [smem:$0x3FFD];
	_ =	sdelay $0x3  }
0x96: {  	_ =	strace s3  }
0x97: {  	_ =	strace $0x8FFFFFFF  }
0x98: {  	s19 =	sld [smem:$0x3FDB];
	_ =	sdelay $0x1  }
0x99: {  	s4 =	simm.s32 $_scs_section_size  }
0x9a: {  	s5 =	simm.s32 $_size__tile_overlayer_lowered;
	s6 =	simm.s32 $_tile_overlayer_lowered  }
0x9b: {  	s22 =	simm.s32 $0x1BFF;
	s21 =	sshll.u32 s6, $0x1;
	s3 =	sadd.s32 s4, s19  }
0x9c: {  	s7 =	simm.s32 $0x0;
	s20 =	sshll.u32 s5, $0x1;
	s5 =	sadd.s32 s21, s3  }
0x9d: {  	[timem:s7], [sflag:s22] =	dma.local [hbm:s5], s20  }
0x9e: {  	_ =	swait.ge [sflag:s22], s20  }
0x9f: {  	s4 =	ssub.s32 $0x0, s20;
	[sflag:s22] =	ssyncset.done $0x0  }
0xa0: {  	[sflag:s22] =	ssyncadd.s32 s4;
	_ =	sdelay $0x1  }
0xa1: {  	s23 =	simm.s32 $0x1B8B  }
0xa2: {  	_ =	swait.ge [sflag:s23], $0x1  }
0xa3: {  	[sflag:s23] =	ssyncset.done $0x0  }
0xa4: {  	s25 =	simm.s32 $0x1B8E;
	s24 =	sld [smem:$0x3FFE];
	[sflag:s23] =	ssyncadd.s32 $0xFFFFFFFF  }
0xa5: {  	s26 =	simm.s32 $execute0_lowered;
	[smem:$0x3FD2] =	sst s25  }
0xa6: {  	s5 =	sshll.u32 s26, $0x1;
	_ =	strace $0x80000046;
	[dreg:$0x1] =	wrdreg $0xFFFFFFFF  }
0xa7: {  	s28 =	simm.s32 $_size_execute0_lowered;
	s3 =	sadd.s32 s3, s5;
	[dreg:$0x0] =	wrdreg $0x0  }
0xa8: {  	s5 =	sshll.u32 s28, $0x1;
	[dreg:$0x2] =	wrdreg s3  }
0xa9: {  	[dreg:$0x3] =	wrdreg s5  }
0xaa: {  	[dreg:$0x4] =	wrdreg $0xC0  }
0xab: {  	_ =	task [dreg:s7], $0x5FFFF  }
0xac: {  	[dreg:$0x1] =	wrdreg $0xFFFFFFFF  }
0xad: {  	[dreg:$0x0] =	wrdreg $0x60  }
0xae: {  	[dreg:$0x2] =	wrdreg s24  }
0xaf: {  	[dreg:$0x3] =	wrdreg s2  }
0xb0: {  	[dreg:$0x4] =	wrdreg $0x9  }
0xb1: {  	_ =	task.clear_ibuf [dreg:s7], $0x5FFFF;
	_ =	strace $0x90000046  }
0xb2: {  	s29 =	simm.s32 $0x9;
	_ =	strace $0x80000058  }
0xb3: {  	_ =	swait.ge [sflag:s29], $0x1  }
0xb4: {  	[sflag:s29] =	ssyncadd.s32 $0xFFFFFFFF  }
0xb5: {  	_ =	strace $0x90000058  }
0xb6: {  	_ =	sfence  }
0xb7: {  	s30 =	sld [smem:$0x0];
	_ =	sdelay $0x2  }
0xb8: {  	s31 =	sshll.u32 s1, $0xD;
	s1 =	sshrl.u32 s1, $0x2  }
0xb9: {  	s3 =	sand.u32 $0x4000, s31;
	s1 =	sadd.s32 s1, s30  }
0xba: {  	s0 =	sor.u32 s3, s0;
	s1 =	sshll.u32 s1, $0x11  }
0xbb: {  	s0 =	sor.u32 s1, s0  }
0xbc: {  	s0 =	sadd.s32 $0x8F2B, s0  }
0xbd: {  	[sflag:s0] =	ssyncadd.remote.s32 $0x1  }
0xbe: {  	_ =	sfence.sel $0xFFFF  }
0xbf: {  	[dreg:$0x0] =	wrdreg $0xFFFFFFFF;
	(pc) =	sbr.abs _section_cstart, $3  }
0xc0: {  	[dreg:$0x1] =	wrdreg $0xFFFFFFFF  }
0xc1: {  	_ =	task.clear_ibuf [dreg:s7], $0x2FFFF;
	_ =	strace $0x9FFFFFFF  }
0xc2: {  	(tm) =	ssettm $0x7FFFFFFF  }
0xc3: {  	_ =	shalt  }
tec
execute0_lowered:
.L_overlay_start_1:
0x0: {  	(tag) =	ssettag $0x1  }
0x1: {  	s4 =	rddreg [dreg:$0x0]  }
0x2: {  	s2 =	rddreg [dreg:$0x1];
	s3 =	srdreg.scid  }
0x3: {  	s0 =	rddreg [dreg:$0x2];
	s1 =	stileid.u32  }
0x4: {  	s11 =	simm.s32 $0x1;
	s12 =	simm.s32 $0x3;
	s13 =	simm.s32 $0x800  }
0x5: {  	s14 =	simm.s32 $0x1000;
	s15 =	simm.s32 $0x1800;
	s16 =	simm.s32 $0x2000  }
0x6: {  	s17 =	simm.s32 $0x2800;
	s18 =	simm.s32 $0x3000;
	s19 =	simm.s32 $0x3800  }
0x7: {  	s20 =	simm.s32 $0x4000;
	s21 =	simm.s32 $0x4800;
	s22 =	simm.s32 $0x5000  }
0x8: {  	s23 =	simm.s32 $0x5800;
	s24 =	simm.s32 $0x6000;
	s25 =	simm.s32 $0x6800  }
0x9: {  	s26 =	simm.s32 $0x7000;
	s28 =	simm.s32 $0x7800;
	s29 =	simm.s32 $0x5  }
0xa: {  	s5 =	sand.u32 $0x1, s3;
	s3 =	simm.s32 $0x0;
	s7 =	sshll.u32 s1, $0x7  }
0xb: {  	s6 =	sshll.u32 s5, $0xB;
	[smem:$0x7FF] =	sst s3;
	s5 =	ssub.s32 $0x2, s5  }
0xc: {  	s6 =	sor.u32 s7, s6;
	_ =	strace $0x80000047;
	s8 =	sshrl.u32 s5, $0x1  }
0xd: {  	s7 =	sshll.u32 s6, $0x5;
	s6 =	sshrl.u32 s6, $0x3;
	s10 =	ssub.s32 s5, s8  }
0xe: {  	v2 =	vlaneseq.u32;
	s7 =	sadd.s32 s7, s4;
	s9 =	sadd.s32 s6, s4;
	s4 =	sadd.s32 $0xC0C00, s4  }
0xf: {  	vm0 =	vmmov $0xffff;
	v1 =	vshrl.u32 v2, $0x3;
	s5 =	sadd.s32 $0xA0800, s7;
	s6 =	sadd.s32 $0xC0800, s9;
	s7 =	sadd.s32 $0x800, s7  }
0x10: {  	v0 =	vand.u32 $0x7, v2;
	v2 =	vor.u32 $0x8, v2;
	v1 =	vmul.u32 $0x8, v1;
	s8 =	sadd.s32 $0xC0A00, s9;
	s9 =	smax.u32 s10, $0x1;
	s10 =	simm.s32 $0x10000  }
.LBB2_1:
0x11: {  	_ =	strace $0x80000048  }
0x12: {  	[tilespmem:s3], [sflag:$0x1] =	stream.linear.gather [hbm4b:s5+s3], $0x8000, $0x200038;
	[tilespmem:$0x10100] =	vst v63  }
0x13: {  	_ = 	snop  }
0x14: {  	[tilespmem:s10], [sflag:$0x3] =	stream.linear.gather [hbm4b:s6+s3], $0x80, $0x200038;
	[tilespmem:$0x10100] =	vst v63  }
0x15: {  	_ =	strace $0x90000048  }
0x16: {  	_ =	strace $0x80000049  }
0x17: {  	_ =	swait.ge [sflag:s11], $0x8000  }
0x18: {  	[sflag:s11] =	ssyncset.done $0x0  }
0x19: {  	[sflag:s11] =	ssyncadd.s32 $0xFFFF8000  }
0x1a: {  	_ =	strace $0x90000049  }
0x1b: {  	_ =	strace $0x8000004A  }
0x1c: {  	_ =	swait.ge [sflag:s12], $0x80  }
0x1d: {  	[sflag:s12] =	ssyncset.done $0x0  }
0x1e: {  	[sflag:s12] =	ssyncadd.s32 $0xFFFFFF80  }
0x1f: {  	_ =	strace $0x9000004A  }
0x20: {  	_ =	strace $0x8000004B  }
0x21: {  	v3 =	vld [tilespmem:$0x10000];
	_ =	sdelay $0x4  }
0x22: {  	v4 =	vshll.u32 v3, $0x1  }
0x23: {  	v3 =	vand.u32 $0x7, v3;
	v4 =	vand.u32 $0xFFFFFFF0, v4  }
0x24: {  	v3 =	vor.u32 v3, v4  }
0x25: {  	v4 =	vperm.xlane v3, v0;
	_ =	sdelay $0x1  }
0x26: {  	v3 =	vperm.xlane v3, v2;
	v4 =	vadd.s32 v1, v4;
	_ =	sdelay $0x1  }
0x27: {  	v3 =	vadd.s32 v1, v3;
	_ =	sdelay $0x2  }
0x28: {  	[hbm4b:s2+s3] =	stream.indirect_vreg.scatter [tilespmem:s3], [sflag:$0x5], $0x80, v4, vm0, $0x2000b8;
	[tilespmem:$0x10100] =	vst v63  }
0x29: {  	_ = 	snop  }
0x2a: {  	[hbm4b:s2+s3] =	stream.indirect_vreg.scatter [tilespmem:s13], [sflag:$0x5], $0x80, v3, vm0, $0x2000b8;
	[tilespmem:$0x10100] =	vst v63  }
0x2b: {  	v3 =	vld [tilespmem:$0x10010];
	_ =	sdelay $0x4  }
0x2c: {  	v33 =	vshll.u32 v3, $0x1  }
0x2d: {  	v3 =	vand.u32 $0x7, v3;
	v4 =	vand.u32 $0xFFFFFFF0, v33  }
0x2e: {  	v3 =	vor.u32 v3, v4  }
0x2f: {  	v4 =	vperm.xlane v3, v0;
	_ =	sdelay $0x1  }
0x30: {  	v3 =	vperm.xlane v3, v2;
	v4 =	vadd.s32 v1, v4;
	_ =	sdelay $0x1  }
0x31: {  	v3 =	vadd.s32 v1, v3;
	_ =	sdelay $0x2  }
0x32: {  	[hbm4b:s2+s3] =	stream.indirect_vreg.scatter [tilespmem:s14], [sflag:$0x5], $0x80, v4, vm0, $0x2000b8;
	[tilespmem:$0x10100] =	vst v63  }
0x33: {  	_ = 	snop  }
0x34: {  	[hbm4b:s2+s3] =	stream.indirect_vreg.scatter [tilespmem:s15], [sflag:$0x5], $0x80, v3, vm0, $0x2000b8;
	[tilespmem:$0x10100] =	vst v63  }
0x35: {  	v3 =	vld [tilespmem:$0x10020];
	_ =	sdelay $0x4  }
0x36: {  	v34 =	vshll.u32 v3, $0x1  }
0x37: {  	v3 =	vand.u32 $0x7, v3;
	v4 =	vand.u32 $0xFFFFFFF0, v34  }
0x38: {  	v3 =	vor.u32 v3, v4  }
0x39: {  	v4 =	vperm.xlane v3, v0;
	_ =	sdelay $0x1  }
0x3a: {  	v3 =	vperm.xlane v3, v2;
	v4 =	vadd.s32 v1, v4;
	_ =	sdelay $0x1  }
0x3b: {  	v3 =	vadd.s32 v1, v3;
	_ =	sdelay $0x2  }
0x3c: {  	[hbm4b:s2+s3] =	stream.indirect_vreg.scatter [tilespmem:s16], [sflag:$0x5], $0x80, v4, vm0, $0x2000b8;
	[tilespmem:$0x10100] =	vst v63  }
0x3d: {  	_ = 	snop  }
0x3e: {  	[hbm4b:s2+s3] =	stream.indirect_vreg.scatter [tilespmem:s17], [sflag:$0x5], $0x80, v3, vm0, $0x2000b8;
	[tilespmem:$0x10100] =	vst v63  }
0x3f: {  	v3 =	vld [tilespmem:$0x10030];
	_ =	sdelay $0x4  }
0x40: {  	v35 =	vshll.u32 v3, $0x1  }
0x41: {  	v3 =	vand.u32 $0x7, v3;
	v4 =	vand.u32 $0xFFFFFFF0, v35  }
0x42: {  	v3 =	vor.u32 v3, v4  }
0x43: {  	v4 =	vperm.xlane v3, v0;
	_ =	sdelay $0x1  }
0x44: {  	v3 =	vperm.xlane v3, v2;
	v4 =	vadd.s32 v1, v4;
	_ =	sdelay $0x1  }
0x45: {  	v3 =	vadd.s32 v1, v3;
	_ =	sdelay $0x2  }
0x46: {  	[hbm4b:s2+s3] =	stream.indirect_vreg.scatter [tilespmem:s18], [sflag:$0x5], $0x80, v4, vm0, $0x2000b8;
	[tilespmem:$0x10100] =	vst v63  }
0x47: {  	_ = 	snop  }
0x48: {  	[hbm4b:s2+s3] =	stream.indirect_vreg.scatter [tilespmem:s19], [sflag:$0x5], $0x80, v3, vm0, $0x2000b8;
	[tilespmem:$0x10100] =	vst v63  }
0x49: {  	v3 =	vld [tilespmem:$0x10040];
	_ =	sdelay $0x4  }
0x4a: {  	v36 =	vshll.u32 v3, $0x1  }
0x4b: {  	v3 =	vand.u32 $0x7, v3;
	v4 =	vand.u32 $0xFFFFFFF0, v36  }
0x4c: {  	v3 =	vor.u32 v3, v4  }
0x4d: {  	v4 =	vperm.xlane v3, v0;
	_ =	sdelay $0x1  }
0x4e: {  	v3 =	vperm.xlane v3, v2;
	v4 =	vadd.s32 v1, v4;
	_ =	sdelay $0x1  }
0x4f: {  	v3 =	vadd.s32 v1, v3;
	_ =	sdelay $0x2  }
0x50: {  	[hbm4b:s2+s3] =	stream.indirect_vreg.scatter [tilespmem:s20], [sflag:$0x5], $0x80, v4, vm0, $0x2000b8;
	[tilespmem:$0x10100] =	vst v63  }
0x51: {  	_ = 	snop  }
0x52: {  	[hbm4b:s2+s3] =	stream.indirect_vreg.scatter [tilespmem:s21], [sflag:$0x5], $0x80, v3, vm0, $0x2000b8;
	[tilespmem:$0x10100] =	vst v63  }
0x53: {  	v3 =	vld [tilespmem:$0x10050];
	_ =	sdelay $0x4  }
0x54: {  	v37 =	vshll.u32 v3, $0x1  }
0x55: {  	v3 =	vand.u32 $0x7, v3;
	v4 =	vand.u32 $0xFFFFFFF0, v37  }
0x56: {  	v3 =	vor.u32 v3, v4  }
0x57: {  	v4 =	vperm.xlane v3, v0;
	_ =	sdelay $0x1  }
0x58: {  	v3 =	vperm.xlane v3, v2;
	v4 =	vadd.s32 v1, v4;
	_ =	sdelay $0x1  }
0x59: {  	v3 =	vadd.s32 v1, v3;
	_ =	sdelay $0x2  }
0x5a: {  	[hbm4b:s2+s3] =	stream.indirect_vreg.scatter [tilespmem:s22], [sflag:$0x5], $0x80, v4, vm0, $0x2000b8;
	[tilespmem:$0x10100] =	vst v63  }
0x5b: {  	_ = 	snop  }
0x5c: {  	[hbm4b:s2+s3] =	stream.indirect_vreg.scatter [tilespmem:s23], [sflag:$0x5], $0x80, v3, vm0, $0x2000b8;
	[tilespmem:$0x10100] =	vst v63  }
0x5d: {  	v3 =	vld [tilespmem:$0x10060];
	_ =	sdelay $0x4  }
0x5e: {  	v38 =	vshll.u32 v3, $0x1  }
0x5f: {  	v3 =	vand.u32 $0x7, v3;
	v4 =	vand.u32 $0xFFFFFFF0, v38  }
0x60: {  	v3 =	vor.u32 v3, v4  }
0x61: {  	v4 =	vperm.xlane v3, v0;
	_ =	sdelay $0x1  }
0x62: {  	v3 =	vperm.xlane v3, v2;
	v4 =	vadd.s32 v1, v4;
	_ =	sdelay $0x1  }
0x63: {  	v3 =	vadd.s32 v1, v3;
	_ =	sdelay $0x2  }
0x64: {  	[hbm4b:s2+s3] =	stream.indirect_vreg.scatter [tilespmem:s24], [sflag:$0x5], $0x80, v4, vm0, $0x2000b8;
	[tilespmem:$0x10100] =	vst v63  }
0x65: {  	_ = 	snop  }
0x66: {  	[hbm4b:s2+s3] =	stream.indirect_vreg.scatter [tilespmem:s25], [sflag:$0x5], $0x80, v3, vm0, $0x2000b8;
	[tilespmem:$0x10100] =	vst v63  }
0x67: {  	v3 =	vld [tilespmem:$0x10070];
	_ =	sdelay $0x4  }
0x68: {  	v39 =	vshll.u32 v3, $0x1  }
0x69: {  	v3 =	vand.u32 $0x7, v3;
	v4 =	vand.u32 $0xFFFFFFF0, v39  }
0x6a: {  	v3 =	vor.u32 v3, v4  }
0x6b: {  	v4 =	vperm.xlane v3, v0;
	_ =	sdelay $0x1  }
0x6c: {  	v3 =	vperm.xlane v3, v2;
	v4 =	vadd.s32 v1, v4;
	_ =	sdelay $0x1  }
0x6d: {  	v3 =	vadd.s32 v1, v3;
	_ =	sdelay $0x2  }
0x6e: {  	[hbm4b:s2+s3] =	stream.indirect_vreg.scatter [tilespmem:s26], [sflag:$0x5], $0x80, v4, vm0, $0x2000b8;
	[tilespmem:$0x10100] =	vst v63  }
0x6f: {  	_ = 	snop  }
0x70: {  	[hbm4b:s2+s3] =	stream.indirect_vreg.scatter [tilespmem:s28], [sflag:$0x5], $0x80, v3, vm0, $0x2000b8;
	[tilespmem:$0x10100] =	vst v63  }
0x71: {  	_ =	swait.ge [sflag:s29], $0x8000  }
0x72: {  	[sflag:s29] =	ssyncset.done $0x0  }
0x73: {  	[sflag:s29] =	ssyncadd.s32 $0xFFFF8000  }
0x74: {  	_ =	strace $0x9000004B  }
0x75: {  	_ =	strace $0x8000004C  }
0x76: {  	[tilespmem:s3], [sflag:$0x1] =	stream.linear.gather [hbm4b:s7+s3], $0x8000, $0x200038;
	[tilespmem:$0x10100] =	vst v63  }
0x77: {  	_ = 	snop  }
0x78: {  	[tilespmem:s10], [sflag:$0x3] =	stream.linear.gather [hbm4b:s6+s3], $0x80, $0x200038;
	[tilespmem:$0x10100] =	vst v63  }
0x79: {  	_ =	strace $0x9000004C  }
0x7a: {  	_ =	strace $0x8000004D  }
0x7b: {  	_ =	swait.ge [sflag:s11], $0x8000  }
0x7c: {  	[sflag:s11] =	ssyncset.done $0x0  }
0x7d: {  	[sflag:s11] =	ssyncadd.s32 $0xFFFF8000  }
0x7e: {  	_ =	strace $0x9000004D  }
0x7f: {  	_ =	strace $0x8000004E  }
0x80: {  	_ =	swait.ge [sflag:s12], $0x80  }
0x81: {  	[sflag:s12] =	ssyncset.done $0x0  }
0x82: {  	[sflag:s12] =	ssyncadd.s32 $0xFFFFFF80  }
0x83: {  	_ =	strace $0x9000004E  }
0x84: {  	_ =	strace $0x8000004F  }
0x85: {  	v3 =	vld [tilespmem:$0x10000];
	_ =	sdelay $0x4  }
0x86: {  	v40 =	vshll.u32 v3, $0x1  }
0x87: {  	v3 =	vand.u32 $0x7, v3;
	v4 =	vand.u32 $0xFFFFFFF0, v40  }
0x88: {  	v3 =	vor.u32 v3, v4  }
0x89: {  	v4 =	vperm.xlane v3, v0;
	_ =	sdelay $0x1  }
0x8a: {  	v3 =	vperm.xlane v3, v2;
	v4 =	vadd.s32 v1, v4;
	_ =	sdelay $0x1  }
0x8b: {  	v3 =	vadd.s32 v1, v3;
	_ =	sdelay $0x2  }
0x8c: {  	[hbm4b:s4+s3] =	stream.indirect_vreg.scatter [tilespmem:s3], [sflag:$0x5], $0x80, v4, vm0, $0x2000b8;
	[tilespmem:$0x10100] =	vst v63  }
0x8d: {  	_ = 	snop  }
0x8e: {  	[hbm4b:s4+s3] =	stream.indirect_vreg.scatter [tilespmem:s13], [sflag:$0x5], $0x80, v3, vm0, $0x2000b8;
	[tilespmem:$0x10100] =	vst v63  }
0x8f: {  	v3 =	vld [tilespmem:$0x10010];
	_ =	sdelay $0x4  }
0x90: {  	v41 =	vshll.u32 v3, $0x1  }
0x91: {  	v3 =	vand.u32 $0x7, v3;
	v4 =	vand.u32 $0xFFFFFFF0, v41  }
0x92: {  	v3 =	vor.u32 v3, v4  }
0x93: {  	v4 =	vperm.xlane v3, v0;
	_ =	sdelay $0x1  }
0x94: {  	v3 =	vperm.xlane v3, v2;
	v4 =	vadd.s32 v1, v4;
	_ =	sdelay $0x1  }
0x95: {  	v3 =	vadd.s32 v1, v3;
	_ =	sdelay $0x2  }
0x96: {  	[hbm4b:s4+s3] =	stream.indirect_vreg.scatter [tilespmem:s14], [sflag:$0x5], $0x80, v4, vm0, $0x2000b8;
	[tilespmem:$0x10100] =	vst v63  }
0x97: {  	_ = 	snop  }
0x98: {  	[hbm4b:s4+s3] =	stream.indirect_vreg.scatter [tilespmem:s15], [sflag:$0x5], $0x80, v3, vm0, $0x2000b8;
	[tilespmem:$0x10100] =	vst v63  }
0x99: {  	v3 =	vld [tilespmem:$0x10020];
	_ =	sdelay $0x4  }
0x9a: {  	v42 =	vshll.u32 v3, $0x1  }
0x9b: {  	v3 =	vand.u32 $0x7, v3;
	v4 =	vand.u32 $0xFFFFFFF0, v42  }
0x9c: {  	v3 =	vor.u32 v3, v4  }
0x9d: {  	v4 =	vperm.xlane v3, v0;
	_ =	sdelay $0x1  }
0x9e: {  	v3 =	vperm.xlane v3, v2;
	v4 =	vadd.s32 v1, v4;
	_ =	sdelay $0x1  }
0x9f: {  	v3 =	vadd.s32 v1, v3;
	_ =	sdelay $0x2  }
0xa0: {  	[hbm4b:s4+s3] =	stream.indirect_vreg.scatter [tilespmem:s16], [sflag:$0x5], $0x80, v4, vm0, $0x2000b8;
	[tilespmem:$0x10100] =	vst v63  }
0xa1: {  	_ = 	snop  }
0xa2: {  	[hbm4b:s4+s3] =	stream.indirect_vreg.scatter [tilespmem:s17], [sflag:$0x5], $0x80, v3, vm0, $0x2000b8;
	[tilespmem:$0x10100] =	vst v63  }
0xa3: {  	v3 =	vld [tilespmem:$0x10030];
	_ =	sdelay $0x4  }
0xa4: {  	v43 =	vshll.u32 v3, $0x1  }
0xa5: {  	v3 =	vand.u32 $0x7, v3;
	v4 =	vand.u32 $0xFFFFFFF0, v43  }
0xa6: {  	v3 =	vor.u32 v3, v4  }
0xa7: {  	v4 =	vperm.xlane v3, v0;
	_ =	sdelay $0x1  }
0xa8: {  	v3 =	vperm.xlane v3, v2;
	v4 =	vadd.s32 v1, v4;
	_ =	sdelay $0x1  }
0xa9: {  	v3 =	vadd.s32 v1, v3;
	_ =	sdelay $0x2  }
0xaa: {  	[hbm4b:s4+s3] =	stream.indirect_vreg.scatter [tilespmem:s18], [sflag:$0x5], $0x80, v4, vm0, $0x2000b8;
	[tilespmem:$0x10100] =	vst v63  }
0xab: {  	_ = 	snop  }
0xac: {  	[hbm4b:s4+s3] =	stream.indirect_vreg.scatter [tilespmem:s19], [sflag:$0x5], $0x80, v3, vm0, $0x2000b8;
	[tilespmem:$0x10100] =	vst v63  }
0xad: {  	v3 =	vld [tilespmem:$0x10040];
	_ =	sdelay $0x4  }
0xae: {  	v44 =	vshll.u32 v3, $0x1  }
0xaf: {  	v3 =	vand.u32 $0x7, v3;
	v4 =	vand.u32 $0xFFFFFFF0, v44  }
0xb0: {  	v3 =	vor.u32 v3, v4  }
0xb1: {  	v4 =	vperm.xlane v3, v0;
	_ =	sdelay $0x1  }
0xb2: {  	v3 =	vperm.xlane v3, v2;
	v4 =	vadd.s32 v1, v4;
	_ =	sdelay $0x1  }
0xb3: {  	v3 =	vadd.s32 v1, v3;
	_ =	sdelay $0x2  }
0xb4: {  	[hbm4b:s4+s3] =	stream.indirect_vreg.scatter [tilespmem:s20], [sflag:$0x5], $0x80, v4, vm0, $0x2000b8;
	[tilespmem:$0x10100] =	vst v63  }
0xb5: {  	_ = 	snop  }
0xb6: {  	[hbm4b:s4+s3] =	stream.indirect_vreg.scatter [tilespmem:s21], [sflag:$0x5], $0x80, v3, vm0, $0x2000b8;
	[tilespmem:$0x10100] =	vst v63  }
0xb7: {  	v3 =	vld [tilespmem:$0x10050];
	_ =	sdelay $0x4  }
0xb8: {  	v45 =	vshll.u32 v3, $0x1  }
0xb9: {  	v3 =	vand.u32 $0x7, v3;
	v4 =	vand.u32 $0xFFFFFFF0, v45  }
0xba: {  	v3 =	vor.u32 v3, v4  }
0xbb: {  	v4 =	vperm.xlane v3, v0;
	_ =	sdelay $0x1  }
0xbc: {  	v3 =	vperm.xlane v3, v2;
	v4 =	vadd.s32 v1, v4;
	_ =	sdelay $0x1  }
0xbd: {  	v3 =	vadd.s32 v1, v3;
	_ =	sdelay $0x2  }
0xbe: {  	[hbm4b:s4+s3] =	stream.indirect_vreg.scatter [tilespmem:s22], [sflag:$0x5], $0x80, v4, vm0, $0x2000b8;
	[tilespmem:$0x10100] =	vst v63  }
0xbf: {  	_ = 	snop  }
0xc0: {  	[hbm4b:s4+s3] =	stream.indirect_vreg.scatter [tilespmem:s23], [sflag:$0x5], $0x80, v3, vm0, $0x2000b8;
	[tilespmem:$0x10100] =	vst v63  }
0xc1: {  	v3 =	vld [tilespmem:$0x10060];
	_ =	sdelay $0x4  }
0xc2: {  	v46 =	vshll.u32 v3, $0x1  }
0xc3: {  	v3 =	vand.u32 $0x7, v3;
	v4 =	vand.u32 $0xFFFFFFF0, v46  }
0xc4: {  	v3 =	vor.u32 v3, v4  }
0xc5: {  	v4 =	vperm.xlane v3, v0;
	_ =	sdelay $0x1  }
0xc6: {  	v3 =	vperm.xlane v3, v2;
	v4 =	vadd.s32 v1, v4;
	_ =	sdelay $0x1  }
0xc7: {  	v3 =	vadd.s32 v1, v3;
	_ =	sdelay $0x2  }
0xc8: {  	[hbm4b:s4+s3] =	stream.indirect_vreg.scatter [tilespmem:s24], [sflag:$0x5], $0x80, v4, vm0, $0x2000b8;
	[tilespmem:$0x10100] =	vst v63  }
0xc9: {  	_ = 	snop  }
0xca: {  	[hbm4b:s4+s3] =	stream.indirect_vreg.scatter [tilespmem:s25], [sflag:$0x5], $0x80, v3, vm0, $0x2000b8;
	[tilespmem:$0x10100] =	vst v63  }
0xcb: {  	v3 =	vld [tilespmem:$0x10070];
	_ =	sdelay $0x4  }
0xcc: {  	v47 =	vshll.u32 v3, $0x1  }
0xcd: {  	v3 =	vand.u32 $0x7, v3;
	v4 =	vand.u32 $0xFFFFFFF0, v47  }
0xce: {  	v3 =	vor.u32 v3, v4  }
0xcf: {  	v4 =	vperm.xlane v3, v0;
	_ =	sdelay $0x1  }
0xd0: {  	v3 =	vperm.xlane v3, v2;
	v4 =	vadd.s32 v1, v4;
	_ =	sdelay $0x1  }
0xd1: {  	v3 =	vadd.s32 v1, v3;
	_ =	sdelay $0x2  }
0xd2: {  	[hbm4b:s4+s3] =	stream.indirect_vreg.scatter [tilespmem:s26], [sflag:$0x5], $0x80, v4, vm0, $0x2000b8;
	[tilespmem:$0x10100] =	vst v63  }
0xd3: {  	_ = 	snop  }
0xd4: {  	[hbm4b:s4+s3] =	stream.indirect_vreg.scatter [tilespmem:s28], [sflag:$0x5], $0x80, v3, vm0, $0x2000b8;
	[tilespmem:$0x10100] =	vst v63  }
0xd5: {  	_ =	swait.ge [sflag:s29], $0x8000  }
0xd6: {  	[sflag:s29] =	ssyncset.done $0x0  }
0xd7: {  	[sflag:s29] =	ssyncadd.s32 $0xFFFF8000  }
0xd8: {  	_ =	strace $0x9000004F  }
0xd9: {  	_ =	strace $0x80000050  }
0xda: {  	[tilespmem:s3], [sflag:$0x1] =	stream.linear.gather [hbm4b:s5+s3], $0x8000, $0x200038;
	[tilespmem:$0x10100] =	vst v63  }
0xdb: {  	_ = 	snop  }
0xdc: {  	[tilespmem:s10], [sflag:$0x3] =	stream.linear.gather [hbm4b:s8+s3], $0x80, $0x200038;
	[tilespmem:$0x10100] =	vst v63  }
0xdd: {  	_ =	strace $0x90000050  }
0xde: {  	_ =	strace $0x80000051  }
0xdf: {  	_ =	swait.ge [sflag:s11], $0x8000  }
0xe0: {  	[sflag:s11] =	ssyncset.done $0x0  }
0xe1: {  	[sflag:s11] =	ssyncadd.s32 $0xFFFF8000  }
0xe2: {  	_ =	strace $0x90000051  }
0xe3: {  	_ =	strace $0x80000052  }
0xe4: {  	_ =	swait.ge [sflag:s12], $0x80  }
0xe5: {  	[sflag:s12] =	ssyncset.done $0x0  }
0xe6: {  	[sflag:s12] =	ssyncadd.s32 $0xFFFFFF80  }
0xe7: {  	_ =	strace $0x90000052  }
0xe8: {  	_ =	strace $0x80000053  }
0xe9: {  	v3 =	vld [tilespmem:$0x10000];
	_ =	sdelay $0x4  }
0xea: {  	v48 =	vshll.u32 v3, $0x1  }
0xeb: {  	v3 =	vand.u32 $0x7, v3;
	v4 =	vand.u32 $0xFFFFFFF0, v48  }
0xec: {  	v3 =	vor.u32 v3, v4  }
0xed: {  	v4 =	vperm.xlane v3, v0;
	_ =	sdelay $0x1  }
0xee: {  	v3 =	vperm.xlane v3, v2;
	v4 =	vadd.s32 v1, v4;
	_ =	sdelay $0x1  }
0xef: {  	v3 =	vadd.s32 v1, v3;
	_ =	sdelay $0x2  }
0xf0: {  	[hbm4b:s2+s3] =	stream.indirect_vreg.scatter [tilespmem:s3], [sflag:$0x5], $0x80, v4, vm0, $0x2000b8;
	[tilespmem:$0x10100] =	vst v63  }
0xf1: {  	_ = 	snop  }
0xf2: {  	[hbm4b:s2+s3] =	stream.indirect_vreg.scatter [tilespmem:s13], [sflag:$0x5], $0x80, v3, vm0, $0x2000b8;
	[tilespmem:$0x10100] =	vst v63  }
0xf3: {  	v3 =	vld [tilespmem:$0x10010];
	_ =	sdelay $0x4  }
0xf4: {  	v49 =	vshll.u32 v3, $0x1  }
0xf5: {  	v3 =	vand.u32 $0x7, v3;
	v4 =	vand.u32 $0xFFFFFFF0, v49  }
0xf6: {  	v3 =	vor.u32 v3, v4  }
0xf7: {  	v4 =	vperm.xlane v3, v0;
	_ =	sdelay $0x1  }
0xf8: {  	v3 =	vperm.xlane v3, v2;
	v4 =	vadd.s32 v1, v4;
	_ =	sdelay $0x1  }
0xf9: {  	v3 =	vadd.s32 v1, v3;
	_ =	sdelay $0x2  }
0xfa: {  	[hbm4b:s2+s3] =	stream.indirect_vreg.scatter [tilespmem:s14], [sflag:$0x5], $0x80, v4, vm0, $0x2000b8;
	[tilespmem:$0x10100] =	vst v63  }
0xfb: {  	_ = 	snop  }
0xfc: {  	[hbm4b:s2+s3] =	stream.indirect_vreg.scatter [tilespmem:s15], [sflag:$0x5], $0x80, v3, vm0, $0x2000b8;
	[tilespmem:$0x10100] =	vst v63  }
0xfd: {  	v3 =	vld [tilespmem:$0x10020];
	_ =	sdelay $0x4  }
0xfe: {  	v50 =	vshll.u32 v3, $0x1  }
0xff: {  	v3 =	vand.u32 $0x7, v3;
	v4 =	vand.u32 $0xFFFFFFF0, v50  }
0x100: {  	v3 =	vor.u32 v3, v4  }
0x101: {  	v4 =	vperm.xlane v3, v0;
	_ =	sdelay $0x1  }
0x102: {  	v3 =	vperm.xlane v3, v2;
	v4 =	vadd.s32 v1, v4;
	_ =	sdelay $0x1  }
0x103: {  	v3 =	vadd.s32 v1, v3;
	_ =	sdelay $0x2  }
0x104: {  	[hbm4b:s2+s3] =	stream.indirect_vreg.scatter [tilespmem:s16], [sflag:$0x5], $0x80, v4, vm0, $0x2000b8;
	[tilespmem:$0x10100] =	vst v63  }
0x105: {  	_ = 	snop  }
0x106: {  	[hbm4b:s2+s3] =	stream.indirect_vreg.scatter [tilespmem:s17], [sflag:$0x5], $0x80, v3, vm0, $0x2000b8;
	[tilespmem:$0x10100] =	vst v63  }
0x107: {  	v3 =	vld [tilespmem:$0x10030];
	_ =	sdelay $0x4  }
0x108: {  	v51 =	vshll.u32 v3, $0x1  }
0x109: {  	v3 =	vand.u32 $0x7, v3;
	v4 =	vand.u32 $0xFFFFFFF0, v51  }
0x10a: {  	v3 =	vor.u32 v3, v4  }
0x10b: {  	v4 =	vperm.xlane v3, v0;
	_ =	sdelay $0x1  }
0x10c: {  	v3 =	vperm.xlane v3, v2;
	v4 =	vadd.s32 v1, v4;
	_ =	sdelay $0x1  }
0x10d: {  	v3 =	vadd.s32 v1, v3;
	_ =	sdelay $0x2  }
0x10e: {  	[hbm4b:s2+s3] =	stream.indirect_vreg.scatter [tilespmem:s18], [sflag:$0x5], $0x80, v4, vm0, $0x2000b8;
	[tilespmem:$0x10100] =	vst v63  }
0x10f: {  	_ = 	snop  }
0x110: {  	[hbm4b:s2+s3] =	stream.indirect_vreg.scatter [tilespmem:s19], [sflag:$0x5], $0x80, v3, vm0, $0x2000b8;
	[tilespmem:$0x10100] =	vst v63  }
0x111: {  	v3 =	vld [tilespmem:$0x10040];
	_ =	sdelay $0x4  }
0x112: {  	v52 =	vshll.u32 v3, $0x1  }
0x113: {  	v3 =	vand.u32 $0x7, v3;
	v4 =	vand.u32 $0xFFFFFFF0, v52  }
0x114: {  	v3 =	vor.u32 v3, v4  }
0x115: {  	v4 =	vperm.xlane v3, v0;
	_ =	sdelay $0x1  }
0x116: {  	v3 =	vperm.xlane v3, v2;
	v4 =	vadd.s32 v1, v4;
	_ =	sdelay $0x1  }
0x117: {  	v3 =	vadd.s32 v1, v3;
	_ =	sdelay $0x2  }
0x118: {  	[hbm4b:s2+s3] =	stream.indirect_vreg.scatter [tilespmem:s20], [sflag:$0x5], $0x80, v4, vm0, $0x2000b8;
	[tilespmem:$0x10100] =	vst v63  }
0x119: {  	_ = 	snop  }
0x11a: {  	[hbm4b:s2+s3] =	stream.indirect_vreg.scatter [tilespmem:s21], [sflag:$0x5], $0x80, v3, vm0, $0x2000b8;
	[tilespmem:$0x10100] =	vst v63  }
0x11b: {  	v3 =	vld [tilespmem:$0x10050];
	_ =	sdelay $0x4  }
0x11c: {  	v53 =	vshll.u32 v3, $0x1  }
0x11d: {  	v3 =	vand.u32 $0x7, v3;
	v4 =	vand.u32 $0xFFFFFFF0, v53  }
0x11e: {  	v3 =	vor.u32 v3, v4  }
0x11f: {  	v4 =	vperm.xlane v3, v0;
	_ =	sdelay $0x1  }
0x120: {  	v3 =	vperm.xlane v3, v2;
	v4 =	vadd.s32 v1, v4;
	_ =	sdelay $0x1  }
0x121: {  	v3 =	vadd.s32 v1, v3;
	_ =	sdelay $0x2  }
0x122: {  	[hbm4b:s2+s3] =	stream.indirect_vreg.scatter [tilespmem:s22], [sflag:$0x5], $0x80, v4, vm0, $0x2000b8;
	[tilespmem:$0x10100] =	vst v63  }
0x123: {  	_ = 	snop  }
0x124: {  	[hbm4b:s2+s3] =	stream.indirect_vreg.scatter [tilespmem:s23], [sflag:$0x5], $0x80, v3, vm0, $0x2000b8;
	[tilespmem:$0x10100] =	vst v63  }
0x125: {  	v3 =	vld [tilespmem:$0x10060];
	_ =	sdelay $0x4  }
0x126: {  	v54 =	vshll.u32 v3, $0x1  }
0x127: {  	v3 =	vand.u32 $0x7, v3;
	v4 =	vand.u32 $0xFFFFFFF0, v54  }
0x128: {  	v3 =	vor.u32 v3, v4  }
0x129: {  	v4 =	vperm.xlane v3, v0;
	_ =	sdelay $0x1  }
0x12a: {  	v3 =	vperm.xlane v3, v2;
	v4 =	vadd.s32 v1, v4;
	_ =	sdelay $0x1  }
0x12b: {  	v3 =	vadd.s32 v1, v3;
	_ =	sdelay $0x2  }
0x12c: {  	[hbm4b:s2+s3] =	stream.indirect_vreg.scatter [tilespmem:s24], [sflag:$0x5], $0x80, v4, vm0, $0x2000b8;
	[tilespmem:$0x10100] =	vst v63  }
0x12d: {  	_ = 	snop  }
0x12e: {  	[hbm4b:s2+s3] =	stream.indirect_vreg.scatter [tilespmem:s25], [sflag:$0x5], $0x80, v3, vm0, $0x2000b8;
	[tilespmem:$0x10100] =	vst v63  }
0x12f: {  	v3 =	vld [tilespmem:$0x10070];
	_ =	sdelay $0x4  }
0x130: {  	v55 =	vshll.u32 v3, $0x1  }
0x131: {  	v3 =	vand.u32 $0x7, v3;
	v4 =	vand.u32 $0xFFFFFFF0, v55  }
0x132: {  	v3 =	vor.u32 v3, v4  }
0x133: {  	v4 =	vperm.xlane v3, v0;
	_ =	sdelay $0x1  }
0x134: {  	v3 =	vperm.xlane v3, v2;
	v4 =	vadd.s32 v1, v4;
	_ =	sdelay $0x1  }
0x135: {  	v3 =	vadd.s32 v1, v3;
	_ =	sdelay $0x2  }
0x136: {  	[hbm4b:s2+s3] =	stream.indirect_vreg.scatter [tilespmem:s26], [sflag:$0x5], $0x80, v4, vm0, $0x2000b8;
	[tilespmem:$0x10100] =	vst v63  }
0x137: {  	_ = 	snop  }
0x138: {  	[hbm4b:s2+s3] =	stream.indirect_vreg.scatter [tilespmem:s28], [sflag:$0x5], $0x80, v3, vm0, $0x2000b8;
	[tilespmem:$0x10100] =	vst v63  }
0x139: {  	_ =	swait.ge [sflag:s29], $0x8000  }
0x13a: {  	[sflag:s29] =	ssyncset.done $0x0  }
0x13b: {  	[sflag:s29] =	ssyncadd.s32 $0xFFFF8000  }
0x13c: {  	_ =	strace $0x90000053  }
0x13d: {  	_ =	strace $0x80000054  }
0x13e: {  	[tilespmem:s3], [sflag:$0x1] =	stream.linear.gather [hbm4b:s7+s3], $0x8000, $0x200038;
	[tilespmem:$0x10100] =	vst v63  }
0x13f: {  	_ = 	snop  }
0x140: {  	[tilespmem:s10], [sflag:$0x3] =	stream.linear.gather [hbm4b:s8+s3], $0x80, $0x200038;
	[tilespmem:$0x10100] =	vst v63  }
0x141: {  	_ =	strace $0x90000054  }
0x142: {  	_ =	strace $0x80000055  }
0x143: {  	_ =	swait.ge [sflag:s11], $0x8000  }
0x144: {  	[sflag:s11] =	ssyncset.done $0x0  }
0x145: {  	[sflag:s11] =	ssyncadd.s32 $0xFFFF8000  }
0x146: {  	_ =	strace $0x90000055  }
0x147: {  	_ =	strace $0x80000056  }
0x148: {  	_ =	swait.ge [sflag:s12], $0x80  }
0x149: {  	[sflag:s12] =	ssyncset.done $0x0  }
0x14a: {  	[sflag:s12] =	ssyncadd.s32 $0xFFFFFF80  }
0x14b: {  	_ =	strace $0x90000056  }
0x14c: {  	_ =	strace $0x80000057  }
0x14d: {  	v3 =	vld [tilespmem:$0x10000];
	_ =	sdelay $0x4  }
0x14e: {  	v56 =	vshll.u32 v3, $0x1  }
0x14f: {  	v3 =	vand.u32 $0x7, v3;
	v4 =	vand.u32 $0xFFFFFFF0, v56  }
0x150: {  	v3 =	vor.u32 v3, v4  }
0x151: {  	v4 =	vperm.xlane v3, v0;
	_ =	sdelay $0x1  }
0x152: {  	v3 =	vperm.xlane v3, v2;
	v4 =	vadd.s32 v1, v4;
	_ =	sdelay $0x1  }
0x153: {  	v3 =	vadd.s32 v1, v3;
	_ =	sdelay $0x2  }
0x154: {  	[hbm4b:s4+s3] =	stream.indirect_vreg.scatter [tilespmem:s3], [sflag:$0x5], $0x80, v4, vm0, $0x2000b8;
	[tilespmem:$0x10100] =	vst v63  }
0x155: {  	_ = 	snop  }
0x156: {  	[hbm4b:s4+s3] =	stream.indirect_vreg.scatter [tilespmem:s13], [sflag:$0x5], $0x80, v3, vm0, $0x2000b8;
	[tilespmem:$0x10100] =	vst v63  }
0x157: {  	v3 =	vld [tilespmem:$0x10010];
	_ =	sdelay $0x4  }
0x158: {  	v57 =	vshll.u32 v3, $0x1  }
0x159: {  	v3 =	vand.u32 $0x7, v3;
	v4 =	vand.u32 $0xFFFFFFF0, v57  }
0x15a: {  	v3 =	vor.u32 v3, v4  }
0x15b: {  	v4 =	vperm.xlane v3, v0;
	_ =	sdelay $0x1  }
0x15c: {  	v3 =	vperm.xlane v3, v2;
	v4 =	vadd.s32 v1, v4;
	_ =	sdelay $0x1  }
0x15d: {  	v3 =	vadd.s32 v1, v3;
	_ =	sdelay $0x2  }
0x15e: {  	[hbm4b:s4+s3] =	stream.indirect_vreg.scatter [tilespmem:s14], [sflag:$0x5], $0x80, v4, vm0, $0x2000b8;
	[tilespmem:$0x10100] =	vst v63  }
0x15f: {  	_ = 	snop  }
0x160: {  	[hbm4b:s4+s3] =	stream.indirect_vreg.scatter [tilespmem:s15], [sflag:$0x5], $0x80, v3, vm0, $0x2000b8;
	[tilespmem:$0x10100] =	vst v63  }
0x161: {  	v3 =	vld [tilespmem:$0x10020];
	_ =	sdelay $0x4  }
0x162: {  	v58 =	vshll.u32 v3, $0x1  }
0x163: {  	v3 =	vand.u32 $0x7, v3;
	v4 =	vand.u32 $0xFFFFFFF0, v58  }
0x164: {  	v3 =	vor.u32 v3, v4  }
0x165: {  	v4 =	vperm.xlane v3, v0;
	_ =	sdelay $0x1  }
0x166: {  	v3 =	vperm.xlane v3, v2;
	v4 =	vadd.s32 v1, v4;
	_ =	sdelay $0x1  }
0x167: {  	v3 =	vadd.s32 v1, v3;
	_ =	sdelay $0x2  }
0x168: {  	[hbm4b:s4+s3] =	stream.indirect_vreg.scatter [tilespmem:s16], [sflag:$0x5], $0x80, v4, vm0, $0x2000b8;
	[tilespmem:$0x10100] =	vst v63  }
0x169: {  	_ = 	snop  }
0x16a: {  	[hbm4b:s4+s3] =	stream.indirect_vreg.scatter [tilespmem:s17], [sflag:$0x5], $0x80, v3, vm0, $0x2000b8;
	[tilespmem:$0x10100] =	vst v63  }
0x16b: {  	v3 =	vld [tilespmem:$0x10030];
	_ =	sdelay $0x4  }
0x16c: {  	v59 =	vshll.u32 v3, $0x1  }
0x16d: {  	v3 =	vand.u32 $0x7, v3;
	v4 =	vand.u32 $0xFFFFFFF0, v59  }
0x16e: {  	v3 =	vor.u32 v3, v4  }
0x16f: {  	v4 =	vperm.xlane v3, v0;
	_ =	sdelay $0x1  }
0x170: {  	v3 =	vperm.xlane v3, v2;
	v4 =	vadd.s32 v1, v4;
	_ =	sdelay $0x1  }
0x171: {  	v3 =	vadd.s32 v1, v3;
	_ =	sdelay $0x2  }
0x172: {  	[hbm4b:s4+s3] =	stream.indirect_vreg.scatter [tilespmem:s18], [sflag:$0x5], $0x80, v4, vm0, $0x2000b8;
	[tilespmem:$0x10100] =	vst v63  }
0x173: {  	_ = 	snop  }
0x174: {  	[hbm4b:s4+s3] =	stream.indirect_vreg.scatter [tilespmem:s19], [sflag:$0x5], $0x80, v3, vm0, $0x2000b8;
	[tilespmem:$0x10100] =	vst v63  }
0x175: {  	v3 =	vld [tilespmem:$0x10040];
	_ =	sdelay $0x4  }
0x176: {  	v60 =	vshll.u32 v3, $0x1  }
0x177: {  	v3 =	vand.u32 $0x7, v3;
	v4 =	vand.u32 $0xFFFFFFF0, v60  }
0x178: {  	v3 =	vor.u32 v3, v4  }
0x179: {  	v4 =	vperm.xlane v3, v0;
	_ =	sdelay $0x1  }
0x17a: {  	v3 =	vperm.xlane v3, v2;
	v4 =	vadd.s32 v1, v4;
	_ =	sdelay $0x1  }
0x17b: {  	v3 =	vadd.s32 v1, v3;
	_ =	sdelay $0x2  }
0x17c: {  	[hbm4b:s4+s3] =	stream.indirect_vreg.scatter [tilespmem:s20], [sflag:$0x5], $0x80, v4, vm0, $0x2000b8;
	[tilespmem:$0x10100] =	vst v63  }
0x17d: {  	_ = 	snop  }
0x17e: {  	[hbm4b:s4+s3] =	stream.indirect_vreg.scatter [tilespmem:s21], [sflag:$0x5], $0x80, v3, vm0, $0x2000b8;
	[tilespmem:$0x10100] =	vst v63  }
0x17f: {  	v3 =	vld [tilespmem:$0x10050];
	_ =	sdelay $0x4  }
0x180: {  	v61 =	vshll.u32 v3, $0x1  }
0x181: {  	v3 =	vand.u32 $0x7, v3;
	v4 =	vand.u32 $0xFFFFFFF0, v61  }
0x182: {  	v3 =	vor.u32 v3, v4  }
0x183: {  	v4 =	vperm.xlane v3, v0;
	_ =	sdelay $0x1  }
0x184: {  	v3 =	vperm.xlane v3, v2;
	v4 =	vadd.s32 v1, v4;
	_ =	sdelay $0x1  }
0x185: {  	v3 =	vadd.s32 v1, v3;
	_ =	sdelay $0x2  }
0x186: {  	[hbm4b:s4+s3] =	stream.indirect_vreg.scatter [tilespmem:s22], [sflag:$0x5], $0x80, v4, vm0, $0x2000b8;
	[tilespmem:$0x10100] =	vst v63  }
0x187: {  	_ = 	snop  }
0x188: {  	[hbm4b:s4+s3] =	stream.indirect_vreg.scatter [tilespmem:s23], [sflag:$0x5], $0x80, v3, vm0, $0x2000b8;
	[tilespmem:$0x10100] =	vst v63  }
0x189: {  	v3 =	vld [tilespmem:$0x10060];
	_ =	sdelay $0x4  }
0x18a: {  	v62 =	vshll.u32 v3, $0x1  }
0x18b: {  	v3 =	vand.u32 $0x7, v3;
	v4 =	vand.u32 $0xFFFFFFF0, v62  }
0x18c: {  	v3 =	vor.u32 v3, v4  }
0x18d: {  	v4 =	vperm.xlane v3, v0;
	_ =	sdelay $0x1  }
0x18e: {  	v3 =	vperm.xlane v3, v2;
	v4 =	vadd.s32 v1, v4;
	_ =	sdelay $0x1  }
0x18f: {  	v3 =	vadd.s32 v1, v3;
	_ =	sdelay $0x2  }
0x190: {  	[hbm4b:s4+s3] =	stream.indirect_vreg.scatter [tilespmem:s24], [sflag:$0x5], $0x80, v4, vm0, $0x2000b8;
	[tilespmem:$0x10100] =	vst v63  }
0x191: {  	_ = 	snop  }
0x192: {  	[hbm4b:s4+s3] =	stream.indirect_vreg.scatter [tilespmem:s25], [sflag:$0x5], $0x80, v3, vm0, $0x2000b8;
	[tilespmem:$0x10100] =	vst v63  }
0x193: {  	v3 =	vld [tilespmem:$0x10070];
	_ =	sdelay $0x4  }
0x194: {  	v63 =	vshll.u32 v3, $0x1  }
0x195: {  	v3 =	vand.u32 $0x7, v3;
	v4 =	vand.u32 $0xFFFFFFF0, v63  }
0x196: {  	v3 =	vor.u32 v3, v4  }
0x197: {  	v4 =	vperm.xlane v3, v0;
	_ =	sdelay $0x1  }
0x198: {  	v3 =	vperm.xlane v3, v2;
	v4 =	vadd.s32 v1, v4;
	_ =	sdelay $0x1  }
0x199: {  	v3 =	vadd.s32 v1, v3;
	_ =	sdelay $0x2  }
0x19a: {  	[hbm4b:s4+s3] =	stream.indirect_vreg.scatter [tilespmem:s26], [sflag:$0x5], $0x80, v4, vm0, $0x2000b8;
	[tilespmem:$0x10100] =	vst v63  }
0x19b: {  	p0 =	sne.s32 s9, $0x1  }
0x19c: {  	[hbm4b:s4+s3] =	stream.indirect_vreg.scatter [tilespmem:s28], [sflag:$0x5], $0x80, v3, vm0, $0x2000b8;
	[tilespmem:$0x10100] =	vst v63  }
.Ltmp0:
0x19d: {  	_ = 	snop;
	(pc) =	sbr.rel @p0 .LBB2_1-.Ltmp0, $4  }
0x19e: {  	_ =	swait.ge [sflag:s29], $0x8000  }
0x19f: {  	[sflag:s29] =	ssyncset.done $0x0  }
0x1a0: {  	[sflag:s29] =	ssyncadd.s32 $0xFFFF8000  }
0x1a1: {  	s9 =	sadd.s32 $0xFFFFFFFF, s9;
	_ =	strace $0x90000057  }
0x1a2: {  	_ =	sfence.sel $0x180000  }
0x1a3: {  	[bflag:$0x0] =	sbarrier.arrive $0xFFFF  }
0x1a4: {  	p0 =	sne.s32 s1, $0x0;
	_ =	strace $0x90000047  }
0x1a5: {  	s0 =	sadd.s32 @!p0 $0x100000, s0;
	[bflag:$0x2] =	sbarrier.arrive $0xFFFF  }
0x1a6: {  	[sflag:s0] =	ssyncadd.tile.s32 @!p0 $0x1;
	_ =	shalt  }
.Lfunc_end2:
_tile_overlayer_lowered:
.L_overlay_start_2:
0x1a7: {  	(tag) =	ssettag $0x2  }
0x1a8: {  	s0 =	rddreg [dreg:$0x0];
	s2 =	stileid.u32  }
0x1a9: {  	s1 =	rddreg [dreg:$0x1];
	p0 =	sne.s32 s2, $0x0  }
0x1aa: {  	s3 =	rddreg [dreg:$0x2];
	[bflag:$0x3] =	sbarrier.arrive $0xFFFF;
	s2 =	simm.s32 @!p0 $0x1C01  }
0x1ab: {  	[timem:s3], [sflag:s2] =	dma.local @!p0 [hbm:s0], s1  }
0x1ac: {  	s0 =	simm.s32 @!p0 $0x1  }
0x1ad: {  	_ =	swait.ge @!p0 [sflag:s0], s1  }
0x1ae: {  	s1 =	ssub.s32 @!p0 $0x0, s1;
	[sflag:s0] =	ssyncset.done @!p0 $0x0  }
0x1af: {  	[sflag:s0] =	ssyncadd.s32 @!p0 s1  }
0x1b0: {  	[bflag:$0x3] =	sbarrier.arrive $0xFFFF  }
0x1b1: {  	_ =	shalt  }

</sc_bundles>
